<compile_context>
chip_gen: v7x
topology: tpu7x:2x2x1
jax: 0.10.2.dev20260603
libtpu: 0.0.44.dev20260713+nightly
codegen_flags: <defaults>
</compile_context>

<pallas_src>
import functools

import jax
import jax.numpy as jnp
from jax import lax
from jax.experimental import pallas as pl
from jax.experimental.pallas import tpu as pltpu
from jax.experimental.pallas import tpu_sc as plsc

_N = 10000
_E = 320000
_DIN = 128
_DH = 256
_NC = 10
_NG = 64

_NUM_CORES = 2
_NUM_SUBCORES = 16
_NW = _NUM_CORES * _NUM_SUBCORES
_K = 128
_CH = 158
_EPAD = _NUM_SUBCORES * _CH * _K
_HALF = _N // 2
_RPAD = 6144
_GARB = 6100
_ROWS = _RPAD // _NUM_SUBCORES
_DW = 128


def _make_scatter():
  mesh = plsc.VectorSubcoreMesh(
      core_axis_name="c", subcore_axis_name="s",
      num_cores=_NUM_CORES, num_subcores=_NUM_SUBCORES)

  @functools.partial(
      pl.kernel,
      out_type=jax.ShapeDtypeStruct((_NW, _ROWS, _DW), jnp.float32),
      mesh=mesh,
      scratch_types=[
          pltpu.VMEM((_CH, _K), jnp.int32),
          pltpu.VMEM((_CH, _K), jnp.int32),
      ] + [pltpu.VMEM((_K, _DW), jnp.float32)] * 2 + [
          pltpu.VMEM_SHARED((_RPAD, _DW), jnp.float32),
      ] + [pltpu.SemaphoreType.DMA] * 2,
  )
  def scat(x2, idx, dst, out, sv, dv, r0, r1, shared, m0, m1):
    c = lax.axis_index("c")
    s = lax.axis_index("s")
    w = c * _NUM_SUBCORES + s
    bufs = (r0, r1)
    sems = (m0, m1)
    nb = 2
    pltpu.sync_copy(idx.at[w], sv)
    pltpu.sync_copy(dst.at[w], dv)
    r0[...] = jnp.zeros((_K, _DW), jnp.float32)
    for z in range(_ROWS // _K):
      pltpu.sync_copy(r0, shared.at[pl.ds(s * _ROWS + z * _K, _K)])
    plsc.subcore_barrier()

    for b in range(nb - 1):
      pltpu.async_copy(x2.at[sv.at[b]], bufs[b], sems[b])

    def group(g, carry):
      for b in range(nb):
        j = nb * g + b
        pltpu.async_copy(x2.at[sv.at[j + nb - 1]],
                         bufs[(b + nb - 1) % nb], sems[(b + nb - 1) % nb])
        pltpu.make_async_copy(x2.at[sv.at[j]], bufs[b], sems[b]).wait()
        pltpu.sync_copy(bufs[b], shared.at[dv.at[j]], add=True)
      return carry

    lax.fori_loop(0, _CH // nb - 1, group, 0)

    base = _CH - nb
    pltpu.async_copy(x2.at[sv.at[_CH - 1]], bufs[(_CH - 1) % nb],
                     sems[(_CH - 1) % nb])
    for b in range(nb):
      j = base + b
      pltpu.make_async_copy(x2.at[sv.at[j]], bufs[b], sems[b]).wait()
      pltpu.sync_copy(bufs[b], shared.at[dv.at[j]], add=True)
    plsc.subcore_barrier()
    pltpu.sync_copy(shared.at[pl.ds(s * _ROWS, _ROWS)], out.at[w])

  return scat


_TN = 1000


def _dense_body(s, x, wm, ws, b, o):
  acc = jnp.dot(s[...], wm[...], preferred_element_type=jnp.float32)
  acc = acc + jnp.dot(x[...], ws[...], preferred_element_type=jnp.float32)
  o[...] = jnp.maximum(acc + b[...], 0.0)


def _dense(S, x, Wm, Ws, b):
  n, din = x.shape
  d1, dh = Wm.shape
  grid = n // _TN
  return pl.pallas_call(
      _dense_body,
      grid=(grid,),
      in_specs=[
          pl.BlockSpec((_TN, d1), lambda i: (i, 0)),
          pl.BlockSpec((_TN, din), lambda i: (i, 0)),
          pl.BlockSpec((d1, dh), lambda i: (0, 0)),
          pl.BlockSpec((din, dh), lambda i: (0, 0)),
          pl.BlockSpec((1, dh), lambda i: (0, 0)),
      ],
      out_specs=pl.BlockSpec((_TN, dh), lambda i: (i, 0)),
      out_shape=jax.ShapeDtypeStruct((n, dh), jnp.float32),
  )(S, x, Wm, Ws, b.reshape(1, dh))


def _pool_body(h, b3, wc, bc, o, pooled, cnt):
  i = pl.program_id(0)

  @pl.when(i == 0)
  def _():
    pooled[...] = jnp.zeros_like(pooled)
    cnt[...] = jnp.zeros_like(cnt)

  gids = lax.broadcasted_iota(jnp.int32, (_NG, 1), 0)
  mask = (b3[0] == gids).astype(jnp.float32)
  pooled[...] += jnp.dot(mask, h[...], preferred_element_type=jnp.float32)
  cnt[...] += jnp.sum(mask, axis=1, keepdims=True)

  @pl.when(i == pl.num_programs(0) - 1)
  def _():
    mean = pooled[...] / jnp.maximum(cnt[...], 1.0)
    o[...] = jnp.dot(mean, wc[...], preferred_element_type=jnp.float32) + bc[...]


def _pool(h2, batch, Wc, bc):
  grid = _N // _TN
  b3 = batch.reshape(grid, 1, _TN).astype(jnp.int32)
  return pl.pallas_call(
      _pool_body,
      grid=(grid,),
      in_specs=[
          pl.BlockSpec((_TN, _DH), lambda i: (i, 0)),
          pl.BlockSpec((1, 1, _TN), lambda i: (i, 0, 0)),
          pl.BlockSpec((_DH, _NC), lambda i: (0, 0)),
          pl.BlockSpec((1, _NC), lambda i: (0, 0)),
      ],
      out_specs=pl.BlockSpec((_NG, _NC), lambda i: (0, 0)),
      out_shape=jax.ShapeDtypeStruct((_NG, _NC), jnp.float32),
      scratch_shapes=[
          pltpu.VMEM((_NG, _DH), jnp.float32),
          pltpu.VMEM((_NG, 1), jnp.float32),
      ],
  )(h2, b3, Wc, bc.reshape(1, _NC))


def _assemble(out):
  return out.reshape(_NUM_CORES, _RPAD, _DW)[:, :_HALF].reshape(_N, _DW)


def kernel(node_features, edge_index, edge_features, batch,
           W_msg0, W_self0, b0, W_msg1, W_self1, b1, W_cls, b_cls):
  del edge_features
  src = edge_index[0].astype(jnp.int32)
  dst = edge_index[1].astype(jnp.int32)
  srcp = jnp.concatenate([src, jnp.zeros((_EPAD - _E,), jnp.int32)])
  dstp = jnp.concatenate([dst, jnp.full((_EPAD - _E,), _N, jnp.int32)])

  def _local(c):
    d = dstp - c * _HALF
    return jnp.where((d >= 0) & (d < _HALF), d, _GARB)

  dst2 = jnp.stack([_local(0), _local(1)]).reshape(_NW, _CH, _K)
  scat = _make_scatter()

  x = node_features
  idx0 = jnp.broadcast_to(srcp.reshape(1, _NUM_SUBCORES, _CH, _K),
                          (2, _NUM_SUBCORES, _CH, _K)).reshape(_NW, _CH, _K)
  s0 = _assemble(scat(x, idx0, dst2))
  h1 = _dense(s0, x, W_msg0, W_self0, b0)

  h1v = h1.reshape(2 * _N, _DW)
  halves = []
  for h in range(2):
    idxh = jnp.broadcast_to((2 * srcp + h).reshape(1, _NUM_SUBCORES, _CH, _K),
                            (2, _NUM_SUBCORES, _CH, _K)).reshape(_NW, _CH, _K)
    halves.append(_assemble(scat(h1v, idxh, dst2)))
  s1 = jnp.concatenate(halves, axis=1)
  h2 = _dense(s1, h1, W_msg1, W_self1, b1)

  return _pool(h2, batch, W_cls, b_cls)

# --- scband reference (transcript-rebuilt; emitter-appended) ---
"""Pipeline reference for scband-graph-classifier-88699664597185 (READ-ONLY COPY).

The authoritative reference and input builder live on the scoring server;
editing this copy changes nothing except your own understanding.
"""

import jax, jax.numpy as jnp
import numpy as np

N = 10000
E = 320000
DIN = 128
DH = 256
NC = 10
NG = 64

def setup_inputs(seed: int = 0) -> dict:
    key = jax.random.key(seed)
    ks = jax.random.split(key, 16)
    node_features = jax.random.normal(ks[0], (N, DIN), dtype=jnp.float32)
    edge_index = jax.random.randint(ks[1], (2, E), 0, N)
    edge_features = jax.random.normal(ks[2], (E, 4), dtype=jnp.float32)
    batch = jnp.sort(jax.random.randint(ks[3], (N,), 0, NG))
    # ConvMessagePassing layer 0: in 128 -> 256 (message weight + self weight + bias)
    W_msg0 = jax.random.normal(ks[4], (DIN, DH), dtype=jnp.float32) * 0.05
    W_self0 = jax.random.normal(ks[5], (DIN, DH), dtype=jnp.float32) * 0.05
    b0 = jnp.zeros((DH,), dtype=jnp.float32)
    # ConvMessagePassing layer 1: 256 -> 256
    W_msg1 = jax.random.normal(ks[6], (DH, DH), dtype=jnp.float32) * 0.05
    W_self1 = jax.random.normal(ks[7], (DH, DH), dtype=jnp.float32) * 0.05
    b1 = jnp.zeros((DH,), dtype=jnp.float32)
    # classifier 256 -> 10
    W_cls = jax.random.normal(ks[8], (DH, NC), dtype=jnp.float32) * 0.05
    b_cls = jnp.zeros((NC,), dtype=jnp.float32)
    return {"node_features": node_features, "edge_index": edge_index,
            "edge_features": edge_features, "batch": batch,
            "W_msg0": W_msg0, "W_self0": W_self0, "b0": b0,
            "W_msg1": W_msg1, "W_self1": W_self1, "b1": b1,
            "W_cls": W_cls, "b_cls": b_cls}

def _mp_layer(x, src, dst, W_msg, W_self, b, n_nodes):
    msg = x[src] @ W_msg               # gather source nodes, transform
    agg = jax.ops.segment_sum(msg, dst, num_segments=n_nodes)  # aggr='sum'
    return agg + x @ W_self + b

def reference(node_features, edge_index, edge_features, batch,
              W_msg0, W_self0, b0, W_msg1, W_self1, b1, W_cls, b_cls):
    src = edge_index[0]
    dst = edge_index[1]
    x = node_features
    x = jax.nn.relu(_mp_layer(x, src, dst, W_msg0, W_self0, b0, N))
    x = jax.nn.relu(_mp_layer(x, src, dst, W_msg1, W_self1, b1, N))
    num_graphs = NG
    pooled = jax.ops.segment_sum(x, batch, num_segments=num_graphs)
    ones = jnp.ones((x.shape[0],), dtype=jnp.float32)
    count = jax.ops.segment_sum(ones, batch, num_segments=num_graphs)
    pooled = pooled / jnp.maximum(count, 1.0)[:, None]
    logits = pooled @ W_cls + b_cls
    return logits

if __name__ == "__main__":
    import jax
    _d = setup_inputs()
    print(jax.jit(kernel)(*tuple(_d.values())))

</pallas_src>

<mosaic_0001>
#map = affine_map<(d0, d1) -> (0, 0)>
#map1 = affine_map<(d0, d1) -> (0, 0, 0)>
module attributes {stable_mosaic.version = 14 : i64} {
  func.func @scat(%arg0: i32, %arg1: i32, %arg2: memref<10000x128xf32, #tpu.memory_space<hbm>>, %arg3: memref<32x158x128xi32, #tpu.memory_space<hbm>>, %arg4: memref<32x158x128xi32, #tpu.memory_space<hbm>>, %arg5: memref<32x384x128xf32, #tpu.memory_space<hbm>>, %arg6: memref<158x128xi32, #tpu.memory_space<vmem>>, %arg7: memref<158x128xi32, #tpu.memory_space<vmem>>, %arg8: memref<128x128xf32, #tpu.memory_space<vmem>>, %arg9: memref<128x128xf32, #tpu.memory_space<vmem>>, %arg10: memref<6144x128xf32, #tpu.memory_space<vmem_shared>>, %arg11: memref<!tpu.dma_semaphore, #tpu.memory_space<semaphore_mem>>, %arg12: memref<!tpu.dma_semaphore, #tpu.memory_space<semaphore_mem>>) attributes {dimension_semantics = [#tpu.dimension_semantics<core_parallel>, #tpu.dimension_semantics<subcore_parallel>], iteration_bounds = array<i64: 2, 16>, scalar_prefetch = 0 : i64, scratch_operands = 7 : i64, tpu.core_type = #tpu.core_type<sc_vector_subcore>, window_params = [{transform_indices = #map}, {transform_indices = #map1}, {transform_indices = #map1}, {transform_indices = #map1}]} {
    %mul3A = arith.constant 16 : i32
    %mul3A_0 = arith.muli %arg0, %mul3A : i32
    %add3A = arith.addi %mul3A_0, %arg1 : i32
    "tpu.region"() ({
      %run_scoped3A_53 = tpu.sem_alloc : memref<!tpu.dma_semaphore, #tpu.memory_space<semaphore_mem>>
      %dma_start3A_54 = arith.constant 0 : i32
      %dma_start3A_55 = arith.constant 0 : i32
      %dma_start3A_56 = tpu.memref_slice %arg3[%add3A, %dma_start3A_54, %dma_start3A_55] : memref<32x158x128xi32, #tpu.memory_space<hbm>> -> memref<1x158x128xi32, #tpu.memory_space<hbm>>
      %dma_start3A_57 = tpu.memref_squeeze %dma_start3A_56 : memref<1x158x128xi32, #tpu.memory_space<hbm>> -> memref<158x128xi32, #tpu.memory_space<hbm>>
      %dma_start3A_58 = arith.constant 0 : i32
      %dma_start3A_59 = arith.constant 0 : i32
      %dma_start3A_60 = tpu.memref_slice %arg3[%add3A, %dma_start3A_58, %dma_start3A_59] : memref<32x158x128xi32, #tpu.memory_space<hbm>> -> memref<1x158x128xi32, #tpu.memory_space<hbm>>
      %dma_start3A_61 = tpu.memref_squeeze %dma_start3A_60 : memref<1x158x128xi32, #tpu.memory_space<hbm>> -> memref<158x128xi32, #tpu.memory_space<hbm>>
      tpu.enqueue_dma source(%dma_start3A_61 : memref<158x128xi32, #tpu.memory_space<hbm>>) target(%arg6 : memref<158x128xi32, #tpu.memory_space<vmem>>) target_semaphore(%run_scoped3A_53 : memref<!tpu.dma_semaphore, #tpu.memory_space<semaphore_mem>>)
      %dma_wait3A_62 = arith.constant 0 : i32
      %dma_wait3A_63 = arith.constant 0 : i32
      %dma_wait3A_64 = tpu.memref_slice %arg3[%add3A, %dma_wait3A_62, %dma_wait3A_63] : memref<32x158x128xi32, #tpu.memory_space<hbm>> -> memref<1x158x128xi32, #tpu.memory_space<hbm>>
      %dma_wait3A_65 = tpu.memref_squeeze %dma_wait3A_64 : memref<1x158x128xi32, #tpu.memory_space<hbm>> -> memref<158x128xi32, #tpu.memory_space<hbm>>
      %dma_wait3A_66 = arith.constant 0 : i32
      %dma_wait3A_67 = arith.constant 0 : i32
      %dma_wait3A_68 = tpu.memref_slice %arg3[%add3A, %dma_wait3A_66, %dma_wait3A_67] : memref<32x158x128xi32, #tpu.memory_space<hbm>> -> memref<1x158x128xi32, #tpu.memory_space<hbm>>
      %dma_wait3A_69 = tpu.memref_squeeze %dma_wait3A_68 : memref<1x158x128xi32, #tpu.memory_space<hbm>> -> memref<158x128xi32, #tpu.memory_space<hbm>>
      tpu.wait_dma2 semaphore(%run_scoped3A_53 : memref<!tpu.dma_semaphore, #tpu.memory_space<semaphore_mem>>) src(%dma_wait3A_69 : memref<158x128xi32, #tpu.memory_space<hbm>>) dst(%arg6 : memref<158x128xi32, #tpu.memory_space<vmem>>)
      tpu.yield
    }) : () -> ()
    "tpu.region"() ({
      %run_scoped3A_53 = tpu.sem_alloc : memref<!tpu.dma_semaphore, #tpu.memory_space<semaphore_mem>>
      %dma_start3A_54 = arith.constant 0 : i32
      %dma_start3A_55 = arith.constant 0 : i32
      %dma_start3A_56 = tpu.memref_slice %arg4[%add3A, %dma_start3A_54, %dma_start3A_55] : memref<32x158x128xi32, #tpu.memory_space<hbm>> -> memref<1x158x128xi32, #tpu.memory_space<hbm>>
      %dma_start3A_57 = tpu.memref_squeeze %dma_start3A_56 : memref<1x158x128xi32, #tpu.memory_space<hbm>> -> memref<158x128xi32, #tpu.memory_space<hbm>>
      %dma_start3A_58 = arith.constant 0 : i32
      %dma_start3A_59 = arith.constant 0 : i32
      %dma_start3A_60 = tpu.memref_slice %arg4[%add3A, %dma_start3A_58, %dma_start3A_59] : memref<32x158x128xi32, #tpu.memory_space<hbm>> -> memref<1x158x128xi32, #tpu.memory_space<hbm>>
      %dma_start3A_61 = tpu.memref_squeeze %dma_start3A_60 : memref<1x158x128xi32, #tpu.memory_space<hbm>> -> memref<158x128xi32, #tpu.memory_space<hbm>>
      tpu.enqueue_dma source(%dma_start3A_61 : memref<158x128xi32, #tpu.memory_space<hbm>>) target(%arg7 : memref<158x128xi32, #tpu.memory_space<vmem>>) target_semaphore(%run_scoped3A_53 : memref<!tpu.dma_semaphore, #tpu.memory_space<semaphore_mem>>)
      %dma_wait3A_62 = arith.constant 0 : i32
      %dma_wait3A_63 = arith.constant 0 : i32
      %dma_wait3A_64 = tpu.memref_slice %arg4[%add3A, %dma_wait3A_62, %dma_wait3A_63] : memref<32x158x128xi32, #tpu.memory_space<hbm>> -> memref<1x158x128xi32, #tpu.memory_space<hbm>>
      %dma_wait3A_65 = tpu.memref_squeeze %dma_wait3A_64 : memref<1x158x128xi32, #tpu.memory_space<hbm>> -> memref<158x128xi32, #tpu.memory_space<hbm>>
      %dma_wait3A_66 = arith.constant 0 : i32
      %dma_wait3A_67 = arith.constant 0 : i32
      %dma_wait3A_68 = tpu.memref_slice %arg4[%add3A, %dma_wait3A_66, %dma_wait3A_67] : memref<32x158x128xi32, #tpu.memory_space<hbm>> -> memref<1x158x128xi32, #tpu.memory_space<hbm>>
      %dma_wait3A_69 = tpu.memref_squeeze %dma_wait3A_68 : memref<1x158x128xi32, #tpu.memory_space<hbm>> -> memref<158x128xi32, #tpu.memory_space<hbm>>
      tpu.wait_dma2 semaphore(%run_scoped3A_53 : memref<!tpu.dma_semaphore, #tpu.memory_space<semaphore_mem>>) src(%dma_wait3A_69 : memref<158x128xi32, #tpu.memory_space<hbm>>) dst(%arg7 : memref<158x128xi32, #tpu.memory_space<vmem>>)
      tpu.yield
    }) : () -> ()
    %broadcast_in_dim3A = arith.constant 0.000000e+00 : f32
    %broadcast_in_dim3A_1 = vector.broadcast %broadcast_in_dim3A : f32 to vector<128x128xf32>
    %swap3A = arith.constant 0 : index
    %swap3A_2 = arith.constant 0 : index
    %swap3A_3 = tpu.vector_load %arg8[%swap3A, %swap3A_2] {strides = array<i32>} : memref<128x128xf32, #tpu.memory_space<vmem>>, vector<128x128xf32>,
    %swap3A_4 = vector.shape_cast %swap3A_3 : vector<128x128xf32> to vector<128x128xf32>
    %swap3A_5 = vector.shape_cast %broadcast_in_dim3A_1 : vector<128x128xf32> to vector<128x128xf32>
    tpu.vector_store %arg8[%swap3A, %swap3A_2], %swap3A_5 {strides = array<i32>} : memref<128x128xf32, #tpu.memory_space<vmem>>, vector<128x128xf32>,
    %mul3A_6 = arith.constant 384 : i32
    %mul3A_7 = arith.muli %arg1, %mul3A_6 : i32
    %add3A_8 = arith.constant 0 : i32
    %add3A_9 = arith.addi %mul3A_7, %add3A_8 : i32
    "tpu.region"() ({
      %run_scoped3A_53 = tpu.sem_alloc : memref<!tpu.dma_semaphore, #tpu.memory_space<semaphore_mem>>
      %dma_start3A_54 = arith.constant 0 : i32
      %dma_start3A_55 = tpu.memref_slice %arg10[%add3A_9, %dma_start3A_54] : memref<6144x128xf32, #tpu.memory_space<vmem_shared>> -> memref<128x128xf32, #tpu.memory_space<vmem_shared>>
      %dma_start3A_56 = arith.constant 0 : i32
      %dma_start3A_57 = tpu.memref_slice %arg10[%add3A_9, %dma_start3A_56] : memref<6144x128xf32, #tpu.memory_space<vmem_shared>> -> memref<128x128xf32, #tpu.memory_space<vmem_shared>>
      tpu.enqueue_dma source(%arg8 : memref<128x128xf32, #tpu.memory_space<vmem>>) target(%dma_start3A_57 : memref<128x128xf32, #tpu.memory_space<vmem_shared>>) target_semaphore(%run_scoped3A_53 : memref<!tpu.dma_semaphore, #tpu.memory_space<semaphore_mem>>)
      %dma_wait3A_58 = arith.constant 0 : i32
      %dma_wait3A_59 = tpu.memref_slice %arg10[%add3A_9, %dma_wait3A_58] : memref<6144x128xf32, #tpu.memory_space<vmem_shared>> -> memref<128x128xf32, #tpu.memory_space<vmem_shared>>
      %dma_wait3A_60 = arith.constant 0 : i32
      %dma_wait3A_61 = tpu.memref_slice %arg10[%add3A_9, %dma_wait3A_60] : memref<6144x128xf32, #tpu.memory_space<vmem_shared>> -> memref<128x128xf32, #tpu.memory_space<vmem_shared>>
      tpu.wait_dma2 semaphore(%run_scoped3A_53 : memref<!tpu.dma_semaphore, #tpu.memory_space<semaphore_mem>>) src(%arg8 : memref<128x128xf32, #tpu.memory_space<vmem>>) dst(%dma_wait3A_61 : memref<128x128xf32, #tpu.memory_space<vmem_shared>>)
      tpu.yield
    }) : () -> ()
    %mul3A_10 = arith.constant 384 : i32
    %mul3A_11 = arith.muli %arg1, %mul3A_10 : i32
    %add3A_12 = arith.constant 128 : i32
    %add3A_13 = arith.addi %mul3A_11, %add3A_12 : i32
    "tpu.region"() ({
      %run_scoped3A_53 = tpu.sem_alloc : memref<!tpu.dma_semaphore, #tpu.memory_space<semaphore_mem>>
      %dma_start3A_54 = arith.constant 0 : i32
      %dma_start3A_55 = tpu.memref_slice %arg10[%add3A_13, %dma_start3A_54] : memref<6144x128xf32, #tpu.memory_space<vmem_shared>> -> memref<128x128xf32, #tpu.memory_space<vmem_shared>>
      %dma_start3A_56 = arith.constant 0 : i32
      %dma_start3A_57 = tpu.memref_slice %arg10[%add3A_13, %dma_start3A_56] : memref<6144x128xf32, #tpu.memory_space<vmem_shared>> -> memref<128x128xf32, #tpu.memory_space<vmem_shared>>
      tpu.enqueue_dma source(%arg8 : memref<128x128xf32, #tpu.memory_space<vmem>>) target(%dma_start3A_57 : memref<128x128xf32, #tpu.memory_space<vmem_shared>>) target_semaphore(%run_scoped3A_53 : memref<!tpu.dma_semaphore, #tpu.memory_space<semaphore_mem>>)
      %dma_wait3A_58 = arith.constant 0 : i32
      %dma_wait3A_59 = tpu.memref_slice %arg10[%add3A_13, %dma_wait3A_58] : memref<6144x128xf32, #tpu.memory_space<vmem_shared>> -> memref<128x128xf32, #tpu.memory_space<vmem_shared>>
      %dma_wait3A_60 = arith.constant 0 : i32
      %dma_wait3A_61 = tpu.memref_slice %arg10[%add3A_13, %dma_wait3A_60] : memref<6144x128xf32, #tpu.memory_space<vmem_shared>> -> memref<128x128xf32, #tpu.memory_space<vmem_shared>>
      tpu.wait_dma2 semaphore(%run_scoped3A_53 : memref<!tpu.dma_semaphore, #tpu.memory_space<semaphore_mem>>) src(%arg8 : memref<128x128xf32, #tpu.memory_space<vmem>>) dst(%dma_wait3A_61 : memref<128x128xf32, #tpu.memory_space<vmem_shared>>)
      tpu.yield
    }) : () -> ()
    %mul3A_14 = arith.constant 384 : i32
    %mul3A_15 = arith.muli %arg1, %mul3A_14 : i32
    %add3A_16 = arith.constant 256 : i32
    %add3A_17 = arith.addi %mul3A_15, %add3A_16 : i32
    "tpu.region"() ({
      %run_scoped3A_53 = tpu.sem_alloc : memref<!tpu.dma_semaphore, #tpu.memory_space<semaphore_mem>>
      %dma_start3A_54 = arith.constant 0 : i32
      %dma_start3A_55 = tpu.memref_slice %arg10[%add3A_17, %dma_start3A_54] : memref<6144x128xf32, #tpu.memory_space<vmem_shared>> -> memref<128x128xf32, #tpu.memory_space<vmem_shared>>
      %dma_start3A_56 = arith.constant 0 : i32
      %dma_start3A_57 = tpu.memref_slice %arg10[%add3A_17, %dma_start3A_56] : memref<6144x128xf32, #tpu.memory_space<vmem_shared>> -> memref<128x128xf32, #tpu.memory_space<vmem_shared>>
      tpu.enqueue_dma source(%arg8 : memref<128x128xf32, #tpu.memory_space<vmem>>) target(%dma_start3A_57 : memref<128x128xf32, #tpu.memory_space<vmem_shared>>) target_semaphore(%run_scoped3A_53 : memref<!tpu.dma_semaphore, #tpu.memory_space<semaphore_mem>>)
      %dma_wait3A_58 = arith.constant 0 : i32
      %dma_wait3A_59 = tpu.memref_slice %arg10[%add3A_17, %dma_wait3A_58] : memref<6144x128xf32, #tpu.memory_space<vmem_shared>> -> memref<128x128xf32, #tpu.memory_space<vmem_shared>>
      %dma_wait3A_60 = arith.constant 0 : i32
      %dma_wait3A_61 = tpu.memref_slice %arg10[%add3A_17, %dma_wait3A_60] : memref<6144x128xf32, #tpu.memory_space<vmem_shared>> -> memref<128x128xf32, #tpu.memory_space<vmem_shared>>
      tpu.wait_dma2 semaphore(%run_scoped3A_53 : memref<!tpu.dma_semaphore, #tpu.memory_space<semaphore_mem>>) src(%arg8 : memref<128x128xf32, #tpu.memory_space<vmem>>) dst(%dma_wait3A_61 : memref<128x128xf32, #tpu.memory_space<vmem_shared>>)
      tpu.yield
    }) : () -> ()
    %barrier3A = arith.constant 0 : index
    tpu.barrier barrier_id(%barrier3A)
    %dma_start3A = arith.constant 0 : i32
    %dma_start3A_18 = arith.constant 0 : i32
    %dma_start3A_19 = tpu.memref_slice %arg6[%dma_start3A, %dma_start3A_18] : memref<158x128xi32, #tpu.memory_space<vmem>> -> memref<1x128xi32, #tpu.memory_space<vmem>>
    %dma_start3A_20 = tpu.memref_squeeze %dma_start3A_19 : memref<1x128xi32, #tpu.memory_space<vmem>> -> memref<128xi32, #tpu.memory_space<vmem>>
    %dma_start3A_21 = arith.constant 0 : i32
    %dma_start3A_22 = arith.constant 0 : i32
    %dma_start3A_23 = tpu.memref_slice %arg2[%dma_start3A_21, %dma_start3A_22] : memref<10000x128xf32, #tpu.memory_space<hbm>> -> memref<10000x128xf32, #tpu.memory_space<hbm>>
    tpu.enqueue_indirect_dma source(%dma_start3A_23 : memref<10000x128xf32, #tpu.memory_space<hbm>>) target(%arg8 : memref<128x128xf32, #tpu.memory_space<vmem>>) offsets(%dma_start3A_20 : memref<128xi32, #tpu.memory_space<vmem>>) semaphore(%arg11 : memref<!tpu.dma_semaphore, #tpu.memory_space<semaphore_mem>>)
    %scan3A = arith.constant 0 : i32
    %scan3A_24 = arith.constant 0 : i32
    %scan3A_25 = arith.constant 78 : i32
    %scan3A_26 = arith.addi %scan3A_24, %scan3A_25 : i32
    %scan3A_27 = arith.constant 1 : i32
    scf.for %scan3A_53 = %scan3A_24 to %scan3A_26 step %scan3A_27  : i32 {
      %mul3A_54 = arith.constant 2 : i32
      %mul3A_55 = arith.muli %mul3A_54, %scan3A_53 : i32
      %add3A_56 = arith.constant 0 : i32
      %add3A_57 = arith.addi %mul3A_55, %add3A_56 : i32
      %add3A_58 = arith.constant 2 : i32
      %add3A_59 = arith.addi %add3A_57, %add3A_58 : i32
      %sub3A = arith.constant 1 : i32
      %sub3A_60 = arith.subi %add3A_59, %sub3A : i32
      %dma_start3A_61 = arith.constant 0 : i32
      %dma_start3A_62 = tpu.memref_slice %arg6[%sub3A_60, %dma_start3A_61] : memref<158x128xi32, #tpu.memory_space<vmem>> -> memref<1x128xi32, #tpu.memory_space<vmem>>
      %dma_start3A_63 = tpu.memref_squeeze %dma_start3A_62 : memref<1x128xi32, #tpu.memory_space<vmem>> -> memref<128xi32, #tpu.memory_space<vmem>>
      %dma_start3A_64 = arith.constant 0 : i32
      %dma_start3A_65 = arith.constant 0 : i32
      %dma_start3A_66 = tpu.memref_slice %arg2[%dma_start3A_64, %dma_start3A_65] : memref<10000x128xf32, #tpu.memory_space<hbm>> -> memref<10000x128xf32, #tpu.memory_space<hbm>>
      tpu.enqueue_indirect_dma source(%dma_start3A_66 : memref<10000x128xf32, #tpu.memory_space<hbm>>) target(%arg9 : memref<128x128xf32, #tpu.memory_space<vmem>>) offsets(%dma_start3A_63 : memref<128xi32, #tpu.memory_space<vmem>>) semaphore(%arg12 : memref<!tpu.dma_semaphore, #tpu.memory_space<semaphore_mem>>)
      %dma_wait3A_67 = arith.constant 0 : i32
      %dma_wait3A_68 = tpu.memref_slice %arg6[%add3A_57, %dma_wait3A_67] : memref<158x128xi32, #tpu.memory_space<vmem>> -> memref<1x128xi32, #tpu.memory_space<vmem>>
      %dma_wait3A_69 = tpu.memref_squeeze %dma_wait3A_68 : memref<1x128xi32, #tpu.memory_space<vmem>> -> memref<128xi32, #tpu.memory_space<vmem>>
      %dma_wait3A_70 = arith.constant 0 : i32
      %dma_wait3A_71 = arith.constant 0 : i32
      %dma_wait3A_72 = tpu.memref_slice %arg2[%dma_wait3A_70, %dma_wait3A_71] : memref<10000x128xf32, #tpu.memory_space<hbm>> -> memref<10000x128xf32, #tpu.memory_space<hbm>>
      tpu.wait_indirect_dma semaphore(%arg11 : memref<!tpu.dma_semaphore, #tpu.memory_space<semaphore_mem>>) src(%dma_wait3A_72 : memref<10000x128xf32, #tpu.memory_space<hbm>>) dst(%arg8 : memref<128x128xf32, #tpu.memory_space<vmem>>)
      "tpu.region"() ({
        %run_scoped3A_93 = tpu.sem_alloc : memref<!tpu.dma_semaphore, #tpu.memory_space<semaphore_mem>>
        %dma_start3A_94 = arith.constant 0 : i32
        %dma_start3A_95 = tpu.memref_slice %arg7[%add3A_57, %dma_start3A_94] : memref<158x128xi32, #tpu.memory_space<vmem>> -> memref<1x128xi32, #tpu.memory_space<vmem>>
        %dma_start3A_96 = tpu.memref_squeeze %dma_start3A_95 : memref<1x128xi32, #tpu.memory_space<vmem>> -> memref<128xi32, #tpu.memory_space<vmem>>
        %dma_start3A_97 = arith.constant 0 : i32
        %dma_start3A_98 = arith.constant 0 : i32
        %dma_start3A_99 = tpu.memref_slice %arg10[%dma_start3A_97, %dma_start3A_98] : memref<6144x128xf32, #tpu.memory_space<vmem_shared>> -> memref<6144x128xf32, #tpu.memory_space<vmem_shared>>
        tpu.enqueue_indirect_dma source(%arg8 : memref<128x128xf32, #tpu.memory_space<vmem>>) target(%dma_start3A_99 : memref<6144x128xf32, #tpu.memory_space<vmem_shared>>) offsets(%dma_start3A_96 : memref<128xi32, #tpu.memory_space<vmem>>) semaphore(%run_scoped3A_93 : memref<!tpu.dma_semaphore, #tpu.memory_space<semaphore_mem>>) {add = true}
        %dma_wait3A_100 = arith.constant 0 : i32
        %dma_wait3A_101 = tpu.memref_slice %arg7[%add3A_57, %dma_wait3A_100] : memref<158x128xi32, #tpu.memory_space<vmem>> -> memref<1x128xi32, #tpu.memory_space<vmem>>
        %dma_wait3A_102 = tpu.memref_squeeze %dma_wait3A_101 : memref<1x128xi32, #tpu.memory_space<vmem>> -> memref<128xi32, #tpu.memory_space<vmem>>
        %dma_wait3A_103 = arith.constant 0 : i32
        %dma_wait3A_104 = arith.constant 0 : i32
        %dma_wait3A_105 = tpu.memref_slice %arg10[%dma_wait3A_103, %dma_wait3A_104] : memref<6144x128xf32, #tpu.memory_space<vmem_shared>> -> memref<6144x128xf32, #tpu.memory_space<vmem_shared>>
        tpu.wait_indirect_dma semaphore(%run_scoped3A_93 : memref<!tpu.dma_semaphore, #tpu.memory_space<semaphore_mem>>) src(%arg8 : memref<128x128xf32, #tpu.memory_space<vmem>>) dst(%dma_wait3A_105 : memref<6144x128xf32, #tpu.memory_space<vmem_shared>>)
        tpu.yield
      }) : () -> ()
      %mul3A_73 = arith.constant 2 : i32
      %mul3A_74 = arith.muli %mul3A_73, %scan3A_53 : i32
      %add3A_75 = arith.constant 1 : i32
      %add3A_76 = arith.addi %mul3A_74, %add3A_75 : i32
      %add3A_77 = arith.constant 2 : i32
      %add3A_78 = arith.addi %add3A_76, %add3A_77 : i32
      %sub3A_79 = arith.constant 1 : i32
      %sub3A_80 = arith.subi %add3A_78, %sub3A_79 : i32
      %dma_start3A_81 = arith.constant 0 : i32
      %dma_start3A_82 = tpu.memref_slice %arg6[%sub3A_80, %dma_start3A_81] : memref<158x128xi32, #tpu.memory_space<vmem>> -> memref<1x128xi32, #tpu.memory_space<vmem>>
      %dma_start3A_83 = tpu.memref_squeeze %dma_start3A_82 : memref<1x128xi32, #tpu.memory_space<vmem>> -> memref<128xi32, #tpu.memory_space<vmem>>
      %dma_start3A_84 = arith.constant 0 : i32
      %dma_start3A_85 = arith.constant 0 : i32
      %dma_start3A_86 = tpu.memref_slice %arg2[%dma_start3A_84, %dma_start3A_85] : memref<10000x128xf32, #tpu.memory_space<hbm>> -> memref<10000x128xf32, #tpu.memory_space<hbm>>
      tpu.enqueue_indirect_dma source(%dma_start3A_86 : memref<10000x128xf32, #tpu.memory_space<hbm>>) target(%arg8 : memref<128x128xf32, #tpu.memory_space<vmem>>) offsets(%dma_start3A_83 : memref<128xi32, #tpu.memory_space<vmem>>) semaphore(%arg11 : memref<!tpu.dma_semaphore, #tpu.memory_space<semaphore_mem>>)
      %dma_wait3A_87 = arith.constant 0 : i32
      %dma_wait3A_88 = tpu.memref_slice %arg6[%add3A_76, %dma_wait3A_87] : memref<158x128xi32, #tpu.memory_space<vmem>> -> memref<1x128xi32, #tpu.memory_space<vmem>>
      %dma_wait3A_89 = tpu.memref_squeeze %dma_wait3A_88 : memref<1x128xi32, #tpu.memory_space<vmem>> -> memref<128xi32, #tpu.memory_space<vmem>>
      %dma_wait3A_90 = arith.constant 0 : i32
      %dma_wait3A_91 = arith.constant 0 : i32
      %dma_wait3A_92 = tpu.memref_slice %arg2[%dma_wait3A_90, %dma_wait3A_91] : memref<10000x128xf32, #tpu.memory_space<hbm>> -> memref<10000x128xf32, #tpu.memory_space<hbm>>
      tpu.wait_indirect_dma semaphore(%arg12 : memref<!tpu.dma_semaphore, #tpu.memory_space<semaphore_mem>>) src(%dma_wait3A_92 : memref<10000x128xf32, #tpu.memory_space<hbm>>) dst(%arg9 : memref<128x128xf32, #tpu.memory_space<vmem>>)
      "tpu.region"() ({
        %run_scoped3A_93 = tpu.sem_alloc : memref<!tpu.dma_semaphore, #tpu.memory_space<semaphore_mem>>
        %dma_start3A_94 = arith.constant 0 : i32
        %dma_start3A_95 = tpu.memref_slice %arg7[%add3A_76, %dma_start3A_94] : memref<158x128xi32, #tpu.memory_space<vmem>> -> memref<1x128xi32, #tpu.memory_space<vmem>>
        %dma_start3A_96 = tpu.memref_squeeze %dma_start3A_95 : memref<1x128xi32, #tpu.memory_space<vmem>> -> memref<128xi32, #tpu.memory_space<vmem>>
        %dma_start3A_97 = arith.constant 0 : i32
        %dma_start3A_98 = arith.constant 0 : i32
        %dma_start3A_99 = tpu.memref_slice %arg10[%dma_start3A_97, %dma_start3A_98] : memref<6144x128xf32, #tpu.memory_space<vmem_shared>> -> memref<6144x128xf32, #tpu.memory_space<vmem_shared>>
        tpu.enqueue_indirect_dma source(%arg9 : memref<128x128xf32, #tpu.memory_space<vmem>>) target(%dma_start3A_99 : memref<6144x128xf32, #tpu.memory_space<vmem_shared>>) offsets(%dma_start3A_96 : memref<128xi32, #tpu.memory_space<vmem>>) semaphore(%run_scoped3A_93 : memref<!tpu.dma_semaphore, #tpu.memory_space<semaphore_mem>>) {add = true}
        %dma_wait3A_100 = arith.constant 0 : i32
        %dma_wait3A_101 = tpu.memref_slice %arg7[%add3A_76, %dma_wait3A_100] : memref<158x128xi32, #tpu.memory_space<vmem>> -> memref<1x128xi32, #tpu.memory_space<vmem>>
        %dma_wait3A_102 = tpu.memref_squeeze %dma_wait3A_101 : memref<1x128xi32, #tpu.memory_space<vmem>> -> memref<128xi32, #tpu.memory_space<vmem>>
        %dma_wait3A_103 = arith.constant 0 : i32
        %dma_wait3A_104 = arith.constant 0 : i32
        %dma_wait3A_105 = tpu.memref_slice %arg10[%dma_wait3A_103, %dma_wait3A_104] : memref<6144x128xf32, #tpu.memory_space<vmem_shared>> -> memref<6144x128xf32, #tpu.memory_space<vmem_shared>>
        tpu.wait_indirect_dma semaphore(%run_scoped3A_93 : memref<!tpu.dma_semaphore, #tpu.memory_space<semaphore_mem>>) src(%arg9 : memref<128x128xf32, #tpu.memory_space<vmem>>) dst(%dma_wait3A_105 : memref<6144x128xf32, #tpu.memory_space<vmem_shared>>)
        tpu.yield
      }) : () -> ()
    }
    %scan3A_28 = arith.constant 78 : i32
    %dma_start3A_29 = arith.constant 157 : i32
    %dma_start3A_30 = arith.constant 0 : i32
    %dma_start3A_31 = tpu.memref_slice %arg6[%dma_start3A_29, %dma_start3A_30] : memref<158x128xi32, #tpu.memory_space<vmem>> -> memref<1x128xi32, #tpu.memory_space<vmem>>
    %dma_start3A_32 = tpu.memref_squeeze %dma_start3A_31 : memref<1x128xi32, #tpu.memory_space<vmem>> -> memref<128xi32, #tpu.memory_space<vmem>>
    %dma_start3A_33 = arith.constant 0 : i32
    %dma_start3A_34 = arith.constant 0 : i32
    %dma_start3A_35 = tpu.memref_slice %arg2[%dma_start3A_33, %dma_start3A_34] : memref<10000x128xf32, #tpu.memory_space<hbm>> -> memref<10000x128xf32, #tpu.memory_space<hbm>>
    tpu.enqueue_indirect_dma source(%dma_start3A_35 : memref<10000x128xf32, #tpu.memory_space<hbm>>) target(%arg9 : memref<128x128xf32, #tpu.memory_space<vmem>>) offsets(%dma_start3A_32 : memref<128xi32, #tpu.memory_space<vmem>>) semaphore(%arg12 : memref<!tpu.dma_semaphore, #tpu.memory_space<semaphore_mem>>)
    %dma_wait3A = arith.constant 156 : i32
    %dma_wait3A_36 = arith.constant 0 : i32
    %dma_wait3A_37 = tpu.memref_slice %arg6[%dma_wait3A, %dma_wait3A_36] : memref<158x128xi32, #tpu.memory_space<vmem>> -> memref<1x128xi32, #tpu.memory_space<vmem>>
    %dma_wait3A_38 = tpu.memref_squeeze %dma_wait3A_37 : memref<1x128xi32, #tpu.memory_space<vmem>> -> memref<128xi32, #tpu.memory_space<vmem>>
    %dma_wait3A_39 = arith.constant 0 : i32
    %dma_wait3A_40 = arith.constant 0 : i32
    %dma_wait3A_41 = tpu.memref_slice %arg2[%dma_wait3A_39, %dma_wait3A_40] : memref<10000x128xf32, #tpu.memory_space<hbm>> -> memref<10000x128xf32, #tpu.memory_space<hbm>>
    tpu.wait_indirect_dma semaphore(%arg11 : memref<!tpu.dma_semaphore, #tpu.memory_space<semaphore_mem>>) src(%dma_wait3A_41 : memref<10000x128xf32, #tpu.memory_space<hbm>>) dst(%arg8 : memref<128x128xf32, #tpu.memory_space<vmem>>)
    %run_scoped3A = arith.constant 156 : i32
    "tpu.region"() ({
      %run_scoped3A_53 = tpu.sem_alloc : memref<!tpu.dma_semaphore, #tpu.memory_space<semaphore_mem>>
      %dma_start3A_54 = arith.constant 0 : i32
      %dma_start3A_55 = tpu.memref_slice %arg7[%run_scoped3A, %dma_start3A_54] : memref<158x128xi32, #tpu.memory_space<vmem>> -> memref<1x128xi32, #tpu.memory_space<vmem>>
      %dma_start3A_56 = tpu.memref_squeeze %dma_start3A_55 : memref<1x128xi32, #tpu.memory_space<vmem>> -> memref<128xi32, #tpu.memory_space<vmem>>
      %dma_start3A_57 = arith.constant 0 : i32
      %dma_start3A_58 = arith.constant 0 : i32
      %dma_start3A_59 = tpu.memref_slice %arg10[%dma_start3A_57, %dma_start3A_58] : memref<6144x128xf32, #tpu.memory_space<vmem_shared>> -> memref<6144x128xf32, #tpu.memory_space<vmem_shared>>
      tpu.enqueue_indirect_dma source(%arg8 : memref<128x128xf32, #tpu.memory_space<vmem>>) target(%dma_start3A_59 : memref<6144x128xf32, #tpu.memory_space<vmem_shared>>) offsets(%dma_start3A_56 : memref<128xi32, #tpu.memory_space<vmem>>) semaphore(%run_scoped3A_53 : memref<!tpu.dma_semaphore, #tpu.memory_space<semaphore_mem>>) {add = true}
      %dma_wait3A_60 = arith.constant 0 : i32
      %dma_wait3A_61 = tpu.memref_slice %arg7[%run_scoped3A, %dma_wait3A_60] : memref<158x128xi32, #tpu.memory_space<vmem>> -> memref<1x128xi32, #tpu.memory_space<vmem>>
      %dma_wait3A_62 = tpu.memref_squeeze %dma_wait3A_61 : memref<1x128xi32, #tpu.memory_space<vmem>> -> memref<128xi32, #tpu.memory_space<vmem>>
      %dma_wait3A_63 = arith.constant 0 : i32
      %dma_wait3A_64 = arith.constant 0 : i32
      %dma_wait3A_65 = tpu.memref_slice %arg10[%dma_wait3A_63, %dma_wait3A_64] : memref<6144x128xf32, #tpu.memory_space<vmem_shared>> -> memref<6144x128xf32, #tpu.memory_space<vmem_shared>>
      tpu.wait_indirect_dma semaphore(%run_scoped3A_53 : memref<!tpu.dma_semaphore, #tpu.memory_space<semaphore_mem>>) src(%arg8 : memref<128x128xf32, #tpu.memory_space<vmem>>) dst(%dma_wait3A_65 : memref<6144x128xf32, #tpu.memory_space<vmem_shared>>)
      tpu.yield
    }) : () -> ()
    %dma_wait3A_42 = arith.constant 157 : i32
    %dma_wait3A_43 = arith.constant 0 : i32
    %dma_wait3A_44 = tpu.memref_slice %arg6[%dma_wait3A_42, %dma_wait3A_43] : memref<158x128xi32, #tpu.memory_space<vmem>> -> memref<1x128xi32, #tpu.memory_space<vmem>>
    %dma_wait3A_45 = tpu.memref_squeeze %dma_wait3A_44 : memref<1x128xi32, #tpu.memory_space<vmem>> -> memref<128xi32, #tpu.memory_space<vmem>>
    %dma_wait3A_46 = arith.constant 0 : i32
    %dma_wait3A_47 = arith.constant 0 : i32
    %dma_wait3A_48 = tpu.memref_slice %arg2[%dma_wait3A_46, %dma_wait3A_47] : memref<10000x128xf32, #tpu.memory_space<hbm>> -> memref<10000x128xf32, #tpu.memory_space<hbm>>
    tpu.wait_indirect_dma semaphore(%arg12 : memref<!tpu.dma_semaphore, #tpu.memory_space<semaphore_mem>>) src(%dma_wait3A_48 : memref<10000x128xf32, #tpu.memory_space<hbm>>) dst(%arg9 : memref<128x128xf32, #tpu.memory_space<vmem>>)
    %run_scoped3A_49 = arith.constant 157 : i32
    "tpu.region"() ({
      %run_scoped3A_53 = tpu.sem_alloc : memref<!tpu.dma_semaphore, #tpu.memory_space<semaphore_mem>>
      %dma_start3A_54 = arith.constant 0 : i32
      %dma_start3A_55 = tpu.memref_slice %arg7[%run_scoped3A_49, %dma_start3A_54] : memref<158x128xi32, #tpu.memory_space<vmem>> -> memref<1x128xi32, #tpu.memory_space<vmem>>
      %dma_start3A_56 = tpu.memref_squeeze %dma_start3A_55 : memref<1x128xi32, #tpu.memory_space<vmem>> -> memref<128xi32, #tpu.memory_space<vmem>>
      %dma_start3A_57 = arith.constant 0 : i32
      %dma_start3A_58 = arith.constant 0 : i32
      %dma_start3A_59 = tpu.memref_slice %arg10[%dma_start3A_57, %dma_start3A_58] : memref<6144x128xf32, #tpu.memory_space<vmem_shared>> -> memref<6144x128xf32, #tpu.memory_space<vmem_shared>>
      tpu.enqueue_indirect_dma source(%arg9 : memref<128x128xf32, #tpu.memory_space<vmem>>) target(%dma_start3A_59 : memref<6144x128xf32, #tpu.memory_space<vmem_shared>>) offsets(%dma_start3A_56 : memref<128xi32, #tpu.memory_space<vmem>>) semaphore(%run_scoped3A_53 : memref<!tpu.dma_semaphore, #tpu.memory_space<semaphore_mem>>) {add = true}
      %dma_wait3A_60 = arith.constant 0 : i32
      %dma_wait3A_61 = tpu.memref_slice %arg7[%run_scoped3A_49, %dma_wait3A_60] : memref<158x128xi32, #tpu.memory_space<vmem>> -> memref<1x128xi32, #tpu.memory_space<vmem>>
      %dma_wait3A_62 = tpu.memref_squeeze %dma_wait3A_61 : memref<1x128xi32, #tpu.memory_space<vmem>> -> memref<128xi32, #tpu.memory_space<vmem>>
      %dma_wait3A_63 = arith.constant 0 : i32
      %dma_wait3A_64 = arith.constant 0 : i32
      %dma_wait3A_65 = tpu.memref_slice %arg10[%dma_wait3A_63, %dma_wait3A_64] : memref<6144x128xf32, #tpu.memory_space<vmem_shared>> -> memref<6144x128xf32, #tpu.memory_space<vmem_shared>>
      tpu.wait_indirect_dma semaphore(%run_scoped3A_53 : memref<!tpu.dma_semaphore, #tpu.memory_space<semaphore_mem>>) src(%arg9 : memref<128x128xf32, #tpu.memory_space<vmem>>) dst(%dma_wait3A_65 : memref<6144x128xf32, #tpu.memory_space<vmem_shared>>)
      tpu.yield
    }) : () -> ()
    %barrier3A_50 = arith.constant 0 : index
    tpu.barrier barrier_id(%barrier3A_50)
    %mul3A_51 = arith.constant 384 : i32
    %mul3A_52 = arith.muli %arg1, %mul3A_51 : i32
    "tpu.region"() ({
      %run_scoped3A_53 = tpu.sem_alloc : memref<!tpu.dma_semaphore, #tpu.memory_space<semaphore_mem>>
      %dma_start3A_54 = arith.constant 0 : i32
      %dma_start3A_55 = arith.constant 0 : i32
      %dma_start3A_56 = tpu.memref_slice %arg5[%add3A, %dma_start3A_54, %dma_start3A_55] : memref<32x384x128xf32, #tpu.memory_space<hbm>> -> memref<1x384x128xf32, #tpu.memory_space<hbm>>
      %dma_start3A_57 = tpu.memref_squeeze %dma_start3A_56 : memref<1x384x128xf32, #tpu.memory_space<hbm>> -> memref<384x128xf32, #tpu.memory_space<hbm>>
      %dma_start3A_58 = arith.constant 0 : i32
      %dma_start3A_59 = tpu.memref_slice %arg10[%mul3A_52, %dma_start3A_58] : memref<6144x128xf32, #tpu.memory_space<vmem_shared>> -> memref<384x128xf32, #tpu.memory_space<vmem_shared>>
      tpu.enqueue_dma source(%dma_start3A_59 : memref<384x128xf32, #tpu.memory_space<vmem_shared>>) target(%dma_start3A_57 : memref<384x128xf32, #tpu.memory_space<hbm>>) target_semaphore(%run_scoped3A_53 : memref<!tpu.dma_semaphore, #tpu.memory_space<semaphore_mem>>)
      %dma_wait3A_60 = arith.constant 0 : i32
      %dma_wait3A_61 = arith.constant 0 : i32
      %dma_wait3A_62 = tpu.memref_slice %arg5[%add3A, %dma_wait3A_60, %dma_wait3A_61] : memref<32x384x128xf32, #tpu.memory_space<hbm>> -> memref<1x384x128xf32, #tpu.memory_space<hbm>>
      %dma_wait3A_63 = tpu.memref_squeeze %dma_wait3A_62 : memref<1x384x128xf32, #tpu.memory_space<hbm>> -> memref<384x128xf32, #tpu.memory_space<hbm>>
      %dma_wait3A_64 = arith.constant 0 : i32
      %dma_wait3A_65 = tpu.memref_slice %arg10[%mul3A_52, %dma_wait3A_64] : memref<6144x128xf32, #tpu.memory_space<vmem_shared>> -> memref<384x128xf32, #tpu.memory_space<vmem_shared>>
      tpu.wait_dma2 semaphore(%run_scoped3A_53 : memref<!tpu.dma_semaphore, #tpu.memory_space<semaphore_mem>>) src(%dma_wait3A_65 : memref<384x128xf32, #tpu.memory_space<vmem_shared>>) dst(%dma_wait3A_63 : memref<384x128xf32, #tpu.memory_space<hbm>>)
      tpu.yield
    }) : () -> ()
    return
  }
}

#map = affine_map<(d0, d1) -> (0, 0)>
#map1 = affine_map<(d0, d1) -> (0, 0, 0)>
module attributes {stable_mosaic.version = 14 : i64} {
  func.func @scat(%arg0: i32, %arg1: i32, %arg2: memref<20000x128xf32, #tpu.memory_space<hbm>>, %arg3: memref<32x158x128xi32, #tpu.memory_space<hbm>>, %arg4: memref<32x158x128xi32, #tpu.memory_space<hbm>>, %arg5: memref<32x384x128xf32, #tpu.memory_space<hbm>>, %arg6: memref<158x128xi32, #tpu.memory_space<vmem>>, %arg7: memref<158x128xi32, #tpu.memory_space<vmem>>, %arg8: memref<128x128xf32, #tpu.memory_space<vmem>>, %arg9: memref<128x128xf32, #tpu.memory_space<vmem>>, %arg10: memref<6144x128xf32, #tpu.memory_space<vmem_shared>>, %arg11: memref<!tpu.dma_semaphore, #tpu.memory_space<semaphore_mem>>, %arg12: memref<!tpu.dma_semaphore, #tpu.memory_space<semaphore_mem>>) attributes {dimension_semantics = [#tpu.dimension_semantics<core_parallel>, #tpu.dimension_semantics<subcore_parallel>], iteration_bounds = array<i64: 2, 16>, scalar_prefetch = 0 : i64, scratch_operands = 7 : i64, tpu.core_type = #tpu.core_type<sc_vector_subcore>, window_params = [{transform_indices = #map}, {transform_indices = #map1}, {transform_indices = #map1}, {transform_indices = #map1}]} {
    %mul3A = arith.constant 16 : i32
    %mul3A_0 = arith.muli %arg0, %mul3A : i32
    %add3A = arith.addi %mul3A_0, %arg1 : i32
    "tpu.region"() ({
      %run_scoped3A_53 = tpu.sem_alloc : memref<!tpu.dma_semaphore, #tpu.memory_space<semaphore_mem>>
      %dma_start3A_54 = arith.constant 0 : i32
      %dma_start3A_55 = arith.constant 0 : i32
      %dma_start3A_56 = tpu.memref_slice %arg3[%add3A, %dma_start3A_54, %dma_start3A_55] : memref<32x158x128xi32, #tpu.memory_space<hbm>> -> memref<1x158x128xi32, #tpu.memory_space<hbm>>
      %dma_start3A_57 = tpu.memref_squeeze %dma_start3A_56 : memref<1x158x128xi32, #tpu.memory_space<hbm>> -> memref<158x128xi32, #tpu.memory_space<hbm>>
      %dma_start3A_58 = arith.constant 0 : i32
      %dma_start3A_59 = arith.constant 0 : i32
      %dma_start3A_60 = tpu.memref_slice %arg3[%add3A, %dma_start3A_58, %dma_start3A_59] : memref<32x158x128xi32, #tpu.memory_space<hbm>> -> memref<1x158x128xi32, #tpu.memory_space<hbm>>
      %dma_start3A_61 = tpu.memref_squeeze %dma_start3A_60 : memref<1x158x128xi32, #tpu.memory_space<hbm>> -> memref<158x128xi32, #tpu.memory_space<hbm>>
      tpu.enqueue_dma source(%dma_start3A_61 : memref<158x128xi32, #tpu.memory_space<hbm>>) target(%arg6 : memref<158x128xi32, #tpu.memory_space<vmem>>) target_semaphore(%run_scoped3A_53 : memref<!tpu.dma_semaphore, #tpu.memory_space<semaphore_mem>>)
      %dma_wait3A_62 = arith.constant 0 : i32
      %dma_wait3A_63 = arith.constant 0 : i32
      %dma_wait3A_64 = tpu.memref_slice %arg3[%add3A, %dma_wait3A_62, %dma_wait3A_63] : memref<32x158x128xi32, #tpu.memory_space<hbm>> -> memref<1x158x128xi32, #tpu.memory_space<hbm>>
      %dma_wait3A_65 = tpu.memref_squeeze %dma_wait3A_64 : memref<1x158x128xi32, #tpu.memory_space<hbm>> -> memref<158x128xi32, #tpu.memory_space<hbm>>
      %dma_wait3A_66 = arith.constant 0 : i32
      %dma_wait3A_67 = arith.constant 0 : i32
      %dma_wait3A_68 = tpu.memref_slice %arg3[%add3A, %dma_wait3A_66, %dma_wait3A_67] : memref<32x158x128xi32, #tpu.memory_space<hbm>> -> memref<1x158x128xi32, #tpu.memory_space<hbm>>
      %dma_wait3A_69 = tpu.memref_squeeze %dma_wait3A_68 : memref<1x158x128xi32, #tpu.memory_space<hbm>> -> memref<158x128xi32, #tpu.memory_space<hbm>>
      tpu.wait_dma2 semaphore(%run_scoped3A_53 : memref<!tpu.dma_semaphore, #tpu.memory_space<semaphore_mem>>) src(%dma_wait3A_69 : memref<158x128xi32, #tpu.memory_space<hbm>>) dst(%arg6 : memref<158x128xi32, #tpu.memory_space<vmem>>)
      tpu.yield
    }) : () -> ()
    "tpu.region"() ({
      %run_scoped3A_53 = tpu.sem_alloc : memref<!tpu.dma_semaphore, #tpu.memory_space<semaphore_mem>>
      %dma_start3A_54 = arith.constant 0 : i32
      %dma_start3A_55 = arith.constant 0 : i32
      %dma_start3A_56 = tpu.memref_slice %arg4[%add3A, %dma_start3A_54, %dma_start3A_55] : memref<32x158x128xi32, #tpu.memory_space<hbm>> -> memref<1x158x128xi32, #tpu.memory_space<hbm>>
      %dma_start3A_57 = tpu.memref_squeeze %dma_start3A_56 : memref<1x158x128xi32, #tpu.memory_space<hbm>> -> memref<158x128xi32, #tpu.memory_space<hbm>>
      %dma_start3A_58 = arith.constant 0 : i32
      %dma_start3A_59 = arith.constant 0 : i32
      %dma_start3A_60 = tpu.memref_slice %arg4[%add3A, %dma_start3A_58, %dma_start3A_59] : memref<32x158x128xi32, #tpu.memory_space<hbm>> -> memref<1x158x128xi32, #tpu.memory_space<hbm>>
      %dma_start3A_61 = tpu.memref_squeeze %dma_start3A_60 : memref<1x158x128xi32, #tpu.memory_space<hbm>> -> memref<158x128xi32, #tpu.memory_space<hbm>>
      tpu.enqueue_dma source(%dma_start3A_61 : memref<158x128xi32, #tpu.memory_space<hbm>>) target(%arg7 : memref<158x128xi32, #tpu.memory_space<vmem>>) target_semaphore(%run_scoped3A_53 : memref<!tpu.dma_semaphore, #tpu.memory_space<semaphore_mem>>)
      %dma_wait3A_62 = arith.constant 0 : i32
      %dma_wait3A_63 = arith.constant 0 : i32
      %dma_wait3A_64 = tpu.memref_slice %arg4[%add3A, %dma_wait3A_62, %dma_wait3A_63] : memref<32x158x128xi32, #tpu.memory_space<hbm>> -> memref<1x158x128xi32, #tpu.memory_space<hbm>>
      %dma_wait3A_65 = tpu.memref_squeeze %dma_wait3A_64 : memref<1x158x128xi32, #tpu.memory_space<hbm>> -> memref<158x128xi32, #tpu.memory_space<hbm>>
      %dma_wait3A_66 = arith.constant 0 : i32
      %dma_wait3A_67 = arith.constant 0 : i32
      %dma_wait3A_68 = tpu.memref_slice %arg4[%add3A, %dma_wait3A_66, %dma_wait3A_67] : memref<32x158x128xi32, #tpu.memory_space<hbm>> -> memref<1x158x128xi32, #tpu.memory_space<hbm>>
      %dma_wait3A_69 = tpu.memref_squeeze %dma_wait3A_68 : memref<1x158x128xi32, #tpu.memory_space<hbm>> -> memref<158x128xi32, #tpu.memory_space<hbm>>
      tpu.wait_dma2 semaphore(%run_scoped3A_53 : memref<!tpu.dma_semaphore, #tpu.memory_space<semaphore_mem>>) src(%dma_wait3A_69 : memref<158x128xi32, #tpu.memory_space<hbm>>) dst(%arg7 : memref<158x128xi32, #tpu.memory_space<vmem>>)
      tpu.yield
    }) : () -> ()
    %broadcast_in_dim3A = arith.constant 0.000000e+00 : f32
    %broadcast_in_dim3A_1 = vector.broadcast %broadcast_in_dim3A : f32 to vector<128x128xf32>
    %swap3A = arith.constant 0 : index
    %swap3A_2 = arith.constant 0 : index
    %swap3A_3 = tpu.vector_load %arg8[%swap3A, %swap3A_2] {strides = array<i32>} : memref<128x128xf32, #tpu.memory_space<vmem>>, vector<128x128xf32>,
    %swap3A_4 = vector.shape_cast %swap3A_3 : vector<128x128xf32> to vector<128x128xf32>
    %swap3A_5 = vector.shape_cast %broadcast_in_dim3A_1 : vector<128x128xf32> to vector<128x128xf32>
    tpu.vector_store %arg8[%swap3A, %swap3A_2], %swap3A_5 {strides = array<i32>} : memref<128x128xf32, #tpu.memory_space<vmem>>, vector<128x128xf32>,
    %mul3A_6 = arith.constant 384 : i32
    %mul3A_7 = arith.muli %arg1, %mul3A_6 : i32
    %add3A_8 = arith.constant 0 : i32
    %add3A_9 = arith.addi %mul3A_7, %add3A_8 : i32
    "tpu.region"() ({
      %run_scoped3A_53 = tpu.sem_alloc : memref<!tpu.dma_semaphore, #tpu.memory_space<semaphore_mem>>
      %dma_start3A_54 = arith.constant 0 : i32
      %dma_start3A_55 = tpu.memref_slice %arg10[%add3A_9, %dma_start3A_54] : memref<6144x128xf32, #tpu.memory_space<vmem_shared>> -> memref<128x128xf32, #tpu.memory_space<vmem_shared>>
      %dma_start3A_56 = arith.constant 0 : i32
      %dma_start3A_57 = tpu.memref_slice %arg10[%add3A_9, %dma_start3A_56] : memref<6144x128xf32, #tpu.memory_space<vmem_shared>> -> memref<128x128xf32, #tpu.memory_space<vmem_shared>>
      tpu.enqueue_dma source(%arg8 : memref<128x128xf32, #tpu.memory_space<vmem>>) target(%dma_start3A_57 : memref<128x128xf32, #tpu.memory_space<vmem_shared>>) target_semaphore(%run_scoped3A_53 : memref<!tpu.dma_semaphore, #tpu.memory_space<semaphore_mem>>)
      %dma_wait3A_58 = arith.constant 0 : i32
      %dma_wait3A_59 = tpu.memref_slice %arg10[%add3A_9, %dma_wait3A_58] : memref<6144x128xf32, #tpu.memory_space<vmem_shared>> -> memref<128x128xf32, #tpu.memory_space<vmem_shared>>
      %dma_wait3A_60 = arith.constant 0 : i32
      %dma_wait3A_61 = tpu.memref_slice %arg10[%add3A_9, %dma_wait3A_60] : memref<6144x128xf32, #tpu.memory_space<vmem_shared>> -> memref<128x128xf32, #tpu.memory_space<vmem_shared>>
      tpu.wait_dma2 semaphore(%run_scoped3A_53 : memref<!tpu.dma_semaphore, #tpu.memory_space<semaphore_mem>>) src(%arg8 : memref<128x128xf32, #tpu.memory_space<vmem>>) dst(%dma_wait3A_61 : memref<128x128xf32, #tpu.memory_space<vmem_shared>>)
      tpu.yield
    }) : () -> ()
    %mul3A_10 = arith.constant 384 : i32
    %mul3A_11 = arith.muli %arg1, %mul3A_10 : i32
    %add3A_12 = arith.constant 128 : i32
    %add3A_13 = arith.addi %mul3A_11, %add3A_12 : i32
    "tpu.region"() ({
      %run_scoped3A_53 = tpu.sem_alloc : memref<!tpu.dma_semaphore, #tpu.memory_space<semaphore_mem>>
      %dma_start3A_54 = arith.constant 0 : i32
      %dma_start3A_55 = tpu.memref_slice %arg10[%add3A_13, %dma_start3A_54] : memref<6144x128xf32, #tpu.memory_space<vmem_shared>> -> memref<128x128xf32, #tpu.memory_space<vmem_shared>>
      %dma_start3A_56 = arith.constant 0 : i32
      %dma_start3A_57 = tpu.memref_slice %arg10[%add3A_13, %dma_start3A_56] : memref<6144x128xf32, #tpu.memory_space<vmem_shared>> -> memref<128x128xf32, #tpu.memory_space<vmem_shared>>
      tpu.enqueue_dma source(%arg8 : memref<128x128xf32, #tpu.memory_space<vmem>>) target(%dma_start3A_57 : memref<128x128xf32, #tpu.memory_space<vmem_shared>>) target_semaphore(%run_scoped3A_53 : memref<!tpu.dma_semaphore, #tpu.memory_space<semaphore_mem>>)
      %dma_wait3A_58 = arith.constant 0 : i32
      %dma_wait3A_59 = tpu.memref_slice %arg10[%add3A_13, %dma_wait3A_58] : memref<6144x128xf32, #tpu.memory_space<vmem_shared>> -> memref<128x128xf32, #tpu.memory_space<vmem_shared>>
      %dma_wait3A_60 = arith.constant 0 : i32
      %dma_wait3A_61 = tpu.memref_slice %arg10[%add3A_13, %dma_wait3A_60] : memref<6144x128xf32, #tpu.memory_space<vmem_shared>> -> memref<128x128xf32, #tpu.memory_space<vmem_shared>>
      tpu.wait_dma2 semaphore(%run_scoped3A_53 : memref<!tpu.dma_semaphore, #tpu.memory_space<semaphore_mem>>) src(%arg8 : memref<128x128xf32, #tpu.memory_space<vmem>>) dst(%dma_wait3A_61 : memref<128x128xf32, #tpu.memory_space<vmem_shared>>)
      tpu.yield
    }) : () -> ()
    %mul3A_14 = arith.constant 384 : i32
    %mul3A_15 = arith.muli %arg1, %mul3A_14 : i32
    %add3A_16 = arith.constant 256 : i32
    %add3A_17 = arith.addi %mul3A_15, %add3A_16 : i32
    "tpu.region"() ({
      %run_scoped3A_53 = tpu.sem_alloc : memref<!tpu.dma_semaphore, #tpu.memory_space<semaphore_mem>>
      %dma_start3A_54 = arith.constant 0 : i32
      %dma_start3A_55 = tpu.memref_slice %arg10[%add3A_17, %dma_start3A_54] : memref<6144x128xf32, #tpu.memory_space<vmem_shared>> -> memref<128x128xf32, #tpu.memory_space<vmem_shared>>
      %dma_start3A_56 = arith.constant 0 : i32
      %dma_start3A_57 = tpu.memref_slice %arg10[%add3A_17, %dma_start3A_56] : memref<6144x128xf32, #tpu.memory_space<vmem_shared>> -> memref<128x128xf32, #tpu.memory_space<vmem_shared>>
      tpu.enqueue_dma source(%arg8 : memref<128x128xf32, #tpu.memory_space<vmem>>) target(%dma_start3A_57 : memref<128x128xf32, #tpu.memory_space<vmem_shared>>) target_semaphore(%run_scoped3A_53 : memref<!tpu.dma_semaphore, #tpu.memory_space<semaphore_mem>>)
      %dma_wait3A_58 = arith.constant 0 : i32
      %dma_wait3A_59 = tpu.memref_slice %arg10[%add3A_17, %dma_wait3A_58] : memref<6144x128xf32, #tpu.memory_space<vmem_shared>> -> memref<128x128xf32, #tpu.memory_space<vmem_shared>>
      %dma_wait3A_60 = arith.constant 0 : i32
      %dma_wait3A_61 = tpu.memref_slice %arg10[%add3A_17, %dma_wait3A_60] : memref<6144x128xf32, #tpu.memory_space<vmem_shared>> -> memref<128x128xf32, #tpu.memory_space<vmem_shared>>
      tpu.wait_dma2 semaphore(%run_scoped3A_53 : memref<!tpu.dma_semaphore, #tpu.memory_space<semaphore_mem>>) src(%arg8 : memref<128x128xf32, #tpu.memory_space<vmem>>) dst(%dma_wait3A_61 : memref<128x128xf32, #tpu.memory_space<vmem_shared>>)
      tpu.yield
    }) : () -> ()
    %barrier3A = arith.constant 0 : index
    tpu.barrier barrier_id(%barrier3A)
    %dma_start3A = arith.constant 0 : i32
    %dma_start3A_18 = arith.constant 0 : i32
    %dma_start3A_19 = tpu.memref_slice %arg6[%dma_start3A, %dma_start3A_18] : memref<158x128xi32, #tpu.memory_space<vmem>> -> memref<1x128xi32, #tpu.memory_space<vmem>>
    %dma_start3A_20 = tpu.memref_squeeze %dma_start3A_19 : memref<1x128xi32, #tpu.memory_space<vmem>> -> memref<128xi32, #tpu.memory_space<vmem>>
    %dma_start3A_21 = arith.constant 0 : i32
    %dma_start3A_22 = arith.constant 0 : i32
    %dma_start3A_23 = tpu.memref_slice %arg2[%dma_start3A_21, %dma_start3A_22] : memref<20000x128xf32, #tpu.memory_space<hbm>> -> memref<20000x128xf32, #tpu.memory_space<hbm>>
    tpu.enqueue_indirect_dma source(%dma_start3A_23 : memref<20000x128xf32, #tpu.memory_space<hbm>>) target(%arg8 : memref<128x128xf32, #tpu.memory_space<vmem>>) offsets(%dma_start3A_20 : memref<128xi32, #tpu.memory_space<vmem>>) semaphore(%arg11 : memref<!tpu.dma_semaphore, #tpu.memory_space<semaphore_mem>>)
    %scan3A = arith.constant 0 : i32
    %scan3A_24 = arith.constant 0 : i32
    %scan3A_25 = arith.constant 78 : i32
    %scan3A_26 = arith.addi %scan3A_24, %scan3A_25 : i32
    %scan3A_27 = arith.constant 1 : i32
    scf.for %scan3A_53 = %scan3A_24 to %scan3A_26 step %scan3A_27  : i32 {
      %mul3A_54 = arith.constant 2 : i32
      %mul3A_55 = arith.muli %mul3A_54, %scan3A_53 : i32
      %add3A_56 = arith.constant 0 : i32
      %add3A_57 = arith.addi %mul3A_55, %add3A_56 : i32
      %add3A_58 = arith.constant 2 : i32
      %add3A_59 = arith.addi %add3A_57, %add3A_58 : i32
      %sub3A = arith.constant 1 : i32
      %sub3A_60 = arith.subi %add3A_59, %sub3A : i32
      %dma_start3A_61 = arith.constant 0 : i32
      %dma_start3A_62 = tpu.memref_slice %arg6[%sub3A_60, %dma_start3A_61] : memref<158x128xi32, #tpu.memory_space<vmem>> -> memref<1x128xi32, #tpu.memory_space<vmem>>
      %dma_start3A_63 = tpu.memref_squeeze %dma_start3A_62 : memref<1x128xi32, #tpu.memory_space<vmem>> -> memref<128xi32, #tpu.memory_space<vmem>>
      %dma_start3A_64 = arith.constant 0 : i32
      %dma_start3A_65 = arith.constant 0 : i32
      %dma_start3A_66 = tpu.memref_slice %arg2[%dma_start3A_64, %dma_start3A_65] : memref<20000x128xf32, #tpu.memory_space<hbm>> -> memref<20000x128xf32, #tpu.memory_space<hbm>>
      tpu.enqueue_indirect_dma source(%dma_start3A_66 : memref<20000x128xf32, #tpu.memory_space<hbm>>) target(%arg9 : memref<128x128xf32, #tpu.memory_space<vmem>>) offsets(%dma_start3A_63 : memref<128xi32, #tpu.memory_space<vmem>>) semaphore(%arg12 : memref<!tpu.dma_semaphore, #tpu.memory_space<semaphore_mem>>)
      %dma_wait3A_67 = arith.constant 0 : i32
      %dma_wait3A_68 = tpu.memref_slice %arg6[%add3A_57, %dma_wait3A_67] : memref<158x128xi32, #tpu.memory_space<vmem>> -> memref<1x128xi32, #tpu.memory_space<vmem>>
      %dma_wait3A_69 = tpu.memref_squeeze %dma_wait3A_68 : memref<1x128xi32, #tpu.memory_space<vmem>> -> memref<128xi32, #tpu.memory_space<vmem>>
      %dma_wait3A_70 = arith.constant 0 : i32
      %dma_wait3A_71 = arith.constant 0 : i32
      %dma_wait3A_72 = tpu.memref_slice %arg2[%dma_wait3A_70, %dma_wait3A_71] : memref<20000x128xf32, #tpu.memory_space<hbm>> -> memref<20000x128xf32, #tpu.memory_space<hbm>>
      tpu.wait_indirect_dma semaphore(%arg11 : memref<!tpu.dma_semaphore, #tpu.memory_space<semaphore_mem>>) src(%dma_wait3A_72 : memref<20000x128xf32, #tpu.memory_space<hbm>>) dst(%arg8 : memref<128x128xf32, #tpu.memory_space<vmem>>)
      "tpu.region"() ({
        %run_scoped3A_93 = tpu.sem_alloc : memref<!tpu.dma_semaphore, #tpu.memory_space<semaphore_mem>>
        %dma_start3A_94 = arith.constant 0 : i32
        %dma_start3A_95 = tpu.memref_slice %arg7[%add3A_57, %dma_start3A_94] : memref<158x128xi32, #tpu.memory_space<vmem>> -> memref<1x128xi32, #tpu.memory_space<vmem>>
        %dma_start3A_96 = tpu.memref_squeeze %dma_start3A_95 : memref<1x128xi32, #tpu.memory_space<vmem>> -> memref<128xi32, #tpu.memory_space<vmem>>
        %dma_start3A_97 = arith.constant 0 : i32
        %dma_start3A_98 = arith.constant 0 : i32
        %dma_start3A_99 = tpu.memref_slice %arg10[%dma_start3A_97, %dma_start3A_98] : memref<6144x128xf32, #tpu.memory_space<vmem_shared>> -> memref<6144x128xf32, #tpu.memory_space<vmem_shared>>
        tpu.enqueue_indirect_dma source(%arg8 : memref<128x128xf32, #tpu.memory_space<vmem>>) target(%dma_start3A_99 : memref<6144x128xf32, #tpu.memory_space<vmem_shared>>) offsets(%dma_start3A_96 : memref<128xi32, #tpu.memory_space<vmem>>) semaphore(%run_scoped3A_93 : memref<!tpu.dma_semaphore, #tpu.memory_space<semaphore_mem>>) {add = true}
        %dma_wait3A_100 = arith.constant 0 : i32
        %dma_wait3A_101 = tpu.memref_slice %arg7[%add3A_57, %dma_wait3A_100] : memref<158x128xi32, #tpu.memory_space<vmem>> -> memref<1x128xi32, #tpu.memory_space<vmem>>
        %dma_wait3A_102 = tpu.memref_squeeze %dma_wait3A_101 : memref<1x128xi32, #tpu.memory_space<vmem>> -> memref<128xi32, #tpu.memory_space<vmem>>
        %dma_wait3A_103 = arith.constant 0 : i32
        %dma_wait3A_104 = arith.constant 0 : i32
        %dma_wait3A_105 = tpu.memref_slice %arg10[%dma_wait3A_103, %dma_wait3A_104] : memref<6144x128xf32, #tpu.memory_space<vmem_shared>> -> memref<6144x128xf32, #tpu.memory_space<vmem_shared>>
        tpu.wait_indirect_dma semaphore(%run_scoped3A_93 : memref<!tpu.dma_semaphore, #tpu.memory_space<semaphore_mem>>) src(%arg8 : memref<128x128xf32, #tpu.memory_space<vmem>>) dst(%dma_wait3A_105 : memref<6144x128xf32, #tpu.memory_space<vmem_shared>>)
        tpu.yield
      }) : () -> ()
      %mul3A_73 = arith.constant 2 : i32
      %mul3A_74 = arith.muli %mul3A_73, %scan3A_53 : i32
      %add3A_75 = arith.constant 1 : i32
      %add3A_76 = arith.addi %mul3A_74, %add3A_75 : i32
      %add3A_77 = arith.constant 2 : i32
      %add3A_78 = arith.addi %add3A_76, %add3A_77 : i32
      %sub3A_79 = arith.constant 1 : i32
      %sub3A_80 = arith.subi %add3A_78, %sub3A_79 : i32
      %dma_start3A_81 = arith.constant 0 : i32
      %dma_start3A_82 = tpu.memref_slice %arg6[%sub3A_80, %dma_start3A_81] : memref<158x128xi32, #tpu.memory_space<vmem>> -> memref<1x128xi32, #tpu.memory_space<vmem>>
      %dma_start3A_83 = tpu.memref_squeeze %dma_start3A_82 : memref<1x128xi32, #tpu.memory_space<vmem>> -> memref<128xi32, #tpu.memory_space<vmem>>
      %dma_start3A_84 = arith.constant 0 : i32
      %dma_start3A_85 = arith.constant 0 : i32
      %dma_start3A_86 = tpu.memref_slice %arg2[%dma_start3A_84, %dma_start3A_85] : memref<20000x128xf32, #tpu.memory_space<hbm>> -> memref<20000x128xf32, #tpu.memory_space<hbm>>
      tpu.enqueue_indirect_dma source(%dma_start3A_86 : memref<20000x128xf32, #tpu.memory_space<hbm>>) target(%arg8 : memref<128x128xf32, #tpu.memory_space<vmem>>) offsets(%dma_start3A_83 : memref<128xi32, #tpu.memory_space<vmem>>) semaphore(%arg11 : memref<!tpu.dma_semaphore, #tpu.memory_space<semaphore_mem>>)
      %dma_wait3A_87 = arith.constant 0 : i32
      %dma_wait3A_88 = tpu.memref_slice %arg6[%add3A_76, %dma_wait3A_87] : memref<158x128xi32, #tpu.memory_space<vmem>> -> memref<1x128xi32, #tpu.memory_space<vmem>>
      %dma_wait3A_89 = tpu.memref_squeeze %dma_wait3A_88 : memref<1x128xi32, #tpu.memory_space<vmem>> -> memref<128xi32, #tpu.memory_space<vmem>>
      %dma_wait3A_90 = arith.constant 0 : i32
      %dma_wait3A_91 = arith.constant 0 : i32
      %dma_wait3A_92 = tpu.memref_slice %arg2[%dma_wait3A_90, %dma_wait3A_91] : memref<20000x128xf32, #tpu.memory_space<hbm>> -> memref<20000x128xf32, #tpu.memory_space<hbm>>
      tpu.wait_indirect_dma semaphore(%arg12 : memref<!tpu.dma_semaphore, #tpu.memory_space<semaphore_mem>>) src(%dma_wait3A_92 : memref<20000x128xf32, #tpu.memory_space<hbm>>) dst(%arg9 : memref<128x128xf32, #tpu.memory_space<vmem>>)
      "tpu.region"() ({
        %run_scoped3A_93 = tpu.sem_alloc : memref<!tpu.dma_semaphore, #tpu.memory_space<semaphore_mem>>
        %dma_start3A_94 = arith.constant 0 : i32
        %dma_start3A_95 = tpu.memref_slice %arg7[%add3A_76, %dma_start3A_94] : memref<158x128xi32, #tpu.memory_space<vmem>> -> memref<1x128xi32, #tpu.memory_space<vmem>>
        %dma_start3A_96 = tpu.memref_squeeze %dma_start3A_95 : memref<1x128xi32, #tpu.memory_space<vmem>> -> memref<128xi32, #tpu.memory_space<vmem>>
        %dma_start3A_97 = arith.constant 0 : i32
        %dma_start3A_98 = arith.constant 0 : i32
        %dma_start3A_99 = tpu.memref_slice %arg10[%dma_start3A_97, %dma_start3A_98] : memref<6144x128xf32, #tpu.memory_space<vmem_shared>> -> memref<6144x128xf32, #tpu.memory_space<vmem_shared>>
        tpu.enqueue_indirect_dma source(%arg9 : memref<128x128xf32, #tpu.memory_space<vmem>>) target(%dma_start3A_99 : memref<6144x128xf32, #tpu.memory_space<vmem_shared>>) offsets(%dma_start3A_96 : memref<128xi32, #tpu.memory_space<vmem>>) semaphore(%run_scoped3A_93 : memref<!tpu.dma_semaphore, #tpu.memory_space<semaphore_mem>>) {add = true}
        %dma_wait3A_100 = arith.constant 0 : i32
        %dma_wait3A_101 = tpu.memref_slice %arg7[%add3A_76, %dma_wait3A_100] : memref<158x128xi32, #tpu.memory_space<vmem>> -> memref<1x128xi32, #tpu.memory_space<vmem>>
        %dma_wait3A_102 = tpu.memref_squeeze %dma_wait3A_101 : memref<1x128xi32, #tpu.memory_space<vmem>> -> memref<128xi32, #tpu.memory_space<vmem>>
        %dma_wait3A_103 = arith.constant 0 : i32
        %dma_wait3A_104 = arith.constant 0 : i32
        %dma_wait3A_105 = tpu.memref_slice %arg10[%dma_wait3A_103, %dma_wait3A_104] : memref<6144x128xf32, #tpu.memory_space<vmem_shared>> -> memref<6144x128xf32, #tpu.memory_space<vmem_shared>>
        tpu.wait_indirect_dma semaphore(%run_scoped3A_93 : memref<!tpu.dma_semaphore, #tpu.memory_space<semaphore_mem>>) src(%arg9 : memref<128x128xf32, #tpu.memory_space<vmem>>) dst(%dma_wait3A_105 : memref<6144x128xf32, #tpu.memory_space<vmem_shared>>)
        tpu.yield
      }) : () -> ()
    }
    %scan3A_28 = arith.constant 78 : i32
    %dma_start3A_29 = arith.constant 157 : i32
    %dma_start3A_30 = arith.constant 0 : i32
    %dma_start3A_31 = tpu.memref_slice %arg6[%dma_start3A_29, %dma_start3A_30] : memref<158x128xi32, #tpu.memory_space<vmem>> -> memref<1x128xi32, #tpu.memory_space<vmem>>
    %dma_start3A_32 = tpu.memref_squeeze %dma_start3A_31 : memref<1x128xi32, #tpu.memory_space<vmem>> -> memref<128xi32, #tpu.memory_space<vmem>>
    %dma_start3A_33 = arith.constant 0 : i32
    %dma_start3A_34 = arith.constant 0 : i32
    %dma_start3A_35 = tpu.memref_slice %arg2[%dma_start3A_33, %dma_start3A_34] : memref<20000x128xf32, #tpu.memory_space<hbm>> -> memref<20000x128xf32, #tpu.memory_space<hbm>>
    tpu.enqueue_indirect_dma source(%dma_start3A_35 : memref<20000x128xf32, #tpu.memory_space<hbm>>) target(%arg9 : memref<128x128xf32, #tpu.memory_space<vmem>>) offsets(%dma_start3A_32 : memref<128xi32, #tpu.memory_space<vmem>>) semaphore(%arg12 : memref<!tpu.dma_semaphore, #tpu.memory_space<semaphore_mem>>)
    %dma_wait3A = arith.constant 156 : i32
    %dma_wait3A_36 = arith.constant 0 : i32
    %dma_wait3A_37 = tpu.memref_slice %arg6[%dma_wait3A, %dma_wait3A_36] : memref<158x128xi32, #tpu.memory_space<vmem>> -> memref<1x128xi32, #tpu.memory_space<vmem>>
    %dma_wait3A_38 = tpu.memref_squeeze %dma_wait3A_37 : memref<1x128xi32, #tpu.memory_space<vmem>> -> memref<128xi32, #tpu.memory_space<vmem>>
    %dma_wait3A_39 = arith.constant 0 : i32
    %dma_wait3A_40 = arith.constant 0 : i32
    %dma_wait3A_41 = tpu.memref_slice %arg2[%dma_wait3A_39, %dma_wait3A_40] : memref<20000x128xf32, #tpu.memory_space<hbm>> -> memref<20000x128xf32, #tpu.memory_space<hbm>>
    tpu.wait_indirect_dma semaphore(%arg11 : memref<!tpu.dma_semaphore, #tpu.memory_space<semaphore_mem>>) src(%dma_wait3A_41 : memref<20000x128xf32, #tpu.memory_space<hbm>>) dst(%arg8 : memref<128x128xf32, #tpu.memory_space<vmem>>)
    %run_scoped3A = arith.constant 156 : i32
    "tpu.region"() ({
      %run_scoped3A_53 = tpu.sem_alloc : memref<!tpu.dma_semaphore, #tpu.memory_space<semaphore_mem>>
      %dma_start3A_54 = arith.constant 0 : i32
      %dma_start3A_55 = tpu.memref_slice %arg7[%run_scoped3A, %dma_start3A_54] : memref<158x128xi32, #tpu.memory_space<vmem>> -> memref<1x128xi32, #tpu.memory_space<vmem>>
      %dma_start3A_56 = tpu.memref_squeeze %dma_start3A_55 : memref<1x128xi32, #tpu.memory_space<vmem>> -> memref<128xi32, #tpu.memory_space<vmem>>
      %dma_start3A_57 = arith.constant 0 : i32
      %dma_start3A_58 = arith.constant 0 : i32
      %dma_start3A_59 = tpu.memref_slice %arg10[%dma_start3A_57, %dma_start3A_58] : memref<6144x128xf32, #tpu.memory_space<vmem_shared>> -> memref<6144x128xf32, #tpu.memory_space<vmem_shared>>
      tpu.enqueue_indirect_dma source(%arg8 : memref<128x128xf32, #tpu.memory_space<vmem>>) target(%dma_start3A_59 : memref<6144x128xf32, #tpu.memory_space<vmem_shared>>) offsets(%dma_start3A_56 : memref<128xi32, #tpu.memory_space<vmem>>) semaphore(%run_scoped3A_53 : memref<!tpu.dma_semaphore, #tpu.memory_space<semaphore_mem>>) {add = true}
      %dma_wait3A_60 = arith.constant 0 : i32
      %dma_wait3A_61 = tpu.memref_slice %arg7[%run_scoped3A, %dma_wait3A_60] : memref<158x128xi32, #tpu.memory_space<vmem>> -> memref<1x128xi32, #tpu.memory_space<vmem>>
      %dma_wait3A_62 = tpu.memref_squeeze %dma_wait3A_61 : memref<1x128xi32, #tpu.memory_space<vmem>> -> memref<128xi32, #tpu.memory_space<vmem>>
      %dma_wait3A_63 = arith.constant 0 : i32
      %dma_wait3A_64 = arith.constant 0 : i32
      %dma_wait3A_65 = tpu.memref_slice %arg10[%dma_wait3A_63, %dma_wait3A_64] : memref<6144x128xf32, #tpu.memory_space<vmem_shared>> -> memref<6144x128xf32, #tpu.memory_space<vmem_shared>>
      tpu.wait_indirect_dma semaphore(%run_scoped3A_53 : memref<!tpu.dma_semaphore, #tpu.memory_space<semaphore_mem>>) src(%arg8 : memref<128x128xf32, #tpu.memory_space<vmem>>) dst(%dma_wait3A_65 : memref<6144x128xf32, #tpu.memory_space<vmem_shared>>)
      tpu.yield
    }) : () -> ()
    %dma_wait3A_42 = arith.constant 157 : i32
    %dma_wait3A_43 = arith.constant 0 : i32
    %dma_wait3A_44 = tpu.memref_slice %arg6[%dma_wait3A_42, %dma_wait3A_43] : memref<158x128xi32, #tpu.memory_space<vmem>> -> memref<1x128xi32, #tpu.memory_space<vmem>>
    %dma_wait3A_45 = tpu.memref_squeeze %dma_wait3A_44 : memref<1x128xi32, #tpu.memory_space<vmem>> -> memref<128xi32, #tpu.memory_space<vmem>>
    %dma_wait3A_46 = arith.constant 0 : i32
    %dma_wait3A_47 = arith.constant 0 : i32
    %dma_wait3A_48 = tpu.memref_slice %arg2[%dma_wait3A_46, %dma_wait3A_47] : memref<20000x128xf32, #tpu.memory_space<hbm>> -> memref<20000x128xf32, #tpu.memory_space<hbm>>
    tpu.wait_indirect_dma semaphore(%arg12 : memref<!tpu.dma_semaphore, #tpu.memory_space<semaphore_mem>>) src(%dma_wait3A_48 : memref<20000x128xf32, #tpu.memory_space<hbm>>) dst(%arg9 : memref<128x128xf32, #tpu.memory_space<vmem>>)
    %run_scoped3A_49 = arith.constant 157 : i32
    "tpu.region"() ({
      %run_scoped3A_53 = tpu.sem_alloc : memref<!tpu.dma_semaphore, #tpu.memory_space<semaphore_mem>>
      %dma_start3A_54 = arith.constant 0 : i32
      %dma_start3A_55 = tpu.memref_slice %arg7[%run_scoped3A_49, %dma_start3A_54] : memref<158x128xi32, #tpu.memory_space<vmem>> -> memref<1x128xi32, #tpu.memory_space<vmem>>
      %dma_start3A_56 = tpu.memref_squeeze %dma_start3A_55 : memref<1x128xi32, #tpu.memory_space<vmem>> -> memref<128xi32, #tpu.memory_space<vmem>>
      %dma_start3A_57 = arith.constant 0 : i32
      %dma_start3A_58 = arith.constant 0 : i32
      %dma_start3A_59 = tpu.memref_slice %arg10[%dma_start3A_57, %dma_start3A_58] : memref<6144x128xf32, #tpu.memory_space<vmem_shared>> -> memref<6144x128xf32, #tpu.memory_space<vmem_shared>>
      tpu.enqueue_indirect_dma source(%arg9 : memref<128x128xf32, #tpu.memory_space<vmem>>) target(%dma_start3A_59 : memref<6144x128xf32, #tpu.memory_space<vmem_shared>>) offsets(%dma_start3A_56 : memref<128xi32, #tpu.memory_space<vmem>>) semaphore(%run_scoped3A_53 : memref<!tpu.dma_semaphore, #tpu.memory_space<semaphore_mem>>) {add = true}
      %dma_wait3A_60 = arith.constant 0 : i32
      %dma_wait3A_61 = tpu.memref_slice %arg7[%run_scoped3A_49, %dma_wait3A_60] : memref<158x128xi32, #tpu.memory_space<vmem>> -> memref<1x128xi32, #tpu.memory_space<vmem>>
      %dma_wait3A_62 = tpu.memref_squeeze %dma_wait3A_61 : memref<1x128xi32, #tpu.memory_space<vmem>> -> memref<128xi32, #tpu.memory_space<vmem>>
      %dma_wait3A_63 = arith.constant 0 : i32
      %dma_wait3A_64 = arith.constant 0 : i32
      %dma_wait3A_65 = tpu.memref_slice %arg10[%dma_wait3A_63, %dma_wait3A_64] : memref<6144x128xf32, #tpu.memory_space<vmem_shared>> -> memref<6144x128xf32, #tpu.memory_space<vmem_shared>>
      tpu.wait_indirect_dma semaphore(%run_scoped3A_53 : memref<!tpu.dma_semaphore, #tpu.memory_space<semaphore_mem>>) src(%arg9 : memref<128x128xf32, #tpu.memory_space<vmem>>) dst(%dma_wait3A_65 : memref<6144x128xf32, #tpu.memory_space<vmem_shared>>)
      tpu.yield
    }) : () -> ()
    %barrier3A_50 = arith.constant 0 : index
    tpu.barrier barrier_id(%barrier3A_50)
    %mul3A_51 = arith.constant 384 : i32
    %mul3A_52 = arith.muli %arg1, %mul3A_51 : i32
    "tpu.region"() ({
      %run_scoped3A_53 = tpu.sem_alloc : memref<!tpu.dma_semaphore, #tpu.memory_space<semaphore_mem>>
      %dma_start3A_54 = arith.constant 0 : i32
      %dma_start3A_55 = arith.constant 0 : i32
      %dma_start3A_56 = tpu.memref_slice %arg5[%add3A, %dma_start3A_54, %dma_start3A_55] : memref<32x384x128xf32, #tpu.memory_space<hbm>> -> memref<1x384x128xf32, #tpu.memory_space<hbm>>
      %dma_start3A_57 = tpu.memref_squeeze %dma_start3A_56 : memref<1x384x128xf32, #tpu.memory_space<hbm>> -> memref<384x128xf32, #tpu.memory_space<hbm>>
      %dma_start3A_58 = arith.constant 0 : i32
      %dma_start3A_59 = tpu.memref_slice %arg10[%mul3A_52, %dma_start3A_58] : memref<6144x128xf32, #tpu.memory_space<vmem_shared>> -> memref<384x128xf32, #tpu.memory_space<vmem_shared>>
      tpu.enqueue_dma source(%dma_start3A_59 : memref<384x128xf32, #tpu.memory_space<vmem_shared>>) target(%dma_start3A_57 : memref<384x128xf32, #tpu.memory_space<hbm>>) target_semaphore(%run_scoped3A_53 : memref<!tpu.dma_semaphore, #tpu.memory_space<semaphore_mem>>)
      %dma_wait3A_60 = arith.constant 0 : i32
      %dma_wait3A_61 = arith.constant 0 : i32
      %dma_wait3A_62 = tpu.memref_slice %arg5[%add3A, %dma_wait3A_60, %dma_wait3A_61] : memref<32x384x128xf32, #tpu.memory_space<hbm>> -> memref<1x384x128xf32, #tpu.memory_space<hbm>>
      %dma_wait3A_63 = tpu.memref_squeeze %dma_wait3A_62 : memref<1x384x128xf32, #tpu.memory_space<hbm>> -> memref<384x128xf32, #tpu.memory_space<hbm>>
      %dma_wait3A_64 = arith.constant 0 : i32
      %dma_wait3A_65 = tpu.memref_slice %arg10[%mul3A_52, %dma_wait3A_64] : memref<6144x128xf32, #tpu.memory_space<vmem_shared>> -> memref<384x128xf32, #tpu.memory_space<vmem_shared>>
      tpu.wait_dma2 semaphore(%run_scoped3A_53 : memref<!tpu.dma_semaphore, #tpu.memory_space<semaphore_mem>>) src(%dma_wait3A_65 : memref<384x128xf32, #tpu.memory_space<vmem_shared>>) dst(%dma_wait3A_63 : memref<384x128xf32, #tpu.memory_space<hbm>>)
      tpu.yield
    }) : () -> ()
    return
  }
}

#map = affine_map<(d0, d1) -> (0, 0)>
#map1 = affine_map<(d0, d1) -> (0, 0, 0)>
module attributes {stable_mosaic.version = 14 : i64} {
  func.func @scat(%arg0: i32, %arg1: i32, %arg2: memref<20000x128xf32, #tpu.memory_space<hbm>>, %arg3: memref<32x158x128xi32, #tpu.memory_space<hbm>>, %arg4: memref<32x158x128xi32, #tpu.memory_space<hbm>>, %arg5: memref<32x384x128xf32, #tpu.memory_space<hbm>>, %arg6: memref<158x128xi32, #tpu.memory_space<vmem>>, %arg7: memref<158x128xi32, #tpu.memory_space<vmem>>, %arg8: memref<128x128xf32, #tpu.memory_space<vmem>>, %arg9: memref<128x128xf32, #tpu.memory_space<vmem>>, %arg10: memref<6144x128xf32, #tpu.memory_space<vmem_shared>>, %arg11: memref<!tpu.dma_semaphore, #tpu.memory_space<semaphore_mem>>, %arg12: memref<!tpu.dma_semaphore, #tpu.memory_space<semaphore_mem>>) attributes {dimension_semantics = [#tpu.dimension_semantics<core_parallel>, #tpu.dimension_semantics<subcore_parallel>], iteration_bounds = array<i64: 2, 16>, scalar_prefetch = 0 : i64, scratch_operands = 7 : i64, tpu.core_type = #tpu.core_type<sc_vector_subcore>, window_params = [{transform_indices = #map}, {transform_indices = #map1}, {transform_indices = #map1}, {transform_indices = #map1}]} {
    %mul3A = arith.constant 16 : i32
    %mul3A_0 = arith.muli %arg0, %mul3A : i32
    %add3A = arith.addi %mul3A_0, %arg1 : i32
    "tpu.region"() ({
      %run_scoped3A_53 = tpu.sem_alloc : memref<!tpu.dma_semaphore, #tpu.memory_space<semaphore_mem>>
      %dma_start3A_54 = arith.constant 0 : i32
      %dma_start3A_55 = arith.constant 0 : i32
      %dma_start3A_56 = tpu.memref_slice %arg3[%add3A, %dma_start3A_54, %dma_start3A_55] : memref<32x158x128xi32, #tpu.memory_space<hbm>> -> memref<1x158x128xi32, #tpu.memory_space<hbm>>
      %dma_start3A_57 = tpu.memref_squeeze %dma_start3A_56 : memref<1x158x128xi32, #tpu.memory_space<hbm>> -> memref<158x128xi32, #tpu.memory_space<hbm>>
      %dma_start3A_58 = arith.constant 0 : i32
      %dma_start3A_59 = arith.constant 0 : i32
      %dma_start3A_60 = tpu.memref_slice %arg3[%add3A, %dma_start3A_58, %dma_start3A_59] : memref<32x158x128xi32, #tpu.memory_space<hbm>> -> memref<1x158x128xi32, #tpu.memory_space<hbm>>
      %dma_start3A_61 = tpu.memref_squeeze %dma_start3A_60 : memref<1x158x128xi32, #tpu.memory_space<hbm>> -> memref<158x128xi32, #tpu.memory_space<hbm>>
      tpu.enqueue_dma source(%dma_start3A_61 : memref<158x128xi32, #tpu.memory_space<hbm>>) target(%arg6 : memref<158x128xi32, #tpu.memory_space<vmem>>) target_semaphore(%run_scoped3A_53 : memref<!tpu.dma_semaphore, #tpu.memory_space<semaphore_mem>>)
      %dma_wait3A_62 = arith.constant 0 : i32
      %dma_wait3A_63 = arith.constant 0 : i32
      %dma_wait3A_64 = tpu.memref_slice %arg3[%add3A, %dma_wait3A_62, %dma_wait3A_63] : memref<32x158x128xi32, #tpu.memory_space<hbm>> -> memref<1x158x128xi32, #tpu.memory_space<hbm>>
      %dma_wait3A_65 = tpu.memref_squeeze %dma_wait3A_64 : memref<1x158x128xi32, #tpu.memory_space<hbm>> -> memref<158x128xi32, #tpu.memory_space<hbm>>
      %dma_wait3A_66 = arith.constant 0 : i32
      %dma_wait3A_67 = arith.constant 0 : i32
      %dma_wait3A_68 = tpu.memref_slice %arg3[%add3A, %dma_wait3A_66, %dma_wait3A_67] : memref<32x158x128xi32, #tpu.memory_space<hbm>> -> memref<1x158x128xi32, #tpu.memory_space<hbm>>
      %dma_wait3A_69 = tpu.memref_squeeze %dma_wait3A_68 : memref<1x158x128xi32, #tpu.memory_space<hbm>> -> memref<158x128xi32, #tpu.memory_space<hbm>>
      tpu.wait_dma2 semaphore(%run_scoped3A_53 : memref<!tpu.dma_semaphore, #tpu.memory_space<semaphore_mem>>) src(%dma_wait3A_69 : memref<158x128xi32, #tpu.memory_space<hbm>>) dst(%arg6 : memref<158x128xi32, #tpu.memory_space<vmem>>)
      tpu.yield
    }) : () -> ()
    "tpu.region"() ({
      %run_scoped3A_53 = tpu.sem_alloc : memref<!tpu.dma_semaphore, #tpu.memory_space<semaphore_mem>>
      %dma_start3A_54 = arith.constant 0 : i32
      %dma_start3A_55 = arith.constant 0 : i32
      %dma_start3A_56 = tpu.memref_slice %arg4[%add3A, %dma_start3A_54, %dma_start3A_55] : memref<32x158x128xi32, #tpu.memory_space<hbm>> -> memref<1x158x128xi32, #tpu.memory_space<hbm>>
      %dma_start3A_57 = tpu.memref_squeeze %dma_start3A_56 : memref<1x158x128xi32, #tpu.memory_space<hbm>> -> memref<158x128xi32, #tpu.memory_space<hbm>>
      %dma_start3A_58 = arith.constant 0 : i32
      %dma_start3A_59 = arith.constant 0 : i32
      %dma_start3A_60 = tpu.memref_slice %arg4[%add3A, %dma_start3A_58, %dma_start3A_59] : memref<32x158x128xi32, #tpu.memory_space<hbm>> -> memref<1x158x128xi32, #tpu.memory_space<hbm>>
      %dma_start3A_61 = tpu.memref_squeeze %dma_start3A_60 : memref<1x158x128xi32, #tpu.memory_space<hbm>> -> memref<158x128xi32, #tpu.memory_space<hbm>>
      tpu.enqueue_dma source(%dma_start3A_61 : memref<158x128xi32, #tpu.memory_space<hbm>>) target(%arg7 : memref<158x128xi32, #tpu.memory_space<vmem>>) target_semaphore(%run_scoped3A_53 : memref<!tpu.dma_semaphore, #tpu.memory_space<semaphore_mem>>)
      %dma_wait3A_62 = arith.constant 0 : i32
      %dma_wait3A_63 = arith.constant 0 : i32
      %dma_wait3A_64 = tpu.memref_slice %arg4[%add3A, %dma_wait3A_62, %dma_wait3A_63] : memref<32x158x128xi32, #tpu.memory_space<hbm>> -> memref<1x158x128xi32, #tpu.memory_space<hbm>>
      %dma_wait3A_65 = tpu.memref_squeeze %dma_wait3A_64 : memref<1x158x128xi32, #tpu.memory_space<hbm>> -> memref<158x128xi32, #tpu.memory_space<hbm>>
      %dma_wait3A_66 = arith.constant 0 : i32
      %dma_wait3A_67 = arith.constant 0 : i32
      %dma_wait3A_68 = tpu.memref_slice %arg4[%add3A, %dma_wait3A_66, %dma_wait3A_67] : memref<32x158x128xi32, #tpu.memory_space<hbm>> -> memref<1x158x128xi32, #tpu.memory_space<hbm>>
      %dma_wait3A_69 = tpu.memref_squeeze %dma_wait3A_68 : memref<1x158x128xi32, #tpu.memory_space<hbm>> -> memref<158x128xi32, #tpu.memory_space<hbm>>
      tpu.wait_dma2 semaphore(%run_scoped3A_53 : memref<!tpu.dma_semaphore, #tpu.memory_space<semaphore_mem>>) src(%dma_wait3A_69 : memref<158x128xi32, #tpu.memory_space<hbm>>) dst(%arg7 : memref<158x128xi32, #tpu.memory_space<vmem>>)
      tpu.yield
    }) : () -> ()
    %broadcast_in_dim3A = arith.constant 0.000000e+00 : f32
    %broadcast_in_dim3A_1 = vector.broadcast %broadcast_in_dim3A : f32 to vector<128x128xf32>
    %swap3A = arith.constant 0 : index
    %swap3A_2 = arith.constant 0 : index
    %swap3A_3 = tpu.vector_load %arg8[%swap3A, %swap3A_2] {strides = array<i32>} : memref<128x128xf32, #tpu.memory_space<vmem>>, vector<128x128xf32>,
    %swap3A_4 = vector.shape_cast %swap3A_3 : vector<128x128xf32> to vector<128x128xf32>
    %swap3A_5 = vector.shape_cast %broadcast_in_dim3A_1 : vector<128x128xf32> to vector<128x128xf32>
    tpu.vector_store %arg8[%swap3A, %swap3A_2], %swap3A_5 {strides = array<i32>} : memref<128x128xf32, #tpu.memory_space<vmem>>, vector<128x128xf32>,
    %mul3A_6 = arith.constant 384 : i32
    %mul3A_7 = arith.muli %arg1, %mul3A_6 : i32
    %add3A_8 = arith.constant 0 : i32
    %add3A_9 = arith.addi %mul3A_7, %add3A_8 : i32
    "tpu.region"() ({
      %run_scoped3A_53 = tpu.sem_alloc : memref<!tpu.dma_semaphore, #tpu.memory_space<semaphore_mem>>
      %dma_start3A_54 = arith.constant 0 : i32
      %dma_start3A_55 = tpu.memref_slice %arg10[%add3A_9, %dma_start3A_54] : memref<6144x128xf32, #tpu.memory_space<vmem_shared>> -> memref<128x128xf32, #tpu.memory_space<vmem_shared>>
      %dma_start3A_56 = arith.constant 0 : i32
      %dma_start3A_57 = tpu.memref_slice %arg10[%add3A_9, %dma_start3A_56] : memref<6144x128xf32, #tpu.memory_space<vmem_shared>> -> memref<128x128xf32, #tpu.memory_space<vmem_shared>>
      tpu.enqueue_dma source(%arg8 : memref<128x128xf32, #tpu.memory_space<vmem>>) target(%dma_start3A_57 : memref<128x128xf32, #tpu.memory_space<vmem_shared>>) target_semaphore(%run_scoped3A_53 : memref<!tpu.dma_semaphore, #tpu.memory_space<semaphore_mem>>)
      %dma_wait3A_58 = arith.constant 0 : i32
      %dma_wait3A_59 = tpu.memref_slice %arg10[%add3A_9, %dma_wait3A_58] : memref<6144x128xf32, #tpu.memory_space<vmem_shared>> -> memref<128x128xf32, #tpu.memory_space<vmem_shared>>
      %dma_wait3A_60 = arith.constant 0 : i32
      %dma_wait3A_61 = tpu.memref_slice %arg10[%add3A_9, %dma_wait3A_60] : memref<6144x128xf32, #tpu.memory_space<vmem_shared>> -> memref<128x128xf32, #tpu.memory_space<vmem_shared>>
      tpu.wait_dma2 semaphore(%run_scoped3A_53 : memref<!tpu.dma_semaphore, #tpu.memory_space<semaphore_mem>>) src(%arg8 : memref<128x128xf32, #tpu.memory_space<vmem>>) dst(%dma_wait3A_61 : memref<128x128xf32, #tpu.memory_space<vmem_shared>>)
      tpu.yield
    }) : () -> ()
    %mul3A_10 = arith.constant 384 : i32
    %mul3A_11 = arith.muli %arg1, %mul3A_10 : i32
    %add3A_12 = arith.constant 128 : i32
    %add3A_13 = arith.addi %mul3A_11, %add3A_12 : i32
    "tpu.region"() ({
      %run_scoped3A_53 = tpu.sem_alloc : memref<!tpu.dma_semaphore, #tpu.memory_space<semaphore_mem>>
      %dma_start3A_54 = arith.constant 0 : i32
      %dma_start3A_55 = tpu.memref_slice %arg10[%add3A_13, %dma_start3A_54] : memref<6144x128xf32, #tpu.memory_space<vmem_shared>> -> memref<128x128xf32, #tpu.memory_space<vmem_shared>>
      %dma_start3A_56 = arith.constant 0 : i32
      %dma_start3A_57 = tpu.memref_slice %arg10[%add3A_13, %dma_start3A_56] : memref<6144x128xf32, #tpu.memory_space<vmem_shared>> -> memref<128x128xf32, #tpu.memory_space<vmem_shared>>
      tpu.enqueue_dma source(%arg8 : memref<128x128xf32, #tpu.memory_space<vmem>>) target(%dma_start3A_57 : memref<128x128xf32, #tpu.memory_space<vmem_shared>>) target_semaphore(%run_scoped3A_53 : memref<!tpu.dma_semaphore, #tpu.memory_space<semaphore_mem>>)
      %dma_wait3A_58 = arith.constant 0 : i32
      %dma_wait3A_59 = tpu.memref_slice %arg10[%add3A_13, %dma_wait3A_58] : memref<6144x128xf32, #tpu.memory_space<vmem_shared>> -> memref<128x128xf32, #tpu.memory_space<vmem_shared>>
      %dma_wait3A_60 = arith.constant 0 : i32
      %dma_wait3A_61 = tpu.memref_slice %arg10[%add3A_13, %dma_wait3A_60] : memref<6144x128xf32, #tpu.memory_space<vmem_shared>> -> memref<128x128xf32, #tpu.memory_space<vmem_shared>>
      tpu.wait_dma2 semaphore(%run_scoped3A_53 : memref<!tpu.dma_semaphore, #tpu.memory_space<semaphore_mem>>) src(%arg8 : memref<128x128xf32, #tpu.memory_space<vmem>>) dst(%dma_wait3A_61 : memref<128x128xf32, #tpu.memory_space<vmem_shared>>)
      tpu.yield
    }) : () -> ()
    %mul3A_14 = arith.constant 384 : i32
    %mul3A_15 = arith.muli %arg1, %mul3A_14 : i32
    %add3A_16 = arith.constant 256 : i32
    %add3A_17 = arith.addi %mul3A_15, %add3A_16 : i32
    "tpu.region"() ({
      %run_scoped3A_53 = tpu.sem_alloc : memref<!tpu.dma_semaphore, #tpu.memory_space<semaphore_mem>>
      %dma_start3A_54 = arith.constant 0 : i32
      %dma_start3A_55 = tpu.memref_slice %arg10[%add3A_17, %dma_start3A_54] : memref<6144x128xf32, #tpu.memory_space<vmem_shared>> -> memref<128x128xf32, #tpu.memory_space<vmem_shared>>
      %dma_start3A_56 = arith.constant 0 : i32
      %dma_start3A_57 = tpu.memref_slice %arg10[%add3A_17, %dma_start3A_56] : memref<6144x128xf32, #tpu.memory_space<vmem_shared>> -> memref<128x128xf32, #tpu.memory_space<vmem_shared>>
      tpu.enqueue_dma source(%arg8 : memref<128x128xf32, #tpu.memory_space<vmem>>) target(%dma_start3A_57 : memref<128x128xf32, #tpu.memory_space<vmem_shared>>) target_semaphore(%run_scoped3A_53 : memref<!tpu.dma_semaphore, #tpu.memory_space<semaphore_mem>>)
      %dma_wait3A_58 = arith.constant 0 : i32
      %dma_wait3A_59 = tpu.memref_slice %arg10[%add3A_17, %dma_wait3A_58] : memref<6144x128xf32, #tpu.memory_space<vmem_shared>> -> memref<128x128xf32, #tpu.memory_space<vmem_shared>>
      %dma_wait3A_60 = arith.constant 0 : i32
      %dma_wait3A_61 = tpu.memref_slice %arg10[%add3A_17, %dma_wait3A_60] : memref<6144x128xf32, #tpu.memory_space<vmem_shared>> -> memref<128x128xf32, #tpu.memory_space<vmem_shared>>
      tpu.wait_dma2 semaphore(%run_scoped3A_53 : memref<!tpu.dma_semaphore, #tpu.memory_space<semaphore_mem>>) src(%arg8 : memref<128x128xf32, #tpu.memory_space<vmem>>) dst(%dma_wait3A_61 : memref<128x128xf32, #tpu.memory_space<vmem_shared>>)
      tpu.yield
    }) : () -> ()
    %barrier3A = arith.constant 0 : index
    tpu.barrier barrier_id(%barrier3A)
    %dma_start3A = arith.constant 0 : i32
    %dma_start3A_18 = arith.constant 0 : i32
    %dma_start3A_19 = tpu.memref_slice %arg6[%dma_start3A, %dma_start3A_18] : memref<158x128xi32, #tpu.memory_space<vmem>> -> memref<1x128xi32, #tpu.memory_space<vmem>>
    %dma_start3A_20 = tpu.memref_squeeze %dma_start3A_19 : memref<1x128xi32, #tpu.memory_space<vmem>> -> memref<128xi32, #tpu.memory_space<vmem>>
    %dma_start3A_21 = arith.constant 0 : i32
    %dma_start3A_22 = arith.constant 0 : i32
    %dma_start3A_23 = tpu.memref_slice %arg2[%dma_start3A_21, %dma_start3A_22] : memref<20000x128xf32, #tpu.memory_space<hbm>> -> memref<20000x128xf32, #tpu.memory_space<hbm>>
    tpu.enqueue_indirect_dma source(%dma_start3A_23 : memref<20000x128xf32, #tpu.memory_space<hbm>>) target(%arg8 : memref<128x128xf32, #tpu.memory_space<vmem>>) offsets(%dma_start3A_20 : memref<128xi32, #tpu.memory_space<vmem>>) semaphore(%arg11 : memref<!tpu.dma_semaphore, #tpu.memory_space<semaphore_mem>>)
    %scan3A = arith.constant 0 : i32
    %scan3A_24 = arith.constant 0 : i32
    %scan3A_25 = arith.constant 78 : i32
    %scan3A_26 = arith.addi %scan3A_24, %scan3A_25 : i32
    %scan3A_27 = arith.constant 1 : i32
    scf.for %scan3A_53 = %scan3A_24 to %scan3A_26 step %scan3A_27  : i32 {
      %mul3A_54 = arith.constant 2 : i32
      %mul3A_55 = arith.muli %mul3A_54, %scan3A_53 : i32
      %add3A_56 = arith.constant 0 : i32
      %add3A_57 = arith.addi %mul3A_55, %add3A_56 : i32
      %add3A_58 = arith.constant 2 : i32
      %add3A_59 = arith.addi %add3A_57, %add3A_58 : i32
      %sub3A = arith.constant 1 : i32
      %sub3A_60 = arith.subi %add3A_59, %sub3A : i32
      %dma_start3A_61 = arith.constant 0 : i32
      %dma_start3A_62 = tpu.memref_slice %arg6[%sub3A_60, %dma_start3A_61] : memref<158x128xi32, #tpu.memory_space<vmem>> -> memref<1x128xi32, #tpu.memory_space<vmem>>
      %dma_start3A_63 = tpu.memref_squeeze %dma_start3A_62 : memref<1x128xi32, #tpu.memory_space<vmem>> -> memref<128xi32, #tpu.memory_space<vmem>>
      %dma_start3A_64 = arith.constant 0 : i32
      %dma_start3A_65 = arith.constant 0 : i32
      %dma_start3A_66 = tpu.memref_slice %arg2[%dma_start3A_64, %dma_start3A_65] : memref<20000x128xf32, #tpu.memory_space<hbm>> -> memref<20000x128xf32, #tpu.memory_space<hbm>>
      tpu.enqueue_indirect_dma source(%dma_start3A_66 : memref<20000x128xf32, #tpu.memory_space<hbm>>) target(%arg9 : memref<128x128xf32, #tpu.memory_space<vmem>>) offsets(%dma_start3A_63 : memref<128xi32, #tpu.memory_space<vmem>>) semaphore(%arg12 : memref<!tpu.dma_semaphore, #tpu.memory_space<semaphore_mem>>)
      %dma_wait3A_67 = arith.constant 0 : i32
      %dma_wait3A_68 = tpu.memref_slice %arg6[%add3A_57, %dma_wait3A_67] : memref<158x128xi32, #tpu.memory_space<vmem>> -> memref<1x128xi32, #tpu.memory_space<vmem>>
      %dma_wait3A_69 = tpu.memref_squeeze %dma_wait3A_68 : memref<1x128xi32, #tpu.memory_space<vmem>> -> memref<128xi32, #tpu.memory_space<vmem>>
      %dma_wait3A_70 = arith.constant 0 : i32
      %dma_wait3A_71 = arith.constant 0 : i32
      %dma_wait3A_72 = tpu.memref_slice %arg2[%dma_wait3A_70, %dma_wait3A_71] : memref<20000x128xf32, #tpu.memory_space<hbm>> -> memref<20000x128xf32, #tpu.memory_space<hbm>>
      tpu.wait_indirect_dma semaphore(%arg11 : memref<!tpu.dma_semaphore, #tpu.memory_space<semaphore_mem>>) src(%dma_wait3A_72 : memref<20000x128xf32, #tpu.memory_space<hbm>>) dst(%arg8 : memref<128x128xf32, #tpu.memory_space<vmem>>)
      "tpu.region"() ({
        %run_scoped3A_93 = tpu.sem_alloc : memref<!tpu.dma_semaphore, #tpu.memory_space<semaphore_mem>>
        %dma_start3A_94 = arith.constant 0 : i32
        %dma_start3A_95 = tpu.memref_slice %arg7[%add3A_57, %dma_start3A_94] : memref<158x128xi32, #tpu.memory_space<vmem>> -> memref<1x128xi32, #tpu.memory_space<vmem>>
        %dma_start3A_96 = tpu.memref_squeeze %dma_start3A_95 : memref<1x128xi32, #tpu.memory_space<vmem>> -> memref<128xi32, #tpu.memory_space<vmem>>
        %dma_start3A_97 = arith.constant 0 : i32
        %dma_start3A_98 = arith.constant 0 : i32
        %dma_start3A_99 = tpu.memref_slice %arg10[%dma_start3A_97, %dma_start3A_98] : memref<6144x128xf32, #tpu.memory_space<vmem_shared>> -> memref<6144x128xf32, #tpu.memory_space<vmem_shared>>
        tpu.enqueue_indirect_dma source(%arg8 : memref<128x128xf32, #tpu.memory_space<vmem>>) target(%dma_start3A_99 : memref<6144x128xf32, #tpu.memory_space<vmem_shared>>) offsets(%dma_start3A_96 : memref<128xi32, #tpu.memory_space<vmem>>) semaphore(%run_scoped3A_93 : memref<!tpu.dma_semaphore, #tpu.memory_space<semaphore_mem>>) {add = true}
        %dma_wait3A_100 = arith.constant 0 : i32
        %dma_wait3A_101 = tpu.memref_slice %arg7[%add3A_57, %dma_wait3A_100] : memref<158x128xi32, #tpu.memory_space<vmem>> -> memref<1x128xi32, #tpu.memory_space<vmem>>
        %dma_wait3A_102 = tpu.memref_squeeze %dma_wait3A_101 : memref<1x128xi32, #tpu.memory_space<vmem>> -> memref<128xi32, #tpu.memory_space<vmem>>
        %dma_wait3A_103 = arith.constant 0 : i32
        %dma_wait3A_104 = arith.constant 0 : i32
        %dma_wait3A_105 = tpu.memref_slice %arg10[%dma_wait3A_103, %dma_wait3A_104] : memref<6144x128xf32, #tpu.memory_space<vmem_shared>> -> memref<6144x128xf32, #tpu.memory_space<vmem_shared>>
        tpu.wait_indirect_dma semaphore(%run_scoped3A_93 : memref<!tpu.dma_semaphore, #tpu.memory_space<semaphore_mem>>) src(%arg8 : memref<128x128xf32, #tpu.memory_space<vmem>>) dst(%dma_wait3A_105 : memref<6144x128xf32, #tpu.memory_space<vmem_shared>>)
        tpu.yield
      }) : () -> ()
      %mul3A_73 = arith.constant 2 : i32
      %mul3A_74 = arith.muli %mul3A_73, %scan3A_53 : i32
      %add3A_75 = arith.constant 1 : i32
      %add3A_76 = arith.addi %mul3A_74, %add3A_75 : i32
      %add3A_77 = arith.constant 2 : i32
      %add3A_78 = arith.addi %add3A_76, %add3A_77 : i32
      %sub3A_79 = arith.constant 1 : i32
      %sub3A_80 = arith.subi %add3A_78, %sub3A_79 : i32
      %dma_start3A_81 = arith.constant 0 : i32
      %dma_start3A_82 = tpu.memref_slice %arg6[%sub3A_80, %dma_start3A_81] : memref<158x128xi32, #tpu.memory_space<vmem>> -> memref<1x128xi32, #tpu.memory_space<vmem>>
      %dma_start3A_83 = tpu.memref_squeeze %dma_start3A_82 : memref<1x128xi32, #tpu.memory_space<vmem>> -> memref<128xi32, #tpu.memory_space<vmem>>
      %dma_start3A_84 = arith.constant 0 : i32
      %dma_start3A_85 = arith.constant 0 : i32
      %dma_start3A_86 = tpu.memref_slice %arg2[%dma_start3A_84, %dma_start3A_85] : memref<20000x128xf32, #tpu.memory_space<hbm>> -> memref<20000x128xf32, #tpu.memory_space<hbm>>
      tpu.enqueue_indirect_dma source(%dma_start3A_86 : memref<20000x128xf32, #tpu.memory_space<hbm>>) target(%arg8 : memref<128x128xf32, #tpu.memory_space<vmem>>) offsets(%dma_start3A_83 : memref<128xi32, #tpu.memory_space<vmem>>) semaphore(%arg11 : memref<!tpu.dma_semaphore, #tpu.memory_space<semaphore_mem>>)
      %dma_wait3A_87 = arith.constant 0 : i32
      %dma_wait3A_88 = tpu.memref_slice %arg6[%add3A_76, %dma_wait3A_87] : memref<158x128xi32, #tpu.memory_space<vmem>> -> memref<1x128xi32, #tpu.memory_space<vmem>>
      %dma_wait3A_89 = tpu.memref_squeeze %dma_wait3A_88 : memref<1x128xi32, #tpu.memory_space<vmem>> -> memref<128xi32, #tpu.memory_space<vmem>>
      %dma_wait3A_90 = arith.constant 0 : i32
      %dma_wait3A_91 = arith.constant 0 : i32
      %dma_wait3A_92 = tpu.memref_slice %arg2[%dma_wait3A_90, %dma_wait3A_91] : memref<20000x128xf32, #tpu.memory_space<hbm>> -> memref<20000x128xf32, #tpu.memory_space<hbm>>
      tpu.wait_indirect_dma semaphore(%arg12 : memref<!tpu.dma_semaphore, #tpu.memory_space<semaphore_mem>>) src(%dma_wait3A_92 : memref<20000x128xf32, #tpu.memory_space<hbm>>) dst(%arg9 : memref<128x128xf32, #tpu.memory_space<vmem>>)
      "tpu.region"() ({
        %run_scoped3A_93 = tpu.sem_alloc : memref<!tpu.dma_semaphore, #tpu.memory_space<semaphore_mem>>
        %dma_start3A_94 = arith.constant 0 : i32
        %dma_start3A_95 = tpu.memref_slice %arg7[%add3A_76, %dma_start3A_94] : memref<158x128xi32, #tpu.memory_space<vmem>> -> memref<1x128xi32, #tpu.memory_space<vmem>>
        %dma_start3A_96 = tpu.memref_squeeze %dma_start3A_95 : memref<1x128xi32, #tpu.memory_space<vmem>> -> memref<128xi32, #tpu.memory_space<vmem>>
        %dma_start3A_97 = arith.constant 0 : i32
        %dma_start3A_98 = arith.constant 0 : i32
        %dma_start3A_99 = tpu.memref_slice %arg10[%dma_start3A_97, %dma_start3A_98] : memref<6144x128xf32, #tpu.memory_space<vmem_shared>> -> memref<6144x128xf32, #tpu.memory_space<vmem_shared>>
        tpu.enqueue_indirect_dma source(%arg9 : memref<128x128xf32, #tpu.memory_space<vmem>>) target(%dma_start3A_99 : memref<6144x128xf32, #tpu.memory_space<vmem_shared>>) offsets(%dma_start3A_96 : memref<128xi32, #tpu.memory_space<vmem>>) semaphore(%run_scoped3A_93 : memref<!tpu.dma_semaphore, #tpu.memory_space<semaphore_mem>>) {add = true}
        %dma_wait3A_100 = arith.constant 0 : i32
        %dma_wait3A_101 = tpu.memref_slice %arg7[%add3A_76, %dma_wait3A_100] : memref<158x128xi32, #tpu.memory_space<vmem>> -> memref<1x128xi32, #tpu.memory_space<vmem>>
        %dma_wait3A_102 = tpu.memref_squeeze %dma_wait3A_101 : memref<1x128xi32, #tpu.memory_space<vmem>> -> memref<128xi32, #tpu.memory_space<vmem>>
        %dma_wait3A_103 = arith.constant 0 : i32
        %dma_wait3A_104 = arith.constant 0 : i32
        %dma_wait3A_105 = tpu.memref_slice %arg10[%dma_wait3A_103, %dma_wait3A_104] : memref<6144x128xf32, #tpu.memory_space<vmem_shared>> -> memref<6144x128xf32, #tpu.memory_space<vmem_shared>>
        tpu.wait_indirect_dma semaphore(%run_scoped3A_93 : memref<!tpu.dma_semaphore, #tpu.memory_space<semaphore_mem>>) src(%arg9 : memref<128x128xf32, #tpu.memory_space<vmem>>) dst(%dma_wait3A_105 : memref<6144x128xf32, #tpu.memory_space<vmem_shared>>)
        tpu.yield
      }) : () -> ()
    }
    %scan3A_28 = arith.constant 78 : i32
    %dma_start3A_29 = arith.constant 157 : i32
    %dma_start3A_30 = arith.constant 0 : i32
    %dma_start3A_31 = tpu.memref_slice %arg6[%dma_start3A_29, %dma_start3A_30] : memref<158x128xi32, #tpu.memory_space<vmem>> -> memref<1x128xi32, #tpu.memory_space<vmem>>
    %dma_start3A_32 = tpu.memref_squeeze %dma_start3A_31 : memref<1x128xi32, #tpu.memory_space<vmem>> -> memref<128xi32, #tpu.memory_space<vmem>>
    %dma_start3A_33 = arith.constant 0 : i32
    %dma_start3A_34 = arith.constant 0 : i32
    %dma_start3A_35 = tpu.memref_slice %arg2[%dma_start3A_33, %dma_start3A_34] : memref<20000x128xf32, #tpu.memory_space<hbm>> -> memref<20000x128xf32, #tpu.memory_space<hbm>>
    tpu.enqueue_indirect_dma source(%dma_start3A_35 : memref<20000x128xf32, #tpu.memory_space<hbm>>) target(%arg9 : memref<128x128xf32, #tpu.memory_space<vmem>>) offsets(%dma_start3A_32 : memref<128xi32, #tpu.memory_space<vmem>>) semaphore(%arg12 : memref<!tpu.dma_semaphore, #tpu.memory_space<semaphore_mem>>)
    %dma_wait3A = arith.constant 156 : i32
    %dma_wait3A_36 = arith.constant 0 : i32
    %dma_wait3A_37 = tpu.memref_slice %arg6[%dma_wait3A, %dma_wait3A_36] : memref<158x128xi32, #tpu.memory_space<vmem>> -> memref<1x128xi32, #tpu.memory_space<vmem>>
    %dma_wait3A_38 = tpu.memref_squeeze %dma_wait3A_37 : memref<1x128xi32, #tpu.memory_space<vmem>> -> memref<128xi32, #tpu.memory_space<vmem>>
    %dma_wait3A_39 = arith.constant 0 : i32
    %dma_wait3A_40 = arith.constant 0 : i32
    %dma_wait3A_41 = tpu.memref_slice %arg2[%dma_wait3A_39, %dma_wait3A_40] : memref<20000x128xf32, #tpu.memory_space<hbm>> -> memref<20000x128xf32, #tpu.memory_space<hbm>>
    tpu.wait_indirect_dma semaphore(%arg11 : memref<!tpu.dma_semaphore, #tpu.memory_space<semaphore_mem>>) src(%dma_wait3A_41 : memref<20000x128xf32, #tpu.memory_space<hbm>>) dst(%arg8 : memref<128x128xf32, #tpu.memory_space<vmem>>)
    %run_scoped3A = arith.constant 156 : i32
    "tpu.region"() ({
      %run_scoped3A_53 = tpu.sem_alloc : memref<!tpu.dma_semaphore, #tpu.memory_space<semaphore_mem>>
      %dma_start3A_54 = arith.constant 0 : i32
      %dma_start3A_55 = tpu.memref_slice %arg7[%run_scoped3A, %dma_start3A_54] : memref<158x128xi32, #tpu.memory_space<vmem>> -> memref<1x128xi32, #tpu.memory_space<vmem>>
      %dma_start3A_56 = tpu.memref_squeeze %dma_start3A_55 : memref<1x128xi32, #tpu.memory_space<vmem>> -> memref<128xi32, #tpu.memory_space<vmem>>
      %dma_start3A_57 = arith.constant 0 : i32
      %dma_start3A_58 = arith.constant 0 : i32
      %dma_start3A_59 = tpu.memref_slice %arg10[%dma_start3A_57, %dma_start3A_58] : memref<6144x128xf32, #tpu.memory_space<vmem_shared>> -> memref<6144x128xf32, #tpu.memory_space<vmem_shared>>
      tpu.enqueue_indirect_dma source(%arg8 : memref<128x128xf32, #tpu.memory_space<vmem>>) target(%dma_start3A_59 : memref<6144x128xf32, #tpu.memory_space<vmem_shared>>) offsets(%dma_start3A_56 : memref<128xi32, #tpu.memory_space<vmem>>) semaphore(%run_scoped3A_53 : memref<!tpu.dma_semaphore, #tpu.memory_space<semaphore_mem>>) {add = true}
      %dma_wait3A_60 = arith.constant 0 : i32
      %dma_wait3A_61 = tpu.memref_slice %arg7[%run_scoped3A, %dma_wait3A_60] : memref<158x128xi32, #tpu.memory_space<vmem>> -> memref<1x128xi32, #tpu.memory_space<vmem>>
      %dma_wait3A_62 = tpu.memref_squeeze %dma_wait3A_61 : memref<1x128xi32, #tpu.memory_space<vmem>> -> memref<128xi32, #tpu.memory_space<vmem>>
      %dma_wait3A_63 = arith.constant 0 : i32
      %dma_wait3A_64 = arith.constant 0 : i32
      %dma_wait3A_65 = tpu.memref_slice %arg10[%dma_wait3A_63, %dma_wait3A_64] : memref<6144x128xf32, #tpu.memory_space<vmem_shared>> -> memref<6144x128xf32, #tpu.memory_space<vmem_shared>>
      tpu.wait_indirect_dma semaphore(%run_scoped3A_53 : memref<!tpu.dma_semaphore, #tpu.memory_space<semaphore_mem>>) src(%arg8 : memref<128x128xf32, #tpu.memory_space<vmem>>) dst(%dma_wait3A_65 : memref<6144x128xf32, #tpu.memory_space<vmem_shared>>)
      tpu.yield
    }) : () -> ()
    %dma_wait3A_42 = arith.constant 157 : i32
    %dma_wait3A_43 = arith.constant 0 : i32
    %dma_wait3A_44 = tpu.memref_slice %arg6[%dma_wait3A_42, %dma_wait3A_43] : memref<158x128xi32, #tpu.memory_space<vmem>> -> memref<1x128xi32, #tpu.memory_space<vmem>>
    %dma_wait3A_45 = tpu.memref_squeeze %dma_wait3A_44 : memref<1x128xi32, #tpu.memory_space<vmem>> -> memref<128xi32, #tpu.memory_space<vmem>>
    %dma_wait3A_46 = arith.constant 0 : i32
    %dma_wait3A_47 = arith.constant 0 : i32
    %dma_wait3A_48 = tpu.memref_slice %arg2[%dma_wait3A_46, %dma_wait3A_47] : memref<20000x128xf32, #tpu.memory_space<hbm>> -> memref<20000x128xf32, #tpu.memory_space<hbm>>
    tpu.wait_indirect_dma semaphore(%arg12 : memref<!tpu.dma_semaphore, #tpu.memory_space<semaphore_mem>>) src(%dma_wait3A_48 : memref<20000x128xf32, #tpu.memory_space<hbm>>) dst(%arg9 : memref<128x128xf32, #tpu.memory_space<vmem>>)
    %run_scoped3A_49 = arith.constant 157 : i32
    "tpu.region"() ({
      %run_scoped3A_53 = tpu.sem_alloc : memref<!tpu.dma_semaphore, #tpu.memory_space<semaphore_mem>>
      %dma_start3A_54 = arith.constant 0 : i32
      %dma_start3A_55 = tpu.memref_slice %arg7[%run_scoped3A_49, %dma_start3A_54] : memref<158x128xi32, #tpu.memory_space<vmem>> -> memref<1x128xi32, #tpu.memory_space<vmem>>
      %dma_start3A_56 = tpu.memref_squeeze %dma_start3A_55 : memref<1x128xi32, #tpu.memory_space<vmem>> -> memref<128xi32, #tpu.memory_space<vmem>>
      %dma_start3A_57 = arith.constant 0 : i32
      %dma_start3A_58 = arith.constant 0 : i32
      %dma_start3A_59 = tpu.memref_slice %arg10[%dma_start3A_57, %dma_start3A_58] : memref<6144x128xf32, #tpu.memory_space<vmem_shared>> -> memref<6144x128xf32, #tpu.memory_space<vmem_shared>>
      tpu.enqueue_indirect_dma source(%arg9 : memref<128x128xf32, #tpu.memory_space<vmem>>) target(%dma_start3A_59 : memref<6144x128xf32, #tpu.memory_space<vmem_shared>>) offsets(%dma_start3A_56 : memref<128xi32, #tpu.memory_space<vmem>>) semaphore(%run_scoped3A_53 : memref<!tpu.dma_semaphore, #tpu.memory_space<semaphore_mem>>) {add = true}
      %dma_wait3A_60 = arith.constant 0 : i32
      %dma_wait3A_61 = tpu.memref_slice %arg7[%run_scoped3A_49, %dma_wait3A_60] : memref<158x128xi32, #tpu.memory_space<vmem>> -> memref<1x128xi32, #tpu.memory_space<vmem>>
      %dma_wait3A_62 = tpu.memref_squeeze %dma_wait3A_61 : memref<1x128xi32, #tpu.memory_space<vmem>> -> memref<128xi32, #tpu.memory_space<vmem>>
      %dma_wait3A_63 = arith.constant 0 : i32
      %dma_wait3A_64 = arith.constant 0 : i32
      %dma_wait3A_65 = tpu.memref_slice %arg10[%dma_wait3A_63, %dma_wait3A_64] : memref<6144x128xf32, #tpu.memory_space<vmem_shared>> -> memref<6144x128xf32, #tpu.memory_space<vmem_shared>>
      tpu.wait_indirect_dma semaphore(%run_scoped3A_53 : memref<!tpu.dma_semaphore, #tpu.memory_space<semaphore_mem>>) src(%arg9 : memref<128x128xf32, #tpu.memory_space<vmem>>) dst(%dma_wait3A_65 : memref<6144x128xf32, #tpu.memory_space<vmem_shared>>)
      tpu.yield
    }) : () -> ()
    %barrier3A_50 = arith.constant 0 : index
    tpu.barrier barrier_id(%barrier3A_50)
    %mul3A_51 = arith.constant 384 : i32
    %mul3A_52 = arith.muli %arg1, %mul3A_51 : i32
    "tpu.region"() ({
      %run_scoped3A_53 = tpu.sem_alloc : memref<!tpu.dma_semaphore, #tpu.memory_space<semaphore_mem>>
      %dma_start3A_54 = arith.constant 0 : i32
      %dma_start3A_55 = arith.constant 0 : i32
      %dma_start3A_56 = tpu.memref_slice %arg5[%add3A, %dma_start3A_54, %dma_start3A_55] : memref<32x384x128xf32, #tpu.memory_space<hbm>> -> memref<1x384x128xf32, #tpu.memory_space<hbm>>
      %dma_start3A_57 = tpu.memref_squeeze %dma_start3A_56 : memref<1x384x128xf32, #tpu.memory_space<hbm>> -> memref<384x128xf32, #tpu.memory_space<hbm>>
      %dma_start3A_58 = arith.constant 0 : i32
      %dma_start3A_59 = tpu.memref_slice %arg10[%mul3A_52, %dma_start3A_58] : memref<6144x128xf32, #tpu.memory_space<vmem_shared>> -> memref<384x128xf32, #tpu.memory_space<vmem_shared>>
      tpu.enqueue_dma source(%dma_start3A_59 : memref<384x128xf32, #tpu.memory_space<vmem_shared>>) target(%dma_start3A_57 : memref<384x128xf32, #tpu.memory_space<hbm>>) target_semaphore(%run_scoped3A_53 : memref<!tpu.dma_semaphore, #tpu.memory_space<semaphore_mem>>)
      %dma_wait3A_60 = arith.constant 0 : i32
      %dma_wait3A_61 = arith.constant 0 : i32
      %dma_wait3A_62 = tpu.memref_slice %arg5[%add3A, %dma_wait3A_60, %dma_wait3A_61] : memref<32x384x128xf32, #tpu.memory_space<hbm>> -> memref<1x384x128xf32, #tpu.memory_space<hbm>>
      %dma_wait3A_63 = tpu.memref_squeeze %dma_wait3A_62 : memref<1x384x128xf32, #tpu.memory_space<hbm>> -> memref<384x128xf32, #tpu.memory_space<hbm>>
      %dma_wait3A_64 = arith.constant 0 : i32
      %dma_wait3A_65 = tpu.memref_slice %arg10[%mul3A_52, %dma_wait3A_64] : memref<6144x128xf32, #tpu.memory_space<vmem_shared>> -> memref<384x128xf32, #tpu.memory_space<vmem_shared>>
      tpu.wait_dma2 semaphore(%run_scoped3A_53 : memref<!tpu.dma_semaphore, #tpu.memory_space<semaphore_mem>>) src(%dma_wait3A_65 : memref<384x128xf32, #tpu.memory_space<vmem_shared>>) dst(%dma_wait3A_63 : memref<384x128xf32, #tpu.memory_space<hbm>>)
      tpu.yield
    }) : () -> ()
    return
  }
}

module attributes {stable_mosaic.version = 14 : i64} {
  func.func @_dense_body(%arg0: i32, %arg1: memref<1000x128xf32, #tpu.memory_space<vmem>>, %arg2: memref<1000x128xf32, #tpu.memory_space<vmem>>, %arg3: memref<128x256xf32, #tpu.memory_space<vmem>>, %arg4: memref<128x256xf32, #tpu.memory_space<vmem>>, %arg5: memref<1x256xf32, #tpu.memory_space<vmem>>, %arg6: memref<1000x256xf32, #tpu.memory_space<vmem>>) attributes {dimension_semantics = [#tpu.dimension_semantics<arbitrary>], iteration_bounds = array<i64: 10>, scalar_prefetch = 0 : i64, scratch_operands = 0 : i64, tpu.core_type = #tpu.core_type<tc>, window_params = [{transform_indices = @transform_0, window_bounds = array<i64: 1000, 128>}, {transform_indices = @transform_1, window_bounds = array<i64: 1000, 128>}, {pipeline_mode = #tpu.pipeline_mode<synchronous>, transform_indices = @transform_2, window_bounds = array<i64: 128, 256>}, {pipeline_mode = #tpu.pipeline_mode<synchronous>, transform_indices = @transform_3, window_bounds = array<i64: 128, 256>}, {pipeline_mode = #tpu.pipeline_mode<synchronous>, transform_indices = @transform_4, window_bounds = array<i64: 1, 256>}, {transform_indices = @transform_5, window_bounds = array<i64: 1000, 256>}]} {
    %get3A = arith.constant 0 : index
    %get3A_0 = arith.constant 0 : index
    %get3A_1 = vector.load %arg1[%get3A, %get3A_0] : memref<1000x128xf32, #tpu.memory_space<vmem>>, vector<1000x128xf32>
    %get3A_2 = arith.constant 0 : index
    %get3A_3 = arith.constant 0 : index
    %get3A_4 = vector.load %arg3[%get3A_2, %get3A_3] : memref<128x256xf32, #tpu.memory_space<vmem>>, vector<128x256xf32>
    %dot_general3A = arith.constant dense<0.000000e+00> : vector<1000x256xf32>
    %dot_general3A_5 = tpu.matmul %get3A_1, %get3A_4, %dot_general3A {dimension_numbers = #tpu.dot_dimension_numbers<[1], [0], [0], [1], [0, 0, 1, 1], [], []>, transpose_lhs_hint = false} : vector<1000x128xf32>, vector<128x256xf32>, vector<1000x256xf32> -> vector<1000x256xf32>
    %get3A_6 = arith.constant 0 : index
    %get3A_7 = arith.constant 0 : index
    %get3A_8 = vector.load %arg2[%get3A_6, %get3A_7] : memref<1000x128xf32, #tpu.memory_space<vmem>>, vector<1000x128xf32>
    %get3A_9 = arith.constant 0 : index
    %get3A_10 = arith.constant 0 : index
    %get3A_11 = vector.load %arg4[%get3A_9, %get3A_10] : memref<128x256xf32, #tpu.memory_space<vmem>>, vector<128x256xf32>
    %dot_general3A_12 = arith.constant dense<0.000000e+00> : vector<1000x256xf32>
    %dot_general3A_13 = tpu.matmul %get3A_8, %get3A_11, %dot_general3A_12 {dimension_numbers = #tpu.dot_dimension_numbers<[1], [0], [0], [1], [0, 0, 1, 1], [], []>, transpose_lhs_hint = false} : vector<1000x128xf32>, vector<128x256xf32>, vector<1000x256xf32> -> vector<1000x256xf32>
    %add3A = arith.addf %dot_general3A_5, %dot_general3A_13 : vector<1000x256xf32>
    %get3A_14 = arith.constant 0 : index
    %get3A_15 = arith.constant 0 : index
    %get3A_16 = vector.load %arg5[%get3A_14, %get3A_15] : memref<1x256xf32, #tpu.memory_space<vmem>>, vector<1x256xf32>
    %add3A_17 = vector.broadcast %get3A_16 : vector<1x256xf32> to vector<1000x256xf32>
    %add3A_18 = arith.addf %add3A, %add3A_17 : vector<1000x256xf32>
    %max3A = arith.constant 0.000000e+00 : f32
    %max3A_19 = vector.broadcast %max3A : f32 to vector<1000x256xf32>
    %max3A_20 = arith.maximumf %add3A_18, %max3A_19 : vector<1000x256xf32>
    %swap3A = arith.constant 0 : index
    %swap3A_21 = arith.constant 0 : index
    %swap3A_22 = vector.load %arg6[%swap3A, %swap3A_21] : memref<1000x256xf32, #tpu.memory_space<vmem>>, vector<1000x256xf32>
    tpu.vector_store %arg6[%swap3A, %swap3A_21], %max3A_20 {strides = array<i32>} : memref<1000x256xf32, #tpu.memory_space<vmem>>, vector<1000x256xf32>,
    return
  }
  func.func @transform_0(%arg0: i32) -> (i32, i32) {
    %c0_i32 = arith.constant 0 : i32
    %c0_i32_0 = arith.constant 0 : i32
    return %arg0, %c0_i32 : i32, i32
  }
  func.func @transform_1(%arg0: i32) -> (i32, i32) {
    %c0_i32 = arith.constant 0 : i32
    %c0_i32_0 = arith.constant 0 : i32
    return %arg0, %c0_i32 : i32, i32
  }
  func.func @transform_2(%arg0: i32) -> (i32, i32) {
    %c0_i32 = arith.constant 0 : i32
    %c0_i32_0 = arith.constant 0 : i32
    %c0_i32_1 = arith.constant 0 : i32
    return %c0_i32, %c0_i32_0 : i32, i32
  }
  func.func @transform_3(%arg0: i32) -> (i32, i32) {
    %c0_i32 = arith.constant 0 : i32
    %c0_i32_0 = arith.constant 0 : i32
    %c0_i32_1 = arith.constant 0 : i32
    return %c0_i32, %c0_i32_0 : i32, i32
  }
  func.func @transform_4(%arg0: i32) -> (i32, i32) {
    %c0_i32 = arith.constant 0 : i32
    %c0_i32_0 = arith.constant 0 : i32
    %c0_i32_1 = arith.constant 0 : i32
    return %c0_i32, %c0_i32_0 : i32, i32
  }
  func.func @transform_5(%arg0: i32) -> (i32, i32) {
    %c0_i32 = arith.constant 0 : i32
    %c0_i32_0 = arith.constant 0 : i32
    return %arg0, %c0_i32 : i32, i32
  }
}

module attributes {stable_mosaic.version = 14 : i64} {
  func.func @_dense_body(%arg0: i32, %arg1: memref<1000x256xf32, #tpu.memory_space<vmem>>, %arg2: memref<1000x256xf32, #tpu.memory_space<vmem>>, %arg3: memref<256x256xf32, #tpu.memory_space<vmem>>, %arg4: memref<256x256xf32, #tpu.memory_space<vmem>>, %arg5: memref<1x256xf32, #tpu.memory_space<vmem>>, %arg6: memref<1000x256xf32, #tpu.memory_space<vmem>>) attributes {dimension_semantics = [#tpu.dimension_semantics<arbitrary>], iteration_bounds = array<i64: 10>, scalar_prefetch = 0 : i64, scratch_operands = 0 : i64, tpu.core_type = #tpu.core_type<tc>, window_params = [{transform_indices = @transform_0, window_bounds = array<i64: 1000, 256>}, {transform_indices = @transform_1, window_bounds = array<i64: 1000, 256>}, {pipeline_mode = #tpu.pipeline_mode<synchronous>, transform_indices = @transform_2, window_bounds = array<i64: 256, 256>}, {pipeline_mode = #tpu.pipeline_mode<synchronous>, transform_indices = @transform_3, window_bounds = array<i64: 256, 256>}, {pipeline_mode = #tpu.pipeline_mode<synchronous>, transform_indices = @transform_4, window_bounds = array<i64: 1, 256>}, {transform_indices = @transform_5, window_bounds = array<i64: 1000, 256>}]} {
    %get3A = arith.constant 0 : index
    %get3A_0 = arith.constant 0 : index
    %get3A_1 = vector.load %arg1[%get3A, %get3A_0] : memref<1000x256xf32, #tpu.memory_space<vmem>>, vector<1000x256xf32>
    %get3A_2 = arith.constant 0 : index
    %get3A_3 = arith.constant 0 : index
    %get3A_4 = vector.load %arg3[%get3A_2, %get3A_3] : memref<256x256xf32, #tpu.memory_space<vmem>>, vector<256x256xf32>
    %dot_general3A = arith.constant dense<0.000000e+00> : vector<1000x256xf32>
    %dot_general3A_5 = tpu.matmul %get3A_1, %get3A_4, %dot_general3A {dimension_numbers = #tpu.dot_dimension_numbers<[1], [0], [0], [1], [0, 0, 1, 1], [], []>, transpose_lhs_hint = false} : vector<1000x256xf32>, vector<256x256xf32>, vector<1000x256xf32> -> vector<1000x256xf32>
    %get3A_6 = arith.constant 0 : index
    %get3A_7 = arith.constant 0 : index
    %get3A_8 = vector.load %arg2[%get3A_6, %get3A_7] : memref<1000x256xf32, #tpu.memory_space<vmem>>, vector<1000x256xf32>
    %get3A_9 = arith.constant 0 : index
    %get3A_10 = arith.constant 0 : index
    %get3A_11 = vector.load %arg4[%get3A_9, %get3A_10] : memref<256x256xf32, #tpu.memory_space<vmem>>, vector<256x256xf32>
    %dot_general3A_12 = arith.constant dense<0.000000e+00> : vector<1000x256xf32>
    %dot_general3A_13 = tpu.matmul %get3A_8, %get3A_11, %dot_general3A_12 {dimension_numbers = #tpu.dot_dimension_numbers<[1], [0], [0], [1], [0, 0, 1, 1], [], []>, transpose_lhs_hint = false} : vector<1000x256xf32>, vector<256x256xf32>, vector<1000x256xf32> -> vector<1000x256xf32>
    %add3A = arith.addf %dot_general3A_5, %dot_general3A_13 : vector<1000x256xf32>
    %get3A_14 = arith.constant 0 : index
    %get3A_15 = arith.constant 0 : index
    %get3A_16 = vector.load %arg5[%get3A_14, %get3A_15] : memref<1x256xf32, #tpu.memory_space<vmem>>, vector<1x256xf32>
    %add3A_17 = vector.broadcast %get3A_16 : vector<1x256xf32> to vector<1000x256xf32>
    %add3A_18 = arith.addf %add3A, %add3A_17 : vector<1000x256xf32>
    %max3A = arith.constant 0.000000e+00 : f32
    %max3A_19 = vector.broadcast %max3A : f32 to vector<1000x256xf32>
    %max3A_20 = arith.maximumf %add3A_18, %max3A_19 : vector<1000x256xf32>
    %swap3A = arith.constant 0 : index
    %swap3A_21 = arith.constant 0 : index
    %swap3A_22 = vector.load %arg6[%swap3A, %swap3A_21] : memref<1000x256xf32, #tpu.memory_space<vmem>>, vector<1000x256xf32>
    tpu.vector_store %arg6[%swap3A, %swap3A_21], %max3A_20 {strides = array<i32>} : memref<1000x256xf32, #tpu.memory_space<vmem>>, vector<1000x256xf32>,
    return
  }
  func.func @transform_0(%arg0: i32) -> (i32, i32) {
    %c0_i32 = arith.constant 0 : i32
    %c0_i32_0 = arith.constant 0 : i32
    return %arg0, %c0_i32 : i32, i32
  }
  func.func @transform_1(%arg0: i32) -> (i32, i32) {
    %c0_i32 = arith.constant 0 : i32
    %c0_i32_0 = arith.constant 0 : i32
    return %arg0, %c0_i32 : i32, i32
  }
  func.func @transform_2(%arg0: i32) -> (i32, i32) {
    %c0_i32 = arith.constant 0 : i32
    %c0_i32_0 = arith.constant 0 : i32
    %c0_i32_1 = arith.constant 0 : i32
    return %c0_i32, %c0_i32_0 : i32, i32
  }
  func.func @transform_3(%arg0: i32) -> (i32, i32) {
    %c0_i32 = arith.constant 0 : i32
    %c0_i32_0 = arith.constant 0 : i32
    %c0_i32_1 = arith.constant 0 : i32
    return %c0_i32, %c0_i32_0 : i32, i32
  }
  func.func @transform_4(%arg0: i32) -> (i32, i32) {
    %c0_i32 = arith.constant 0 : i32
    %c0_i32_0 = arith.constant 0 : i32
    %c0_i32_1 = arith.constant 0 : i32
    return %c0_i32, %c0_i32_0 : i32, i32
  }
  func.func @transform_5(%arg0: i32) -> (i32, i32) {
    %c0_i32 = arith.constant 0 : i32
    %c0_i32_0 = arith.constant 0 : i32
    return %arg0, %c0_i32 : i32, i32
  }
}

module attributes {stable_mosaic.version = 14 : i64} {
  func.func @_pool_body(%arg0: i32, %arg1: memref<1000x256xf32, #tpu.memory_space<vmem>>, %arg2: memref<1x1x1000xi32, #tpu.memory_space<vmem>>, %arg3: memref<256x10xf32, #tpu.memory_space<vmem>>, %arg4: memref<1x10xf32, #tpu.memory_space<vmem>>, %arg5: memref<64x10xf32, #tpu.memory_space<vmem>>, %arg6: memref<64x256xf32, #tpu.memory_space<vmem>>, %arg7: memref<64x1xf32, #tpu.memory_space<vmem>>) attributes {dimension_semantics = [#tpu.dimension_semantics<arbitrary>], iteration_bounds = array<i64: 10>, scalar_prefetch = 0 : i64, scratch_operands = 2 : i64, tpu.core_type = #tpu.core_type<tc>, window_params = [{transform_indices = @transform_0, window_bounds = array<i64: 1000, 256>}, {transform_indices = @transform_1, window_bounds = array<i64: 1, 1, 1000>}, {pipeline_mode = #tpu.pipeline_mode<synchronous>, transform_indices = @transform_2, window_bounds = array<i64: 256, 10>}, {pipeline_mode = #tpu.pipeline_mode<synchronous>, transform_indices = @transform_3, window_bounds = array<i64: 1, 10>}, {pipeline_mode = #tpu.pipeline_mode<synchronous>, transform_indices = @transform_4, window_bounds = array<i64: 64, 10>}]} {
    %eq3A = arith.constant 0 : i32
    %eq3A_0 = arith.cmpi eq, %arg0, %eq3A : i32
    %convert_element_type3A = arith.extui %eq3A_0 : i1 to i32
    %cond3A = arith.constant 0 : i32
    %cond3A_1 = arith.cmpi ne, %convert_element_type3A, %cond3A : i32
    scf.if %cond3A_1 {
      %broadcast_in_dim3A_33 = arith.constant 0.000000e+00 : f32
      %broadcast_in_dim3A_34 = vector.broadcast %broadcast_in_dim3A_33 : f32 to vector<64x256xf32>
      %swap3A_35 = arith.constant 0 : index
      %swap3A_36 = arith.constant 0 : index
      %swap3A_37 = vector.load %arg6[%swap3A_35, %swap3A_36] : memref<64x256xf32, #tpu.memory_space<vmem>>, vector<64x256xf32>
      tpu.vector_store %arg6[%swap3A_35, %swap3A_36], %broadcast_in_dim3A_34 {strides = array<i32>} : memref<64x256xf32, #tpu.memory_space<vmem>>, vector<64x256xf32>,
      %broadcast_in_dim3A_38 = arith.constant 0.000000e+00 : f32
      %broadcast_in_dim3A_39 = vector.broadcast %broadcast_in_dim3A_38 : f32 to vector<64x1xf32>
      %swap3A_40 = arith.constant 0 : index
      %swap3A_41 = arith.constant 0 : index
      %swap3A_42 = vector.load %arg7[%swap3A_40, %swap3A_41] : memref<64x1xf32, #tpu.memory_space<vmem>>, vector<64x1xf32>
      tpu.vector_store %arg7[%swap3A_40, %swap3A_41], %broadcast_in_dim3A_39 {strides = array<i32>} : memref<64x1xf32, #tpu.memory_space<vmem>>, vector<64x1xf32>,
    } else {
    }
    %iota3A = tpu.iota {dimensions = array<i32: 0>} : vector<64x1xi32>
    %get3A = arith.constant 0 : index
    %get3A_2 = arith.constant 0 : index
    %get3A_3 = arith.constant 0 : index
    %get3A_4 = vector.load %arg2[%get3A, %get3A_2, %get3A_3] : memref<1x1x1000xi32, #tpu.memory_space<vmem>>, vector<1x1x1000xi32>
    %get3A_5 = vector.shape_cast %get3A_4 : vector<1x1x1000xi32> to vector<1x1000xi32>
    %eq3A_6 = vector.broadcast %get3A_5 : vector<1x1000xi32> to vector<64x1000xi32>
    %eq3A_7 = vector.broadcast %iota3A : vector<64x1xi32> to vector<64x1000xi32>
    %eq3A_8 = arith.cmpi eq, %eq3A_6, %eq3A_7 : vector<64x1000xi32>
    %convert_element_type3A_9 = arith.extui %eq3A_8 : vector<64x1000xi1> to vector<64x1000xi32>
    %convert_element_type3A_10 = arith.sitofp %convert_element_type3A_9 : vector<64x1000xi32> to vector<64x1000xf32>
    %get3A_11 = arith.constant 0 : index
    %get3A_12 = arith.constant 0 : index
    %get3A_13 = vector.load %arg6[%get3A_11, %get3A_12] : memref<64x256xf32, #tpu.memory_space<vmem>>, vector<64x256xf32>
    %get3A_14 = arith.constant 0 : index
    %get3A_15 = arith.constant 0 : index
    %get3A_16 = vector.load %arg1[%get3A_14, %get3A_15] : memref<1000x256xf32, #tpu.memory_space<vmem>>, vector<1000x256xf32>
    %dot_general3A = arith.constant dense<0.000000e+00> : vector<64x256xf32>
    %dot_general3A_17 = tpu.matmul %convert_element_type3A_10, %get3A_16, %dot_general3A {dimension_numbers = #tpu.dot_dimension_numbers<[1], [0], [0], [1], [0, 0, 1, 1], [], []>, transpose_lhs_hint = false} : vector<64x1000xf32>, vector<1000x256xf32>, vector<64x256xf32> -> vector<64x256xf32>
    %add3A = arith.addf %get3A_13, %dot_general3A_17 : vector<64x256xf32>
    %swap3A = arith.constant 0 : index
    %swap3A_18 = arith.constant 0 : index
    %swap3A_19 = vector.load %arg6[%swap3A, %swap3A_18] : memref<64x256xf32, #tpu.memory_space<vmem>>, vector<64x256xf32>
    tpu.vector_store %arg6[%swap3A, %swap3A_18], %add3A {strides = array<i32>} : memref<64x256xf32, #tpu.memory_space<vmem>>, vector<64x256xf32>,
    %get3A_20 = arith.constant 0 : index
    %get3A_21 = arith.constant 0 : index
    %get3A_22 = vector.load %arg7[%get3A_20, %get3A_21] : memref<64x1xf32, #tpu.memory_space<vmem>>, vector<64x1xf32>
    %reduce_sum3A = arith.constant dense<0.000000e+00> : vector<64xf32>
    %reduce_sum3A_23 = vector.multi_reduction <add>, %convert_element_type3A_10, %reduce_sum3A [1] : vector<64x1000xf32> to vector<64xf32>
    %broadcast_in_dim3A = vector.shape_cast %reduce_sum3A_23 : vector<64xf32> to vector<64x1xf32>
    %add3A_24 = arith.addf %get3A_22, %broadcast_in_dim3A : vector<64x1xf32>
    %swap3A_25 = arith.constant 0 : index
    %swap3A_26 = arith.constant 0 : index
    %swap3A_27 = vector.load %arg7[%swap3A_25, %swap3A_26] : memref<64x1xf32, #tpu.memory_space<vmem>>, vector<64x1xf32>
    tpu.vector_store %arg7[%swap3A_25, %swap3A_26], %add3A_24 {strides = array<i32>} : memref<64x1xf32, #tpu.memory_space<vmem>>, vector<64x1xf32>,
    %eq3A_28 = arith.constant 9 : i32
    %eq3A_29 = arith.cmpi eq, %arg0, %eq3A_28 : i32
    %convert_element_type3A_30 = arith.extui %eq3A_29 : i1 to i32
    %cond3A_31 = arith.constant 0 : i32
    %cond3A_32 = arith.cmpi ne, %convert_element_type3A_30, %cond3A_31 : i32
    scf.if %cond3A_32 {
      %get3A_33 = arith.constant 0 : index
      %get3A_34 = arith.constant 0 : index
      %get3A_35 = vector.load %arg6[%get3A_33, %get3A_34] : memref<64x256xf32, #tpu.memory_space<vmem>>, vector<64x256xf32>
      %get3A_36 = arith.constant 0 : index
      %get3A_37 = arith.constant 0 : index
      %get3A_38 = vector.load %arg7[%get3A_36, %get3A_37] : memref<64x1xf32, #tpu.memory_space<vmem>>, vector<64x1xf32>
      %max3A = arith.constant 1.000000e+00 : f32
      %max3A_39 = vector.broadcast %max3A : f32 to vector<64x1xf32>
      %max3A_40 = arith.maximumf %get3A_38, %max3A_39 : vector<64x1xf32>
      %div3A = vector.broadcast %max3A_40 : vector<64x1xf32> to vector<64x256xf32>
      %div3A_41 = arith.divf %get3A_35, %div3A : vector<64x256xf32>
      %get3A_42 = arith.constant 0 : index
      %get3A_43 = arith.constant 0 : index
      %get3A_44 = vector.load %arg3[%get3A_42, %get3A_43] : memref<256x10xf32, #tpu.memory_space<vmem>>, vector<256x10xf32>
      %dot_general3A_45 = arith.constant dense<0.000000e+00> : vector<64x10xf32>
      %dot_general3A_46 = tpu.matmul %div3A_41, %get3A_44, %dot_general3A_45 {dimension_numbers = #tpu.dot_dimension_numbers<[1], [0], [0], [1], [0, 0, 1, 1], [], []>, transpose_lhs_hint = false} : vector<64x256xf32>, vector<256x10xf32>, vector<64x10xf32> -> vector<64x10xf32>
      %get3A_47 = arith.constant 0 : index
      %get3A_48 = arith.constant 0 : index
      %get3A_49 = vector.load %arg4[%get3A_47, %get3A_48] : memref<1x10xf32, #tpu.memory_space<vmem>>, vector<1x10xf32>
      %add3A_50 = vector.broadcast %get3A_49 : vector<1x10xf32> to vector<64x10xf32>
      %add3A_51 = arith.addf %dot_general3A_46, %add3A_50 : vector<64x10xf32>
      %swap3A_52 = arith.constant 0 : index
      %swap3A_53 = arith.constant 0 : index
      %swap3A_54 = vector.load %arg5[%swap3A_52, %swap3A_53] : memref<64x10xf32, #tpu.memory_space<vmem>>, vector<64x10xf32>
      tpu.vector_store %arg5[%swap3A_52, %swap3A_53], %add3A_51 {strides = array<i32>} : memref<64x10xf32, #tpu.memory_space<vmem>>, vector<64x10xf32>,
    } else {
    }
    return
  }
  func.func @transform_0(%arg0: i32) -> (i32, i32) {
    %c0_i32 = arith.constant 0 : i32
    %c0_i32_0 = arith.constant 0 : i32
    return %arg0, %c0_i32 : i32, i32
  }
  func.func @transform_1(%arg0: i32) -> (i32, i32, i32) {
    %c0_i32 = arith.constant 0 : i32
    %c0_i32_0 = arith.constant 0 : i32
    %c0_i32_1 = arith.constant 0 : i32
    return %arg0, %c0_i32, %c0_i32_0 : i32, i32, i32
  }
  func.func @transform_2(%arg0: i32) -> (i32, i32) {
    %c0_i32 = arith.constant 0 : i32
    %c0_i32_0 = arith.constant 0 : i32
    %c0_i32_1 = arith.constant 0 : i32
    return %c0_i32, %c0_i32_0 : i32, i32
  }
  func.func @transform_3(%arg0: i32) -> (i32, i32) {
    %c0_i32 = arith.constant 0 : i32
    %c0_i32_0 = arith.constant 0 : i32
    %c0_i32_1 = arith.constant 0 : i32
    return %c0_i32, %c0_i32_0 : i32, i32
  }
  func.func @transform_4(%arg0: i32) -> (i32, i32) {
    %c0_i32 = arith.constant 0 : i32
    %c0_i32_0 = arith.constant 0 : i32
    %c0_i32_1 = arith.constant 0 : i32
    return %c0_i32, %c0_i32_0 : i32, i32
  }
}

</mosaic_0001>

<sc_bundles>
// kernel: kernel.11.cloned.1.call-start
scs
__scs_entry_jumppad:
0x0: {  	(pc) =	sbr.rel $0x88, $3  }
0x1: {  	(tag) =	ssettag $0x0;
	lr =	simm.s32 $0x1  }
0x2: {  	[smem:$0x3F96] =	sst lr;
	_ =	strace $0xD0000000  }
0x3: {  	_ = 	snop  }
0x4: {  	_ = 	snop  }
0x5: {  	_ = 	snop  }
0x6: {  	_ = 	snop  }
0x7: {  	_ = 	snop  }
__scs_overlays_trampoline_lowered:
0x8: {  	[smem:$0x3FA5] =	sst s0  }
0x9: {  	[smem:$0x3FA6] =	sst s1  }
0xa: {  	[smem:$0x3FA7] =	sst s2  }
0xb: {  	[smem:$0x3FA8] =	sst s3  }
0xc: {  	[smem:$0x3FA9] =	sst s4  }
0xd: {  	[smem:$0x3FAA] =	sst s5  }
0xe: {  	[smem:$0x3FAB] =	sst s6  }
0xf: {  	[smem:$0x3FAC] =	sst s7  }
0x10: {  	[smem:$0x3FAD] =	sst s8  }
0x11: {  	[smem:$0x3FAE] =	sst s9;
	s0 =	simm.s32 @!p0 $0x0  }
0x12: {  	s1 =	sld [smem:$0x3F94];
	s0 =	simm.s32 @p0 $0x1  }
0x13: {  	[smem:$0x3FAF] =	sst s0;
	s0 =	simm.s32 @!p1 $0x0  }
0x14: {  	s2 =	sld [smem:$0x3F93];
	s0 =	simm.s32 @p1 $0x1  }
0x15: {  	[smem:$0x3FB0] =	sst s0;
	s0 =	simm.s32 @!p2 $0x0  }
0x16: {  	s3 =	sld [smem:$0x3FDB];
	s0 =	simm.s32 @p2 $0x1  }
0x17: {  	s4 =	simm.s32 $0x1BF5;
	[smem:$0x3FB2] =	sst s0  }
0x18: {  	s0 =	sld [smem:$0x3F95];
	_ =	swait.ge [sflag:s4], $0x0  }
0x19: {  	s7 =	sld [smem:$0x3F96]  }
0x1a: {  	s8 =	sadd.s32 $0xFFFFE003, lr  }
0x1b: {  	s9 =	sadd.s32 $0xFFFFFEF7, lr;
	s5 =	simm.s32 $0xFFFFFFFF;
	p2 =	slt.u32 s8, $0xFFFFF086  }
0x1c: {  	p1 =	slt.u32 s9, $0xF7A;
	s5 =	simm.s32 @!p2 $0x0  }
0x1d: {  	s5 =	simm.s32 @p1 $0x1;
	p0 =	seq.s32 s7, s2  }
0x1e: {  	s7 =	smul.u32 @!p0 $0xF7A, s2;
	p2 =	seq.s32 @!p0 s5, $0x0  }
0x1f: {  	s9 =	smul.u32 $0xF7A, s1;
	s8 =	simm.s32 @!p0 $0x1BF5;
	p2 =	por !p2, p0  }
0x20: {  	[sflag:s8] =	ssyncset.s32 @!p0 $0xFFFFF086;
	s6 =	sadd.s32 @!p0 s3, s7;
	s7 =	simm.s32 @!p0 $0x108  }
0x21: {  	s3 =	sadd.s32 s3, s9;
	s6 =	sadd.s32 @!p0 $0x88, s6;
	s7 =	simm.s32 @p2 $0x1082  }
0x22: {  	[simem:s7], [sflag:s8] =	dma.local @!p0 [hbm:s6], $0xF7A  }
0x23: {  	s9 =	sor.u32 $0xD0000000, s2;
	s6 =	simm.s32 $0x108;
	_ =	swait.ge @!p0 [sflag:s8], $0x0  }
0x24: {  	s3 =	sadd.s32 $0x88, s3;
	s6 =	simm.s32 @!p1 $0x1082;
	[sflag:s4] =	ssyncset.s32 $0xFFFFF086  }
0x25: {  	[simem:s6], [sflag:s4] =	dma.local [hbm:s3], $0xF7A  }
0x26: {  	[smem:$0x3F96] =	sst s1;
	(tag) =	ssettag s2;
	_ =	strace s9  }
0x27: {  	s1 =	sld [smem:$0x3FA6]  }
0x28: {  	s2 =	sld [smem:$0x3FA7]  }
0x29: {  	s4 =	sld [smem:$0x3FA9]  }
0x2a: {  	p0 =	seq.s32 s5, $0x0;
	s5 =	sld [smem:$0x3FAA]  }
0x2b: {  	s6 =	sld [smem:$0x3FAB]  }
0x2c: {  	s7 =	sld [smem:$0x3FAC]  }
0x2d: {  	s3 =	simm.s32 $0x108;
	s8 =	sld [smem:$0x3FAD]  }
0x2e: {  	s3 =	simm.s32 @!p0 $0x1082;
	s9 =	sld [smem:$0x3FAE]  }
0x2f: {  	lr =	sadd.s32 s0, s3;
	s0 =	sld [smem:$0x3FA5]  }
0x30: {  	s3 =	sld [smem:$0x3FA8]  }
0x31: {  	[smem:$0x3FB1] =	sst s10  }
0x32: {  	s10 =	sld [smem:$0x3FAF];
	_ =	sdelay $0x3  }
0x33: {  	p0 =	seq.s32 s10, $0x1;
	s10 =	sld [smem:$0x3FB1];
	_ =	sdelay $0x3  }
0x34: {  	[smem:$0x3FB1] =	sst s10  }
0x35: {  	s10 =	sld [smem:$0x3FB0];
	_ =	sdelay $0x3  }
0x36: {  	p1 =	seq.s32 s10, $0x1;
	s10 =	sld [smem:$0x3FB1];
	_ =	sdelay $0x3  }
0x37: {  	[smem:$0x3FB1] =	sst s10  }
0x38: {  	s10 =	sld [smem:$0x3FB2]  }
0x39: {  	_ = 	snop;
	(pc) =	sbr.ind lr, $3  }
0x3a: {  	_ = 	snop  }
0x3b: {  	_ = 	snop  }
0x3c: {  	p2 =	seq.s32 s10, $0x1;
	s10 =	sld [smem:$0x3FB1]  }
0x3d: {  	_ =	shalt  }
0x3e: {  	_ =	shalt  }
0x3f: {  	_ =	shalt  }
0x40: {  	_ =	shalt  }
0x41: {  	_ =	shalt  }
0x42: {  	_ =	shalt  }
0x43: {  	_ =	shalt  }
0x44: {  	_ =	shalt  }
0x45: {  	_ =	shalt  }
0x46: {  	_ =	shalt  }
0x47: {  	_ =	shalt  }
0x48: {  	_ =	shalt  }
0x49: {  	_ =	shalt  }
0x4a: {  	_ =	shalt  }
0x4b: {  	_ =	shalt  }
0x4c: {  	_ =	shalt  }
0x4d: {  	_ =	shalt  }
0x4e: {  	_ =	shalt  }
0x4f: {  	_ =	shalt  }
0x50: {  	_ =	shalt  }
0x51: {  	_ =	shalt  }
0x52: {  	_ =	shalt  }
0x53: {  	_ =	shalt  }
0x54: {  	_ =	shalt  }
0x55: {  	_ =	shalt  }
0x56: {  	_ =	shalt  }
0x57: {  	_ =	shalt  }
0x58: {  	_ =	shalt  }
0x59: {  	_ =	shalt  }
0x5a: {  	_ =	shalt  }
0x5b: {  	_ =	shalt  }
0x5c: {  	_ =	shalt  }
0x5d: {  	_ =	shalt  }
0x5e: {  	_ =	shalt  }
0x5f: {  	_ =	shalt  }
0x60: {  	_ =	shalt  }
0x61: {  	_ =	shalt  }
0x62: {  	_ =	shalt  }
0x63: {  	_ =	shalt  }
0x64: {  	_ =	shalt  }
0x65: {  	_ =	shalt  }
0x66: {  	_ =	shalt  }
0x67: {  	_ =	shalt  }
0x68: {  	_ =	shalt  }
0x69: {  	_ =	shalt  }
0x6a: {  	_ =	shalt  }
0x6b: {  	_ =	shalt  }
0x6c: {  	_ =	shalt  }
0x6d: {  	_ =	shalt  }
0x6e: {  	_ =	shalt  }
0x6f: {  	_ =	shalt  }
0x70: {  	_ =	shalt  }
0x71: {  	_ =	shalt  }
0x72: {  	_ =	shalt  }
0x73: {  	_ =	shalt  }
0x74: {  	_ =	shalt  }
0x75: {  	_ =	shalt  }
0x76: {  	_ =	shalt  }
0x77: {  	_ =	shalt  }
0x78: {  	_ =	shalt  }
0x79: {  	_ =	shalt  }
0x7a: {  	_ =	shalt  }
0x7b: {  	_ =	shalt  }
0x7c: {  	_ =	shalt  }
0x7d: {  	_ =	shalt  }
0x7e: {  	_ =	shalt  }
0x7f: {  	_ =	shalt  }
0x80: {  	_ =	shalt  }
0x81: {  	_ =	shalt  }
0x82: {  	_ =	shalt  }
0x83: {  	_ =	shalt  }
0x84: {  	_ =	shalt  }
0x85: {  	_ =	shalt  }
0x86: {  	_ =	shalt  }
0x87: {  	_ =	shalt  }
.Lfunc_end0:
.L_simem_size_0:
called_computation.1_lowered:
.L_overlay_start_0:
0x88: {  	s2 =	sld [smem:$0x3FD9]  }
0x89: {  	s3 =	sld [smem:$0x3FFE];
	_ =	sdelay $0x1  }
0x8a: {  	s1 =	srdreg.scid  }
0x8b: {  	s0 =	sand.u32 $0x1, s1  }
0x8c: {  	s16 =	sshll.u32 s0, $0xA;
	s2 =	sadd.s32 s3, s2  }
0x8d: {  	s2 =	sadd.s32 s2, s16  }
0x8e: {  	[smem:$0x3FBD] =	sst s2  }
0x8f: {  	_ = 	snop  }
0x90: {  	(tm) =	ssettm $0x1  }
0x91: {  	s17 =	sld [smem:$0x3FFB];
	_ =	sdelay $0x3  }
0x92: {  	_ =	strace s17  }
0x93: {  	s2 =	sld [smem:$0x3FFC];
	_ =	sdelay $0x3  }
0x94: {  	_ =	strace s2  }
0x95: {  	s2 =	sld [smem:$0x3FFD];
	_ =	sdelay $0x3  }
0x96: {  	_ =	strace s2  }
0x97: {  	_ =	strace $0x8FFFFFFF  }
0x98: {  	s18 =	sld [smem:$0x3FDB];
	_ =	sdelay $0x1  }
0x99: {  	s19 =	simm.s32 $_scs_section_size  }
0x9a: {  	s4 =	simm.s32 $_size__tile_overlayer_lowered;
	s5 =	simm.s32 $_tile_overlayer_lowered  }
0x9b: {  	s22 =	simm.s32 $0x1BFF;
	s21 =	sshll.u32 s5, $0x1;
	s2 =	sadd.s32 s19, s18  }
0x9c: {  	s6 =	simm.s32 $0x0;
	s20 =	sshll.u32 s4, $0x1;
	s4 =	sadd.s32 s21, s2  }
0x9d: {  	[timem:s6], [sflag:s22] =	dma.local [hbm:s4], s20  }
0x9e: {  	_ =	swait.ge [sflag:s22], s20  }
0x9f: {  	s3 =	ssub.s32 $0x0, s20;
	[sflag:s22] =	ssyncset.done $0x0  }
0xa0: {  	[sflag:s22] =	ssyncadd.s32 s3;
	_ =	sdelay $0x1  }
0xa1: {  	s23 =	simm.s32 $0x1B8B  }
0xa2: {  	_ =	swait.ge [sflag:s23], $0x1  }
0xa3: {  	[sflag:s23] =	ssyncset.done $0x0  }
0xa4: {  	s25 =	simm.s32 $0x1B8E;
	s24 =	sld [smem:$0x3FFE];
	[sflag:s23] =	ssyncadd.s32 $0xFFFFFFFF  }
0xa5: {  	s26 =	simm.s32 $execute0_lowered;
	[smem:$0x3FD2] =	sst s25  }
0xa6: {  	s4 =	sshll.u32 s26, $0x1;
	_ =	strace $0x80000049;
	[dreg:$0x1] =	wrdreg $0xFFFFFFFF  }
0xa7: {  	s28 =	simm.s32 $_size_execute0_lowered;
	s2 =	sadd.s32 s2, s4;
	[dreg:$0x0] =	wrdreg $0x0  }
0xa8: {  	s4 =	sshll.u32 s28, $0x1;
	[dreg:$0x2] =	wrdreg s2  }
0xa9: {  	[dreg:$0x3] =	wrdreg s4  }
0xaa: {  	[dreg:$0x4] =	wrdreg $0xC0  }
0xab: {  	_ =	task [dreg:s6], $0x5FFFF  }
0xac: {  	[dreg:$0x1] =	wrdreg $0xFFFFFFFF  }
0xad: {  	[dreg:$0x0] =	wrdreg $0x60  }
0xae: {  	[dreg:$0x2] =	wrdreg s24  }
0xaf: {  	[dreg:$0x3] =	wrdreg $0x120000  }
0xb0: {  	[dreg:$0x4] =	wrdreg $0x9  }
0xb1: {  	_ =	task.clear_ibuf [dreg:s6], $0x5FFFF;
	_ =	strace $0x90000049  }
0xb2: {  	s29 =	simm.s32 $0x9;
	_ =	strace $0x8000004B  }
0xb3: {  	_ =	swait.ge [sflag:s29], $0x1  }
0xb4: {  	[sflag:s29] =	ssyncadd.s32 $0xFFFFFFFF  }
0xb5: {  	_ =	strace $0x9000004B  }
0xb6: {  	_ =	sfence  }
0xb7: {  	s30 =	sld [smem:$0x0];
	_ =	sdelay $0x2  }
0xb8: {  	s31 =	sshll.u32 s1, $0xD;
	s1 =	sshrl.u32 s1, $0x2  }
0xb9: {  	s3 =	sand.u32 $0x4000, s31;
	s1 =	sadd.s32 s1, s30  }
0xba: {  	s0 =	sor.u32 s3, s0;
	s1 =	sshll.u32 s1, $0x11  }
0xbb: {  	s0 =	sor.u32 s1, s0  }
0xbc: {  	s0 =	sadd.s32 $0x8F2B, s0  }
0xbd: {  	[sflag:s0] =	ssyncadd.remote.s32 $0x1  }
0xbe: {  	_ =	sfence.sel $0xFFFF  }
0xbf: {  	[dreg:$0x0] =	wrdreg $0xFFFFFFFF;
	(pc) =	sbr.abs _section_cstart, $3  }
0xc0: {  	[dreg:$0x1] =	wrdreg $0xFFFFFFFF  }
0xc1: {  	_ =	task.clear_ibuf [dreg:s6], $0x2FFFF;
	_ =	strace $0x9FFFFFFF  }
0xc2: {  	(tm) =	ssettm $0x7FFFFFFF  }
0xc3: {  	_ =	shalt  }
tec
execute0_lowered:
.L_overlay_start_1:
0x0: {  	(tag) =	ssettag $0x1  }
0x1: {  	s5 =	rddreg [dreg:$0x0]  }
0x2: {  	s0 =	srdreg.scid;
	s2 =	rddreg [dreg:$0x1]  }
0x3: {  	s3 =	simm.s32 $0x0;
	s13 =	simm.s32 $0x5000;
	s14 =	simm.s32 $0xA000  }
0x4: {  	s15 =	simm.s32 $0x80;
	s16 =	simm.s32 $0xE000;
	s17 =	simm.s32 $0x1  }
0x5: {  	s18 =	simm.s32 $0x2;
	s19 =	simm.s32 $0x4E80;
	s20 =	simm.s32 $0x9E00  }
0x6: {  	s21 =	simm.s32 $0x9E80;
	s24 =	simm.s32 $0x0;
	s4 =	sand.u32 $0x1, s0  }
0x7: {  	s0 =	stileid.u32;
	[smem:$0x7FF] =	sst s3;
	s1 =	sshll.u32 s4, $0x4  }
0x8: {  	s8 =	ssub.s32 $0x2, s4;
	s9 =	smul.u32 $0x30000, s0;
	s6 =	sor.u32 s0, s1  }
0x9: {  	s4 =	sadd.s32 $0x64400, s5;
	s22 =	sshll.u32 s0, $0x6;
	s7 =	smul.u32 $0xA00, s6  }
0xa: {  	s1 =	rddreg [dreg:$0x2];
	s10 =	sshrl.u32 s8, $0x1;
	s6 =	smul.u32 $0x1800, s6  }
0xb: {  	_ =	strace $0x8000004A;
	s22 =	sor.u32 $0x1C03, s22;
	s12 =	ssub.s32 s8, s10  }
0xc: {  	s31 =	sshrl.u32 s9, $0x2;
	s7 =	sadd.s32 s7, s5;
	s11 =	sadd.s32 s6, s5  }
0xd: {  	s5 =	sadd.s32 $0xB2600, s7;
	s6 =	sadd.s32 $0x2200, s7;
	s7 =	sadd.s32 s31, s2  }
0xe: {  	s10 =	sadd.s32 $0xC6600, s11;
	s11 =	smax.u32 s12, $0x1;
	s12 =	simm.s32 $0x3  }
0xf: {  	v0 =	vimm.f32 $0.0e+00;
	s8 =	sadd.s32 $0x4000, s7;
	s9 =	sadd.s32 $0x8000, s7;
	s23 =	sshrl.u32 s7, $0x3  }
.LBB2_1:
0x10: {  	[tilespmem:s3], [sflag:$0x3] =	stream.linear.gather [hbm4b:s5+s3], $0x4F00, $0x38;
	[tilespmem:$0x1E000] =	vst v63  }
0x11: {  	_ =	swait.ge [sflag:s12], $0x4F00  }
0x12: {  	[sflag:s12] =	ssyncset.done $0x0  }
0x13: {  	[sflag:s12] =	ssyncadd.s32 $0xFFFFB100  }
0x14: {  	[tilespmem:s13], [sflag:$0x3] =	stream.linear.gather [hbm4b:s6+s3], $0x4F00, $0x38;
	[tilespmem:$0x1E000] =	vst v63  }
0x15: {  	_ =	swait.ge [sflag:s12], $0x4F00  }
0x16: {  	[sflag:s12] =	ssyncset.done $0x0  }
0x17: {  	[sflag:s12] =	ssyncadd.s32 $0xFFFFB100  }
0x18: {  	[tilespmem:$0xA000] =	vst v0  }
0x19: {  	[tilespmem:$0xA010] =	vst v0  }
0x1a: {  	[tilespmem:$0xA020] =	vst v0  }
0x1b: {  	[tilespmem:$0xA030] =	vst v0  }
0x1c: {  	[tilespmem:$0xA040] =	vst v0  }
0x1d: {  	[tilespmem:$0xA050] =	vst v0  }
0x1e: {  	[tilespmem:$0xA060] =	vst v0  }
0x1f: {  	[tilespmem:$0xA070] =	vst v0  }
0x20: {  	[tilespmem:$0xA080] =	vst v0  }
0x21: {  	[tilespmem:$0xA090] =	vst v0  }
0x22: {  	[tilespmem:$0xA0A0] =	vst v0  }
0x23: {  	[tilespmem:$0xA0B0] =	vst v0  }
0x24: {  	[tilespmem:$0xA0C0] =	vst v0  }
0x25: {  	[tilespmem:$0xA0D0] =	vst v0  }
0x26: {  	[tilespmem:$0xA0E0] =	vst v0  }
0x27: {  	[tilespmem:$0xA0F0] =	vst v0  }
0x28: {  	[tilespmem:$0xA100] =	vst v0  }
0x29: {  	[tilespmem:$0xA110] =	vst v0  }
0x2a: {  	[tilespmem:$0xA120] =	vst v0  }
0x2b: {  	[tilespmem:$0xA130] =	vst v0  }
0x2c: {  	[tilespmem:$0xA140] =	vst v0  }
0x2d: {  	[tilespmem:$0xA150] =	vst v0  }
0x2e: {  	[tilespmem:$0xA160] =	vst v0  }
0x2f: {  	[tilespmem:$0xA170] =	vst v0  }
0x30: {  	[tilespmem:$0xA180] =	vst v0  }
0x31: {  	[tilespmem:$0xA190] =	vst v0  }
0x32: {  	[tilespmem:$0xA1A0] =	vst v0  }
0x33: {  	[tilespmem:$0xA1B0] =	vst v0  }
0x34: {  	[tilespmem:$0xA1C0] =	vst v0  }
0x35: {  	[tilespmem:$0xA1D0] =	vst v0  }
0x36: {  	[tilespmem:$0xA1E0] =	vst v0  }
0x37: {  	[tilespmem:$0xA1F0] =	vst v0  }
0x38: {  	[tilespmem:$0xA200] =	vst v0  }
0x39: {  	[tilespmem:$0xA210] =	vst v0  }
0x3a: {  	[tilespmem:$0xA220] =	vst v0  }
0x3b: {  	[tilespmem:$0xA230] =	vst v0  }
0x3c: {  	[tilespmem:$0xA240] =	vst v0  }
0x3d: {  	[tilespmem:$0xA250] =	vst v0  }
0x3e: {  	[tilespmem:$0xA260] =	vst v0  }
0x3f: {  	[tilespmem:$0xA270] =	vst v0  }
0x40: {  	[tilespmem:$0xA280] =	vst v0  }
0x41: {  	[tilespmem:$0xA290] =	vst v0  }
0x42: {  	[tilespmem:$0xA2A0] =	vst v0  }
0x43: {  	[tilespmem:$0xA2B0] =	vst v0  }
0x44: {  	[tilespmem:$0xA2C0] =	vst v0  }
0x45: {  	[tilespmem:$0xA2D0] =	vst v0  }
0x46: {  	[tilespmem:$0xA2E0] =	vst v0  }
0x47: {  	[tilespmem:$0xA2F0] =	vst v0  }
0x48: {  	[tilespmem:$0xA300] =	vst v0  }
0x49: {  	[tilespmem:$0xA310] =	vst v0  }
0x4a: {  	[tilespmem:$0xA320] =	vst v0  }
0x4b: {  	[tilespmem:$0xA330] =	vst v0  }
0x4c: {  	[tilespmem:$0xA340] =	vst v0  }
0x4d: {  	[tilespmem:$0xA350] =	vst v0  }
0x4e: {  	[tilespmem:$0xA360] =	vst v0  }
0x4f: {  	[tilespmem:$0xA370] =	vst v0  }
0x50: {  	[tilespmem:$0xA380] =	vst v0  }
0x51: {  	[tilespmem:$0xA390] =	vst v0  }
0x52: {  	[tilespmem:$0xA3A0] =	vst v0  }
0x53: {  	[tilespmem:$0xA3B0] =	vst v0  }
0x54: {  	[tilespmem:$0xA3C0] =	vst v0  }
0x55: {  	[tilespmem:$0xA3D0] =	vst v0  }
0x56: {  	[tilespmem:$0xA3E0] =	vst v0  }
0x57: {  	[tilespmem:$0xA3F0] =	vst v0  }
0x58: {  	[tilespmem:$0xA400] =	vst v0  }
0x59: {  	[tilespmem:$0xA410] =	vst v0  }
0x5a: {  	[tilespmem:$0xA420] =	vst v0  }
0x5b: {  	[tilespmem:$0xA430] =	vst v0  }
0x5c: {  	[tilespmem:$0xA440] =	vst v0  }
0x5d: {  	[tilespmem:$0xA450] =	vst v0  }
0x5e: {  	[tilespmem:$0xA460] =	vst v0  }
0x5f: {  	[tilespmem:$0xA470] =	vst v0  }
0x60: {  	[tilespmem:$0xA480] =	vst v0  }
0x61: {  	[tilespmem:$0xA490] =	vst v0  }
0x62: {  	[tilespmem:$0xA4A0] =	vst v0  }
0x63: {  	[tilespmem:$0xA4B0] =	vst v0  }
0x64: {  	[tilespmem:$0xA4C0] =	vst v0  }
0x65: {  	[tilespmem:$0xA4D0] =	vst v0  }
0x66: {  	[tilespmem:$0xA4E0] =	vst v0  }
0x67: {  	[tilespmem:$0xA4F0] =	vst v0  }
0x68: {  	[tilespmem:$0xA500] =	vst v0  }
0x69: {  	[tilespmem:$0xA510] =	vst v0  }
0x6a: {  	[tilespmem:$0xA520] =	vst v0  }
0x6b: {  	[tilespmem:$0xA530] =	vst v0  }
0x6c: {  	[tilespmem:$0xA540] =	vst v0  }
0x6d: {  	[tilespmem:$0xA550] =	vst v0  }
0x6e: {  	[tilespmem:$0xA560] =	vst v0  }
0x6f: {  	[tilespmem:$0xA570] =	vst v0  }
0x70: {  	[tilespmem:$0xA580] =	vst v0  }
0x71: {  	[tilespmem:$0xA590] =	vst v0  }
0x72: {  	[tilespmem:$0xA5A0] =	vst v0  }
0x73: {  	[tilespmem:$0xA5B0] =	vst v0  }
0x74: {  	[tilespmem:$0xA5C0] =	vst v0  }
0x75: {  	[tilespmem:$0xA5D0] =	vst v0  }
0x76: {  	[tilespmem:$0xA5E0] =	vst v0  }
0x77: {  	[tilespmem:$0xA5F0] =	vst v0  }
0x78: {  	[tilespmem:$0xA600] =	vst v0  }
0x79: {  	[tilespmem:$0xA610] =	vst v0  }
0x7a: {  	[tilespmem:$0xA620] =	vst v0  }
0x7b: {  	[tilespmem:$0xA630] =	vst v0  }
0x7c: {  	[tilespmem:$0xA640] =	vst v0  }
0x7d: {  	[tilespmem:$0xA650] =	vst v0  }
0x7e: {  	[tilespmem:$0xA660] =	vst v0  }
0x7f: {  	[tilespmem:$0xA670] =	vst v0  }
0x80: {  	[tilespmem:$0xA680] =	vst v0  }
0x81: {  	[tilespmem:$0xA690] =	vst v0  }
0x82: {  	[tilespmem:$0xA6A0] =	vst v0  }
0x83: {  	[tilespmem:$0xA6B0] =	vst v0  }
0x84: {  	[tilespmem:$0xA6C0] =	vst v0  }
0x85: {  	[tilespmem:$0xA6D0] =	vst v0  }
0x86: {  	[tilespmem:$0xA6E0] =	vst v0  }
0x87: {  	[tilespmem:$0xA6F0] =	vst v0  }
0x88: {  	[tilespmem:$0xA700] =	vst v0  }
0x89: {  	[tilespmem:$0xA710] =	vst v0  }
0x8a: {  	[tilespmem:$0xA720] =	vst v0  }
0x8b: {  	[tilespmem:$0xA730] =	vst v0  }
0x8c: {  	[tilespmem:$0xA740] =	vst v0  }
0x8d: {  	[tilespmem:$0xA750] =	vst v0  }
0x8e: {  	[tilespmem:$0xA760] =	vst v0  }
0x8f: {  	[tilespmem:$0xA770] =	vst v0  }
0x90: {  	[tilespmem:$0xA780] =	vst v0  }
0x91: {  	[tilespmem:$0xA790] =	vst v0  }
0x92: {  	[tilespmem:$0xA7A0] =	vst v0  }
0x93: {  	[tilespmem:$0xA7B0] =	vst v0  }
0x94: {  	[tilespmem:$0xA7C0] =	vst v0  }
0x95: {  	[tilespmem:$0xA7D0] =	vst v0  }
0x96: {  	[tilespmem:$0xA7E0] =	vst v0  }
0x97: {  	[tilespmem:$0xA7F0] =	vst v0  }
0x98: {  	[tilespmem:$0xA800] =	vst v0  }
0x99: {  	[tilespmem:$0xA810] =	vst v0  }
0x9a: {  	[tilespmem:$0xA820] =	vst v0  }
0x9b: {  	[tilespmem:$0xA830] =	vst v0  }
0x9c: {  	[tilespmem:$0xA840] =	vst v0  }
0x9d: {  	[tilespmem:$0xA850] =	vst v0  }
0x9e: {  	[tilespmem:$0xA860] =	vst v0  }
0x9f: {  	[tilespmem:$0xA870] =	vst v0  }
0xa0: {  	[tilespmem:$0xA880] =	vst v0  }
0xa1: {  	[tilespmem:$0xA890] =	vst v0  }
0xa2: {  	[tilespmem:$0xA8A0] =	vst v0  }
0xa3: {  	[tilespmem:$0xA8B0] =	vst v0  }
0xa4: {  	[tilespmem:$0xA8C0] =	vst v0  }
0xa5: {  	[tilespmem:$0xA8D0] =	vst v0  }
0xa6: {  	[tilespmem:$0xA8E0] =	vst v0  }
0xa7: {  	[tilespmem:$0xA8F0] =	vst v0  }
0xa8: {  	[tilespmem:$0xA900] =	vst v0  }
0xa9: {  	[tilespmem:$0xA910] =	vst v0  }
0xaa: {  	[tilespmem:$0xA920] =	vst v0  }
0xab: {  	[tilespmem:$0xA930] =	vst v0  }
0xac: {  	[tilespmem:$0xA940] =	vst v0  }
0xad: {  	[tilespmem:$0xA950] =	vst v0  }
0xae: {  	[tilespmem:$0xA960] =	vst v0  }
0xaf: {  	[tilespmem:$0xA970] =	vst v0  }
0xb0: {  	[tilespmem:$0xA980] =	vst v0  }
0xb1: {  	[tilespmem:$0xA990] =	vst v0  }
0xb2: {  	[tilespmem:$0xA9A0] =	vst v0  }
0xb3: {  	[tilespmem:$0xA9B0] =	vst v0  }
0xb4: {  	[tilespmem:$0xA9C0] =	vst v0  }
0xb5: {  	[tilespmem:$0xA9D0] =	vst v0  }
0xb6: {  	[tilespmem:$0xA9E0] =	vst v0  }
0xb7: {  	[tilespmem:$0xA9F0] =	vst v0  }
0xb8: {  	[tilespmem:$0xAA00] =	vst v0  }
0xb9: {  	[tilespmem:$0xAA10] =	vst v0  }
0xba: {  	[tilespmem:$0xAA20] =	vst v0  }
0xbb: {  	[tilespmem:$0xAA30] =	vst v0  }
0xbc: {  	[tilespmem:$0xAA40] =	vst v0  }
0xbd: {  	[tilespmem:$0xAA50] =	vst v0  }
0xbe: {  	[tilespmem:$0xAA60] =	vst v0  }
0xbf: {  	[tilespmem:$0xAA70] =	vst v0  }
0xc0: {  	[tilespmem:$0xAA80] =	vst v0  }
0xc1: {  	[tilespmem:$0xAA90] =	vst v0  }
0xc2: {  	[tilespmem:$0xAAA0] =	vst v0  }
0xc3: {  	[tilespmem:$0xAAB0] =	vst v0  }
0xc4: {  	[tilespmem:$0xAAC0] =	vst v0  }
0xc5: {  	[tilespmem:$0xAAD0] =	vst v0  }
0xc6: {  	[tilespmem:$0xAAE0] =	vst v0  }
0xc7: {  	[tilespmem:$0xAAF0] =	vst v0  }
0xc8: {  	[tilespmem:$0xAB00] =	vst v0  }
0xc9: {  	[tilespmem:$0xAB10] =	vst v0  }
0xca: {  	[tilespmem:$0xAB20] =	vst v0  }
0xcb: {  	[tilespmem:$0xAB30] =	vst v0  }
0xcc: {  	[tilespmem:$0xAB40] =	vst v0  }
0xcd: {  	[tilespmem:$0xAB50] =	vst v0  }
0xce: {  	[tilespmem:$0xAB60] =	vst v0  }
0xcf: {  	[tilespmem:$0xAB70] =	vst v0  }
0xd0: {  	[tilespmem:$0xAB80] =	vst v0  }
0xd1: {  	[tilespmem:$0xAB90] =	vst v0  }
0xd2: {  	[tilespmem:$0xABA0] =	vst v0  }
0xd3: {  	[tilespmem:$0xABB0] =	vst v0  }
0xd4: {  	[tilespmem:$0xABC0] =	vst v0  }
0xd5: {  	[tilespmem:$0xABD0] =	vst v0  }
0xd6: {  	[tilespmem:$0xABE0] =	vst v0  }
0xd7: {  	[tilespmem:$0xABF0] =	vst v0  }
0xd8: {  	[tilespmem:$0xAC00] =	vst v0  }
0xd9: {  	[tilespmem:$0xAC10] =	vst v0  }
0xda: {  	[tilespmem:$0xAC20] =	vst v0  }
0xdb: {  	[tilespmem:$0xAC30] =	vst v0  }
0xdc: {  	[tilespmem:$0xAC40] =	vst v0  }
0xdd: {  	[tilespmem:$0xAC50] =	vst v0  }
0xde: {  	[tilespmem:$0xAC60] =	vst v0  }
0xdf: {  	[tilespmem:$0xAC70] =	vst v0  }
0xe0: {  	[tilespmem:$0xAC80] =	vst v0  }
0xe1: {  	[tilespmem:$0xAC90] =	vst v0  }
0xe2: {  	[tilespmem:$0xACA0] =	vst v0  }
0xe3: {  	[tilespmem:$0xACB0] =	vst v0  }
0xe4: {  	[tilespmem:$0xACC0] =	vst v0  }
0xe5: {  	[tilespmem:$0xACD0] =	vst v0  }
0xe6: {  	[tilespmem:$0xACE0] =	vst v0  }
0xe7: {  	[tilespmem:$0xACF0] =	vst v0  }
0xe8: {  	[tilespmem:$0xAD00] =	vst v0  }
0xe9: {  	[tilespmem:$0xAD10] =	vst v0  }
0xea: {  	[tilespmem:$0xAD20] =	vst v0  }
0xeb: {  	[tilespmem:$0xAD30] =	vst v0  }
0xec: {  	[tilespmem:$0xAD40] =	vst v0  }
0xed: {  	[tilespmem:$0xAD50] =	vst v0  }
0xee: {  	[tilespmem:$0xAD60] =	vst v0  }
0xef: {  	[tilespmem:$0xAD70] =	vst v0  }
0xf0: {  	[tilespmem:$0xAD80] =	vst v0  }
0xf1: {  	[tilespmem:$0xAD90] =	vst v0  }
0xf2: {  	[tilespmem:$0xADA0] =	vst v0  }
0xf3: {  	[tilespmem:$0xADB0] =	vst v0  }
0xf4: {  	[tilespmem:$0xADC0] =	vst v0  }
0xf5: {  	[tilespmem:$0xADD0] =	vst v0  }
0xf6: {  	[tilespmem:$0xADE0] =	vst v0  }
0xf7: {  	[tilespmem:$0xADF0] =	vst v0  }
0xf8: {  	[tilespmem:$0xAE00] =	vst v0  }
0xf9: {  	[tilespmem:$0xAE10] =	vst v0  }
0xfa: {  	[tilespmem:$0xAE20] =	vst v0  }
0xfb: {  	[tilespmem:$0xAE30] =	vst v0  }
0xfc: {  	[tilespmem:$0xAE40] =	vst v0  }
0xfd: {  	[tilespmem:$0xAE50] =	vst v0  }
0xfe: {  	[tilespmem:$0xAE60] =	vst v0  }
0xff: {  	[tilespmem:$0xAE70] =	vst v0  }
0x100: {  	[tilespmem:$0xAE80] =	vst v0  }
0x101: {  	[tilespmem:$0xAE90] =	vst v0  }
0x102: {  	[tilespmem:$0xAEA0] =	vst v0  }
0x103: {  	[tilespmem:$0xAEB0] =	vst v0  }
0x104: {  	[tilespmem:$0xAEC0] =	vst v0  }
0x105: {  	[tilespmem:$0xAED0] =	vst v0  }
0x106: {  	[tilespmem:$0xAEE0] =	vst v0  }
0x107: {  	[tilespmem:$0xAEF0] =	vst v0  }
0x108: {  	[tilespmem:$0xAF00] =	vst v0  }
0x109: {  	[tilespmem:$0xAF10] =	vst v0  }
0x10a: {  	[tilespmem:$0xAF20] =	vst v0  }
0x10b: {  	[tilespmem:$0xAF30] =	vst v0  }
0x10c: {  	[tilespmem:$0xAF40] =	vst v0  }
0x10d: {  	[tilespmem:$0xAF50] =	vst v0  }
0x10e: {  	[tilespmem:$0xAF60] =	vst v0  }
0x10f: {  	[tilespmem:$0xAF70] =	vst v0  }
0x110: {  	[tilespmem:$0xAF80] =	vst v0  }
0x111: {  	[tilespmem:$0xAF90] =	vst v0  }
0x112: {  	[tilespmem:$0xAFA0] =	vst v0  }
0x113: {  	[tilespmem:$0xAFB0] =	vst v0  }
0x114: {  	[tilespmem:$0xAFC0] =	vst v0  }
0x115: {  	[tilespmem:$0xAFD0] =	vst v0  }
0x116: {  	[tilespmem:$0xAFE0] =	vst v0  }
0x117: {  	[tilespmem:$0xAFF0] =	vst v0  }
0x118: {  	[tilespmem:$0xB000] =	vst v0  }
0x119: {  	[tilespmem:$0xB010] =	vst v0  }
0x11a: {  	[tilespmem:$0xB020] =	vst v0  }
0x11b: {  	[tilespmem:$0xB030] =	vst v0  }
0x11c: {  	[tilespmem:$0xB040] =	vst v0  }
0x11d: {  	[tilespmem:$0xB050] =	vst v0  }
0x11e: {  	[tilespmem:$0xB060] =	vst v0  }
0x11f: {  	[tilespmem:$0xB070] =	vst v0  }
0x120: {  	[tilespmem:$0xB080] =	vst v0  }
0x121: {  	[tilespmem:$0xB090] =	vst v0  }
0x122: {  	[tilespmem:$0xB0A0] =	vst v0  }
0x123: {  	[tilespmem:$0xB0B0] =	vst v0  }
0x124: {  	[tilespmem:$0xB0C0] =	vst v0  }
0x125: {  	[tilespmem:$0xB0D0] =	vst v0  }
0x126: {  	[tilespmem:$0xB0E0] =	vst v0  }
0x127: {  	[tilespmem:$0xB0F0] =	vst v0  }
0x128: {  	[tilespmem:$0xB100] =	vst v0  }
0x129: {  	[tilespmem:$0xB110] =	vst v0  }
0x12a: {  	[tilespmem:$0xB120] =	vst v0  }
0x12b: {  	[tilespmem:$0xB130] =	vst v0  }
0x12c: {  	[tilespmem:$0xB140] =	vst v0  }
0x12d: {  	[tilespmem:$0xB150] =	vst v0  }
0x12e: {  	[tilespmem:$0xB160] =	vst v0  }
0x12f: {  	[tilespmem:$0xB170] =	vst v0  }
0x130: {  	[tilespmem:$0xB180] =	vst v0  }
0x131: {  	[tilespmem:$0xB190] =	vst v0  }
0x132: {  	[tilespmem:$0xB1A0] =	vst v0  }
0x133: {  	[tilespmem:$0xB1B0] =	vst v0  }
0x134: {  	[tilespmem:$0xB1C0] =	vst v0  }
0x135: {  	[tilespmem:$0xB1D0] =	vst v0  }
0x136: {  	[tilespmem:$0xB1E0] =	vst v0  }
0x137: {  	[tilespmem:$0xB1F0] =	vst v0  }
0x138: {  	[tilespmem:$0xB200] =	vst v0  }
0x139: {  	[tilespmem:$0xB210] =	vst v0  }
0x13a: {  	[tilespmem:$0xB220] =	vst v0  }
0x13b: {  	[tilespmem:$0xB230] =	vst v0  }
0x13c: {  	[tilespmem:$0xB240] =	vst v0  }
0x13d: {  	[tilespmem:$0xB250] =	vst v0  }
0x13e: {  	[tilespmem:$0xB260] =	vst v0  }
0x13f: {  	[tilespmem:$0xB270] =	vst v0  }
0x140: {  	[tilespmem:$0xB280] =	vst v0  }
0x141: {  	[tilespmem:$0xB290] =	vst v0  }
0x142: {  	[tilespmem:$0xB2A0] =	vst v0  }
0x143: {  	[tilespmem:$0xB2B0] =	vst v0  }
0x144: {  	[tilespmem:$0xB2C0] =	vst v0  }
0x145: {  	[tilespmem:$0xB2D0] =	vst v0  }
0x146: {  	[tilespmem:$0xB2E0] =	vst v0  }
0x147: {  	[tilespmem:$0xB2F0] =	vst v0  }
0x148: {  	[tilespmem:$0xB300] =	vst v0  }
0x149: {  	[tilespmem:$0xB310] =	vst v0  }
0x14a: {  	[tilespmem:$0xB320] =	vst v0  }
0x14b: {  	[tilespmem:$0xB330] =	vst v0  }
0x14c: {  	[tilespmem:$0xB340] =	vst v0  }
0x14d: {  	[tilespmem:$0xB350] =	vst v0  }
0x14e: {  	[tilespmem:$0xB360] =	vst v0  }
0x14f: {  	[tilespmem:$0xB370] =	vst v0  }
0x150: {  	[tilespmem:$0xB380] =	vst v0  }
0x151: {  	[tilespmem:$0xB390] =	vst v0  }
0x152: {  	[tilespmem:$0xB3A0] =	vst v0  }
0x153: {  	[tilespmem:$0xB3B0] =	vst v0  }
0x154: {  	[tilespmem:$0xB3C0] =	vst v0  }
0x155: {  	[tilespmem:$0xB3D0] =	vst v0  }
0x156: {  	[tilespmem:$0xB3E0] =	vst v0  }
0x157: {  	[tilespmem:$0xB3F0] =	vst v0  }
0x158: {  	[tilespmem:$0xB400] =	vst v0  }
0x159: {  	[tilespmem:$0xB410] =	vst v0  }
0x15a: {  	[tilespmem:$0xB420] =	vst v0  }
0x15b: {  	[tilespmem:$0xB430] =	vst v0  }
0x15c: {  	[tilespmem:$0xB440] =	vst v0  }
0x15d: {  	[tilespmem:$0xB450] =	vst v0  }
0x15e: {  	[tilespmem:$0xB460] =	vst v0  }
0x15f: {  	[tilespmem:$0xB470] =	vst v0  }
0x160: {  	[tilespmem:$0xB480] =	vst v0  }
0x161: {  	[tilespmem:$0xB490] =	vst v0  }
0x162: {  	[tilespmem:$0xB4A0] =	vst v0  }
0x163: {  	[tilespmem:$0xB4B0] =	vst v0  }
0x164: {  	[tilespmem:$0xB4C0] =	vst v0  }
0x165: {  	[tilespmem:$0xB4D0] =	vst v0  }
0x166: {  	[tilespmem:$0xB4E0] =	vst v0  }
0x167: {  	[tilespmem:$0xB4F0] =	vst v0  }
0x168: {  	[tilespmem:$0xB500] =	vst v0  }
0x169: {  	[tilespmem:$0xB510] =	vst v0  }
0x16a: {  	[tilespmem:$0xB520] =	vst v0  }
0x16b: {  	[tilespmem:$0xB530] =	vst v0  }
0x16c: {  	[tilespmem:$0xB540] =	vst v0  }
0x16d: {  	[tilespmem:$0xB550] =	vst v0  }
0x16e: {  	[tilespmem:$0xB560] =	vst v0  }
0x16f: {  	[tilespmem:$0xB570] =	vst v0  }
0x170: {  	[tilespmem:$0xB580] =	vst v0  }
0x171: {  	[tilespmem:$0xB590] =	vst v0  }
0x172: {  	[tilespmem:$0xB5A0] =	vst v0  }
0x173: {  	[tilespmem:$0xB5B0] =	vst v0  }
0x174: {  	[tilespmem:$0xB5C0] =	vst v0  }
0x175: {  	[tilespmem:$0xB5D0] =	vst v0  }
0x176: {  	[tilespmem:$0xB5E0] =	vst v0  }
0x177: {  	[tilespmem:$0xB5F0] =	vst v0  }
0x178: {  	[tilespmem:$0xB600] =	vst v0  }
0x179: {  	[tilespmem:$0xB610] =	vst v0  }
0x17a: {  	[tilespmem:$0xB620] =	vst v0  }
0x17b: {  	[tilespmem:$0xB630] =	vst v0  }
0x17c: {  	[tilespmem:$0xB640] =	vst v0  }
0x17d: {  	[tilespmem:$0xB650] =	vst v0  }
0x17e: {  	[tilespmem:$0xB660] =	vst v0  }
0x17f: {  	[tilespmem:$0xB670] =	vst v0  }
0x180: {  	[tilespmem:$0xB680] =	vst v0  }
0x181: {  	[tilespmem:$0xB690] =	vst v0  }
0x182: {  	[tilespmem:$0xB6A0] =	vst v0  }
0x183: {  	[tilespmem:$0xB6B0] =	vst v0  }
0x184: {  	[tilespmem:$0xB6C0] =	vst v0  }
0x185: {  	[tilespmem:$0xB6D0] =	vst v0  }
0x186: {  	[tilespmem:$0xB6E0] =	vst v0  }
0x187: {  	[tilespmem:$0xB6F0] =	vst v0  }
0x188: {  	[tilespmem:$0xB700] =	vst v0  }
0x189: {  	[tilespmem:$0xB710] =	vst v0  }
0x18a: {  	[tilespmem:$0xB720] =	vst v0  }
0x18b: {  	[tilespmem:$0xB730] =	vst v0  }
0x18c: {  	[tilespmem:$0xB740] =	vst v0  }
0x18d: {  	[tilespmem:$0xB750] =	vst v0  }
0x18e: {  	[tilespmem:$0xB760] =	vst v0  }
0x18f: {  	[tilespmem:$0xB770] =	vst v0  }
0x190: {  	[tilespmem:$0xB780] =	vst v0  }
0x191: {  	[tilespmem:$0xB790] =	vst v0  }
0x192: {  	[tilespmem:$0xB7A0] =	vst v0  }
0x193: {  	[tilespmem:$0xB7B0] =	vst v0  }
0x194: {  	[tilespmem:$0xB7C0] =	vst v0  }
0x195: {  	[tilespmem:$0xB7D0] =	vst v0  }
0x196: {  	[tilespmem:$0xB7E0] =	vst v0  }
0x197: {  	[tilespmem:$0xB7F0] =	vst v0  }
0x198: {  	[tilespmem:$0xB800] =	vst v0  }
0x199: {  	[tilespmem:$0xB810] =	vst v0  }
0x19a: {  	[tilespmem:$0xB820] =	vst v0  }
0x19b: {  	[tilespmem:$0xB830] =	vst v0  }
0x19c: {  	[tilespmem:$0xB840] =	vst v0  }
0x19d: {  	[tilespmem:$0xB850] =	vst v0  }
0x19e: {  	[tilespmem:$0xB860] =	vst v0  }
0x19f: {  	[tilespmem:$0xB870] =	vst v0  }
0x1a0: {  	[tilespmem:$0xB880] =	vst v0  }
0x1a1: {  	[tilespmem:$0xB890] =	vst v0  }
0x1a2: {  	[tilespmem:$0xB8A0] =	vst v0  }
0x1a3: {  	[tilespmem:$0xB8B0] =	vst v0  }
0x1a4: {  	[tilespmem:$0xB8C0] =	vst v0  }
0x1a5: {  	[tilespmem:$0xB8D0] =	vst v0  }
0x1a6: {  	[tilespmem:$0xB8E0] =	vst v0  }
0x1a7: {  	[tilespmem:$0xB8F0] =	vst v0  }
0x1a8: {  	[tilespmem:$0xB900] =	vst v0  }
0x1a9: {  	[tilespmem:$0xB910] =	vst v0  }
0x1aa: {  	[tilespmem:$0xB920] =	vst v0  }
0x1ab: {  	[tilespmem:$0xB930] =	vst v0  }
0x1ac: {  	[tilespmem:$0xB940] =	vst v0  }
0x1ad: {  	[tilespmem:$0xB950] =	vst v0  }
0x1ae: {  	[tilespmem:$0xB960] =	vst v0  }
0x1af: {  	[tilespmem:$0xB970] =	vst v0  }
0x1b0: {  	[tilespmem:$0xB980] =	vst v0  }
0x1b1: {  	[tilespmem:$0xB990] =	vst v0  }
0x1b2: {  	[tilespmem:$0xB9A0] =	vst v0  }
0x1b3: {  	[tilespmem:$0xB9B0] =	vst v0  }
0x1b4: {  	[tilespmem:$0xB9C0] =	vst v0  }
0x1b5: {  	[tilespmem:$0xB9D0] =	vst v0  }
0x1b6: {  	[tilespmem:$0xB9E0] =	vst v0  }
0x1b7: {  	[tilespmem:$0xB9F0] =	vst v0  }
0x1b8: {  	[tilespmem:$0xBA00] =	vst v0  }
0x1b9: {  	[tilespmem:$0xBA10] =	vst v0  }
0x1ba: {  	[tilespmem:$0xBA20] =	vst v0  }
0x1bb: {  	[tilespmem:$0xBA30] =	vst v0  }
0x1bc: {  	[tilespmem:$0xBA40] =	vst v0  }
0x1bd: {  	[tilespmem:$0xBA50] =	vst v0  }
0x1be: {  	[tilespmem:$0xBA60] =	vst v0  }
0x1bf: {  	[tilespmem:$0xBA70] =	vst v0  }
0x1c0: {  	[tilespmem:$0xBA80] =	vst v0  }
0x1c1: {  	[tilespmem:$0xBA90] =	vst v0  }
0x1c2: {  	[tilespmem:$0xBAA0] =	vst v0  }
0x1c3: {  	[tilespmem:$0xBAB0] =	vst v0  }
0x1c4: {  	[tilespmem:$0xBAC0] =	vst v0  }
0x1c5: {  	[tilespmem:$0xBAD0] =	vst v0  }
0x1c6: {  	[tilespmem:$0xBAE0] =	vst v0  }
0x1c7: {  	[tilespmem:$0xBAF0] =	vst v0  }
0x1c8: {  	[tilespmem:$0xBB00] =	vst v0  }
0x1c9: {  	[tilespmem:$0xBB10] =	vst v0  }
0x1ca: {  	[tilespmem:$0xBB20] =	vst v0  }
0x1cb: {  	[tilespmem:$0xBB30] =	vst v0  }
0x1cc: {  	[tilespmem:$0xBB40] =	vst v0  }
0x1cd: {  	[tilespmem:$0xBB50] =	vst v0  }
0x1ce: {  	[tilespmem:$0xBB60] =	vst v0  }
0x1cf: {  	[tilespmem:$0xBB70] =	vst v0  }
0x1d0: {  	[tilespmem:$0xBB80] =	vst v0  }
0x1d1: {  	[tilespmem:$0xBB90] =	vst v0  }
0x1d2: {  	[tilespmem:$0xBBA0] =	vst v0  }
0x1d3: {  	[tilespmem:$0xBBB0] =	vst v0  }
0x1d4: {  	[tilespmem:$0xBBC0] =	vst v0  }
0x1d5: {  	[tilespmem:$0xBBD0] =	vst v0  }
0x1d6: {  	[tilespmem:$0xBBE0] =	vst v0  }
0x1d7: {  	[tilespmem:$0xBBF0] =	vst v0  }
0x1d8: {  	[tilespmem:$0xBC00] =	vst v0  }
0x1d9: {  	[tilespmem:$0xBC10] =	vst v0  }
0x1da: {  	[tilespmem:$0xBC20] =	vst v0  }
0x1db: {  	[tilespmem:$0xBC30] =	vst v0  }
0x1dc: {  	[tilespmem:$0xBC40] =	vst v0  }
0x1dd: {  	[tilespmem:$0xBC50] =	vst v0  }
0x1de: {  	[tilespmem:$0xBC60] =	vst v0  }
0x1df: {  	[tilespmem:$0xBC70] =	vst v0  }
0x1e0: {  	[tilespmem:$0xBC80] =	vst v0  }
0x1e1: {  	[tilespmem:$0xBC90] =	vst v0  }
0x1e2: {  	[tilespmem:$0xBCA0] =	vst v0  }
0x1e3: {  	[tilespmem:$0xBCB0] =	vst v0  }
0x1e4: {  	[tilespmem:$0xBCC0] =	vst v0  }
0x1e5: {  	[tilespmem:$0xBCD0] =	vst v0  }
0x1e6: {  	[tilespmem:$0xBCE0] =	vst v0  }
0x1e7: {  	[tilespmem:$0xBCF0] =	vst v0  }
0x1e8: {  	[tilespmem:$0xBD00] =	vst v0  }
0x1e9: {  	[tilespmem:$0xBD10] =	vst v0  }
0x1ea: {  	[tilespmem:$0xBD20] =	vst v0  }
0x1eb: {  	[tilespmem:$0xBD30] =	vst v0  }
0x1ec: {  	[tilespmem:$0xBD40] =	vst v0  }
0x1ed: {  	[tilespmem:$0xBD50] =	vst v0  }
0x1ee: {  	[tilespmem:$0xBD60] =	vst v0  }
0x1ef: {  	[tilespmem:$0xBD70] =	vst v0  }
0x1f0: {  	[tilespmem:$0xBD80] =	vst v0  }
0x1f1: {  	[tilespmem:$0xBD90] =	vst v0  }
0x1f2: {  	[tilespmem:$0xBDA0] =	vst v0  }
0x1f3: {  	[tilespmem:$0xBDB0] =	vst v0  }
0x1f4: {  	[tilespmem:$0xBDC0] =	vst v0  }
0x1f5: {  	[tilespmem:$0xBDD0] =	vst v0  }
0x1f6: {  	[tilespmem:$0xBDE0] =	vst v0  }
0x1f7: {  	[tilespmem:$0xBDF0] =	vst v0  }
0x1f8: {  	[tilespmem:$0xBE00] =	vst v0  }
0x1f9: {  	[tilespmem:$0xBE10] =	vst v0  }
0x1fa: {  	[tilespmem:$0xBE20] =	vst v0  }
0x1fb: {  	[tilespmem:$0xBE30] =	vst v0  }
0x1fc: {  	[tilespmem:$0xBE40] =	vst v0  }
0x1fd: {  	[tilespmem:$0xBE50] =	vst v0  }
0x1fe: {  	[tilespmem:$0xBE60] =	vst v0  }
0x1ff: {  	[tilespmem:$0xBE70] =	vst v0  }
0x200: {  	[tilespmem:$0xBE80] =	vst v0  }
0x201: {  	[tilespmem:$0xBE90] =	vst v0  }
0x202: {  	[tilespmem:$0xBEA0] =	vst v0  }
0x203: {  	[tilespmem:$0xBEB0] =	vst v0  }
0x204: {  	[tilespmem:$0xBEC0] =	vst v0  }
0x205: {  	[tilespmem:$0xBED0] =	vst v0  }
0x206: {  	[tilespmem:$0xBEE0] =	vst v0  }
0x207: {  	[tilespmem:$0xBEF0] =	vst v0  }
0x208: {  	[tilespmem:$0xBF00] =	vst v0  }
0x209: {  	[tilespmem:$0xBF10] =	vst v0  }
0x20a: {  	[tilespmem:$0xBF20] =	vst v0  }
0x20b: {  	[tilespmem:$0xBF30] =	vst v0  }
0x20c: {  	[tilespmem:$0xBF40] =	vst v0  }
0x20d: {  	[tilespmem:$0xBF50] =	vst v0  }
0x20e: {  	[tilespmem:$0xBF60] =	vst v0  }
0x20f: {  	[tilespmem:$0xBF70] =	vst v0  }
0x210: {  	[tilespmem:$0xBF80] =	vst v0  }
0x211: {  	[tilespmem:$0xBF90] =	vst v0  }
0x212: {  	[tilespmem:$0xBFA0] =	vst v0  }
0x213: {  	[tilespmem:$0xBFB0] =	vst v0  }
0x214: {  	[tilespmem:$0xBFC0] =	vst v0  }
0x215: {  	[tilespmem:$0xBFD0] =	vst v0  }
0x216: {  	[tilespmem:$0xBFE0] =	vst v0  }
0x217: {  	[tilespmem:$0xBFF0] =	vst v0  }
0x218: {  	[tilespmem:$0xC000] =	vst v0  }
0x219: {  	[tilespmem:$0xC010] =	vst v0  }
0x21a: {  	[tilespmem:$0xC020] =	vst v0  }
0x21b: {  	[tilespmem:$0xC030] =	vst v0  }
0x21c: {  	[tilespmem:$0xC040] =	vst v0  }
0x21d: {  	[tilespmem:$0xC050] =	vst v0  }
0x21e: {  	[tilespmem:$0xC060] =	vst v0  }
0x21f: {  	[tilespmem:$0xC070] =	vst v0  }
0x220: {  	[tilespmem:$0xC080] =	vst v0  }
0x221: {  	[tilespmem:$0xC090] =	vst v0  }
0x222: {  	[tilespmem:$0xC0A0] =	vst v0  }
0x223: {  	[tilespmem:$0xC0B0] =	vst v0  }
0x224: {  	[tilespmem:$0xC0C0] =	vst v0  }
0x225: {  	[tilespmem:$0xC0D0] =	vst v0  }
0x226: {  	[tilespmem:$0xC0E0] =	vst v0  }
0x227: {  	[tilespmem:$0xC0F0] =	vst v0  }
0x228: {  	[tilespmem:$0xC100] =	vst v0  }
0x229: {  	[tilespmem:$0xC110] =	vst v0  }
0x22a: {  	[tilespmem:$0xC120] =	vst v0  }
0x22b: {  	[tilespmem:$0xC130] =	vst v0  }
0x22c: {  	[tilespmem:$0xC140] =	vst v0  }
0x22d: {  	[tilespmem:$0xC150] =	vst v0  }
0x22e: {  	[tilespmem:$0xC160] =	vst v0  }
0x22f: {  	[tilespmem:$0xC170] =	vst v0  }
0x230: {  	[tilespmem:$0xC180] =	vst v0  }
0x231: {  	[tilespmem:$0xC190] =	vst v0  }
0x232: {  	[tilespmem:$0xC1A0] =	vst v0  }
0x233: {  	[tilespmem:$0xC1B0] =	vst v0  }
0x234: {  	[tilespmem:$0xC1C0] =	vst v0  }
0x235: {  	[tilespmem:$0xC1D0] =	vst v0  }
0x236: {  	[tilespmem:$0xC1E0] =	vst v0  }
0x237: {  	[tilespmem:$0xC1F0] =	vst v0  }
0x238: {  	[tilespmem:$0xC200] =	vst v0  }
0x239: {  	[tilespmem:$0xC210] =	vst v0  }
0x23a: {  	[tilespmem:$0xC220] =	vst v0  }
0x23b: {  	[tilespmem:$0xC230] =	vst v0  }
0x23c: {  	[tilespmem:$0xC240] =	vst v0  }
0x23d: {  	[tilespmem:$0xC250] =	vst v0  }
0x23e: {  	[tilespmem:$0xC260] =	vst v0  }
0x23f: {  	[tilespmem:$0xC270] =	vst v0  }
0x240: {  	[tilespmem:$0xC280] =	vst v0  }
0x241: {  	[tilespmem:$0xC290] =	vst v0  }
0x242: {  	[tilespmem:$0xC2A0] =	vst v0  }
0x243: {  	[tilespmem:$0xC2B0] =	vst v0  }
0x244: {  	[tilespmem:$0xC2C0] =	vst v0  }
0x245: {  	[tilespmem:$0xC2D0] =	vst v0  }
0x246: {  	[tilespmem:$0xC2E0] =	vst v0  }
0x247: {  	[tilespmem:$0xC2F0] =	vst v0  }
0x248: {  	[tilespmem:$0xC300] =	vst v0  }
0x249: {  	[tilespmem:$0xC310] =	vst v0  }
0x24a: {  	[tilespmem:$0xC320] =	vst v0  }
0x24b: {  	[tilespmem:$0xC330] =	vst v0  }
0x24c: {  	[tilespmem:$0xC340] =	vst v0  }
0x24d: {  	[tilespmem:$0xC350] =	vst v0  }
0x24e: {  	[tilespmem:$0xC360] =	vst v0  }
0x24f: {  	[tilespmem:$0xC370] =	vst v0  }
0x250: {  	[tilespmem:$0xC380] =	vst v0  }
0x251: {  	[tilespmem:$0xC390] =	vst v0  }
0x252: {  	[tilespmem:$0xC3A0] =	vst v0  }
0x253: {  	[tilespmem:$0xC3B0] =	vst v0  }
0x254: {  	[tilespmem:$0xC3C0] =	vst v0  }
0x255: {  	[tilespmem:$0xC3D0] =	vst v0  }
0x256: {  	[tilespmem:$0xC3E0] =	vst v0  }
0x257: {  	[tilespmem:$0xC3F0] =	vst v0  }
0x258: {  	[tilespmem:$0xC400] =	vst v0  }
0x259: {  	[tilespmem:$0xC410] =	vst v0  }
0x25a: {  	[tilespmem:$0xC420] =	vst v0  }
0x25b: {  	[tilespmem:$0xC430] =	vst v0  }
0x25c: {  	[tilespmem:$0xC440] =	vst v0  }
0x25d: {  	[tilespmem:$0xC450] =	vst v0  }
0x25e: {  	[tilespmem:$0xC460] =	vst v0  }
0x25f: {  	[tilespmem:$0xC470] =	vst v0  }
0x260: {  	[tilespmem:$0xC480] =	vst v0  }
0x261: {  	[tilespmem:$0xC490] =	vst v0  }
0x262: {  	[tilespmem:$0xC4A0] =	vst v0  }
0x263: {  	[tilespmem:$0xC4B0] =	vst v0  }
0x264: {  	[tilespmem:$0xC4C0] =	vst v0  }
0x265: {  	[tilespmem:$0xC4D0] =	vst v0  }
0x266: {  	[tilespmem:$0xC4E0] =	vst v0  }
0x267: {  	[tilespmem:$0xC4F0] =	vst v0  }
0x268: {  	[tilespmem:$0xC500] =	vst v0  }
0x269: {  	[tilespmem:$0xC510] =	vst v0  }
0x26a: {  	[tilespmem:$0xC520] =	vst v0  }
0x26b: {  	[tilespmem:$0xC530] =	vst v0  }
0x26c: {  	[tilespmem:$0xC540] =	vst v0  }
0x26d: {  	[tilespmem:$0xC550] =	vst v0  }
0x26e: {  	[tilespmem:$0xC560] =	vst v0  }
0x26f: {  	[tilespmem:$0xC570] =	vst v0  }
0x270: {  	[tilespmem:$0xC580] =	vst v0  }
0x271: {  	[tilespmem:$0xC590] =	vst v0  }
0x272: {  	[tilespmem:$0xC5A0] =	vst v0  }
0x273: {  	[tilespmem:$0xC5B0] =	vst v0  }
0x274: {  	[tilespmem:$0xC5C0] =	vst v0  }
0x275: {  	[tilespmem:$0xC5D0] =	vst v0  }
0x276: {  	[tilespmem:$0xC5E0] =	vst v0  }
0x277: {  	[tilespmem:$0xC5F0] =	vst v0  }
0x278: {  	[tilespmem:$0xC600] =	vst v0  }
0x279: {  	[tilespmem:$0xC610] =	vst v0  }
0x27a: {  	[tilespmem:$0xC620] =	vst v0  }
0x27b: {  	[tilespmem:$0xC630] =	vst v0  }
0x27c: {  	[tilespmem:$0xC640] =	vst v0  }
0x27d: {  	[tilespmem:$0xC650] =	vst v0  }
0x27e: {  	[tilespmem:$0xC660] =	vst v0  }
0x27f: {  	[tilespmem:$0xC670] =	vst v0  }
0x280: {  	[tilespmem:$0xC680] =	vst v0  }
0x281: {  	[tilespmem:$0xC690] =	vst v0  }
0x282: {  	[tilespmem:$0xC6A0] =	vst v0  }
0x283: {  	[tilespmem:$0xC6B0] =	vst v0  }
0x284: {  	[tilespmem:$0xC6C0] =	vst v0  }
0x285: {  	[tilespmem:$0xC6D0] =	vst v0  }
0x286: {  	[tilespmem:$0xC6E0] =	vst v0  }
0x287: {  	[tilespmem:$0xC6F0] =	vst v0  }
0x288: {  	[tilespmem:$0xC700] =	vst v0  }
0x289: {  	[tilespmem:$0xC710] =	vst v0  }
0x28a: {  	[tilespmem:$0xC720] =	vst v0  }
0x28b: {  	[tilespmem:$0xC730] =	vst v0  }
0x28c: {  	[tilespmem:$0xC740] =	vst v0  }
0x28d: {  	[tilespmem:$0xC750] =	vst v0  }
0x28e: {  	[tilespmem:$0xC760] =	vst v0  }
0x28f: {  	[tilespmem:$0xC770] =	vst v0  }
0x290: {  	[tilespmem:$0xC780] =	vst v0  }
0x291: {  	[tilespmem:$0xC790] =	vst v0  }
0x292: {  	[tilespmem:$0xC7A0] =	vst v0  }
0x293: {  	[tilespmem:$0xC7B0] =	vst v0  }
0x294: {  	[tilespmem:$0xC7C0] =	vst v0  }
0x295: {  	[tilespmem:$0xC7D0] =	vst v0  }
0x296: {  	[tilespmem:$0xC7E0] =	vst v0  }
0x297: {  	[tilespmem:$0xC7F0] =	vst v0  }
0x298: {  	[tilespmem:$0xC800] =	vst v0  }
0x299: {  	[tilespmem:$0xC810] =	vst v0  }
0x29a: {  	[tilespmem:$0xC820] =	vst v0  }
0x29b: {  	[tilespmem:$0xC830] =	vst v0  }
0x29c: {  	[tilespmem:$0xC840] =	vst v0  }
0x29d: {  	[tilespmem:$0xC850] =	vst v0  }
0x29e: {  	[tilespmem:$0xC860] =	vst v0  }
0x29f: {  	[tilespmem:$0xC870] =	vst v0  }
0x2a0: {  	[tilespmem:$0xC880] =	vst v0  }
0x2a1: {  	[tilespmem:$0xC890] =	vst v0  }
0x2a2: {  	[tilespmem:$0xC8A0] =	vst v0  }
0x2a3: {  	[tilespmem:$0xC8B0] =	vst v0  }
0x2a4: {  	[tilespmem:$0xC8C0] =	vst v0  }
0x2a5: {  	[tilespmem:$0xC8D0] =	vst v0  }
0x2a6: {  	[tilespmem:$0xC8E0] =	vst v0  }
0x2a7: {  	[tilespmem:$0xC8F0] =	vst v0  }
0x2a8: {  	[tilespmem:$0xC900] =	vst v0  }
0x2a9: {  	[tilespmem:$0xC910] =	vst v0  }
0x2aa: {  	[tilespmem:$0xC920] =	vst v0  }
0x2ab: {  	[tilespmem:$0xC930] =	vst v0  }
0x2ac: {  	[tilespmem:$0xC940] =	vst v0  }
0x2ad: {  	[tilespmem:$0xC950] =	vst v0  }
0x2ae: {  	[tilespmem:$0xC960] =	vst v0  }
0x2af: {  	[tilespmem:$0xC970] =	vst v0  }
0x2b0: {  	[tilespmem:$0xC980] =	vst v0  }
0x2b1: {  	[tilespmem:$0xC990] =	vst v0  }
0x2b2: {  	[tilespmem:$0xC9A0] =	vst v0  }
0x2b3: {  	[tilespmem:$0xC9B0] =	vst v0  }
0x2b4: {  	[tilespmem:$0xC9C0] =	vst v0  }
0x2b5: {  	[tilespmem:$0xC9D0] =	vst v0  }
0x2b6: {  	[tilespmem:$0xC9E0] =	vst v0  }
0x2b7: {  	[tilespmem:$0xC9F0] =	vst v0  }
0x2b8: {  	[tilespmem:$0xCA00] =	vst v0  }
0x2b9: {  	[tilespmem:$0xCA10] =	vst v0  }
0x2ba: {  	[tilespmem:$0xCA20] =	vst v0  }
0x2bb: {  	[tilespmem:$0xCA30] =	vst v0  }
0x2bc: {  	[tilespmem:$0xCA40] =	vst v0  }
0x2bd: {  	[tilespmem:$0xCA50] =	vst v0  }
0x2be: {  	[tilespmem:$0xCA60] =	vst v0  }
0x2bf: {  	[tilespmem:$0xCA70] =	vst v0  }
0x2c0: {  	[tilespmem:$0xCA80] =	vst v0  }
0x2c1: {  	[tilespmem:$0xCA90] =	vst v0  }
0x2c2: {  	[tilespmem:$0xCAA0] =	vst v0  }
0x2c3: {  	[tilespmem:$0xCAB0] =	vst v0  }
0x2c4: {  	[tilespmem:$0xCAC0] =	vst v0  }
0x2c5: {  	[tilespmem:$0xCAD0] =	vst v0  }
0x2c6: {  	[tilespmem:$0xCAE0] =	vst v0  }
0x2c7: {  	[tilespmem:$0xCAF0] =	vst v0  }
0x2c8: {  	[tilespmem:$0xCB00] =	vst v0  }
0x2c9: {  	[tilespmem:$0xCB10] =	vst v0  }
0x2ca: {  	[tilespmem:$0xCB20] =	vst v0  }
0x2cb: {  	[tilespmem:$0xCB30] =	vst v0  }
0x2cc: {  	[tilespmem:$0xCB40] =	vst v0  }
0x2cd: {  	[tilespmem:$0xCB50] =	vst v0  }
0x2ce: {  	[tilespmem:$0xCB60] =	vst v0  }
0x2cf: {  	[tilespmem:$0xCB70] =	vst v0  }
0x2d0: {  	[tilespmem:$0xCB80] =	vst v0  }
0x2d1: {  	[tilespmem:$0xCB90] =	vst v0  }
0x2d2: {  	[tilespmem:$0xCBA0] =	vst v0  }
0x2d3: {  	[tilespmem:$0xCBB0] =	vst v0  }
0x2d4: {  	[tilespmem:$0xCBC0] =	vst v0  }
0x2d5: {  	[tilespmem:$0xCBD0] =	vst v0  }
0x2d6: {  	[tilespmem:$0xCBE0] =	vst v0  }
0x2d7: {  	[tilespmem:$0xCBF0] =	vst v0  }
0x2d8: {  	[tilespmem:$0xCC00] =	vst v0  }
0x2d9: {  	[tilespmem:$0xCC10] =	vst v0  }
0x2da: {  	[tilespmem:$0xCC20] =	vst v0  }
0x2db: {  	[tilespmem:$0xCC30] =	vst v0  }
0x2dc: {  	[tilespmem:$0xCC40] =	vst v0  }
0x2dd: {  	[tilespmem:$0xCC50] =	vst v0  }
0x2de: {  	[tilespmem:$0xCC60] =	vst v0  }
0x2df: {  	[tilespmem:$0xCC70] =	vst v0  }
0x2e0: {  	[tilespmem:$0xCC80] =	vst v0  }
0x2e1: {  	[tilespmem:$0xCC90] =	vst v0  }
0x2e2: {  	[tilespmem:$0xCCA0] =	vst v0  }
0x2e3: {  	[tilespmem:$0xCCB0] =	vst v0  }
0x2e4: {  	[tilespmem:$0xCCC0] =	vst v0  }
0x2e5: {  	[tilespmem:$0xCCD0] =	vst v0  }
0x2e6: {  	[tilespmem:$0xCCE0] =	vst v0  }
0x2e7: {  	[tilespmem:$0xCCF0] =	vst v0  }
0x2e8: {  	[tilespmem:$0xCD00] =	vst v0  }
0x2e9: {  	[tilespmem:$0xCD10] =	vst v0  }
0x2ea: {  	[tilespmem:$0xCD20] =	vst v0  }
0x2eb: {  	[tilespmem:$0xCD30] =	vst v0  }
0x2ec: {  	[tilespmem:$0xCD40] =	vst v0  }
0x2ed: {  	[tilespmem:$0xCD50] =	vst v0  }
0x2ee: {  	[tilespmem:$0xCD60] =	vst v0  }
0x2ef: {  	[tilespmem:$0xCD70] =	vst v0  }
0x2f0: {  	[tilespmem:$0xCD80] =	vst v0  }
0x2f1: {  	[tilespmem:$0xCD90] =	vst v0  }
0x2f2: {  	[tilespmem:$0xCDA0] =	vst v0  }
0x2f3: {  	[tilespmem:$0xCDB0] =	vst v0  }
0x2f4: {  	[tilespmem:$0xCDC0] =	vst v0  }
0x2f5: {  	[tilespmem:$0xCDD0] =	vst v0  }
0x2f6: {  	[tilespmem:$0xCDE0] =	vst v0  }
0x2f7: {  	[tilespmem:$0xCDF0] =	vst v0  }
0x2f8: {  	[tilespmem:$0xCE00] =	vst v0  }
0x2f9: {  	[tilespmem:$0xCE10] =	vst v0  }
0x2fa: {  	[tilespmem:$0xCE20] =	vst v0  }
0x2fb: {  	[tilespmem:$0xCE30] =	vst v0  }
0x2fc: {  	[tilespmem:$0xCE40] =	vst v0  }
0x2fd: {  	[tilespmem:$0xCE50] =	vst v0  }
0x2fe: {  	[tilespmem:$0xCE60] =	vst v0  }
0x2ff: {  	[tilespmem:$0xCE70] =	vst v0  }
0x300: {  	[tilespmem:$0xCE80] =	vst v0  }
0x301: {  	[tilespmem:$0xCE90] =	vst v0  }
0x302: {  	[tilespmem:$0xCEA0] =	vst v0  }
0x303: {  	[tilespmem:$0xCEB0] =	vst v0  }
0x304: {  	[tilespmem:$0xCEC0] =	vst v0  }
0x305: {  	[tilespmem:$0xCED0] =	vst v0  }
0x306: {  	[tilespmem:$0xCEE0] =	vst v0  }
0x307: {  	[tilespmem:$0xCEF0] =	vst v0  }
0x308: {  	[tilespmem:$0xCF00] =	vst v0  }
0x309: {  	[tilespmem:$0xCF10] =	vst v0  }
0x30a: {  	[tilespmem:$0xCF20] =	vst v0  }
0x30b: {  	[tilespmem:$0xCF30] =	vst v0  }
0x30c: {  	[tilespmem:$0xCF40] =	vst v0  }
0x30d: {  	[tilespmem:$0xCF50] =	vst v0  }
0x30e: {  	[tilespmem:$0xCF60] =	vst v0  }
0x30f: {  	[tilespmem:$0xCF70] =	vst v0  }
0x310: {  	[tilespmem:$0xCF80] =	vst v0  }
0x311: {  	[tilespmem:$0xCF90] =	vst v0  }
0x312: {  	[tilespmem:$0xCFA0] =	vst v0  }
0x313: {  	[tilespmem:$0xCFB0] =	vst v0  }
0x314: {  	[tilespmem:$0xCFC0] =	vst v0  }
0x315: {  	[tilespmem:$0xCFD0] =	vst v0  }
0x316: {  	[tilespmem:$0xCFE0] =	vst v0  }
0x317: {  	[tilespmem:$0xCFF0] =	vst v0  }
0x318: {  	[tilespmem:$0xD000] =	vst v0  }
0x319: {  	[tilespmem:$0xD010] =	vst v0  }
0x31a: {  	[tilespmem:$0xD020] =	vst v0  }
0x31b: {  	[tilespmem:$0xD030] =	vst v0  }
0x31c: {  	[tilespmem:$0xD040] =	vst v0  }
0x31d: {  	[tilespmem:$0xD050] =	vst v0  }
0x31e: {  	[tilespmem:$0xD060] =	vst v0  }
0x31f: {  	[tilespmem:$0xD070] =	vst v0  }
0x320: {  	[tilespmem:$0xD080] =	vst v0  }
0x321: {  	[tilespmem:$0xD090] =	vst v0  }
0x322: {  	[tilespmem:$0xD0A0] =	vst v0  }
0x323: {  	[tilespmem:$0xD0B0] =	vst v0  }
0x324: {  	[tilespmem:$0xD0C0] =	vst v0  }
0x325: {  	[tilespmem:$0xD0D0] =	vst v0  }
0x326: {  	[tilespmem:$0xD0E0] =	vst v0  }
0x327: {  	[tilespmem:$0xD0F0] =	vst v0  }
0x328: {  	[tilespmem:$0xD100] =	vst v0  }
0x329: {  	[tilespmem:$0xD110] =	vst v0  }
0x32a: {  	[tilespmem:$0xD120] =	vst v0  }
0x32b: {  	[tilespmem:$0xD130] =	vst v0  }
0x32c: {  	[tilespmem:$0xD140] =	vst v0  }
0x32d: {  	[tilespmem:$0xD150] =	vst v0  }
0x32e: {  	[tilespmem:$0xD160] =	vst v0  }
0x32f: {  	[tilespmem:$0xD170] =	vst v0  }
0x330: {  	[tilespmem:$0xD180] =	vst v0  }
0x331: {  	[tilespmem:$0xD190] =	vst v0  }
0x332: {  	[tilespmem:$0xD1A0] =	vst v0  }
0x333: {  	[tilespmem:$0xD1B0] =	vst v0  }
0x334: {  	[tilespmem:$0xD1C0] =	vst v0  }
0x335: {  	[tilespmem:$0xD1D0] =	vst v0  }
0x336: {  	[tilespmem:$0xD1E0] =	vst v0  }
0x337: {  	[tilespmem:$0xD1F0] =	vst v0  }
0x338: {  	[tilespmem:$0xD200] =	vst v0  }
0x339: {  	[tilespmem:$0xD210] =	vst v0  }
0x33a: {  	[tilespmem:$0xD220] =	vst v0  }
0x33b: {  	[tilespmem:$0xD230] =	vst v0  }
0x33c: {  	[tilespmem:$0xD240] =	vst v0  }
0x33d: {  	[tilespmem:$0xD250] =	vst v0  }
0x33e: {  	[tilespmem:$0xD260] =	vst v0  }
0x33f: {  	[tilespmem:$0xD270] =	vst v0  }
0x340: {  	[tilespmem:$0xD280] =	vst v0  }
0x341: {  	[tilespmem:$0xD290] =	vst v0  }
0x342: {  	[tilespmem:$0xD2A0] =	vst v0  }
0x343: {  	[tilespmem:$0xD2B0] =	vst v0  }
0x344: {  	[tilespmem:$0xD2C0] =	vst v0  }
0x345: {  	[tilespmem:$0xD2D0] =	vst v0  }
0x346: {  	[tilespmem:$0xD2E0] =	vst v0  }
0x347: {  	[tilespmem:$0xD2F0] =	vst v0  }
0x348: {  	[tilespmem:$0xD300] =	vst v0  }
0x349: {  	[tilespmem:$0xD310] =	vst v0  }
0x34a: {  	[tilespmem:$0xD320] =	vst v0  }
0x34b: {  	[tilespmem:$0xD330] =	vst v0  }
0x34c: {  	[tilespmem:$0xD340] =	vst v0  }
0x34d: {  	[tilespmem:$0xD350] =	vst v0  }
0x34e: {  	[tilespmem:$0xD360] =	vst v0  }
0x34f: {  	[tilespmem:$0xD370] =	vst v0  }
0x350: {  	[tilespmem:$0xD380] =	vst v0  }
0x351: {  	[tilespmem:$0xD390] =	vst v0  }
0x352: {  	[tilespmem:$0xD3A0] =	vst v0  }
0x353: {  	[tilespmem:$0xD3B0] =	vst v0  }
0x354: {  	[tilespmem:$0xD3C0] =	vst v0  }
0x355: {  	[tilespmem:$0xD3D0] =	vst v0  }
0x356: {  	[tilespmem:$0xD3E0] =	vst v0  }
0x357: {  	[tilespmem:$0xD3F0] =	vst v0  }
0x358: {  	[tilespmem:$0xD400] =	vst v0  }
0x359: {  	[tilespmem:$0xD410] =	vst v0  }
0x35a: {  	[tilespmem:$0xD420] =	vst v0  }
0x35b: {  	[tilespmem:$0xD430] =	vst v0  }
0x35c: {  	[tilespmem:$0xD440] =	vst v0  }
0x35d: {  	[tilespmem:$0xD450] =	vst v0  }
0x35e: {  	[tilespmem:$0xD460] =	vst v0  }
0x35f: {  	[tilespmem:$0xD470] =	vst v0  }
0x360: {  	[tilespmem:$0xD480] =	vst v0  }
0x361: {  	[tilespmem:$0xD490] =	vst v0  }
0x362: {  	[tilespmem:$0xD4A0] =	vst v0  }
0x363: {  	[tilespmem:$0xD4B0] =	vst v0  }
0x364: {  	[tilespmem:$0xD4C0] =	vst v0  }
0x365: {  	[tilespmem:$0xD4D0] =	vst v0  }
0x366: {  	[tilespmem:$0xD4E0] =	vst v0  }
0x367: {  	[tilespmem:$0xD4F0] =	vst v0  }
0x368: {  	[tilespmem:$0xD500] =	vst v0  }
0x369: {  	[tilespmem:$0xD510] =	vst v0  }
0x36a: {  	[tilespmem:$0xD520] =	vst v0  }
0x36b: {  	[tilespmem:$0xD530] =	vst v0  }
0x36c: {  	[tilespmem:$0xD540] =	vst v0  }
0x36d: {  	[tilespmem:$0xD550] =	vst v0  }
0x36e: {  	[tilespmem:$0xD560] =	vst v0  }
0x36f: {  	[tilespmem:$0xD570] =	vst v0  }
0x370: {  	[tilespmem:$0xD580] =	vst v0  }
0x371: {  	[tilespmem:$0xD590] =	vst v0  }
0x372: {  	[tilespmem:$0xD5A0] =	vst v0  }
0x373: {  	[tilespmem:$0xD5B0] =	vst v0  }
0x374: {  	[tilespmem:$0xD5C0] =	vst v0  }
0x375: {  	[tilespmem:$0xD5D0] =	vst v0  }
0x376: {  	[tilespmem:$0xD5E0] =	vst v0  }
0x377: {  	[tilespmem:$0xD5F0] =	vst v0  }
0x378: {  	[tilespmem:$0xD600] =	vst v0  }
0x379: {  	[tilespmem:$0xD610] =	vst v0  }
0x37a: {  	[tilespmem:$0xD620] =	vst v0  }
0x37b: {  	[tilespmem:$0xD630] =	vst v0  }
0x37c: {  	[tilespmem:$0xD640] =	vst v0  }
0x37d: {  	[tilespmem:$0xD650] =	vst v0  }
0x37e: {  	[tilespmem:$0xD660] =	vst v0  }
0x37f: {  	[tilespmem:$0xD670] =	vst v0  }
0x380: {  	[tilespmem:$0xD680] =	vst v0  }
0x381: {  	[tilespmem:$0xD690] =	vst v0  }
0x382: {  	[tilespmem:$0xD6A0] =	vst v0  }
0x383: {  	[tilespmem:$0xD6B0] =	vst v0  }
0x384: {  	[tilespmem:$0xD6C0] =	vst v0  }
0x385: {  	[tilespmem:$0xD6D0] =	vst v0  }
0x386: {  	[tilespmem:$0xD6E0] =	vst v0  }
0x387: {  	[tilespmem:$0xD6F0] =	vst v0  }
0x388: {  	[tilespmem:$0xD700] =	vst v0  }
0x389: {  	[tilespmem:$0xD710] =	vst v0  }
0x38a: {  	[tilespmem:$0xD720] =	vst v0  }
0x38b: {  	[tilespmem:$0xD730] =	vst v0  }
0x38c: {  	[tilespmem:$0xD740] =	vst v0  }
0x38d: {  	[tilespmem:$0xD750] =	vst v0  }
0x38e: {  	[tilespmem:$0xD760] =	vst v0  }
0x38f: {  	[tilespmem:$0xD770] =	vst v0  }
0x390: {  	[tilespmem:$0xD780] =	vst v0  }
0x391: {  	[tilespmem:$0xD790] =	vst v0  }
0x392: {  	[tilespmem:$0xD7A0] =	vst v0  }
0x393: {  	[tilespmem:$0xD7B0] =	vst v0  }
0x394: {  	[tilespmem:$0xD7C0] =	vst v0  }
0x395: {  	[tilespmem:$0xD7D0] =	vst v0  }
0x396: {  	[tilespmem:$0xD7E0] =	vst v0  }
0x397: {  	[tilespmem:$0xD7F0] =	vst v0  }
0x398: {  	[tilespmem:$0xD800] =	vst v0  }
0x399: {  	[tilespmem:$0xD810] =	vst v0  }
0x39a: {  	[tilespmem:$0xD820] =	vst v0  }
0x39b: {  	[tilespmem:$0xD830] =	vst v0  }
0x39c: {  	[tilespmem:$0xD840] =	vst v0  }
0x39d: {  	[tilespmem:$0xD850] =	vst v0  }
0x39e: {  	[tilespmem:$0xD860] =	vst v0  }
0x39f: {  	[tilespmem:$0xD870] =	vst v0  }
0x3a0: {  	[tilespmem:$0xD880] =	vst v0  }
0x3a1: {  	[tilespmem:$0xD890] =	vst v0  }
0x3a2: {  	[tilespmem:$0xD8A0] =	vst v0  }
0x3a3: {  	[tilespmem:$0xD8B0] =	vst v0  }
0x3a4: {  	[tilespmem:$0xD8C0] =	vst v0  }
0x3a5: {  	[tilespmem:$0xD8D0] =	vst v0  }
0x3a6: {  	[tilespmem:$0xD8E0] =	vst v0  }
0x3a7: {  	[tilespmem:$0xD8F0] =	vst v0  }
0x3a8: {  	[tilespmem:$0xD900] =	vst v0  }
0x3a9: {  	[tilespmem:$0xD910] =	vst v0  }
0x3aa: {  	[tilespmem:$0xD920] =	vst v0  }
0x3ab: {  	[tilespmem:$0xD930] =	vst v0  }
0x3ac: {  	[tilespmem:$0xD940] =	vst v0  }
0x3ad: {  	[tilespmem:$0xD950] =	vst v0  }
0x3ae: {  	[tilespmem:$0xD960] =	vst v0  }
0x3af: {  	[tilespmem:$0xD970] =	vst v0  }
0x3b0: {  	[tilespmem:$0xD980] =	vst v0  }
0x3b1: {  	[tilespmem:$0xD990] =	vst v0  }
0x3b2: {  	[tilespmem:$0xD9A0] =	vst v0  }
0x3b3: {  	[tilespmem:$0xD9B0] =	vst v0  }
0x3b4: {  	[tilespmem:$0xD9C0] =	vst v0  }
0x3b5: {  	[tilespmem:$0xD9D0] =	vst v0  }
0x3b6: {  	[tilespmem:$0xD9E0] =	vst v0  }
0x3b7: {  	[tilespmem:$0xD9F0] =	vst v0  }
0x3b8: {  	[tilespmem:$0xDA00] =	vst v0  }
0x3b9: {  	[tilespmem:$0xDA10] =	vst v0  }
0x3ba: {  	[tilespmem:$0xDA20] =	vst v0  }
0x3bb: {  	[tilespmem:$0xDA30] =	vst v0  }
0x3bc: {  	[tilespmem:$0xDA40] =	vst v0  }
0x3bd: {  	[tilespmem:$0xDA50] =	vst v0  }
0x3be: {  	[tilespmem:$0xDA60] =	vst v0  }
0x3bf: {  	[tilespmem:$0xDA70] =	vst v0  }
0x3c0: {  	[tilespmem:$0xDA80] =	vst v0  }
0x3c1: {  	[tilespmem:$0xDA90] =	vst v0  }
0x3c2: {  	[tilespmem:$0xDAA0] =	vst v0  }
0x3c3: {  	[tilespmem:$0xDAB0] =	vst v0  }
0x3c4: {  	[tilespmem:$0xDAC0] =	vst v0  }
0x3c5: {  	[tilespmem:$0xDAD0] =	vst v0  }
0x3c6: {  	[tilespmem:$0xDAE0] =	vst v0  }
0x3c7: {  	[tilespmem:$0xDAF0] =	vst v0  }
0x3c8: {  	[tilespmem:$0xDB00] =	vst v0  }
0x3c9: {  	[tilespmem:$0xDB10] =	vst v0  }
0x3ca: {  	[tilespmem:$0xDB20] =	vst v0  }
0x3cb: {  	[tilespmem:$0xDB30] =	vst v0  }
0x3cc: {  	[tilespmem:$0xDB40] =	vst v0  }
0x3cd: {  	[tilespmem:$0xDB50] =	vst v0  }
0x3ce: {  	[tilespmem:$0xDB60] =	vst v0  }
0x3cf: {  	[tilespmem:$0xDB70] =	vst v0  }
0x3d0: {  	[tilespmem:$0xDB80] =	vst v0  }
0x3d1: {  	[tilespmem:$0xDB90] =	vst v0  }
0x3d2: {  	[tilespmem:$0xDBA0] =	vst v0  }
0x3d3: {  	[tilespmem:$0xDBB0] =	vst v0  }
0x3d4: {  	[tilespmem:$0xDBC0] =	vst v0  }
0x3d5: {  	[tilespmem:$0xDBD0] =	vst v0  }
0x3d6: {  	[tilespmem:$0xDBE0] =	vst v0  }
0x3d7: {  	[tilespmem:$0xDBF0] =	vst v0  }
0x3d8: {  	[tilespmem:$0xDC00] =	vst v0  }
0x3d9: {  	[tilespmem:$0xDC10] =	vst v0  }
0x3da: {  	[tilespmem:$0xDC20] =	vst v0  }
0x3db: {  	[tilespmem:$0xDC30] =	vst v0  }
0x3dc: {  	[tilespmem:$0xDC40] =	vst v0  }
0x3dd: {  	[tilespmem:$0xDC50] =	vst v0  }
0x3de: {  	[tilespmem:$0xDC60] =	vst v0  }
0x3df: {  	[tilespmem:$0xDC70] =	vst v0  }
0x3e0: {  	[tilespmem:$0xDC80] =	vst v0  }
0x3e1: {  	[tilespmem:$0xDC90] =	vst v0  }
0x3e2: {  	[tilespmem:$0xDCA0] =	vst v0  }
0x3e3: {  	[tilespmem:$0xDCB0] =	vst v0  }
0x3e4: {  	[tilespmem:$0xDCC0] =	vst v0  }
0x3e5: {  	[tilespmem:$0xDCD0] =	vst v0  }
0x3e6: {  	[tilespmem:$0xDCE0] =	vst v0  }
0x3e7: {  	[tilespmem:$0xDCF0] =	vst v0  }
0x3e8: {  	[tilespmem:$0xDD00] =	vst v0  }
0x3e9: {  	[tilespmem:$0xDD10] =	vst v0  }
0x3ea: {  	[tilespmem:$0xDD20] =	vst v0  }
0x3eb: {  	[tilespmem:$0xDD30] =	vst v0  }
0x3ec: {  	[tilespmem:$0xDD40] =	vst v0  }
0x3ed: {  	[tilespmem:$0xDD50] =	vst v0  }
0x3ee: {  	[tilespmem:$0xDD60] =	vst v0  }
0x3ef: {  	[tilespmem:$0xDD70] =	vst v0  }
0x3f0: {  	[tilespmem:$0xDD80] =	vst v0  }
0x3f1: {  	[tilespmem:$0xDD90] =	vst v0  }
0x3f2: {  	[tilespmem:$0xDDA0] =	vst v0  }
0x3f3: {  	[tilespmem:$0xDDB0] =	vst v0  }
0x3f4: {  	[tilespmem:$0xDDC0] =	vst v0  }
0x3f5: {  	[tilespmem:$0xDDD0] =	vst v0  }
0x3f6: {  	[tilespmem:$0xDDE0] =	vst v0  }
0x3f7: {  	[tilespmem:$0xDDF0] =	vst v0  }
0x3f8: {  	[tilespmem:$0xDE00] =	vst v0  }
0x3f9: {  	[tilespmem:$0xDE10] =	vst v0  }
0x3fa: {  	[tilespmem:$0xDE20] =	vst v0  }
0x3fb: {  	[tilespmem:$0xDE30] =	vst v0  }
0x3fc: {  	[tilespmem:$0xDE40] =	vst v0  }
0x3fd: {  	[tilespmem:$0xDE50] =	vst v0  }
0x3fe: {  	[tilespmem:$0xDE60] =	vst v0  }
0x3ff: {  	[tilespmem:$0xDE70] =	vst v0  }
0x400: {  	[tilespmem:$0xDE80] =	vst v0  }
0x401: {  	[tilespmem:$0xDE90] =	vst v0  }
0x402: {  	[tilespmem:$0xDEA0] =	vst v0  }
0x403: {  	[tilespmem:$0xDEB0] =	vst v0  }
0x404: {  	[tilespmem:$0xDEC0] =	vst v0  }
0x405: {  	[tilespmem:$0xDED0] =	vst v0  }
0x406: {  	[tilespmem:$0xDEE0] =	vst v0  }
0x407: {  	[tilespmem:$0xDEF0] =	vst v0  }
0x408: {  	[tilespmem:$0xDF00] =	vst v0  }
0x409: {  	[tilespmem:$0xDF10] =	vst v0  }
0x40a: {  	[tilespmem:$0xDF20] =	vst v0  }
0x40b: {  	[tilespmem:$0xDF30] =	vst v0  }
0x40c: {  	[tilespmem:$0xDF40] =	vst v0  }
0x40d: {  	[tilespmem:$0xDF50] =	vst v0  }
0x40e: {  	[tilespmem:$0xDF60] =	vst v0  }
0x40f: {  	[tilespmem:$0xDF70] =	vst v0  }
0x410: {  	[tilespmem:$0xDF80] =	vst v0  }
0x411: {  	[tilespmem:$0xDF90] =	vst v0  }
0x412: {  	[tilespmem:$0xDFA0] =	vst v0  }
0x413: {  	[tilespmem:$0xDFB0] =	vst v0  }
0x414: {  	[tilespmem:$0xDFC0] =	vst v0  }
0x415: {  	[tilespmem:$0xDFD0] =	vst v0  }
0x416: {  	[tilespmem:$0xDFE0] =	vst v0  }
0x417: {  	[tilespmem:$0xDFF0] =	vst v0  }
0x418: {  	[spmem:s7] =	stream.linear.scatter [tilespmem:s14], [sflag:$0x3], $0x4000, $0x38;
	[tilespmem:$0x1E000] =	vst v63  }
0x419: {  	_ =	swait.ge [sflag:s12], $0x4000  }
0x41a: {  	[sflag:s12] =	ssyncset.done $0x0  }
0x41b: {  	[sflag:s12] =	ssyncadd.s32 $0xFFFFC000  }
0x41c: {  	[spmem:s8] =	stream.linear.scatter [tilespmem:s14], [sflag:$0x3], $0x4000, $0x38;
	[tilespmem:$0x1E000] =	vst v63  }
0x41d: {  	_ =	swait.ge [sflag:s12], $0x4000  }
0x41e: {  	[sflag:s12] =	ssyncset.done $0x0  }
0x41f: {  	[sflag:s12] =	ssyncadd.s32 $0xFFFFC000  }
0x420: {  	[spmem:s9] =	stream.linear.scatter [tilespmem:s14], [sflag:$0x3], $0x4000, $0x38;
	[tilespmem:$0x1E000] =	vst v63  }
0x421: {  	_ =	swait.ge [sflag:s12], $0x4000  }
0x422: {  	[sflag:s12] =	ssyncset.done $0x0  }
0x423: {  	[sflag:s12] =	ssyncadd.s32 $0xFFFFC000  }
0x424: {  	[bflag:$0x0] =	sbarrier.arrive $0xFFFF  }
0x425: {  	[tilespmem:s14], [sflag:$0x1] =	stream.indirect.gather [hbm4b:s4+s15], $0x80, s3, s15, $0xb8;
	[tilespmem:$0x1E000] =	vst v63  }
0x426: {  	s25 =	simm.s32 $0x80  }
0x427: {  	[tilespmem:s16], [sflag:$0x2] =	stream.indirect.gather [hbm4b:s4+s15], $0x80, s25, s15, $0xb8;
	[tilespmem:$0x1E000] =	vst v63  }
0x428: {  	_ =	swait.ge [sflag:s17], $0x4000  }
0x429: {  	[sflag:s17] =	ssyncset.done $0x0  }
0x42a: {  	s29 =	simm.s32 $0x5000;
	[sflag:s17] =	ssyncadd.s32 $0xFFFFC000  }
0x42b: {  	[spmem:s2] =	stream.indirect.scatter.add.f32 [tilespmem:s14], [sflag:$0x3], $0x80, s29, s15, $0xb8;
	[tilespmem:$0x1E000] =	vst v63  }
0x42c: {  	_ =	swait.ge [sflag:s12], $0x4000  }
0x42d: {  	[sflag:s12] =	ssyncset.done $0x0  }
0x42e: {  	s30 =	simm.s32 $0x100;
	[sflag:s12] =	ssyncadd.s32 $0xFFFFC000  }
0x42f: {  	[tilespmem:s14], [sflag:$0x1] =	stream.indirect.gather [hbm4b:s4+s15], $0x80, s30, s15, $0xb8;
	[tilespmem:$0x1E000] =	vst v63  }
0x430: {  	_ =	swait.ge [sflag:s18], $0x4000  }
0x431: {  	[sflag:s18] =	ssyncset.done $0x0  }
0x432: {  	s31 =	simm.s32 $0x5080;
	[sflag:s18] =	ssyncadd.s32 $0xFFFFC000  }
0x433: {  	[spmem:s2] =	stream.indirect.scatter.add.f32 [tilespmem:s16], [sflag:$0x3], $0x80, s31, s15, $0xb8;
	[tilespmem:$0x1E000] =	vst v63  }
0x434: {  	_ =	swait.ge [sflag:s12], $0x4000  }
0x435: {  	s26 =	simm.s32 $0x800;
	s25 =	simm.s32 $0x100;
	[sflag:s12] =	ssyncset.done $0x0  }
.LBB2_2:
0x436: {  	s28 =	sadd.s32 $0x80, s25  }
0x437: {  	[sflag:s12] =	ssyncadd.s32 $0xFFFFC000;
	s29 =	smov.u32 s26;
	s30 =	sadd.s32 $0x400, s26  }
0x438: {  	[tilespmem:s16], [sflag:$0x2] =	stream.indirect.gather [hbm4b:s4+s15], $0x80, s28, s15, $0xb8;
	[tilespmem:$0x1E000] =	vst v63  }
0x439: {  	p0 =	sne.s32 s26, $0x13400;
	_ =	swait.ge [sflag:s17], $0x4000  }
0x43a: {  	[sflag:s17] =	ssyncset.done $0x0  }
0x43b: {  	s26 =	sadd.s32 $0x5000, s25;
	[sflag:s17] =	ssyncadd.s32 $0xFFFFC000  }
0x43c: {  	[spmem:s2] =	stream.indirect.scatter.add.f32 [tilespmem:s14], [sflag:$0x3], $0x80, s26, s15, $0xb8;
	[tilespmem:$0x1E000] =	vst v63  }
0x43d: {  	_ =	swait.ge [sflag:s12], $0x4000  }
0x43e: {  	[sflag:s12] =	ssyncset.done $0x0  }
0x43f: {  	s26 =	sadd.s32 $0x100, s25;
	[sflag:s12] =	ssyncadd.s32 $0xFFFFC000  }
0x440: {  	[tilespmem:s14], [sflag:$0x1] =	stream.indirect.gather [hbm4b:s4+s15], $0x80, s26, s15, $0xb8;
	[tilespmem:$0x1E000] =	vst v63  }
0x441: {  	_ =	swait.ge [sflag:s18], $0x4000  }
.Ltmp0:
0x442: {  	[sflag:s18] =	ssyncset.done $0x0;
	(pc) =	sbr.rel @p0 .LBB2_2-.Ltmp0, $4  }
0x443: {  	s25 =	sadd.s32 $0x5080, s25;
	[sflag:s18] =	ssyncadd.s32 $0xFFFFC000  }
0x444: {  	[spmem:s2] =	stream.indirect.scatter.add.f32 [tilespmem:s16], [sflag:$0x3], $0x80, s25, s15, $0xb8;
	[tilespmem:$0x1E000] =	vst v63  }
0x445: {  	_ =	swait.ge [sflag:s12], $0x4000  }
0x446: {  	s26 =	smov.u32 s30;
	s25 =	sshra.s32 s29, $0x2;
	[sflag:s12] =	ssyncset.done $0x0  }
0x447: {  	s26 =	sadd.s32 $0x80, s25;
	[sflag:s12] =	ssyncadd.s32 $0xFFFFC000  }
0x448: {  	[tilespmem:s16], [sflag:$0x2] =	stream.indirect.gather [hbm4b:s4+s15], $0x80, s26, s15, $0xb8;
	[tilespmem:$0x1E000] =	vst v63  }
0x449: {  	_ =	swait.ge [sflag:s17], $0x4000  }
0x44a: {  	[sflag:s17] =	ssyncset.done $0x0  }
0x44b: {  	s29 =	sadd.s32 $0x5000, s25;
	[sflag:s17] =	ssyncadd.s32 $0xFFFFC000  }
0x44c: {  	[spmem:s2] =	stream.indirect.scatter.add.f32 [tilespmem:s14], [sflag:$0x3], $0x80, s29, s15, $0xb8;
	[tilespmem:$0x1E000] =	vst v63  }
0x44d: {  	_ =	swait.ge [sflag:s12], $0x4000  }
0x44e: {  	[sflag:s12] =	ssyncset.done $0x0  }
0x44f: {  	s30 =	sadd.s32 $0x100, s25;
	[sflag:s12] =	ssyncadd.s32 $0xFFFFC000  }
0x450: {  	[tilespmem:s14], [sflag:$0x1] =	stream.indirect.gather [hbm4b:s4+s15], $0x80, s30, s15, $0xb8;
	[tilespmem:$0x1E000] =	vst v63  }
0x451: {  	_ =	swait.ge [sflag:s18], $0x4000  }
0x452: {  	[sflag:s18] =	ssyncset.done $0x0  }
0x453: {  	s31 =	sadd.s32 $0x5080, s25;
	[sflag:s18] =	ssyncadd.s32 $0xFFFFC000  }
0x454: {  	[spmem:s2] =	stream.indirect.scatter.add.f32 [tilespmem:s16], [sflag:$0x3], $0x80, s31, s15, $0xb8;
	[tilespmem:$0x1E000] =	vst v63  }
0x455: {  	_ =	swait.ge [sflag:s12], $0x4000  }
0x456: {  	[sflag:s12] =	ssyncset.done $0x0  }
0x457: {  	[sflag:s12] =	ssyncadd.s32 $0xFFFFC000  }
0x458: {  	[tilespmem:s16], [sflag:$0x2] =	stream.indirect.gather [hbm4b:s4+s15], $0x80, s19, s15, $0xb8;
	[tilespmem:$0x1E000] =	vst v63  }
0x459: {  	_ =	swait.ge [sflag:s17], $0x4000  }
0x45a: {  	[sflag:s17] =	ssyncset.done $0x0  }
0x45b: {  	[sflag:s17] =	ssyncadd.s32 $0xFFFFC000  }
0x45c: {  	[spmem:s2] =	stream.indirect.scatter.add.f32 [tilespmem:s14], [sflag:$0x3], $0x80, s20, s15, $0xb8;
	[tilespmem:$0x1E000] =	vst v63  }
0x45d: {  	_ =	swait.ge [sflag:s12], $0x4000  }
0x45e: {  	[sflag:s12] =	ssyncset.done $0x0  }
0x45f: {  	[sflag:s12] =	ssyncadd.s32 $0xFFFFC000  }
0x460: {  	_ =	swait.ge [sflag:s18], $0x4000  }
0x461: {  	[sflag:s18] =	ssyncset.done $0x0  }
0x462: {  	[sflag:s18] =	ssyncadd.s32 $0xFFFFC000  }
0x463: {  	[spmem:s2] =	stream.indirect.scatter.add.f32 [tilespmem:s16], [sflag:$0x3], $0x80, s21, s15, $0xb8;
	[tilespmem:$0x1E000] =	vst v63  }
0x464: {  	_ =	swait.ge [sflag:s12], $0x4000  }
0x465: {  	s24 =	sadd.s32 $0x1, s24;
	[sflag:s12] =	ssyncset.done $0x0  }
0x466: {  	p0 =	sne.s32 s24, s11;
	[sflag:s12] =	ssyncadd.s32 $0xFFFFC000  }
.Ltmp1:
0x467: {  	[bflag:$0x0] =	sbarrier.arrive $0xFFFF;
	(pc) =	sbr.rel @p0 .LBB2_1-.Ltmp1, $4  }
0x468: {  	[hbm:s10], [sflag:s22] =	dma.local [spmem:s23], $0x1800  }
0x469: {  	_ =	swait.ge [sflag:s12], $0x1800  }
0x46a: {  	[sflag:s12] =	ssyncset.done $0x0  }
0x46b: {  	[sflag:s12] =	ssyncadd.s32 $0xFFFFE800  }
0x46c: {  	_ =	sfence.sel $0x180000  }
0x46d: {  	[bflag:$0x0] =	sbarrier.arrive $0xFFFF  }
0x46e: {  	p0 =	sne.s32 s0, $0x0;
	_ =	strace $0x9000004A  }
0x46f: {  	s0 =	sadd.s32 @!p0 $0x100000, s1;
	[bflag:$0x2] =	sbarrier.arrive $0xFFFF  }
0x470: {  	[sflag:s0] =	ssyncadd.tile.s32 @!p0 $0x1;
	_ =	shalt  }
.Lfunc_end2:
_tile_overlayer_lowered:
.L_overlay_start_2:
0x471: {  	(tag) =	ssettag $0x2  }
0x472: {  	s0 =	rddreg [dreg:$0x0];
	s2 =	stileid.u32  }
0x473: {  	s1 =	rddreg [dreg:$0x1];
	p0 =	sne.s32 s2, $0x0  }
0x474: {  	s3 =	rddreg [dreg:$0x2];
	[bflag:$0x3] =	sbarrier.arrive $0xFFFF;
	s2 =	simm.s32 @!p0 $0x1C03  }
0x475: {  	[timem:s3], [sflag:s2] =	dma.local @!p0 [hbm:s0], s1  }
0x476: {  	s0 =	simm.s32 @!p0 $0x3  }
0x477: {  	_ =	swait.ge @!p0 [sflag:s0], s1  }
0x478: {  	s1 =	ssub.s32 @!p0 $0x0, s1;
	[sflag:s0] =	ssyncset.done @!p0 $0x0  }
0x479: {  	[sflag:s0] =	ssyncadd.s32 @!p0 s1  }
0x47a: {  	[bflag:$0x3] =	sbarrier.arrive $0xFFFF  }
0x47b: {  	_ =	shalt  }

// kernel: kernel.14.cloned.1.call-start
scs
__scs_entry_jumppad:
0x0: {  	(pc) =	sbr.rel $0x88, $3  }
0x1: {  	(tag) =	ssettag $0x0;
	lr =	simm.s32 $0x1  }
0x2: {  	[smem:$0x3F96] =	sst lr;
	_ =	strace $0xD0000000  }
0x3: {  	_ = 	snop  }
0x4: {  	_ = 	snop  }
0x5: {  	_ = 	snop  }
0x6: {  	_ = 	snop  }
0x7: {  	_ = 	snop  }
__scs_overlays_trampoline_lowered:
0x8: {  	[smem:$0x3FA5] =	sst s0  }
0x9: {  	[smem:$0x3FA6] =	sst s1  }
0xa: {  	[smem:$0x3FA7] =	sst s2  }
0xb: {  	[smem:$0x3FA8] =	sst s3  }
0xc: {  	[smem:$0x3FA9] =	sst s4  }
0xd: {  	[smem:$0x3FAA] =	sst s5  }
0xe: {  	[smem:$0x3FAB] =	sst s6  }
0xf: {  	[smem:$0x3FAC] =	sst s7  }
0x10: {  	[smem:$0x3FAD] =	sst s8  }
0x11: {  	[smem:$0x3FAE] =	sst s9;
	s0 =	simm.s32 @!p0 $0x0  }
0x12: {  	s1 =	sld [smem:$0x3F94];
	s0 =	simm.s32 @p0 $0x1  }
0x13: {  	[smem:$0x3FAF] =	sst s0;
	s0 =	simm.s32 @!p1 $0x0  }
0x14: {  	s2 =	sld [smem:$0x3F93];
	s0 =	simm.s32 @p1 $0x1  }
0x15: {  	[smem:$0x3FB0] =	sst s0;
	s0 =	simm.s32 @!p2 $0x0  }
0x16: {  	s3 =	sld [smem:$0x3FDB];
	s0 =	simm.s32 @p2 $0x1  }
0x17: {  	s4 =	simm.s32 $0x1BF5;
	[smem:$0x3FB2] =	sst s0  }
0x18: {  	s0 =	sld [smem:$0x3F95];
	_ =	swait.ge [sflag:s4], $0x0  }
0x19: {  	s7 =	sld [smem:$0x3F96]  }
0x1a: {  	s8 =	sadd.s32 $0xFFFFE003, lr  }
0x1b: {  	s9 =	sadd.s32 $0xFFFFFEF7, lr;
	s5 =	simm.s32 $0xFFFFFFFF;
	p2 =	slt.u32 s8, $0xFFFFF086  }
0x1c: {  	p1 =	slt.u32 s9, $0xF7A;
	s5 =	simm.s32 @!p2 $0x0  }
0x1d: {  	s5 =	simm.s32 @p1 $0x1;
	p0 =	seq.s32 s7, s2  }
0x1e: {  	s7 =	smul.u32 @!p0 $0xF7A, s2;
	p2 =	seq.s32 @!p0 s5, $0x0  }
0x1f: {  	s9 =	smul.u32 $0xF7A, s1;
	s8 =	simm.s32 @!p0 $0x1BF5;
	p2 =	por !p2, p0  }
0x20: {  	[sflag:s8] =	ssyncset.s32 @!p0 $0xFFFFF086;
	s6 =	sadd.s32 @!p0 s3, s7;
	s7 =	simm.s32 @!p0 $0x108  }
0x21: {  	s3 =	sadd.s32 s3, s9;
	s6 =	sadd.s32 @!p0 $0x88, s6;
	s7 =	simm.s32 @p2 $0x1082  }
0x22: {  	[simem:s7], [sflag:s8] =	dma.local @!p0 [hbm:s6], $0xF7A  }
0x23: {  	s9 =	sor.u32 $0xD0000000, s2;
	s6 =	simm.s32 $0x108;
	_ =	swait.ge @!p0 [sflag:s8], $0x0  }
0x24: {  	s3 =	sadd.s32 $0x88, s3;
	s6 =	simm.s32 @!p1 $0x1082;
	[sflag:s4] =	ssyncset.s32 $0xFFFFF086  }
0x25: {  	[simem:s6], [sflag:s4] =	dma.local [hbm:s3], $0xF7A  }
0x26: {  	[smem:$0x3F96] =	sst s1;
	(tag) =	ssettag s2;
	_ =	strace s9  }
0x27: {  	s1 =	sld [smem:$0x3FA6]  }
0x28: {  	s2 =	sld [smem:$0x3FA7]  }
0x29: {  	s4 =	sld [smem:$0x3FA9]  }
0x2a: {  	p0 =	seq.s32 s5, $0x0;
	s5 =	sld [smem:$0x3FAA]  }
0x2b: {  	s6 =	sld [smem:$0x3FAB]  }
0x2c: {  	s7 =	sld [smem:$0x3FAC]  }
0x2d: {  	s3 =	simm.s32 $0x108;
	s8 =	sld [smem:$0x3FAD]  }
0x2e: {  	s3 =	simm.s32 @!p0 $0x1082;
	s9 =	sld [smem:$0x3FAE]  }
0x2f: {  	lr =	sadd.s32 s0, s3;
	s0 =	sld [smem:$0x3FA5]  }
0x30: {  	s3 =	sld [smem:$0x3FA8]  }
0x31: {  	[smem:$0x3FB1] =	sst s10  }
0x32: {  	s10 =	sld [smem:$0x3FAF];
	_ =	sdelay $0x3  }
0x33: {  	p0 =	seq.s32 s10, $0x1;
	s10 =	sld [smem:$0x3FB1];
	_ =	sdelay $0x3  }
0x34: {  	[smem:$0x3FB1] =	sst s10  }
0x35: {  	s10 =	sld [smem:$0x3FB0];
	_ =	sdelay $0x3  }
0x36: {  	p1 =	seq.s32 s10, $0x1;
	s10 =	sld [smem:$0x3FB1];
	_ =	sdelay $0x3  }
0x37: {  	[smem:$0x3FB1] =	sst s10  }
0x38: {  	s10 =	sld [smem:$0x3FB2]  }
0x39: {  	_ = 	snop;
	(pc) =	sbr.ind lr, $3  }
0x3a: {  	_ = 	snop  }
0x3b: {  	_ = 	snop  }
0x3c: {  	p2 =	seq.s32 s10, $0x1;
	s10 =	sld [smem:$0x3FB1]  }
0x3d: {  	_ =	shalt  }
0x3e: {  	_ =	shalt  }
0x3f: {  	_ =	shalt  }
0x40: {  	_ =	shalt  }
0x41: {  	_ =	shalt  }
0x42: {  	_ =	shalt  }
0x43: {  	_ =	shalt  }
0x44: {  	_ =	shalt  }
0x45: {  	_ =	shalt  }
0x46: {  	_ =	shalt  }
0x47: {  	_ =	shalt  }
0x48: {  	_ =	shalt  }
0x49: {  	_ =	shalt  }
0x4a: {  	_ =	shalt  }
0x4b: {  	_ =	shalt  }
0x4c: {  	_ =	shalt  }
0x4d: {  	_ =	shalt  }
0x4e: {  	_ =	shalt  }
0x4f: {  	_ =	shalt  }
0x50: {  	_ =	shalt  }
0x51: {  	_ =	shalt  }
0x52: {  	_ =	shalt  }
0x53: {  	_ =	shalt  }
0x54: {  	_ =	shalt  }
0x55: {  	_ =	shalt  }
0x56: {  	_ =	shalt  }
0x57: {  	_ =	shalt  }
0x58: {  	_ =	shalt  }
0x59: {  	_ =	shalt  }
0x5a: {  	_ =	shalt  }
0x5b: {  	_ =	shalt  }
0x5c: {  	_ =	shalt  }
0x5d: {  	_ =	shalt  }
0x5e: {  	_ =	shalt  }
0x5f: {  	_ =	shalt  }
0x60: {  	_ =	shalt  }
0x61: {  	_ =	shalt  }
0x62: {  	_ =	shalt  }
0x63: {  	_ =	shalt  }
0x64: {  	_ =	shalt  }
0x65: {  	_ =	shalt  }
0x66: {  	_ =	shalt  }
0x67: {  	_ =	shalt  }
0x68: {  	_ =	shalt  }
0x69: {  	_ =	shalt  }
0x6a: {  	_ =	shalt  }
0x6b: {  	_ =	shalt  }
0x6c: {  	_ =	shalt  }
0x6d: {  	_ =	shalt  }
0x6e: {  	_ =	shalt  }
0x6f: {  	_ =	shalt  }
0x70: {  	_ =	shalt  }
0x71: {  	_ =	shalt  }
0x72: {  	_ =	shalt  }
0x73: {  	_ =	shalt  }
0x74: {  	_ =	shalt  }
0x75: {  	_ =	shalt  }
0x76: {  	_ =	shalt  }
0x77: {  	_ =	shalt  }
0x78: {  	_ =	shalt  }
0x79: {  	_ =	shalt  }
0x7a: {  	_ =	shalt  }
0x7b: {  	_ =	shalt  }
0x7c: {  	_ =	shalt  }
0x7d: {  	_ =	shalt  }
0x7e: {  	_ =	shalt  }
0x7f: {  	_ =	shalt  }
0x80: {  	_ =	shalt  }
0x81: {  	_ =	shalt  }
0x82: {  	_ =	shalt  }
0x83: {  	_ =	shalt  }
0x84: {  	_ =	shalt  }
0x85: {  	_ =	shalt  }
0x86: {  	_ =	shalt  }
0x87: {  	_ =	shalt  }
.Lfunc_end0:
.L_simem_size_0:
called_computation.2_lowered:
.L_overlay_start_0:
0x88: {  	s2 =	sld [smem:$0x3FD9]  }
0x89: {  	s3 =	sld [smem:$0x3FFE];
	_ =	sdelay $0x1  }
0x8a: {  	s1 =	srdreg.scid  }
0x8b: {  	s0 =	sand.u32 $0x1, s1  }
0x8c: {  	s17 =	sshll.u32 s0, $0xA;
	s2 =	sadd.s32 s3, s2  }
0x8d: {  	s2 =	sadd.s32 s2, s17  }
0x8e: {  	[smem:$0x3FBD] =	sst s2  }
0x8f: {  	_ = 	snop  }
0x90: {  	(tm) =	ssettm $0x1  }
0x91: {  	s18 =	sld [smem:$0x3FFB];
	_ =	sdelay $0x3  }
0x92: {  	_ =	strace s18  }
0x93: {  	s2 =	sld [smem:$0x3FFC];
	_ =	sdelay $0x3  }
0x94: {  	_ =	strace s2  }
0x95: {  	s2 =	sld [smem:$0x3FFD];
	_ =	sdelay $0x3  }
0x96: {  	_ =	strace s2  }
0x97: {  	_ =	strace $0x8FFFFFFF  }
0x98: {  	s19 =	sld [smem:$0x3FDB];
	_ =	sdelay $0x1  }
0x99: {  	s20 =	simm.s32 $_scs_section_size  }
0x9a: {  	s4 =	simm.s32 $_size__tile_overlayer_lowered;
	s5 =	simm.s32 $_tile_overlayer_lowered  }
0x9b: {  	s6 =	simm.s32 $0x1BFF;
	s21 =	sshll.u32 s5, $0x1;
	s3 =	sadd.s32 s20, s19  }
0x9c: {  	s22 =	simm.s32 $0x0;
	s4 =	sshll.u32 s4, $0x1;
	s5 =	sadd.s32 s21, s3  }
0x9d: {  	[timem:s22], [sflag:s6] =	dma.local [hbm:s5], s4  }
0x9e: {  	_ =	swait.ge [sflag:s6], s4  }
0x9f: {  	s4 =	ssub.s32 $0x0, s4;
	[sflag:s6] =	ssyncset.done $0x0  }
0xa0: {  	[sflag:s6] =	ssyncadd.s32 s4;
	_ =	sdelay $0x1  }
0xa1: {  	s23 =	simm.s32 $0x1B8B  }
0xa2: {  	_ =	swait.ge [sflag:s23], $0x1  }
0xa3: {  	[sflag:s23] =	ssyncset.done $0x0  }
0xa4: {  	[sflag:s23] =	ssyncadd.s32 $0xFFFFFFFF  }
0xa5: {  	s4 =	sld [smem:$0x0]  }
0xa6: {  	s5 =	sand.u32 $0xFFFFFFFE, s1  }
0xa7: {  	p0 =	sne.s32 s1, s5  }
0xa8: {  	s5 =	sshll.u32 @p0 s5, $0xE  }
0xa9: {  	s5 =	sadd.s32 @p0 $0x11B8D, s5;
	s6 =	sshll.u32 @p0 s4, $0x11  }
0xaa: {  	s5 =	sor.u32 @p0 s6, s5  }
0xab: {  	[sflag:s5] =	ssyncadd.remote.s32 @p0 $0x1;
	_ =	sdelay $0x1  }
0xac: {  	s5 =	simm.s32 @p0 $0x1B8D  }
0xad: {  	_ =	swait.eq @p0 [sflag:s5], $0x1  }
0xae: {  	[sflag:s5] =	ssyncadd.s32 @p0 $0xFFFFFFFF  }
0xaf: {  	s6 =	sshll.u32 @!p0 s1, $0xE  }
0xb0: {  	s6 =	sor.u32 @!p0 $0x4000, s6;
	s5 =	simm.s32 @!p0 $0x1B8D  }
0xb1: {  	s4 =	sshll.u32 @!p0 s4, $0x11;
	s6 =	sadd.s32 @!p0 $0x11B8D, s6;
	_ =	swait.eq @!p0 [sflag:s5], $0x1  }
0xb2: {  	s4 =	sor.u32 @!p0 s4, s6;
	[sflag:s5] =	ssyncadd.s32 @!p0 $0xFFFFFFFF  }
0xb3: {  	s25 =	simm.s32 $0x1B8E;
	s24 =	sld [smem:$0x3FFE];
	[sflag:s4] =	ssyncadd.remote.s32 @!p0 $0x1  }
0xb4: {  	s26 =	simm.s32 $execute0_lowered;
	[smem:$0x3FD2] =	sst s25  }
0xb5: {  	s5 =	sshll.u32 s26, $0x1;
	_ =	strace $0x8000004C;
	[dreg:$0x1] =	wrdreg $0xFFFFFFFF  }
0xb6: {  	s28 =	simm.s32 $_size_execute0_lowered;
	s3 =	sadd.s32 s3, s5;
	[dreg:$0x0] =	wrdreg $0x0  }
0xb7: {  	s5 =	sshll.u32 s28, $0x1;
	[dreg:$0x2] =	wrdreg s3  }
0xb8: {  	[dreg:$0x3] =	wrdreg s5  }
0xb9: {  	[dreg:$0x4] =	wrdreg $0xC0  }
0xba: {  	_ =	task [dreg:s22], $0x5FFFF  }
0xbb: {  	[dreg:$0x1] =	wrdreg $0xFFFFFFFF  }
0xbc: {  	[dreg:$0x0] =	wrdreg $0x60  }
0xbd: {  	[dreg:$0x2] =	wrdreg s24  }
0xbe: {  	[dreg:$0x3] =	wrdreg $0x120000  }
0xbf: {  	[dreg:$0x4] =	wrdreg $0xA  }
0xc0: {  	_ =	task.clear_ibuf [dreg:s22], $0x5FFFF;
	_ =	strace $0x9000004C  }
0xc1: {  	s29 =	simm.s32 $0xA;
	_ =	strace $0x8000004E  }
0xc2: {  	_ =	swait.ge [sflag:s29], $0x1  }
0xc3: {  	[sflag:s29] =	ssyncadd.s32 $0xFFFFFFFF  }
0xc4: {  	_ =	strace $0x9000004E  }
0xc5: {  	_ =	sfence  }
0xc6: {  	s30 =	sld [smem:$0x0];
	_ =	sdelay $0x2  }
0xc7: {  	s31 =	sshll.u32 s1, $0xD;
	s1 =	sshrl.u32 s1, $0x2  }
0xc8: {  	s4 =	sand.u32 $0x4000, s31;
	s1 =	sadd.s32 s1, s30  }
0xc9: {  	s0 =	sor.u32 s4, s0;
	s1 =	sshll.u32 s1, $0x11  }
0xca: {  	s0 =	sor.u32 s1, s0  }
0xcb: {  	s0 =	sadd.s32 $0x8F2B, s0  }
0xcc: {  	[sflag:s0] =	ssyncadd.remote.s32 $0x1  }
0xcd: {  	_ =	sfence.sel $0xFFFF  }
0xce: {  	[dreg:$0x0] =	wrdreg $0xFFFFFFFF;
	(pc) =	sbr.abs _section_cstart, $3  }
0xcf: {  	[dreg:$0x1] =	wrdreg $0xFFFFFFFF  }
0xd0: {  	_ =	task.clear_ibuf [dreg:s22], $0x2FFFF;
	_ =	strace $0x9FFFFFFF  }
0xd1: {  	(tm) =	ssettm $0x7FFFFFFF  }
tec
execute0_lowered:
.L_overlay_start_1:
0x0: {  	(tag) =	ssettag $0x1  }
0x1: {  	s5 =	rddreg [dreg:$0x0]  }
0x2: {  	s0 =	srdreg.scid;
	s2 =	rddreg [dreg:$0x1]  }
0x3: {  	s3 =	simm.s32 $0x0;
	s13 =	simm.s32 $0x5000;
	s14 =	simm.s32 $0xA000  }
0x4: {  	s15 =	simm.s32 $0x80;
	s16 =	simm.s32 $0xE000;
	s17 =	simm.s32 $0x1  }
0x5: {  	s18 =	simm.s32 $0x2;
	s19 =	simm.s32 $0x4E80;
	s20 =	simm.s32 $0x9E00  }
0x6: {  	s21 =	simm.s32 $0x9E80;
	s24 =	simm.s32 $0x0;
	s4 =	sand.u32 $0x1, s0  }
0x7: {  	s0 =	stileid.u32;
	[smem:$0x7FF] =	sst s3;
	s1 =	sshll.u32 s4, $0x4  }
0x8: {  	s8 =	ssub.s32 $0x2, s4;
	s9 =	smul.u32 $0x30000, s0;
	s6 =	sor.u32 s0, s1  }
0x9: {  	s4 =	sadd.s32 $0x64400, s5;
	s22 =	sshll.u32 s0, $0x6;
	s7 =	smul.u32 $0xA00, s6  }
0xa: {  	s1 =	rddreg [dreg:$0x2];
	s10 =	sshrl.u32 s8, $0x1;
	s6 =	smul.u32 $0x1800, s6  }
0xb: {  	_ =	strace $0x8000004D;
	s22 =	sor.u32 $0x1C03, s22;
	s12 =	ssub.s32 s8, s10  }
0xc: {  	s31 =	sshrl.u32 s9, $0x2;
	s7 =	sadd.s32 s7, s5;
	s11 =	sadd.s32 s6, s5  }
0xd: {  	s5 =	sadd.s32 $0xF6600, s7;
	s6 =	sadd.s32 $0x2200, s7;
	s7 =	sadd.s32 s31, s2  }
0xe: {  	s10 =	sadd.s32 $0x10A600, s11;
	s11 =	smax.u32 s12, $0x1;
	s12 =	simm.s32 $0x3  }
0xf: {  	v0 =	vimm.f32 $0.0e+00;
	s8 =	sadd.s32 $0x4000, s7;
	s9 =	sadd.s32 $0x8000, s7;
	s23 =	sshrl.u32 s7, $0x3  }
.LBB2_1:
0x10: {  	[tilespmem:s3], [sflag:$0x3] =	stream.linear.gather [hbm4b:s5+s3], $0x4F00, $0x38;
	[tilespmem:$0x1E000] =	vst v63  }
0x11: {  	_ =	swait.ge [sflag:s12], $0x4F00  }
0x12: {  	[sflag:s12] =	ssyncset.done $0x0  }
0x13: {  	[sflag:s12] =	ssyncadd.s32 $0xFFFFB100  }
0x14: {  	[tilespmem:s13], [sflag:$0x3] =	stream.linear.gather [hbm4b:s6+s3], $0x4F00, $0x38;
	[tilespmem:$0x1E000] =	vst v63  }
0x15: {  	_ =	swait.ge [sflag:s12], $0x4F00  }
0x16: {  	[sflag:s12] =	ssyncset.done $0x0  }
0x17: {  	[sflag:s12] =	ssyncadd.s32 $0xFFFFB100  }
0x18: {  	[tilespmem:$0xA000] =	vst v0  }
0x19: {  	[tilespmem:$0xA010] =	vst v0  }
0x1a: {  	[tilespmem:$0xA020] =	vst v0  }
0x1b: {  	[tilespmem:$0xA030] =	vst v0  }
0x1c: {  	[tilespmem:$0xA040] =	vst v0  }
0x1d: {  	[tilespmem:$0xA050] =	vst v0  }
0x1e: {  	[tilespmem:$0xA060] =	vst v0  }
0x1f: {  	[tilespmem:$0xA070] =	vst v0  }
0x20: {  	[tilespmem:$0xA080] =	vst v0  }
0x21: {  	[tilespmem:$0xA090] =	vst v0  }
0x22: {  	[tilespmem:$0xA0A0] =	vst v0  }
0x23: {  	[tilespmem:$0xA0B0] =	vst v0  }
0x24: {  	[tilespmem:$0xA0C0] =	vst v0  }
0x25: {  	[tilespmem:$0xA0D0] =	vst v0  }
0x26: {  	[tilespmem:$0xA0E0] =	vst v0  }
0x27: {  	[tilespmem:$0xA0F0] =	vst v0  }
0x28: {  	[tilespmem:$0xA100] =	vst v0  }
0x29: {  	[tilespmem:$0xA110] =	vst v0  }
0x2a: {  	[tilespmem:$0xA120] =	vst v0  }
0x2b: {  	[tilespmem:$0xA130] =	vst v0  }
0x2c: {  	[tilespmem:$0xA140] =	vst v0  }
0x2d: {  	[tilespmem:$0xA150] =	vst v0  }
0x2e: {  	[tilespmem:$0xA160] =	vst v0  }
0x2f: {  	[tilespmem:$0xA170] =	vst v0  }
0x30: {  	[tilespmem:$0xA180] =	vst v0  }
0x31: {  	[tilespmem:$0xA190] =	vst v0  }
0x32: {  	[tilespmem:$0xA1A0] =	vst v0  }
0x33: {  	[tilespmem:$0xA1B0] =	vst v0  }
0x34: {  	[tilespmem:$0xA1C0] =	vst v0  }
0x35: {  	[tilespmem:$0xA1D0] =	vst v0  }
0x36: {  	[tilespmem:$0xA1E0] =	vst v0  }
0x37: {  	[tilespmem:$0xA1F0] =	vst v0  }
0x38: {  	[tilespmem:$0xA200] =	vst v0  }
0x39: {  	[tilespmem:$0xA210] =	vst v0  }
0x3a: {  	[tilespmem:$0xA220] =	vst v0  }
0x3b: {  	[tilespmem:$0xA230] =	vst v0  }
0x3c: {  	[tilespmem:$0xA240] =	vst v0  }
0x3d: {  	[tilespmem:$0xA250] =	vst v0  }
0x3e: {  	[tilespmem:$0xA260] =	vst v0  }
0x3f: {  	[tilespmem:$0xA270] =	vst v0  }
0x40: {  	[tilespmem:$0xA280] =	vst v0  }
0x41: {  	[tilespmem:$0xA290] =	vst v0  }
0x42: {  	[tilespmem:$0xA2A0] =	vst v0  }
0x43: {  	[tilespmem:$0xA2B0] =	vst v0  }
0x44: {  	[tilespmem:$0xA2C0] =	vst v0  }
0x45: {  	[tilespmem:$0xA2D0] =	vst v0  }
0x46: {  	[tilespmem:$0xA2E0] =	vst v0  }
0x47: {  	[tilespmem:$0xA2F0] =	vst v0  }
0x48: {  	[tilespmem:$0xA300] =	vst v0  }
0x49: {  	[tilespmem:$0xA310] =	vst v0  }
0x4a: {  	[tilespmem:$0xA320] =	vst v0  }
0x4b: {  	[tilespmem:$0xA330] =	vst v0  }
0x4c: {  	[tilespmem:$0xA340] =	vst v0  }
0x4d: {  	[tilespmem:$0xA350] =	vst v0  }
0x4e: {  	[tilespmem:$0xA360] =	vst v0  }
0x4f: {  	[tilespmem:$0xA370] =	vst v0  }
0x50: {  	[tilespmem:$0xA380] =	vst v0  }
0x51: {  	[tilespmem:$0xA390] =	vst v0  }
0x52: {  	[tilespmem:$0xA3A0] =	vst v0  }
0x53: {  	[tilespmem:$0xA3B0] =	vst v0  }
0x54: {  	[tilespmem:$0xA3C0] =	vst v0  }
0x55: {  	[tilespmem:$0xA3D0] =	vst v0  }
0x56: {  	[tilespmem:$0xA3E0] =	vst v0  }
0x57: {  	[tilespmem:$0xA3F0] =	vst v0  }
0x58: {  	[tilespmem:$0xA400] =	vst v0  }
0x59: {  	[tilespmem:$0xA410] =	vst v0  }
0x5a: {  	[tilespmem:$0xA420] =	vst v0  }
0x5b: {  	[tilespmem:$0xA430] =	vst v0  }
0x5c: {  	[tilespmem:$0xA440] =	vst v0  }
0x5d: {  	[tilespmem:$0xA450] =	vst v0  }
0x5e: {  	[tilespmem:$0xA460] =	vst v0  }
0x5f: {  	[tilespmem:$0xA470] =	vst v0  }
0x60: {  	[tilespmem:$0xA480] =	vst v0  }
0x61: {  	[tilespmem:$0xA490] =	vst v0  }
0x62: {  	[tilespmem:$0xA4A0] =	vst v0  }
0x63: {  	[tilespmem:$0xA4B0] =	vst v0  }
0x64: {  	[tilespmem:$0xA4C0] =	vst v0  }
0x65: {  	[tilespmem:$0xA4D0] =	vst v0  }
0x66: {  	[tilespmem:$0xA4E0] =	vst v0  }
0x67: {  	[tilespmem:$0xA4F0] =	vst v0  }
0x68: {  	[tilespmem:$0xA500] =	vst v0  }
0x69: {  	[tilespmem:$0xA510] =	vst v0  }
0x6a: {  	[tilespmem:$0xA520] =	vst v0  }
0x6b: {  	[tilespmem:$0xA530] =	vst v0  }
0x6c: {  	[tilespmem:$0xA540] =	vst v0  }
0x6d: {  	[tilespmem:$0xA550] =	vst v0  }
0x6e: {  	[tilespmem:$0xA560] =	vst v0  }
0x6f: {  	[tilespmem:$0xA570] =	vst v0  }
0x70: {  	[tilespmem:$0xA580] =	vst v0  }
0x71: {  	[tilespmem:$0xA590] =	vst v0  }
0x72: {  	[tilespmem:$0xA5A0] =	vst v0  }
0x73: {  	[tilespmem:$0xA5B0] =	vst v0  }
0x74: {  	[tilespmem:$0xA5C0] =	vst v0  }
0x75: {  	[tilespmem:$0xA5D0] =	vst v0  }
0x76: {  	[tilespmem:$0xA5E0] =	vst v0  }
0x77: {  	[tilespmem:$0xA5F0] =	vst v0  }
0x78: {  	[tilespmem:$0xA600] =	vst v0  }
0x79: {  	[tilespmem:$0xA610] =	vst v0  }
0x7a: {  	[tilespmem:$0xA620] =	vst v0  }
0x7b: {  	[tilespmem:$0xA630] =	vst v0  }
0x7c: {  	[tilespmem:$0xA640] =	vst v0  }
0x7d: {  	[tilespmem:$0xA650] =	vst v0  }
0x7e: {  	[tilespmem:$0xA660] =	vst v0  }
0x7f: {  	[tilespmem:$0xA670] =	vst v0  }
0x80: {  	[tilespmem:$0xA680] =	vst v0  }
0x81: {  	[tilespmem:$0xA690] =	vst v0  }
0x82: {  	[tilespmem:$0xA6A0] =	vst v0  }
0x83: {  	[tilespmem:$0xA6B0] =	vst v0  }
0x84: {  	[tilespmem:$0xA6C0] =	vst v0  }
0x85: {  	[tilespmem:$0xA6D0] =	vst v0  }
0x86: {  	[tilespmem:$0xA6E0] =	vst v0  }
0x87: {  	[tilespmem:$0xA6F0] =	vst v0  }
0x88: {  	[tilespmem:$0xA700] =	vst v0  }
0x89: {  	[tilespmem:$0xA710] =	vst v0  }
0x8a: {  	[tilespmem:$0xA720] =	vst v0  }
0x8b: {  	[tilespmem:$0xA730] =	vst v0  }
0x8c: {  	[tilespmem:$0xA740] =	vst v0  }
0x8d: {  	[tilespmem:$0xA750] =	vst v0  }
0x8e: {  	[tilespmem:$0xA760] =	vst v0  }
0x8f: {  	[tilespmem:$0xA770] =	vst v0  }
0x90: {  	[tilespmem:$0xA780] =	vst v0  }
0x91: {  	[tilespmem:$0xA790] =	vst v0  }
0x92: {  	[tilespmem:$0xA7A0] =	vst v0  }
0x93: {  	[tilespmem:$0xA7B0] =	vst v0  }
0x94: {  	[tilespmem:$0xA7C0] =	vst v0  }
0x95: {  	[tilespmem:$0xA7D0] =	vst v0  }
0x96: {  	[tilespmem:$0xA7E0] =	vst v0  }
0x97: {  	[tilespmem:$0xA7F0] =	vst v0  }
0x98: {  	[tilespmem:$0xA800] =	vst v0  }
0x99: {  	[tilespmem:$0xA810] =	vst v0  }
0x9a: {  	[tilespmem:$0xA820] =	vst v0  }
0x9b: {  	[tilespmem:$0xA830] =	vst v0  }
0x9c: {  	[tilespmem:$0xA840] =	vst v0  }
0x9d: {  	[tilespmem:$0xA850] =	vst v0  }
0x9e: {  	[tilespmem:$0xA860] =	vst v0  }
0x9f: {  	[tilespmem:$0xA870] =	vst v0  }
0xa0: {  	[tilespmem:$0xA880] =	vst v0  }
0xa1: {  	[tilespmem:$0xA890] =	vst v0  }
0xa2: {  	[tilespmem:$0xA8A0] =	vst v0  }
0xa3: {  	[tilespmem:$0xA8B0] =	vst v0  }
0xa4: {  	[tilespmem:$0xA8C0] =	vst v0  }
0xa5: {  	[tilespmem:$0xA8D0] =	vst v0  }
0xa6: {  	[tilespmem:$0xA8E0] =	vst v0  }
0xa7: {  	[tilespmem:$0xA8F0] =	vst v0  }
0xa8: {  	[tilespmem:$0xA900] =	vst v0  }
0xa9: {  	[tilespmem:$0xA910] =	vst v0  }
0xaa: {  	[tilespmem:$0xA920] =	vst v0  }
0xab: {  	[tilespmem:$0xA930] =	vst v0  }
0xac: {  	[tilespmem:$0xA940] =	vst v0  }
0xad: {  	[tilespmem:$0xA950] =	vst v0  }
0xae: {  	[tilespmem:$0xA960] =	vst v0  }
0xaf: {  	[tilespmem:$0xA970] =	vst v0  }
0xb0: {  	[tilespmem:$0xA980] =	vst v0  }
0xb1: {  	[tilespmem:$0xA990] =	vst v0  }
0xb2: {  	[tilespmem:$0xA9A0] =	vst v0  }
0xb3: {  	[tilespmem:$0xA9B0] =	vst v0  }
0xb4: {  	[tilespmem:$0xA9C0] =	vst v0  }
0xb5: {  	[tilespmem:$0xA9D0] =	vst v0  }
0xb6: {  	[tilespmem:$0xA9E0] =	vst v0  }
0xb7: {  	[tilespmem:$0xA9F0] =	vst v0  }
0xb8: {  	[tilespmem:$0xAA00] =	vst v0  }
0xb9: {  	[tilespmem:$0xAA10] =	vst v0  }
0xba: {  	[tilespmem:$0xAA20] =	vst v0  }
0xbb: {  	[tilespmem:$0xAA30] =	vst v0  }
0xbc: {  	[tilespmem:$0xAA40] =	vst v0  }
0xbd: {  	[tilespmem:$0xAA50] =	vst v0  }
0xbe: {  	[tilespmem:$0xAA60] =	vst v0  }
0xbf: {  	[tilespmem:$0xAA70] =	vst v0  }
0xc0: {  	[tilespmem:$0xAA80] =	vst v0  }
0xc1: {  	[tilespmem:$0xAA90] =	vst v0  }
0xc2: {  	[tilespmem:$0xAAA0] =	vst v0  }
0xc3: {  	[tilespmem:$0xAAB0] =	vst v0  }
0xc4: {  	[tilespmem:$0xAAC0] =	vst v0  }
0xc5: {  	[tilespmem:$0xAAD0] =	vst v0  }
0xc6: {  	[tilespmem:$0xAAE0] =	vst v0  }
0xc7: {  	[tilespmem:$0xAAF0] =	vst v0  }
0xc8: {  	[tilespmem:$0xAB00] =	vst v0  }
0xc9: {  	[tilespmem:$0xAB10] =	vst v0  }
0xca: {  	[tilespmem:$0xAB20] =	vst v0  }
0xcb: {  	[tilespmem:$0xAB30] =	vst v0  }
0xcc: {  	[tilespmem:$0xAB40] =	vst v0  }
0xcd: {  	[tilespmem:$0xAB50] =	vst v0  }
0xce: {  	[tilespmem:$0xAB60] =	vst v0  }
0xcf: {  	[tilespmem:$0xAB70] =	vst v0  }
0xd0: {  	[tilespmem:$0xAB80] =	vst v0  }
0xd1: {  	[tilespmem:$0xAB90] =	vst v0  }
0xd2: {  	[tilespmem:$0xABA0] =	vst v0  }
0xd3: {  	[tilespmem:$0xABB0] =	vst v0  }
0xd4: {  	[tilespmem:$0xABC0] =	vst v0  }
0xd5: {  	[tilespmem:$0xABD0] =	vst v0  }
0xd6: {  	[tilespmem:$0xABE0] =	vst v0  }
0xd7: {  	[tilespmem:$0xABF0] =	vst v0  }
0xd8: {  	[tilespmem:$0xAC00] =	vst v0  }
0xd9: {  	[tilespmem:$0xAC10] =	vst v0  }
0xda: {  	[tilespmem:$0xAC20] =	vst v0  }
0xdb: {  	[tilespmem:$0xAC30] =	vst v0  }
0xdc: {  	[tilespmem:$0xAC40] =	vst v0  }
0xdd: {  	[tilespmem:$0xAC50] =	vst v0  }
0xde: {  	[tilespmem:$0xAC60] =	vst v0  }
0xdf: {  	[tilespmem:$0xAC70] =	vst v0  }
0xe0: {  	[tilespmem:$0xAC80] =	vst v0  }
0xe1: {  	[tilespmem:$0xAC90] =	vst v0  }
0xe2: {  	[tilespmem:$0xACA0] =	vst v0  }
0xe3: {  	[tilespmem:$0xACB0] =	vst v0  }
0xe4: {  	[tilespmem:$0xACC0] =	vst v0  }
0xe5: {  	[tilespmem:$0xACD0] =	vst v0  }
0xe6: {  	[tilespmem:$0xACE0] =	vst v0  }
0xe7: {  	[tilespmem:$0xACF0] =	vst v0  }
0xe8: {  	[tilespmem:$0xAD00] =	vst v0  }
0xe9: {  	[tilespmem:$0xAD10] =	vst v0  }
0xea: {  	[tilespmem:$0xAD20] =	vst v0  }
0xeb: {  	[tilespmem:$0xAD30] =	vst v0  }
0xec: {  	[tilespmem:$0xAD40] =	vst v0  }
0xed: {  	[tilespmem:$0xAD50] =	vst v0  }
0xee: {  	[tilespmem:$0xAD60] =	vst v0  }
0xef: {  	[tilespmem:$0xAD70] =	vst v0  }
0xf0: {  	[tilespmem:$0xAD80] =	vst v0  }
0xf1: {  	[tilespmem:$0xAD90] =	vst v0  }
0xf2: {  	[tilespmem:$0xADA0] =	vst v0  }
0xf3: {  	[tilespmem:$0xADB0] =	vst v0  }
0xf4: {  	[tilespmem:$0xADC0] =	vst v0  }
0xf5: {  	[tilespmem:$0xADD0] =	vst v0  }
0xf6: {  	[tilespmem:$0xADE0] =	vst v0  }
0xf7: {  	[tilespmem:$0xADF0] =	vst v0  }
0xf8: {  	[tilespmem:$0xAE00] =	vst v0  }
0xf9: {  	[tilespmem:$0xAE10] =	vst v0  }
0xfa: {  	[tilespmem:$0xAE20] =	vst v0  }
0xfb: {  	[tilespmem:$0xAE30] =	vst v0  }
0xfc: {  	[tilespmem:$0xAE40] =	vst v0  }
0xfd: {  	[tilespmem:$0xAE50] =	vst v0  }
0xfe: {  	[tilespmem:$0xAE60] =	vst v0  }
0xff: {  	[tilespmem:$0xAE70] =	vst v0  }
0x100: {  	[tilespmem:$0xAE80] =	vst v0  }
0x101: {  	[tilespmem:$0xAE90] =	vst v0  }
0x102: {  	[tilespmem:$0xAEA0] =	vst v0  }
0x103: {  	[tilespmem:$0xAEB0] =	vst v0  }
0x104: {  	[tilespmem:$0xAEC0] =	vst v0  }
0x105: {  	[tilespmem:$0xAED0] =	vst v0  }
0x106: {  	[tilespmem:$0xAEE0] =	vst v0  }
0x107: {  	[tilespmem:$0xAEF0] =	vst v0  }
0x108: {  	[tilespmem:$0xAF00] =	vst v0  }
0x109: {  	[tilespmem:$0xAF10] =	vst v0  }
0x10a: {  	[tilespmem:$0xAF20] =	vst v0  }
0x10b: {  	[tilespmem:$0xAF30] =	vst v0  }
0x10c: {  	[tilespmem:$0xAF40] =	vst v0  }
0x10d: {  	[tilespmem:$0xAF50] =	vst v0  }
0x10e: {  	[tilespmem:$0xAF60] =	vst v0  }
0x10f: {  	[tilespmem:$0xAF70] =	vst v0  }
0x110: {  	[tilespmem:$0xAF80] =	vst v0  }
0x111: {  	[tilespmem:$0xAF90] =	vst v0  }
0x112: {  	[tilespmem:$0xAFA0] =	vst v0  }
0x113: {  	[tilespmem:$0xAFB0] =	vst v0  }
0x114: {  	[tilespmem:$0xAFC0] =	vst v0  }
0x115: {  	[tilespmem:$0xAFD0] =	vst v0  }
0x116: {  	[tilespmem:$0xAFE0] =	vst v0  }
0x117: {  	[tilespmem:$0xAFF0] =	vst v0  }
0x118: {  	[tilespmem:$0xB000] =	vst v0  }
0x119: {  	[tilespmem:$0xB010] =	vst v0  }
0x11a: {  	[tilespmem:$0xB020] =	vst v0  }
0x11b: {  	[tilespmem:$0xB030] =	vst v0  }
0x11c: {  	[tilespmem:$0xB040] =	vst v0  }
0x11d: {  	[tilespmem:$0xB050] =	vst v0  }
0x11e: {  	[tilespmem:$0xB060] =	vst v0  }
0x11f: {  	[tilespmem:$0xB070] =	vst v0  }
0x120: {  	[tilespmem:$0xB080] =	vst v0  }
0x121: {  	[tilespmem:$0xB090] =	vst v0  }
0x122: {  	[tilespmem:$0xB0A0] =	vst v0  }
0x123: {  	[tilespmem:$0xB0B0] =	vst v0  }
0x124: {  	[tilespmem:$0xB0C0] =	vst v0  }
0x125: {  	[tilespmem:$0xB0D0] =	vst v0  }
0x126: {  	[tilespmem:$0xB0E0] =	vst v0  }
0x127: {  	[tilespmem:$0xB0F0] =	vst v0  }
0x128: {  	[tilespmem:$0xB100] =	vst v0  }
0x129: {  	[tilespmem:$0xB110] =	vst v0  }
0x12a: {  	[tilespmem:$0xB120] =	vst v0  }
0x12b: {  	[tilespmem:$0xB130] =	vst v0  }
0x12c: {  	[tilespmem:$0xB140] =	vst v0  }
0x12d: {  	[tilespmem:$0xB150] =	vst v0  }
0x12e: {  	[tilespmem:$0xB160] =	vst v0  }
0x12f: {  	[tilespmem:$0xB170] =	vst v0  }
0x130: {  	[tilespmem:$0xB180] =	vst v0  }
0x131: {  	[tilespmem:$0xB190] =	vst v0  }
0x132: {  	[tilespmem:$0xB1A0] =	vst v0  }
0x133: {  	[tilespmem:$0xB1B0] =	vst v0  }
0x134: {  	[tilespmem:$0xB1C0] =	vst v0  }
0x135: {  	[tilespmem:$0xB1D0] =	vst v0  }
0x136: {  	[tilespmem:$0xB1E0] =	vst v0  }
0x137: {  	[tilespmem:$0xB1F0] =	vst v0  }
0x138: {  	[tilespmem:$0xB200] =	vst v0  }
0x139: {  	[tilespmem:$0xB210] =	vst v0  }
0x13a: {  	[tilespmem:$0xB220] =	vst v0  }
0x13b: {  	[tilespmem:$0xB230] =	vst v0  }
0x13c: {  	[tilespmem:$0xB240] =	vst v0  }
0x13d: {  	[tilespmem:$0xB250] =	vst v0  }
0x13e: {  	[tilespmem:$0xB260] =	vst v0  }
0x13f: {  	[tilespmem:$0xB270] =	vst v0  }
0x140: {  	[tilespmem:$0xB280] =	vst v0  }
0x141: {  	[tilespmem:$0xB290] =	vst v0  }
0x142: {  	[tilespmem:$0xB2A0] =	vst v0  }
0x143: {  	[tilespmem:$0xB2B0] =	vst v0  }
0x144: {  	[tilespmem:$0xB2C0] =	vst v0  }
0x145: {  	[tilespmem:$0xB2D0] =	vst v0  }
0x146: {  	[tilespmem:$0xB2E0] =	vst v0  }
0x147: {  	[tilespmem:$0xB2F0] =	vst v0  }
0x148: {  	[tilespmem:$0xB300] =	vst v0  }
0x149: {  	[tilespmem:$0xB310] =	vst v0  }
0x14a: {  	[tilespmem:$0xB320] =	vst v0  }
0x14b: {  	[tilespmem:$0xB330] =	vst v0  }
0x14c: {  	[tilespmem:$0xB340] =	vst v0  }
0x14d: {  	[tilespmem:$0xB350] =	vst v0  }
0x14e: {  	[tilespmem:$0xB360] =	vst v0  }
0x14f: {  	[tilespmem:$0xB370] =	vst v0  }
0x150: {  	[tilespmem:$0xB380] =	vst v0  }
0x151: {  	[tilespmem:$0xB390] =	vst v0  }
0x152: {  	[tilespmem:$0xB3A0] =	vst v0  }
0x153: {  	[tilespmem:$0xB3B0] =	vst v0  }
0x154: {  	[tilespmem:$0xB3C0] =	vst v0  }
0x155: {  	[tilespmem:$0xB3D0] =	vst v0  }
0x156: {  	[tilespmem:$0xB3E0] =	vst v0  }
0x157: {  	[tilespmem:$0xB3F0] =	vst v0  }
0x158: {  	[tilespmem:$0xB400] =	vst v0  }
0x159: {  	[tilespmem:$0xB410] =	vst v0  }
0x15a: {  	[tilespmem:$0xB420] =	vst v0  }
0x15b: {  	[tilespmem:$0xB430] =	vst v0  }
0x15c: {  	[tilespmem:$0xB440] =	vst v0  }
0x15d: {  	[tilespmem:$0xB450] =	vst v0  }
0x15e: {  	[tilespmem:$0xB460] =	vst v0  }
0x15f: {  	[tilespmem:$0xB470] =	vst v0  }
0x160: {  	[tilespmem:$0xB480] =	vst v0  }
0x161: {  	[tilespmem:$0xB490] =	vst v0  }
0x162: {  	[tilespmem:$0xB4A0] =	vst v0  }
0x163: {  	[tilespmem:$0xB4B0] =	vst v0  }
0x164: {  	[tilespmem:$0xB4C0] =	vst v0  }
0x165: {  	[tilespmem:$0xB4D0] =	vst v0  }
0x166: {  	[tilespmem:$0xB4E0] =	vst v0  }
0x167: {  	[tilespmem:$0xB4F0] =	vst v0  }
0x168: {  	[tilespmem:$0xB500] =	vst v0  }
0x169: {  	[tilespmem:$0xB510] =	vst v0  }
0x16a: {  	[tilespmem:$0xB520] =	vst v0  }
0x16b: {  	[tilespmem:$0xB530] =	vst v0  }
0x16c: {  	[tilespmem:$0xB540] =	vst v0  }
0x16d: {  	[tilespmem:$0xB550] =	vst v0  }
0x16e: {  	[tilespmem:$0xB560] =	vst v0  }
0x16f: {  	[tilespmem:$0xB570] =	vst v0  }
0x170: {  	[tilespmem:$0xB580] =	vst v0  }
0x171: {  	[tilespmem:$0xB590] =	vst v0  }
0x172: {  	[tilespmem:$0xB5A0] =	vst v0  }
0x173: {  	[tilespmem:$0xB5B0] =	vst v0  }
0x174: {  	[tilespmem:$0xB5C0] =	vst v0  }
0x175: {  	[tilespmem:$0xB5D0] =	vst v0  }
0x176: {  	[tilespmem:$0xB5E0] =	vst v0  }
0x177: {  	[tilespmem:$0xB5F0] =	vst v0  }
0x178: {  	[tilespmem:$0xB600] =	vst v0  }
0x179: {  	[tilespmem:$0xB610] =	vst v0  }
0x17a: {  	[tilespmem:$0xB620] =	vst v0  }
0x17b: {  	[tilespmem:$0xB630] =	vst v0  }
0x17c: {  	[tilespmem:$0xB640] =	vst v0  }
0x17d: {  	[tilespmem:$0xB650] =	vst v0  }
0x17e: {  	[tilespmem:$0xB660] =	vst v0  }
0x17f: {  	[tilespmem:$0xB670] =	vst v0  }
0x180: {  	[tilespmem:$0xB680] =	vst v0  }
0x181: {  	[tilespmem:$0xB690] =	vst v0  }
0x182: {  	[tilespmem:$0xB6A0] =	vst v0  }
0x183: {  	[tilespmem:$0xB6B0] =	vst v0  }
0x184: {  	[tilespmem:$0xB6C0] =	vst v0  }
0x185: {  	[tilespmem:$0xB6D0] =	vst v0  }
0x186: {  	[tilespmem:$0xB6E0] =	vst v0  }
0x187: {  	[tilespmem:$0xB6F0] =	vst v0  }
0x188: {  	[tilespmem:$0xB700] =	vst v0  }
0x189: {  	[tilespmem:$0xB710] =	vst v0  }
0x18a: {  	[tilespmem:$0xB720] =	vst v0  }
0x18b: {  	[tilespmem:$0xB730] =	vst v0  }
0x18c: {  	[tilespmem:$0xB740] =	vst v0  }
0x18d: {  	[tilespmem:$0xB750] =	vst v0  }
0x18e: {  	[tilespmem:$0xB760] =	vst v0  }
0x18f: {  	[tilespmem:$0xB770] =	vst v0  }
0x190: {  	[tilespmem:$0xB780] =	vst v0  }
0x191: {  	[tilespmem:$0xB790] =	vst v0  }
0x192: {  	[tilespmem:$0xB7A0] =	vst v0  }
0x193: {  	[tilespmem:$0xB7B0] =	vst v0  }
0x194: {  	[tilespmem:$0xB7C0] =	vst v0  }
0x195: {  	[tilespmem:$0xB7D0] =	vst v0  }
0x196: {  	[tilespmem:$0xB7E0] =	vst v0  }
0x197: {  	[tilespmem:$0xB7F0] =	vst v0  }
0x198: {  	[tilespmem:$0xB800] =	vst v0  }
0x199: {  	[tilespmem:$0xB810] =	vst v0  }
0x19a: {  	[tilespmem:$0xB820] =	vst v0  }
0x19b: {  	[tilespmem:$0xB830] =	vst v0  }
0x19c: {  	[tilespmem:$0xB840] =	vst v0  }
0x19d: {  	[tilespmem:$0xB850] =	vst v0  }
0x19e: {  	[tilespmem:$0xB860] =	vst v0  }
0x19f: {  	[tilespmem:$0xB870] =	vst v0  }
0x1a0: {  	[tilespmem:$0xB880] =	vst v0  }
0x1a1: {  	[tilespmem:$0xB890] =	vst v0  }
0x1a2: {  	[tilespmem:$0xB8A0] =	vst v0  }
0x1a3: {  	[tilespmem:$0xB8B0] =	vst v0  }
0x1a4: {  	[tilespmem:$0xB8C0] =	vst v0  }
0x1a5: {  	[tilespmem:$0xB8D0] =	vst v0  }
0x1a6: {  	[tilespmem:$0xB8E0] =	vst v0  }
0x1a7: {  	[tilespmem:$0xB8F0] =	vst v0  }
0x1a8: {  	[tilespmem:$0xB900] =	vst v0  }
0x1a9: {  	[tilespmem:$0xB910] =	vst v0  }
0x1aa: {  	[tilespmem:$0xB920] =	vst v0  }
0x1ab: {  	[tilespmem:$0xB930] =	vst v0  }
0x1ac: {  	[tilespmem:$0xB940] =	vst v0  }
0x1ad: {  	[tilespmem:$0xB950] =	vst v0  }
0x1ae: {  	[tilespmem:$0xB960] =	vst v0  }
0x1af: {  	[tilespmem:$0xB970] =	vst v0  }
0x1b0: {  	[tilespmem:$0xB980] =	vst v0  }
0x1b1: {  	[tilespmem:$0xB990] =	vst v0  }
0x1b2: {  	[tilespmem:$0xB9A0] =	vst v0  }
0x1b3: {  	[tilespmem:$0xB9B0] =	vst v0  }
0x1b4: {  	[tilespmem:$0xB9C0] =	vst v0  }
0x1b5: {  	[tilespmem:$0xB9D0] =	vst v0  }
0x1b6: {  	[tilespmem:$0xB9E0] =	vst v0  }
0x1b7: {  	[tilespmem:$0xB9F0] =	vst v0  }
0x1b8: {  	[tilespmem:$0xBA00] =	vst v0  }
0x1b9: {  	[tilespmem:$0xBA10] =	vst v0  }
0x1ba: {  	[tilespmem:$0xBA20] =	vst v0  }
0x1bb: {  	[tilespmem:$0xBA30] =	vst v0  }
0x1bc: {  	[tilespmem:$0xBA40] =	vst v0  }
0x1bd: {  	[tilespmem:$0xBA50] =	vst v0  }
0x1be: {  	[tilespmem:$0xBA60] =	vst v0  }
0x1bf: {  	[tilespmem:$0xBA70] =	vst v0  }
0x1c0: {  	[tilespmem:$0xBA80] =	vst v0  }
0x1c1: {  	[tilespmem:$0xBA90] =	vst v0  }
0x1c2: {  	[tilespmem:$0xBAA0] =	vst v0  }
0x1c3: {  	[tilespmem:$0xBAB0] =	vst v0  }
0x1c4: {  	[tilespmem:$0xBAC0] =	vst v0  }
0x1c5: {  	[tilespmem:$0xBAD0] =	vst v0  }
0x1c6: {  	[tilespmem:$0xBAE0] =	vst v0  }
0x1c7: {  	[tilespmem:$0xBAF0] =	vst v0  }
0x1c8: {  	[tilespmem:$0xBB00] =	vst v0  }
0x1c9: {  	[tilespmem:$0xBB10] =	vst v0  }
0x1ca: {  	[tilespmem:$0xBB20] =	vst v0  }
0x1cb: {  	[tilespmem:$0xBB30] =	vst v0  }
0x1cc: {  	[tilespmem:$0xBB40] =	vst v0  }
0x1cd: {  	[tilespmem:$0xBB50] =	vst v0  }
0x1ce: {  	[tilespmem:$0xBB60] =	vst v0  }
0x1cf: {  	[tilespmem:$0xBB70] =	vst v0  }
0x1d0: {  	[tilespmem:$0xBB80] =	vst v0  }
0x1d1: {  	[tilespmem:$0xBB90] =	vst v0  }
0x1d2: {  	[tilespmem:$0xBBA0] =	vst v0  }
0x1d3: {  	[tilespmem:$0xBBB0] =	vst v0  }
0x1d4: {  	[tilespmem:$0xBBC0] =	vst v0  }
0x1d5: {  	[tilespmem:$0xBBD0] =	vst v0  }
0x1d6: {  	[tilespmem:$0xBBE0] =	vst v0  }
0x1d7: {  	[tilespmem:$0xBBF0] =	vst v0  }
0x1d8: {  	[tilespmem:$0xBC00] =	vst v0  }
0x1d9: {  	[tilespmem:$0xBC10] =	vst v0  }
0x1da: {  	[tilespmem:$0xBC20] =	vst v0  }
0x1db: {  	[tilespmem:$0xBC30] =	vst v0  }
0x1dc: {  	[tilespmem:$0xBC40] =	vst v0  }
0x1dd: {  	[tilespmem:$0xBC50] =	vst v0  }
0x1de: {  	[tilespmem:$0xBC60] =	vst v0  }
0x1df: {  	[tilespmem:$0xBC70] =	vst v0  }
0x1e0: {  	[tilespmem:$0xBC80] =	vst v0  }
0x1e1: {  	[tilespmem:$0xBC90] =	vst v0  }
0x1e2: {  	[tilespmem:$0xBCA0] =	vst v0  }
0x1e3: {  	[tilespmem:$0xBCB0] =	vst v0  }
0x1e4: {  	[tilespmem:$0xBCC0] =	vst v0  }
0x1e5: {  	[tilespmem:$0xBCD0] =	vst v0  }
0x1e6: {  	[tilespmem:$0xBCE0] =	vst v0  }
0x1e7: {  	[tilespmem:$0xBCF0] =	vst v0  }
0x1e8: {  	[tilespmem:$0xBD00] =	vst v0  }
0x1e9: {  	[tilespmem:$0xBD10] =	vst v0  }
0x1ea: {  	[tilespmem:$0xBD20] =	vst v0  }
0x1eb: {  	[tilespmem:$0xBD30] =	vst v0  }
0x1ec: {  	[tilespmem:$0xBD40] =	vst v0  }
0x1ed: {  	[tilespmem:$0xBD50] =	vst v0  }
0x1ee: {  	[tilespmem:$0xBD60] =	vst v0  }
0x1ef: {  	[tilespmem:$0xBD70] =	vst v0  }
0x1f0: {  	[tilespmem:$0xBD80] =	vst v0  }
0x1f1: {  	[tilespmem:$0xBD90] =	vst v0  }
0x1f2: {  	[tilespmem:$0xBDA0] =	vst v0  }
0x1f3: {  	[tilespmem:$0xBDB0] =	vst v0  }
0x1f4: {  	[tilespmem:$0xBDC0] =	vst v0  }
0x1f5: {  	[tilespmem:$0xBDD0] =	vst v0  }
0x1f6: {  	[tilespmem:$0xBDE0] =	vst v0  }
0x1f7: {  	[tilespmem:$0xBDF0] =	vst v0  }
0x1f8: {  	[tilespmem:$0xBE00] =	vst v0  }
0x1f9: {  	[tilespmem:$0xBE10] =	vst v0  }
0x1fa: {  	[tilespmem:$0xBE20] =	vst v0  }
0x1fb: {  	[tilespmem:$0xBE30] =	vst v0  }
0x1fc: {  	[tilespmem:$0xBE40] =	vst v0  }
0x1fd: {  	[tilespmem:$0xBE50] =	vst v0  }
0x1fe: {  	[tilespmem:$0xBE60] =	vst v0  }
0x1ff: {  	[tilespmem:$0xBE70] =	vst v0  }
0x200: {  	[tilespmem:$0xBE80] =	vst v0  }
0x201: {  	[tilespmem:$0xBE90] =	vst v0  }
0x202: {  	[tilespmem:$0xBEA0] =	vst v0  }
0x203: {  	[tilespmem:$0xBEB0] =	vst v0  }
0x204: {  	[tilespmem:$0xBEC0] =	vst v0  }
0x205: {  	[tilespmem:$0xBED0] =	vst v0  }
0x206: {  	[tilespmem:$0xBEE0] =	vst v0  }
0x207: {  	[tilespmem:$0xBEF0] =	vst v0  }
0x208: {  	[tilespmem:$0xBF00] =	vst v0  }
0x209: {  	[tilespmem:$0xBF10] =	vst v0  }
0x20a: {  	[tilespmem:$0xBF20] =	vst v0  }
0x20b: {  	[tilespmem:$0xBF30] =	vst v0  }
0x20c: {  	[tilespmem:$0xBF40] =	vst v0  }
0x20d: {  	[tilespmem:$0xBF50] =	vst v0  }
0x20e: {  	[tilespmem:$0xBF60] =	vst v0  }
0x20f: {  	[tilespmem:$0xBF70] =	vst v0  }
0x210: {  	[tilespmem:$0xBF80] =	vst v0  }
0x211: {  	[tilespmem:$0xBF90] =	vst v0  }
0x212: {  	[tilespmem:$0xBFA0] =	vst v0  }
0x213: {  	[tilespmem:$0xBFB0] =	vst v0  }
0x214: {  	[tilespmem:$0xBFC0] =	vst v0  }
0x215: {  	[tilespmem:$0xBFD0] =	vst v0  }
0x216: {  	[tilespmem:$0xBFE0] =	vst v0  }
0x217: {  	[tilespmem:$0xBFF0] =	vst v0  }
0x218: {  	[tilespmem:$0xC000] =	vst v0  }
0x219: {  	[tilespmem:$0xC010] =	vst v0  }
0x21a: {  	[tilespmem:$0xC020] =	vst v0  }
0x21b: {  	[tilespmem:$0xC030] =	vst v0  }
0x21c: {  	[tilespmem:$0xC040] =	vst v0  }
0x21d: {  	[tilespmem:$0xC050] =	vst v0  }
0x21e: {  	[tilespmem:$0xC060] =	vst v0  }
0x21f: {  	[tilespmem:$0xC070] =	vst v0  }
0x220: {  	[tilespmem:$0xC080] =	vst v0  }
0x221: {  	[tilespmem:$0xC090] =	vst v0  }
0x222: {  	[tilespmem:$0xC0A0] =	vst v0  }
0x223: {  	[tilespmem:$0xC0B0] =	vst v0  }
0x224: {  	[tilespmem:$0xC0C0] =	vst v0  }
0x225: {  	[tilespmem:$0xC0D0] =	vst v0  }
0x226: {  	[tilespmem:$0xC0E0] =	vst v0  }
0x227: {  	[tilespmem:$0xC0F0] =	vst v0  }
0x228: {  	[tilespmem:$0xC100] =	vst v0  }
0x229: {  	[tilespmem:$0xC110] =	vst v0  }
0x22a: {  	[tilespmem:$0xC120] =	vst v0  }
0x22b: {  	[tilespmem:$0xC130] =	vst v0  }
0x22c: {  	[tilespmem:$0xC140] =	vst v0  }
0x22d: {  	[tilespmem:$0xC150] =	vst v0  }
0x22e: {  	[tilespmem:$0xC160] =	vst v0  }
0x22f: {  	[tilespmem:$0xC170] =	vst v0  }
0x230: {  	[tilespmem:$0xC180] =	vst v0  }
0x231: {  	[tilespmem:$0xC190] =	vst v0  }
0x232: {  	[tilespmem:$0xC1A0] =	vst v0  }
0x233: {  	[tilespmem:$0xC1B0] =	vst v0  }
0x234: {  	[tilespmem:$0xC1C0] =	vst v0  }
0x235: {  	[tilespmem:$0xC1D0] =	vst v0  }
0x236: {  	[tilespmem:$0xC1E0] =	vst v0  }
0x237: {  	[tilespmem:$0xC1F0] =	vst v0  }
0x238: {  	[tilespmem:$0xC200] =	vst v0  }
0x239: {  	[tilespmem:$0xC210] =	vst v0  }
0x23a: {  	[tilespmem:$0xC220] =	vst v0  }
0x23b: {  	[tilespmem:$0xC230] =	vst v0  }
0x23c: {  	[tilespmem:$0xC240] =	vst v0  }
0x23d: {  	[tilespmem:$0xC250] =	vst v0  }
0x23e: {  	[tilespmem:$0xC260] =	vst v0  }
0x23f: {  	[tilespmem:$0xC270] =	vst v0  }
0x240: {  	[tilespmem:$0xC280] =	vst v0  }
0x241: {  	[tilespmem:$0xC290] =	vst v0  }
0x242: {  	[tilespmem:$0xC2A0] =	vst v0  }
0x243: {  	[tilespmem:$0xC2B0] =	vst v0  }
0x244: {  	[tilespmem:$0xC2C0] =	vst v0  }
0x245: {  	[tilespmem:$0xC2D0] =	vst v0  }
0x246: {  	[tilespmem:$0xC2E0] =	vst v0  }
0x247: {  	[tilespmem:$0xC2F0] =	vst v0  }
0x248: {  	[tilespmem:$0xC300] =	vst v0  }
0x249: {  	[tilespmem:$0xC310] =	vst v0  }
0x24a: {  	[tilespmem:$0xC320] =	vst v0  }
0x24b: {  	[tilespmem:$0xC330] =	vst v0  }
0x24c: {  	[tilespmem:$0xC340] =	vst v0  }
0x24d: {  	[tilespmem:$0xC350] =	vst v0  }
0x24e: {  	[tilespmem:$0xC360] =	vst v0  }
0x24f: {  	[tilespmem:$0xC370] =	vst v0  }
0x250: {  	[tilespmem:$0xC380] =	vst v0  }
0x251: {  	[tilespmem:$0xC390] =	vst v0  }
0x252: {  	[tilespmem:$0xC3A0] =	vst v0  }
0x253: {  	[tilespmem:$0xC3B0] =	vst v0  }
0x254: {  	[tilespmem:$0xC3C0] =	vst v0  }
0x255: {  	[tilespmem:$0xC3D0] =	vst v0  }
0x256: {  	[tilespmem:$0xC3E0] =	vst v0  }
0x257: {  	[tilespmem:$0xC3F0] =	vst v0  }
0x258: {  	[tilespmem:$0xC400] =	vst v0  }
0x259: {  	[tilespmem:$0xC410] =	vst v0  }
0x25a: {  	[tilespmem:$0xC420] =	vst v0  }
0x25b: {  	[tilespmem:$0xC430] =	vst v0  }
0x25c: {  	[tilespmem:$0xC440] =	vst v0  }
0x25d: {  	[tilespmem:$0xC450] =	vst v0  }
0x25e: {  	[tilespmem:$0xC460] =	vst v0  }
0x25f: {  	[tilespmem:$0xC470] =	vst v0  }
0x260: {  	[tilespmem:$0xC480] =	vst v0  }
0x261: {  	[tilespmem:$0xC490] =	vst v0  }
0x262: {  	[tilespmem:$0xC4A0] =	vst v0  }
0x263: {  	[tilespmem:$0xC4B0] =	vst v0  }
0x264: {  	[tilespmem:$0xC4C0] =	vst v0  }
0x265: {  	[tilespmem:$0xC4D0] =	vst v0  }
0x266: {  	[tilespmem:$0xC4E0] =	vst v0  }
0x267: {  	[tilespmem:$0xC4F0] =	vst v0  }
0x268: {  	[tilespmem:$0xC500] =	vst v0  }
0x269: {  	[tilespmem:$0xC510] =	vst v0  }
0x26a: {  	[tilespmem:$0xC520] =	vst v0  }
0x26b: {  	[tilespmem:$0xC530] =	vst v0  }
0x26c: {  	[tilespmem:$0xC540] =	vst v0  }
0x26d: {  	[tilespmem:$0xC550] =	vst v0  }
0x26e: {  	[tilespmem:$0xC560] =	vst v0  }
0x26f: {  	[tilespmem:$0xC570] =	vst v0  }
0x270: {  	[tilespmem:$0xC580] =	vst v0  }
0x271: {  	[tilespmem:$0xC590] =	vst v0  }
0x272: {  	[tilespmem:$0xC5A0] =	vst v0  }
0x273: {  	[tilespmem:$0xC5B0] =	vst v0  }
0x274: {  	[tilespmem:$0xC5C0] =	vst v0  }
0x275: {  	[tilespmem:$0xC5D0] =	vst v0  }
0x276: {  	[tilespmem:$0xC5E0] =	vst v0  }
0x277: {  	[tilespmem:$0xC5F0] =	vst v0  }
0x278: {  	[tilespmem:$0xC600] =	vst v0  }
0x279: {  	[tilespmem:$0xC610] =	vst v0  }
0x27a: {  	[tilespmem:$0xC620] =	vst v0  }
0x27b: {  	[tilespmem:$0xC630] =	vst v0  }
0x27c: {  	[tilespmem:$0xC640] =	vst v0  }
0x27d: {  	[tilespmem:$0xC650] =	vst v0  }
0x27e: {  	[tilespmem:$0xC660] =	vst v0  }
0x27f: {  	[tilespmem:$0xC670] =	vst v0  }
0x280: {  	[tilespmem:$0xC680] =	vst v0  }
0x281: {  	[tilespmem:$0xC690] =	vst v0  }
0x282: {  	[tilespmem:$0xC6A0] =	vst v0  }
0x283: {  	[tilespmem:$0xC6B0] =	vst v0  }
0x284: {  	[tilespmem:$0xC6C0] =	vst v0  }
0x285: {  	[tilespmem:$0xC6D0] =	vst v0  }
0x286: {  	[tilespmem:$0xC6E0] =	vst v0  }
0x287: {  	[tilespmem:$0xC6F0] =	vst v0  }
0x288: {  	[tilespmem:$0xC700] =	vst v0  }
0x289: {  	[tilespmem:$0xC710] =	vst v0  }
0x28a: {  	[tilespmem:$0xC720] =	vst v0  }
0x28b: {  	[tilespmem:$0xC730] =	vst v0  }
0x28c: {  	[tilespmem:$0xC740] =	vst v0  }
0x28d: {  	[tilespmem:$0xC750] =	vst v0  }
0x28e: {  	[tilespmem:$0xC760] =	vst v0  }
0x28f: {  	[tilespmem:$0xC770] =	vst v0  }
0x290: {  	[tilespmem:$0xC780] =	vst v0  }
0x291: {  	[tilespmem:$0xC790] =	vst v0  }
0x292: {  	[tilespmem:$0xC7A0] =	vst v0  }
0x293: {  	[tilespmem:$0xC7B0] =	vst v0  }
0x294: {  	[tilespmem:$0xC7C0] =	vst v0  }
0x295: {  	[tilespmem:$0xC7D0] =	vst v0  }
0x296: {  	[tilespmem:$0xC7E0] =	vst v0  }
0x297: {  	[tilespmem:$0xC7F0] =	vst v0  }
0x298: {  	[tilespmem:$0xC800] =	vst v0  }
0x299: {  	[tilespmem:$0xC810] =	vst v0  }
0x29a: {  	[tilespmem:$0xC820] =	vst v0  }
0x29b: {  	[tilespmem:$0xC830] =	vst v0  }
0x29c: {  	[tilespmem:$0xC840] =	vst v0  }
0x29d: {  	[tilespmem:$0xC850] =	vst v0  }
0x29e: {  	[tilespmem:$0xC860] =	vst v0  }
0x29f: {  	[tilespmem:$0xC870] =	vst v0  }
0x2a0: {  	[tilespmem:$0xC880] =	vst v0  }
0x2a1: {  	[tilespmem:$0xC890] =	vst v0  }
0x2a2: {  	[tilespmem:$0xC8A0] =	vst v0  }
0x2a3: {  	[tilespmem:$0xC8B0] =	vst v0  }
0x2a4: {  	[tilespmem:$0xC8C0] =	vst v0  }
0x2a5: {  	[tilespmem:$0xC8D0] =	vst v0  }
0x2a6: {  	[tilespmem:$0xC8E0] =	vst v0  }
0x2a7: {  	[tilespmem:$0xC8F0] =	vst v0  }
0x2a8: {  	[tilespmem:$0xC900] =	vst v0  }
0x2a9: {  	[tilespmem:$0xC910] =	vst v0  }
0x2aa: {  	[tilespmem:$0xC920] =	vst v0  }
0x2ab: {  	[tilespmem:$0xC930] =	vst v0  }
0x2ac: {  	[tilespmem:$0xC940] =	vst v0  }
0x2ad: {  	[tilespmem:$0xC950] =	vst v0  }
0x2ae: {  	[tilespmem:$0xC960] =	vst v0  }
0x2af: {  	[tilespmem:$0xC970] =	vst v0  }
0x2b0: {  	[tilespmem:$0xC980] =	vst v0  }
0x2b1: {  	[tilespmem:$0xC990] =	vst v0  }
0x2b2: {  	[tilespmem:$0xC9A0] =	vst v0  }
0x2b3: {  	[tilespmem:$0xC9B0] =	vst v0  }
0x2b4: {  	[tilespmem:$0xC9C0] =	vst v0  }
0x2b5: {  	[tilespmem:$0xC9D0] =	vst v0  }
0x2b6: {  	[tilespmem:$0xC9E0] =	vst v0  }
0x2b7: {  	[tilespmem:$0xC9F0] =	vst v0  }
0x2b8: {  	[tilespmem:$0xCA00] =	vst v0  }
0x2b9: {  	[tilespmem:$0xCA10] =	vst v0  }
0x2ba: {  	[tilespmem:$0xCA20] =	vst v0  }
0x2bb: {  	[tilespmem:$0xCA30] =	vst v0  }
0x2bc: {  	[tilespmem:$0xCA40] =	vst v0  }
0x2bd: {  	[tilespmem:$0xCA50] =	vst v0  }
0x2be: {  	[tilespmem:$0xCA60] =	vst v0  }
0x2bf: {  	[tilespmem:$0xCA70] =	vst v0  }
0x2c0: {  	[tilespmem:$0xCA80] =	vst v0  }
0x2c1: {  	[tilespmem:$0xCA90] =	vst v0  }
0x2c2: {  	[tilespmem:$0xCAA0] =	vst v0  }
0x2c3: {  	[tilespmem:$0xCAB0] =	vst v0  }
0x2c4: {  	[tilespmem:$0xCAC0] =	vst v0  }
0x2c5: {  	[tilespmem:$0xCAD0] =	vst v0  }
0x2c6: {  	[tilespmem:$0xCAE0] =	vst v0  }
0x2c7: {  	[tilespmem:$0xCAF0] =	vst v0  }
0x2c8: {  	[tilespmem:$0xCB00] =	vst v0  }
0x2c9: {  	[tilespmem:$0xCB10] =	vst v0  }
0x2ca: {  	[tilespmem:$0xCB20] =	vst v0  }
0x2cb: {  	[tilespmem:$0xCB30] =	vst v0  }
0x2cc: {  	[tilespmem:$0xCB40] =	vst v0  }
0x2cd: {  	[tilespmem:$0xCB50] =	vst v0  }
0x2ce: {  	[tilespmem:$0xCB60] =	vst v0  }
0x2cf: {  	[tilespmem:$0xCB70] =	vst v0  }
0x2d0: {  	[tilespmem:$0xCB80] =	vst v0  }
0x2d1: {  	[tilespmem:$0xCB90] =	vst v0  }
0x2d2: {  	[tilespmem:$0xCBA0] =	vst v0  }
0x2d3: {  	[tilespmem:$0xCBB0] =	vst v0  }
0x2d4: {  	[tilespmem:$0xCBC0] =	vst v0  }
0x2d5: {  	[tilespmem:$0xCBD0] =	vst v0  }
0x2d6: {  	[tilespmem:$0xCBE0] =	vst v0  }
0x2d7: {  	[tilespmem:$0xCBF0] =	vst v0  }
0x2d8: {  	[tilespmem:$0xCC00] =	vst v0  }
0x2d9: {  	[tilespmem:$0xCC10] =	vst v0  }
0x2da: {  	[tilespmem:$0xCC20] =	vst v0  }
0x2db: {  	[tilespmem:$0xCC30] =	vst v0  }
0x2dc: {  	[tilespmem:$0xCC40] =	vst v0  }
0x2dd: {  	[tilespmem:$0xCC50] =	vst v0  }
0x2de: {  	[tilespmem:$0xCC60] =	vst v0  }
0x2df: {  	[tilespmem:$0xCC70] =	vst v0  }
0x2e0: {  	[tilespmem:$0xCC80] =	vst v0  }
0x2e1: {  	[tilespmem:$0xCC90] =	vst v0  }
0x2e2: {  	[tilespmem:$0xCCA0] =	vst v0  }
0x2e3: {  	[tilespmem:$0xCCB0] =	vst v0  }
0x2e4: {  	[tilespmem:$0xCCC0] =	vst v0  }
0x2e5: {  	[tilespmem:$0xCCD0] =	vst v0  }
0x2e6: {  	[tilespmem:$0xCCE0] =	vst v0  }
0x2e7: {  	[tilespmem:$0xCCF0] =	vst v0  }
0x2e8: {  	[tilespmem:$0xCD00] =	vst v0  }
0x2e9: {  	[tilespmem:$0xCD10] =	vst v0  }
0x2ea: {  	[tilespmem:$0xCD20] =	vst v0  }
0x2eb: {  	[tilespmem:$0xCD30] =	vst v0  }
0x2ec: {  	[tilespmem:$0xCD40] =	vst v0  }
0x2ed: {  	[tilespmem:$0xCD50] =	vst v0  }
0x2ee: {  	[tilespmem:$0xCD60] =	vst v0  }
0x2ef: {  	[tilespmem:$0xCD70] =	vst v0  }
0x2f0: {  	[tilespmem:$0xCD80] =	vst v0  }
0x2f1: {  	[tilespmem:$0xCD90] =	vst v0  }
0x2f2: {  	[tilespmem:$0xCDA0] =	vst v0  }
0x2f3: {  	[tilespmem:$0xCDB0] =	vst v0  }
0x2f4: {  	[tilespmem:$0xCDC0] =	vst v0  }
0x2f5: {  	[tilespmem:$0xCDD0] =	vst v0  }
0x2f6: {  	[tilespmem:$0xCDE0] =	vst v0  }
0x2f7: {  	[tilespmem:$0xCDF0] =	vst v0  }
0x2f8: {  	[tilespmem:$0xCE00] =	vst v0  }
0x2f9: {  	[tilespmem:$0xCE10] =	vst v0  }
0x2fa: {  	[tilespmem:$0xCE20] =	vst v0  }
0x2fb: {  	[tilespmem:$0xCE30] =	vst v0  }
0x2fc: {  	[tilespmem:$0xCE40] =	vst v0  }
0x2fd: {  	[tilespmem:$0xCE50] =	vst v0  }
0x2fe: {  	[tilespmem:$0xCE60] =	vst v0  }
0x2ff: {  	[tilespmem:$0xCE70] =	vst v0  }
0x300: {  	[tilespmem:$0xCE80] =	vst v0  }
0x301: {  	[tilespmem:$0xCE90] =	vst v0  }
0x302: {  	[tilespmem:$0xCEA0] =	vst v0  }
0x303: {  	[tilespmem:$0xCEB0] =	vst v0  }
0x304: {  	[tilespmem:$0xCEC0] =	vst v0  }
0x305: {  	[tilespmem:$0xCED0] =	vst v0  }
0x306: {  	[tilespmem:$0xCEE0] =	vst v0  }
0x307: {  	[tilespmem:$0xCEF0] =	vst v0  }
0x308: {  	[tilespmem:$0xCF00] =	vst v0  }
0x309: {  	[tilespmem:$0xCF10] =	vst v0  }
0x30a: {  	[tilespmem:$0xCF20] =	vst v0  }
0x30b: {  	[tilespmem:$0xCF30] =	vst v0  }
0x30c: {  	[tilespmem:$0xCF40] =	vst v0  }
0x30d: {  	[tilespmem:$0xCF50] =	vst v0  }
0x30e: {  	[tilespmem:$0xCF60] =	vst v0  }
0x30f: {  	[tilespmem:$0xCF70] =	vst v0  }
0x310: {  	[tilespmem:$0xCF80] =	vst v0  }
0x311: {  	[tilespmem:$0xCF90] =	vst v0  }
0x312: {  	[tilespmem:$0xCFA0] =	vst v0  }
0x313: {  	[tilespmem:$0xCFB0] =	vst v0  }
0x314: {  	[tilespmem:$0xCFC0] =	vst v0  }
0x315: {  	[tilespmem:$0xCFD0] =	vst v0  }
0x316: {  	[tilespmem:$0xCFE0] =	vst v0  }
0x317: {  	[tilespmem:$0xCFF0] =	vst v0  }
0x318: {  	[tilespmem:$0xD000] =	vst v0  }
0x319: {  	[tilespmem:$0xD010] =	vst v0  }
0x31a: {  	[tilespmem:$0xD020] =	vst v0  }
0x31b: {  	[tilespmem:$0xD030] =	vst v0  }
0x31c: {  	[tilespmem:$0xD040] =	vst v0  }
0x31d: {  	[tilespmem:$0xD050] =	vst v0  }
0x31e: {  	[tilespmem:$0xD060] =	vst v0  }
0x31f: {  	[tilespmem:$0xD070] =	vst v0  }
0x320: {  	[tilespmem:$0xD080] =	vst v0  }
0x321: {  	[tilespmem:$0xD090] =	vst v0  }
0x322: {  	[tilespmem:$0xD0A0] =	vst v0  }
0x323: {  	[tilespmem:$0xD0B0] =	vst v0  }
0x324: {  	[tilespmem:$0xD0C0] =	vst v0  }
0x325: {  	[tilespmem:$0xD0D0] =	vst v0  }
0x326: {  	[tilespmem:$0xD0E0] =	vst v0  }
0x327: {  	[tilespmem:$0xD0F0] =	vst v0  }
0x328: {  	[tilespmem:$0xD100] =	vst v0  }
0x329: {  	[tilespmem:$0xD110] =	vst v0  }
0x32a: {  	[tilespmem:$0xD120] =	vst v0  }
0x32b: {  	[tilespmem:$0xD130] =	vst v0  }
0x32c: {  	[tilespmem:$0xD140] =	vst v0  }
0x32d: {  	[tilespmem:$0xD150] =	vst v0  }
0x32e: {  	[tilespmem:$0xD160] =	vst v0  }
0x32f: {  	[tilespmem:$0xD170] =	vst v0  }
0x330: {  	[tilespmem:$0xD180] =	vst v0  }
0x331: {  	[tilespmem:$0xD190] =	vst v0  }
0x332: {  	[tilespmem:$0xD1A0] =	vst v0  }
0x333: {  	[tilespmem:$0xD1B0] =	vst v0  }
0x334: {  	[tilespmem:$0xD1C0] =	vst v0  }
0x335: {  	[tilespmem:$0xD1D0] =	vst v0  }
0x336: {  	[tilespmem:$0xD1E0] =	vst v0  }
0x337: {  	[tilespmem:$0xD1F0] =	vst v0  }
0x338: {  	[tilespmem:$0xD200] =	vst v0  }
0x339: {  	[tilespmem:$0xD210] =	vst v0  }
0x33a: {  	[tilespmem:$0xD220] =	vst v0  }
0x33b: {  	[tilespmem:$0xD230] =	vst v0  }
0x33c: {  	[tilespmem:$0xD240] =	vst v0  }
0x33d: {  	[tilespmem:$0xD250] =	vst v0  }
0x33e: {  	[tilespmem:$0xD260] =	vst v0  }
0x33f: {  	[tilespmem:$0xD270] =	vst v0  }
0x340: {  	[tilespmem:$0xD280] =	vst v0  }
0x341: {  	[tilespmem:$0xD290] =	vst v0  }
0x342: {  	[tilespmem:$0xD2A0] =	vst v0  }
0x343: {  	[tilespmem:$0xD2B0] =	vst v0  }
0x344: {  	[tilespmem:$0xD2C0] =	vst v0  }
0x345: {  	[tilespmem:$0xD2D0] =	vst v0  }
0x346: {  	[tilespmem:$0xD2E0] =	vst v0  }
0x347: {  	[tilespmem:$0xD2F0] =	vst v0  }
0x348: {  	[tilespmem:$0xD300] =	vst v0  }
0x349: {  	[tilespmem:$0xD310] =	vst v0  }
0x34a: {  	[tilespmem:$0xD320] =	vst v0  }
0x34b: {  	[tilespmem:$0xD330] =	vst v0  }
0x34c: {  	[tilespmem:$0xD340] =	vst v0  }
0x34d: {  	[tilespmem:$0xD350] =	vst v0  }
0x34e: {  	[tilespmem:$0xD360] =	vst v0  }
0x34f: {  	[tilespmem:$0xD370] =	vst v0  }
0x350: {  	[tilespmem:$0xD380] =	vst v0  }
0x351: {  	[tilespmem:$0xD390] =	vst v0  }
0x352: {  	[tilespmem:$0xD3A0] =	vst v0  }
0x353: {  	[tilespmem:$0xD3B0] =	vst v0  }
0x354: {  	[tilespmem:$0xD3C0] =	vst v0  }
0x355: {  	[tilespmem:$0xD3D0] =	vst v0  }
0x356: {  	[tilespmem:$0xD3E0] =	vst v0  }
0x357: {  	[tilespmem:$0xD3F0] =	vst v0  }
0x358: {  	[tilespmem:$0xD400] =	vst v0  }
0x359: {  	[tilespmem:$0xD410] =	vst v0  }
0x35a: {  	[tilespmem:$0xD420] =	vst v0  }
0x35b: {  	[tilespmem:$0xD430] =	vst v0  }
0x35c: {  	[tilespmem:$0xD440] =	vst v0  }
0x35d: {  	[tilespmem:$0xD450] =	vst v0  }
0x35e: {  	[tilespmem:$0xD460] =	vst v0  }
0x35f: {  	[tilespmem:$0xD470] =	vst v0  }
0x360: {  	[tilespmem:$0xD480] =	vst v0  }
0x361: {  	[tilespmem:$0xD490] =	vst v0  }
0x362: {  	[tilespmem:$0xD4A0] =	vst v0  }
0x363: {  	[tilespmem:$0xD4B0] =	vst v0  }
0x364: {  	[tilespmem:$0xD4C0] =	vst v0  }
0x365: {  	[tilespmem:$0xD4D0] =	vst v0  }
0x366: {  	[tilespmem:$0xD4E0] =	vst v0  }
0x367: {  	[tilespmem:$0xD4F0] =	vst v0  }
0x368: {  	[tilespmem:$0xD500] =	vst v0  }
0x369: {  	[tilespmem:$0xD510] =	vst v0  }
0x36a: {  	[tilespmem:$0xD520] =	vst v0  }
0x36b: {  	[tilespmem:$0xD530] =	vst v0  }
0x36c: {  	[tilespmem:$0xD540] =	vst v0  }
0x36d: {  	[tilespmem:$0xD550] =	vst v0  }
0x36e: {  	[tilespmem:$0xD560] =	vst v0  }
0x36f: {  	[tilespmem:$0xD570] =	vst v0  }
0x370: {  	[tilespmem:$0xD580] =	vst v0  }
0x371: {  	[tilespmem:$0xD590] =	vst v0  }
0x372: {  	[tilespmem:$0xD5A0] =	vst v0  }
0x373: {  	[tilespmem:$0xD5B0] =	vst v0  }
0x374: {  	[tilespmem:$0xD5C0] =	vst v0  }
0x375: {  	[tilespmem:$0xD5D0] =	vst v0  }
0x376: {  	[tilespmem:$0xD5E0] =	vst v0  }
0x377: {  	[tilespmem:$0xD5F0] =	vst v0  }
0x378: {  	[tilespmem:$0xD600] =	vst v0  }
0x379: {  	[tilespmem:$0xD610] =	vst v0  }
0x37a: {  	[tilespmem:$0xD620] =	vst v0  }
0x37b: {  	[tilespmem:$0xD630] =	vst v0  }
0x37c: {  	[tilespmem:$0xD640] =	vst v0  }
0x37d: {  	[tilespmem:$0xD650] =	vst v0  }
0x37e: {  	[tilespmem:$0xD660] =	vst v0  }
0x37f: {  	[tilespmem:$0xD670] =	vst v0  }
0x380: {  	[tilespmem:$0xD680] =	vst v0  }
0x381: {  	[tilespmem:$0xD690] =	vst v0  }
0x382: {  	[tilespmem:$0xD6A0] =	vst v0  }
0x383: {  	[tilespmem:$0xD6B0] =	vst v0  }
0x384: {  	[tilespmem:$0xD6C0] =	vst v0  }
0x385: {  	[tilespmem:$0xD6D0] =	vst v0  }
0x386: {  	[tilespmem:$0xD6E0] =	vst v0  }
0x387: {  	[tilespmem:$0xD6F0] =	vst v0  }
0x388: {  	[tilespmem:$0xD700] =	vst v0  }
0x389: {  	[tilespmem:$0xD710] =	vst v0  }
0x38a: {  	[tilespmem:$0xD720] =	vst v0  }
0x38b: {  	[tilespmem:$0xD730] =	vst v0  }
0x38c: {  	[tilespmem:$0xD740] =	vst v0  }
0x38d: {  	[tilespmem:$0xD750] =	vst v0  }
0x38e: {  	[tilespmem:$0xD760] =	vst v0  }
0x38f: {  	[tilespmem:$0xD770] =	vst v0  }
0x390: {  	[tilespmem:$0xD780] =	vst v0  }
0x391: {  	[tilespmem:$0xD790] =	vst v0  }
0x392: {  	[tilespmem:$0xD7A0] =	vst v0  }
0x393: {  	[tilespmem:$0xD7B0] =	vst v0  }
0x394: {  	[tilespmem:$0xD7C0] =	vst v0  }
0x395: {  	[tilespmem:$0xD7D0] =	vst v0  }
0x396: {  	[tilespmem:$0xD7E0] =	vst v0  }
0x397: {  	[tilespmem:$0xD7F0] =	vst v0  }
0x398: {  	[tilespmem:$0xD800] =	vst v0  }
0x399: {  	[tilespmem:$0xD810] =	vst v0  }
0x39a: {  	[tilespmem:$0xD820] =	vst v0  }
0x39b: {  	[tilespmem:$0xD830] =	vst v0  }
0x39c: {  	[tilespmem:$0xD840] =	vst v0  }
0x39d: {  	[tilespmem:$0xD850] =	vst v0  }
0x39e: {  	[tilespmem:$0xD860] =	vst v0  }
0x39f: {  	[tilespmem:$0xD870] =	vst v0  }
0x3a0: {  	[tilespmem:$0xD880] =	vst v0  }
0x3a1: {  	[tilespmem:$0xD890] =	vst v0  }
0x3a2: {  	[tilespmem:$0xD8A0] =	vst v0  }
0x3a3: {  	[tilespmem:$0xD8B0] =	vst v0  }
0x3a4: {  	[tilespmem:$0xD8C0] =	vst v0  }
0x3a5: {  	[tilespmem:$0xD8D0] =	vst v0  }
0x3a6: {  	[tilespmem:$0xD8E0] =	vst v0  }
0x3a7: {  	[tilespmem:$0xD8F0] =	vst v0  }
0x3a8: {  	[tilespmem:$0xD900] =	vst v0  }
0x3a9: {  	[tilespmem:$0xD910] =	vst v0  }
0x3aa: {  	[tilespmem:$0xD920] =	vst v0  }
0x3ab: {  	[tilespmem:$0xD930] =	vst v0  }
0x3ac: {  	[tilespmem:$0xD940] =	vst v0  }
0x3ad: {  	[tilespmem:$0xD950] =	vst v0  }
0x3ae: {  	[tilespmem:$0xD960] =	vst v0  }
0x3af: {  	[tilespmem:$0xD970] =	vst v0  }
0x3b0: {  	[tilespmem:$0xD980] =	vst v0  }
0x3b1: {  	[tilespmem:$0xD990] =	vst v0  }
0x3b2: {  	[tilespmem:$0xD9A0] =	vst v0  }
0x3b3: {  	[tilespmem:$0xD9B0] =	vst v0  }
0x3b4: {  	[tilespmem:$0xD9C0] =	vst v0  }
0x3b5: {  	[tilespmem:$0xD9D0] =	vst v0  }
0x3b6: {  	[tilespmem:$0xD9E0] =	vst v0  }
0x3b7: {  	[tilespmem:$0xD9F0] =	vst v0  }
0x3b8: {  	[tilespmem:$0xDA00] =	vst v0  }
0x3b9: {  	[tilespmem:$0xDA10] =	vst v0  }
0x3ba: {  	[tilespmem:$0xDA20] =	vst v0  }
0x3bb: {  	[tilespmem:$0xDA30] =	vst v0  }
0x3bc: {  	[tilespmem:$0xDA40] =	vst v0  }
0x3bd: {  	[tilespmem:$0xDA50] =	vst v0  }
0x3be: {  	[tilespmem:$0xDA60] =	vst v0  }
0x3bf: {  	[tilespmem:$0xDA70] =	vst v0  }
0x3c0: {  	[tilespmem:$0xDA80] =	vst v0  }
0x3c1: {  	[tilespmem:$0xDA90] =	vst v0  }
0x3c2: {  	[tilespmem:$0xDAA0] =	vst v0  }
0x3c3: {  	[tilespmem:$0xDAB0] =	vst v0  }
0x3c4: {  	[tilespmem:$0xDAC0] =	vst v0  }
0x3c5: {  	[tilespmem:$0xDAD0] =	vst v0  }
0x3c6: {  	[tilespmem:$0xDAE0] =	vst v0  }
0x3c7: {  	[tilespmem:$0xDAF0] =	vst v0  }
0x3c8: {  	[tilespmem:$0xDB00] =	vst v0  }
0x3c9: {  	[tilespmem:$0xDB10] =	vst v0  }
0x3ca: {  	[tilespmem:$0xDB20] =	vst v0  }
0x3cb: {  	[tilespmem:$0xDB30] =	vst v0  }
0x3cc: {  	[tilespmem:$0xDB40] =	vst v0  }
0x3cd: {  	[tilespmem:$0xDB50] =	vst v0  }
0x3ce: {  	[tilespmem:$0xDB60] =	vst v0  }
0x3cf: {  	[tilespmem:$0xDB70] =	vst v0  }
0x3d0: {  	[tilespmem:$0xDB80] =	vst v0  }
0x3d1: {  	[tilespmem:$0xDB90] =	vst v0  }
0x3d2: {  	[tilespmem:$0xDBA0] =	vst v0  }
0x3d3: {  	[tilespmem:$0xDBB0] =	vst v0  }
0x3d4: {  	[tilespmem:$0xDBC0] =	vst v0  }
0x3d5: {  	[tilespmem:$0xDBD0] =	vst v0  }
0x3d6: {  	[tilespmem:$0xDBE0] =	vst v0  }
0x3d7: {  	[tilespmem:$0xDBF0] =	vst v0  }
0x3d8: {  	[tilespmem:$0xDC00] =	vst v0  }
0x3d9: {  	[tilespmem:$0xDC10] =	vst v0  }
0x3da: {  	[tilespmem:$0xDC20] =	vst v0  }
0x3db: {  	[tilespmem:$0xDC30] =	vst v0  }
0x3dc: {  	[tilespmem:$0xDC40] =	vst v0  }
0x3dd: {  	[tilespmem:$0xDC50] =	vst v0  }
0x3de: {  	[tilespmem:$0xDC60] =	vst v0  }
0x3df: {  	[tilespmem:$0xDC70] =	vst v0  }
0x3e0: {  	[tilespmem:$0xDC80] =	vst v0  }
0x3e1: {  	[tilespmem:$0xDC90] =	vst v0  }
0x3e2: {  	[tilespmem:$0xDCA0] =	vst v0  }
0x3e3: {  	[tilespmem:$0xDCB0] =	vst v0  }
0x3e4: {  	[tilespmem:$0xDCC0] =	vst v0  }
0x3e5: {  	[tilespmem:$0xDCD0] =	vst v0  }
0x3e6: {  	[tilespmem:$0xDCE0] =	vst v0  }
0x3e7: {  	[tilespmem:$0xDCF0] =	vst v0  }
0x3e8: {  	[tilespmem:$0xDD00] =	vst v0  }
0x3e9: {  	[tilespmem:$0xDD10] =	vst v0  }
0x3ea: {  	[tilespmem:$0xDD20] =	vst v0  }
0x3eb: {  	[tilespmem:$0xDD30] =	vst v0  }
0x3ec: {  	[tilespmem:$0xDD40] =	vst v0  }
0x3ed: {  	[tilespmem:$0xDD50] =	vst v0  }
0x3ee: {  	[tilespmem:$0xDD60] =	vst v0  }
0x3ef: {  	[tilespmem:$0xDD70] =	vst v0  }
0x3f0: {  	[tilespmem:$0xDD80] =	vst v0  }
0x3f1: {  	[tilespmem:$0xDD90] =	vst v0  }
0x3f2: {  	[tilespmem:$0xDDA0] =	vst v0  }
0x3f3: {  	[tilespmem:$0xDDB0] =	vst v0  }
0x3f4: {  	[tilespmem:$0xDDC0] =	vst v0  }
0x3f5: {  	[tilespmem:$0xDDD0] =	vst v0  }
0x3f6: {  	[tilespmem:$0xDDE0] =	vst v0  }
0x3f7: {  	[tilespmem:$0xDDF0] =	vst v0  }
0x3f8: {  	[tilespmem:$0xDE00] =	vst v0  }
0x3f9: {  	[tilespmem:$0xDE10] =	vst v0  }
0x3fa: {  	[tilespmem:$0xDE20] =	vst v0  }
0x3fb: {  	[tilespmem:$0xDE30] =	vst v0  }
0x3fc: {  	[tilespmem:$0xDE40] =	vst v0  }
0x3fd: {  	[tilespmem:$0xDE50] =	vst v0  }
0x3fe: {  	[tilespmem:$0xDE60] =	vst v0  }
0x3ff: {  	[tilespmem:$0xDE70] =	vst v0  }
0x400: {  	[tilespmem:$0xDE80] =	vst v0  }
0x401: {  	[tilespmem:$0xDE90] =	vst v0  }
0x402: {  	[tilespmem:$0xDEA0] =	vst v0  }
0x403: {  	[tilespmem:$0xDEB0] =	vst v0  }
0x404: {  	[tilespmem:$0xDEC0] =	vst v0  }
0x405: {  	[tilespmem:$0xDED0] =	vst v0  }
0x406: {  	[tilespmem:$0xDEE0] =	vst v0  }
0x407: {  	[tilespmem:$0xDEF0] =	vst v0  }
0x408: {  	[tilespmem:$0xDF00] =	vst v0  }
0x409: {  	[tilespmem:$0xDF10] =	vst v0  }
0x40a: {  	[tilespmem:$0xDF20] =	vst v0  }
0x40b: {  	[tilespmem:$0xDF30] =	vst v0  }
0x40c: {  	[tilespmem:$0xDF40] =	vst v0  }
0x40d: {  	[tilespmem:$0xDF50] =	vst v0  }
0x40e: {  	[tilespmem:$0xDF60] =	vst v0  }
0x40f: {  	[tilespmem:$0xDF70] =	vst v0  }
0x410: {  	[tilespmem:$0xDF80] =	vst v0  }
0x411: {  	[tilespmem:$0xDF90] =	vst v0  }
0x412: {  	[tilespmem:$0xDFA0] =	vst v0  }
0x413: {  	[tilespmem:$0xDFB0] =	vst v0  }
0x414: {  	[tilespmem:$0xDFC0] =	vst v0  }
0x415: {  	[tilespmem:$0xDFD0] =	vst v0  }
0x416: {  	[tilespmem:$0xDFE0] =	vst v0  }
0x417: {  	[tilespmem:$0xDFF0] =	vst v0  }
0x418: {  	[spmem:s7] =	stream.linear.scatter [tilespmem:s14], [sflag:$0x3], $0x4000, $0x38;
	[tilespmem:$0x1E000] =	vst v63  }
0x419: {  	_ =	swait.ge [sflag:s12], $0x4000  }
0x41a: {  	[sflag:s12] =	ssyncset.done $0x0  }
0x41b: {  	[sflag:s12] =	ssyncadd.s32 $0xFFFFC000  }
0x41c: {  	[spmem:s8] =	stream.linear.scatter [tilespmem:s14], [sflag:$0x3], $0x4000, $0x38;
	[tilespmem:$0x1E000] =	vst v63  }
0x41d: {  	_ =	swait.ge [sflag:s12], $0x4000  }
0x41e: {  	[sflag:s12] =	ssyncset.done $0x0  }
0x41f: {  	[sflag:s12] =	ssyncadd.s32 $0xFFFFC000  }
0x420: {  	[spmem:s9] =	stream.linear.scatter [tilespmem:s14], [sflag:$0x3], $0x4000, $0x38;
	[tilespmem:$0x1E000] =	vst v63  }
0x421: {  	_ =	swait.ge [sflag:s12], $0x4000  }
0x422: {  	[sflag:s12] =	ssyncset.done $0x0  }
0x423: {  	[sflag:s12] =	ssyncadd.s32 $0xFFFFC000  }
0x424: {  	[bflag:$0x0] =	sbarrier.arrive $0xFFFF  }
0x425: {  	[tilespmem:s14], [sflag:$0x1] =	stream.indirect.gather [hbm4b:s4+s15], $0x80, s3, s15, $0xb8;
	[tilespmem:$0x1E000] =	vst v63  }
0x426: {  	s25 =	simm.s32 $0x80  }
0x427: {  	[tilespmem:s16], [sflag:$0x2] =	stream.indirect.gather [hbm4b:s4+s15], $0x80, s25, s15, $0xb8;
	[tilespmem:$0x1E000] =	vst v63  }
0x428: {  	_ =	swait.ge [sflag:s17], $0x4000  }
0x429: {  	[sflag:s17] =	ssyncset.done $0x0  }
0x42a: {  	s29 =	simm.s32 $0x5000;
	[sflag:s17] =	ssyncadd.s32 $0xFFFFC000  }
0x42b: {  	[spmem:s2] =	stream.indirect.scatter.add.f32 [tilespmem:s14], [sflag:$0x3], $0x80, s29, s15, $0xb8;
	[tilespmem:$0x1E000] =	vst v63  }
0x42c: {  	_ =	swait.ge [sflag:s12], $0x4000  }
0x42d: {  	[sflag:s12] =	ssyncset.done $0x0  }
0x42e: {  	s30 =	simm.s32 $0x100;
	[sflag:s12] =	ssyncadd.s32 $0xFFFFC000  }
0x42f: {  	[tilespmem:s14], [sflag:$0x1] =	stream.indirect.gather [hbm4b:s4+s15], $0x80, s30, s15, $0xb8;
	[tilespmem:$0x1E000] =	vst v63  }
0x430: {  	_ =	swait.ge [sflag:s18], $0x4000  }
0x431: {  	[sflag:s18] =	ssyncset.done $0x0  }
0x432: {  	s31 =	simm.s32 $0x5080;
	[sflag:s18] =	ssyncadd.s32 $0xFFFFC000  }
0x433: {  	[spmem:s2] =	stream.indirect.scatter.add.f32 [tilespmem:s16], [sflag:$0x3], $0x80, s31, s15, $0xb8;
	[tilespmem:$0x1E000] =	vst v63  }
0x434: {  	_ =	swait.ge [sflag:s12], $0x4000  }
0x435: {  	s26 =	simm.s32 $0x800;
	s25 =	simm.s32 $0x100;
	[sflag:s12] =	ssyncset.done $0x0  }
.LBB2_2:
0x436: {  	s28 =	sadd.s32 $0x80, s25  }
0x437: {  	[sflag:s12] =	ssyncadd.s32 $0xFFFFC000;
	s29 =	smov.u32 s26;
	s30 =	sadd.s32 $0x400, s26  }
0x438: {  	[tilespmem:s16], [sflag:$0x2] =	stream.indirect.gather [hbm4b:s4+s15], $0x80, s28, s15, $0xb8;
	[tilespmem:$0x1E000] =	vst v63  }
0x439: {  	p0 =	sne.s32 s26, $0x13400;
	_ =	swait.ge [sflag:s17], $0x4000  }
0x43a: {  	[sflag:s17] =	ssyncset.done $0x0  }
0x43b: {  	s26 =	sadd.s32 $0x5000, s25;
	[sflag:s17] =	ssyncadd.s32 $0xFFFFC000  }
0x43c: {  	[spmem:s2] =	stream.indirect.scatter.add.f32 [tilespmem:s14], [sflag:$0x3], $0x80, s26, s15, $0xb8;
	[tilespmem:$0x1E000] =	vst v63  }
0x43d: {  	_ =	swait.ge [sflag:s12], $0x4000  }
0x43e: {  	[sflag:s12] =	ssyncset.done $0x0  }
0x43f: {  	s26 =	sadd.s32 $0x100, s25;
	[sflag:s12] =	ssyncadd.s32 $0xFFFFC000  }
0x440: {  	[tilespmem:s14], [sflag:$0x1] =	stream.indirect.gather [hbm4b:s4+s15], $0x80, s26, s15, $0xb8;
	[tilespmem:$0x1E000] =	vst v63  }
0x441: {  	_ =	swait.ge [sflag:s18], $0x4000  }
.Ltmp0:
0x442: {  	[sflag:s18] =	ssyncset.done $0x0;
	(pc) =	sbr.rel @p0 .LBB2_2-.Ltmp0, $4  }
0x443: {  	s25 =	sadd.s32 $0x5080, s25;
	[sflag:s18] =	ssyncadd.s32 $0xFFFFC000  }
0x444: {  	[spmem:s2] =	stream.indirect.scatter.add.f32 [tilespmem:s16], [sflag:$0x3], $0x80, s25, s15, $0xb8;
	[tilespmem:$0x1E000] =	vst v63  }
0x445: {  	_ =	swait.ge [sflag:s12], $0x4000  }
0x446: {  	s26 =	smov.u32 s30;
	s25 =	sshra.s32 s29, $0x2;
	[sflag:s12] =	ssyncset.done $0x0  }
0x447: {  	s26 =	sadd.s32 $0x80, s25;
	[sflag:s12] =	ssyncadd.s32 $0xFFFFC000  }
0x448: {  	[tilespmem:s16], [sflag:$0x2] =	stream.indirect.gather [hbm4b:s4+s15], $0x80, s26, s15, $0xb8;
	[tilespmem:$0x1E000] =	vst v63  }
0x449: {  	_ =	swait.ge [sflag:s17], $0x4000  }
0x44a: {  	[sflag:s17] =	ssyncset.done $0x0  }
0x44b: {  	s29 =	sadd.s32 $0x5000, s25;
	[sflag:s17] =	ssyncadd.s32 $0xFFFFC000  }
0x44c: {  	[spmem:s2] =	stream.indirect.scatter.add.f32 [tilespmem:s14], [sflag:$0x3], $0x80, s29, s15, $0xb8;
	[tilespmem:$0x1E000] =	vst v63  }
0x44d: {  	_ =	swait.ge [sflag:s12], $0x4000  }
0x44e: {  	[sflag:s12] =	ssyncset.done $0x0  }
0x44f: {  	s30 =	sadd.s32 $0x100, s25;
	[sflag:s12] =	ssyncadd.s32 $0xFFFFC000  }
0x450: {  	[tilespmem:s14], [sflag:$0x1] =	stream.indirect.gather [hbm4b:s4+s15], $0x80, s30, s15, $0xb8;
	[tilespmem:$0x1E000] =	vst v63  }
0x451: {  	_ =	swait.ge [sflag:s18], $0x4000  }
0x452: {  	[sflag:s18] =	ssyncset.done $0x0  }
0x453: {  	s31 =	sadd.s32 $0x5080, s25;
	[sflag:s18] =	ssyncadd.s32 $0xFFFFC000  }
0x454: {  	[spmem:s2] =	stream.indirect.scatter.add.f32 [tilespmem:s16], [sflag:$0x3], $0x80, s31, s15, $0xb8;
	[tilespmem:$0x1E000] =	vst v63  }
0x455: {  	_ =	swait.ge [sflag:s12], $0x4000  }
0x456: {  	[sflag:s12] =	ssyncset.done $0x0  }
0x457: {  	[sflag:s12] =	ssyncadd.s32 $0xFFFFC000  }
0x458: {  	[tilespmem:s16], [sflag:$0x2] =	stream.indirect.gather [hbm4b:s4+s15], $0x80, s19, s15, $0xb8;
	[tilespmem:$0x1E000] =	vst v63  }
0x459: {  	_ =	swait.ge [sflag:s17], $0x4000  }
0x45a: {  	[sflag:s17] =	ssyncset.done $0x0  }
0x45b: {  	[sflag:s17] =	ssyncadd.s32 $0xFFFFC000  }
0x45c: {  	[spmem:s2] =	stream.indirect.scatter.add.f32 [tilespmem:s14], [sflag:$0x3], $0x80, s20, s15, $0xb8;
	[tilespmem:$0x1E000] =	vst v63  }
0x45d: {  	_ =	swait.ge [sflag:s12], $0x4000  }
0x45e: {  	[sflag:s12] =	ssyncset.done $0x0  }
0x45f: {  	[sflag:s12] =	ssyncadd.s32 $0xFFFFC000  }
0x460: {  	_ =	swait.ge [sflag:s18], $0x4000  }
0x461: {  	[sflag:s18] =	ssyncset.done $0x0  }
0x462: {  	[sflag:s18] =	ssyncadd.s32 $0xFFFFC000  }
0x463: {  	[spmem:s2] =	stream.indirect.scatter.add.f32 [tilespmem:s16], [sflag:$0x3], $0x80, s21, s15, $0xb8;
	[tilespmem:$0x1E000] =	vst v63  }
0x464: {  	_ =	swait.ge [sflag:s12], $0x4000  }
0x465: {  	s24 =	sadd.s32 $0x1, s24;
	[sflag:s12] =	ssyncset.done $0x0  }
0x466: {  	p0 =	sne.s32 s24, s11;
	[sflag:s12] =	ssyncadd.s32 $0xFFFFC000  }
.Ltmp1:
0x467: {  	[bflag:$0x0] =	sbarrier.arrive $0xFFFF;
	(pc) =	sbr.rel @p0 .LBB2_1-.Ltmp1, $4  }
0x468: {  	[hbm:s10], [sflag:s22] =	dma.local [spmem:s23], $0x1800  }
0x469: {  	_ =	swait.ge [sflag:s12], $0x1800  }
0x46a: {  	[sflag:s12] =	ssyncset.done $0x0  }
0x46b: {  	[sflag:s12] =	ssyncadd.s32 $0xFFFFE800  }
0x46c: {  	_ =	sfence.sel $0x180000  }
0x46d: {  	[bflag:$0x0] =	sbarrier.arrive $0xFFFF  }
0x46e: {  	p0 =	sne.s32 s0, $0x0;
	_ =	strace $0x9000004D  }
0x46f: {  	s0 =	sadd.s32 @!p0 $0x100000, s1;
	[bflag:$0x2] =	sbarrier.arrive $0xFFFF  }
0x470: {  	[sflag:s0] =	ssyncadd.tile.s32 @!p0 $0x1;
	_ =	shalt  }
.Lfunc_end2:
_tile_overlayer_lowered:
.L_overlay_start_2:
0x471: {  	(tag) =	ssettag $0x2  }
0x472: {  	s0 =	rddreg [dreg:$0x0];
	s2 =	stileid.u32  }
0x473: {  	s1 =	rddreg [dreg:$0x1];
	p0 =	sne.s32 s2, $0x0  }
0x474: {  	s3 =	rddreg [dreg:$0x2];
	[bflag:$0x3] =	sbarrier.arrive $0xFFFF;
	s2 =	simm.s32 @!p0 $0x1C03  }
0x475: {  	[timem:s3], [sflag:s2] =	dma.local @!p0 [hbm:s0], s1  }
0x476: {  	s0 =	simm.s32 @!p0 $0x3  }
0x477: {  	_ =	swait.ge @!p0 [sflag:s0], s1  }
0x478: {  	s1 =	ssub.s32 @!p0 $0x0, s1;
	[sflag:s0] =	ssyncset.done @!p0 $0x0  }
0x479: {  	[sflag:s0] =	ssyncadd.s32 @!p0 s1  }
0x47a: {  	[bflag:$0x3] =	sbarrier.arrive $0xFFFF  }
0x47b: {  	_ =	shalt  }

// kernel: kernel.8.cloned.1.call-start
scs
__scs_entry_jumppad:
0x0: {  	(pc) =	sbr.rel $0x88, $3  }
0x1: {  	(tag) =	ssettag $0x0;
	lr =	simm.s32 $0x1  }
0x2: {  	[smem:$0x3F96] =	sst lr;
	_ =	strace $0xD0000000  }
0x3: {  	_ = 	snop  }
0x4: {  	_ = 	snop  }
0x5: {  	_ = 	snop  }
0x6: {  	_ = 	snop  }
0x7: {  	_ = 	snop  }
__scs_overlays_trampoline_lowered:
0x8: {  	[smem:$0x3FA5] =	sst s0  }
0x9: {  	[smem:$0x3FA6] =	sst s1  }
0xa: {  	[smem:$0x3FA7] =	sst s2  }
0xb: {  	[smem:$0x3FA8] =	sst s3  }
0xc: {  	[smem:$0x3FA9] =	sst s4  }
0xd: {  	[smem:$0x3FAA] =	sst s5  }
0xe: {  	[smem:$0x3FAB] =	sst s6  }
0xf: {  	[smem:$0x3FAC] =	sst s7  }
0x10: {  	[smem:$0x3FAD] =	sst s8  }
0x11: {  	[smem:$0x3FAE] =	sst s9;
	s0 =	simm.s32 @!p0 $0x0  }
0x12: {  	s1 =	sld [smem:$0x3F94];
	s0 =	simm.s32 @p0 $0x1  }
0x13: {  	[smem:$0x3FAF] =	sst s0;
	s0 =	simm.s32 @!p1 $0x0  }
0x14: {  	s2 =	sld [smem:$0x3F93];
	s0 =	simm.s32 @p1 $0x1  }
0x15: {  	[smem:$0x3FB0] =	sst s0;
	s0 =	simm.s32 @!p2 $0x0  }
0x16: {  	s3 =	sld [smem:$0x3FDB];
	s0 =	simm.s32 @p2 $0x1  }
0x17: {  	s4 =	simm.s32 $0x1BF5;
	[smem:$0x3FB2] =	sst s0  }
0x18: {  	s0 =	sld [smem:$0x3F95];
	_ =	swait.ge [sflag:s4], $0x0  }
0x19: {  	s7 =	sld [smem:$0x3F96]  }
0x1a: {  	s8 =	sadd.s32 $0xFFFFE003, lr  }
0x1b: {  	s9 =	sadd.s32 $0xFFFFFEF7, lr;
	s5 =	simm.s32 $0xFFFFFFFF;
	p2 =	slt.u32 s8, $0xFFFFF086  }
0x1c: {  	p1 =	slt.u32 s9, $0xF7A;
	s5 =	simm.s32 @!p2 $0x0  }
0x1d: {  	s5 =	simm.s32 @p1 $0x1;
	p0 =	seq.s32 s7, s2  }
0x1e: {  	s7 =	smul.u32 @!p0 $0xF7A, s2;
	p2 =	seq.s32 @!p0 s5, $0x0  }
0x1f: {  	s9 =	smul.u32 $0xF7A, s1;
	s8 =	simm.s32 @!p0 $0x1BF5;
	p2 =	por !p2, p0  }
0x20: {  	[sflag:s8] =	ssyncset.s32 @!p0 $0xFFFFF086;
	s6 =	sadd.s32 @!p0 s3, s7;
	s7 =	simm.s32 @!p0 $0x108  }
0x21: {  	s3 =	sadd.s32 s3, s9;
	s6 =	sadd.s32 @!p0 $0x88, s6;
	s7 =	simm.s32 @p2 $0x1082  }
0x22: {  	[simem:s7], [sflag:s8] =	dma.local @!p0 [hbm:s6], $0xF7A  }
0x23: {  	s9 =	sor.u32 $0xD0000000, s2;
	s6 =	simm.s32 $0x108;
	_ =	swait.ge @!p0 [sflag:s8], $0x0  }
0x24: {  	s3 =	sadd.s32 $0x88, s3;
	s6 =	simm.s32 @!p1 $0x1082;
	[sflag:s4] =	ssyncset.s32 $0xFFFFF086  }
0x25: {  	[simem:s6], [sflag:s4] =	dma.local [hbm:s3], $0xF7A  }
0x26: {  	[smem:$0x3F96] =	sst s1;
	(tag) =	ssettag s2;
	_ =	strace s9  }
0x27: {  	s1 =	sld [smem:$0x3FA6]  }
0x28: {  	s2 =	sld [smem:$0x3FA7]  }
0x29: {  	s4 =	sld [smem:$0x3FA9]  }
0x2a: {  	p0 =	seq.s32 s5, $0x0;
	s5 =	sld [smem:$0x3FAA]  }
0x2b: {  	s6 =	sld [smem:$0x3FAB]  }
0x2c: {  	s7 =	sld [smem:$0x3FAC]  }
0x2d: {  	s3 =	simm.s32 $0x108;
	s8 =	sld [smem:$0x3FAD]  }
0x2e: {  	s3 =	simm.s32 @!p0 $0x1082;
	s9 =	sld [smem:$0x3FAE]  }
0x2f: {  	lr =	sadd.s32 s0, s3;
	s0 =	sld [smem:$0x3FA5]  }
0x30: {  	s3 =	sld [smem:$0x3FA8]  }
0x31: {  	[smem:$0x3FB1] =	sst s10  }
0x32: {  	s10 =	sld [smem:$0x3FAF];
	_ =	sdelay $0x3  }
0x33: {  	p0 =	seq.s32 s10, $0x1;
	s10 =	sld [smem:$0x3FB1];
	_ =	sdelay $0x3  }
0x34: {  	[smem:$0x3FB1] =	sst s10  }
0x35: {  	s10 =	sld [smem:$0x3FB0];
	_ =	sdelay $0x3  }
0x36: {  	p1 =	seq.s32 s10, $0x1;
	s10 =	sld [smem:$0x3FB1];
	_ =	sdelay $0x3  }
0x37: {  	[smem:$0x3FB1] =	sst s10  }
0x38: {  	s10 =	sld [smem:$0x3FB2]  }
0x39: {  	_ = 	snop;
	(pc) =	sbr.ind lr, $3  }
0x3a: {  	_ = 	snop  }
0x3b: {  	_ = 	snop  }
0x3c: {  	p2 =	seq.s32 s10, $0x1;
	s10 =	sld [smem:$0x3FB1]  }
0x3d: {  	_ =	shalt  }
0x3e: {  	_ =	shalt  }
0x3f: {  	_ =	shalt  }
0x40: {  	_ =	shalt  }
0x41: {  	_ =	shalt  }
0x42: {  	_ =	shalt  }
0x43: {  	_ =	shalt  }
0x44: {  	_ =	shalt  }
0x45: {  	_ =	shalt  }
0x46: {  	_ =	shalt  }
0x47: {  	_ =	shalt  }
0x48: {  	_ =	shalt  }
0x49: {  	_ =	shalt  }
0x4a: {  	_ =	shalt  }
0x4b: {  	_ =	shalt  }
0x4c: {  	_ =	shalt  }
0x4d: {  	_ =	shalt  }
0x4e: {  	_ =	shalt  }
0x4f: {  	_ =	shalt  }
0x50: {  	_ =	shalt  }
0x51: {  	_ =	shalt  }
0x52: {  	_ =	shalt  }
0x53: {  	_ =	shalt  }
0x54: {  	_ =	shalt  }
0x55: {  	_ =	shalt  }
0x56: {  	_ =	shalt  }
0x57: {  	_ =	shalt  }
0x58: {  	_ =	shalt  }
0x59: {  	_ =	shalt  }
0x5a: {  	_ =	shalt  }
0x5b: {  	_ =	shalt  }
0x5c: {  	_ =	shalt  }
0x5d: {  	_ =	shalt  }
0x5e: {  	_ =	shalt  }
0x5f: {  	_ =	shalt  }
0x60: {  	_ =	shalt  }
0x61: {  	_ =	shalt  }
0x62: {  	_ =	shalt  }
0x63: {  	_ =	shalt  }
0x64: {  	_ =	shalt  }
0x65: {  	_ =	shalt  }
0x66: {  	_ =	shalt  }
0x67: {  	_ =	shalt  }
0x68: {  	_ =	shalt  }
0x69: {  	_ =	shalt  }
0x6a: {  	_ =	shalt  }
0x6b: {  	_ =	shalt  }
0x6c: {  	_ =	shalt  }
0x6d: {  	_ =	shalt  }
0x6e: {  	_ =	shalt  }
0x6f: {  	_ =	shalt  }
0x70: {  	_ =	shalt  }
0x71: {  	_ =	shalt  }
0x72: {  	_ =	shalt  }
0x73: {  	_ =	shalt  }
0x74: {  	_ =	shalt  }
0x75: {  	_ =	shalt  }
0x76: {  	_ =	shalt  }
0x77: {  	_ =	shalt  }
0x78: {  	_ =	shalt  }
0x79: {  	_ =	shalt  }
0x7a: {  	_ =	shalt  }
0x7b: {  	_ =	shalt  }
0x7c: {  	_ =	shalt  }
0x7d: {  	_ =	shalt  }
0x7e: {  	_ =	shalt  }
0x7f: {  	_ =	shalt  }
0x80: {  	_ =	shalt  }
0x81: {  	_ =	shalt  }
0x82: {  	_ =	shalt  }
0x83: {  	_ =	shalt  }
0x84: {  	_ =	shalt  }
0x85: {  	_ =	shalt  }
0x86: {  	_ =	shalt  }
0x87: {  	_ =	shalt  }
.Lfunc_end0:
.L_simem_size_0:
called_computation_lowered:
.L_overlay_start_0:
0x88: {  	s2 =	sld [smem:$0x3FD9]  }
0x89: {  	s3 =	sld [smem:$0x3FFE];
	_ =	sdelay $0x1  }
0x8a: {  	s1 =	srdreg.scid  }
0x8b: {  	s0 =	sand.u32 $0x1, s1  }
0x8c: {  	s17 =	sshll.u32 s0, $0xA;
	s2 =	sadd.s32 s3, s2  }
0x8d: {  	s2 =	sadd.s32 s2, s17  }
0x8e: {  	[smem:$0x3FBD] =	sst s2  }
0x8f: {  	_ = 	snop  }
0x90: {  	s2 =	sld [smem:$0x3FC9];
	(tm) =	ssettm $0x1  }
0x91: {  	s18 =	sld [smem:$0x3FFB];
	_ =	sdelay $0x3  }
0x92: {  	_ =	strace s18  }
0x93: {  	s3 =	sld [smem:$0x3FFC];
	_ =	sdelay $0x3  }
0x94: {  	_ =	strace s3  }
0x95: {  	s3 =	sld [smem:$0x3FFD];
	_ =	sdelay $0x3  }
0x96: {  	_ =	strace s3  }
0x97: {  	_ =	strace $0x8FFFFFFF  }
0x98: {  	s19 =	sld [smem:$0x3FDB];
	_ =	sdelay $0x1  }
0x99: {  	s4 =	simm.s32 $_scs_section_size  }
0x9a: {  	s5 =	simm.s32 $_size__tile_overlayer_lowered;
	s6 =	simm.s32 $_tile_overlayer_lowered  }
0x9b: {  	s22 =	simm.s32 $0x1BFF;
	s21 =	sshll.u32 s6, $0x1;
	s3 =	sadd.s32 s4, s19  }
0x9c: {  	s7 =	simm.s32 $0x0;
	s20 =	sshll.u32 s5, $0x1;
	s5 =	sadd.s32 s21, s3  }
0x9d: {  	[timem:s7], [sflag:s22] =	dma.local [hbm:s5], s20  }
0x9e: {  	_ =	swait.ge [sflag:s22], s20  }
0x9f: {  	s4 =	ssub.s32 $0x0, s20;
	[sflag:s22] =	ssyncset.done $0x0  }
0xa0: {  	[sflag:s22] =	ssyncadd.s32 s4;
	_ =	sdelay $0x1  }
0xa1: {  	s23 =	simm.s32 $0x1B8B  }
0xa2: {  	_ =	swait.ge [sflag:s23], $0x1  }
0xa3: {  	[sflag:s23] =	ssyncset.done $0x0  }
0xa4: {  	s25 =	simm.s32 $0x1B8E;
	s24 =	sld [smem:$0x3FFE];
	[sflag:s23] =	ssyncadd.s32 $0xFFFFFFFF  }
0xa5: {  	s26 =	simm.s32 $execute0_lowered;
	[smem:$0x3FD2] =	sst s25  }
0xa6: {  	s5 =	sshll.u32 s26, $0x1;
	_ =	strace $0x80000046;
	[dreg:$0x1] =	wrdreg $0xFFFFFFFF  }
0xa7: {  	s28 =	simm.s32 $_size_execute0_lowered;
	s3 =	sadd.s32 s3, s5;
	[dreg:$0x0] =	wrdreg $0x0  }
0xa8: {  	s5 =	sshll.u32 s28, $0x1;
	[dreg:$0x2] =	wrdreg s3  }
0xa9: {  	[dreg:$0x3] =	wrdreg s5  }
0xaa: {  	[dreg:$0x4] =	wrdreg $0xC0  }
0xab: {  	_ =	task [dreg:s7], $0x5FFFF  }
0xac: {  	[dreg:$0x1] =	wrdreg $0xFFFFFFFF  }
0xad: {  	[dreg:$0x0] =	wrdreg $0x60  }
0xae: {  	[dreg:$0x2] =	wrdreg s2  }
0xaf: {  	[dreg:$0x3] =	wrdreg s24  }
0xb0: {  	[dreg:$0x4] =	wrdreg $0x120000  }
0xb1: {  	[dreg:$0x5] =	wrdreg $0x9  }
0xb2: {  	_ =	task.clear_ibuf [dreg:s7], $0x6FFFF;
	_ =	strace $0x90000046  }
0xb3: {  	s29 =	simm.s32 $0x9;
	_ =	strace $0x80000048  }
0xb4: {  	_ =	swait.ge [sflag:s29], $0x1  }
0xb5: {  	[sflag:s29] =	ssyncadd.s32 $0xFFFFFFFF  }
0xb6: {  	_ =	strace $0x90000048  }
0xb7: {  	_ =	sfence  }
0xb8: {  	s30 =	sld [smem:$0x0];
	_ =	sdelay $0x2  }
0xb9: {  	s31 =	sshll.u32 s1, $0xD;
	s1 =	sshrl.u32 s1, $0x2  }
0xba: {  	s3 =	sand.u32 $0x4000, s31;
	s1 =	sadd.s32 s1, s30  }
0xbb: {  	s0 =	sor.u32 s3, s0;
	s1 =	sshll.u32 s1, $0x11  }
0xbc: {  	s0 =	sor.u32 s1, s0  }
0xbd: {  	s0 =	sadd.s32 $0x8F2B, s0  }
0xbe: {  	[sflag:s0] =	ssyncadd.remote.s32 $0x1  }
0xbf: {  	_ =	sfence.sel $0xFFFF  }
0xc0: {  	[dreg:$0x0] =	wrdreg $0xFFFFFFFF;
	(pc) =	sbr.abs _section_cstart, $3  }
0xc1: {  	[dreg:$0x1] =	wrdreg $0xFFFFFFFF  }
0xc2: {  	_ =	task.clear_ibuf [dreg:s7], $0x2FFFF;
	_ =	strace $0x9FFFFFFF  }
0xc3: {  	(tm) =	ssettm $0x7FFFFFFF  }
tec
execute0_lowered:
.L_overlay_start_1:
0x0: {  	(tag) =	ssettag $0x1  }
0x1: {  	s1 =	rddreg [dreg:$0x0]  }
0x2: {  	s0 =	srdreg.scid;
	s6 =	rddreg [dreg:$0x1]  }
0x3: {  	s3 =	rddreg [dreg:$0x2];
	s4 =	simm.s32 $0x0;
	s13 =	simm.s32 $0x5000  }
0x4: {  	s14 =	simm.s32 $0xA000;
	s15 =	simm.s32 $0x80;
	s16 =	simm.s32 $0xE000  }
0x5: {  	s17 =	simm.s32 $0x1;
	s18 =	simm.s32 $0x2;
	s19 =	simm.s32 $0x4E80  }
0x6: {  	s20 =	simm.s32 $0x9E00;
	s21 =	simm.s32 $0x9E80;
	s5 =	sand.u32 $0x1, s0  }
0x7: {  	s24 =	simm.s32 $0x0;
	s0 =	stileid.u32;
	s2 =	sshll.u32 s5, $0x4  }
0x8: {  	[smem:$0x7FF] =	sst s4;
	s9 =	smul.u32 $0x30000, s0;
	s7 =	sor.u32 s0, s2  }
0x9: {  	s5 =	ssub.s32 $0x2, s5;
	s22 =	sshll.u32 s0, $0x6;
	s8 =	smul.u32 $0xA00, s7  }
0xa: {  	s2 =	rddreg [dreg:$0x3];
	s10 =	sshrl.u32 s5, $0x1;
	s7 =	smul.u32 $0x1800, s7  }
0xb: {  	_ =	strace $0x80000047;
	s22 =	sor.u32 $0x1C03, s22;
	s12 =	ssub.s32 s5, s10  }
0xc: {  	s31 =	sshrl.u32 s9, $0x2;
	s8 =	sadd.s32 s8, s6;
	s11 =	sadd.s32 s7, s6  }
0xd: {  	s7 =	sadd.s32 s31, s3;
	s5 =	sadd.s32 $0x16200, s8;
	s6 =	sadd.s32 $0x2200, s8  }
0xe: {  	s8 =	sadd.s32 $0x4000, s7;
	s9 =	sadd.s32 $0x8000, s7;
	s10 =	sadd.s32 $0x2A200, s11  }
0xf: {  	v0 =	vimm.f32 $0.0e+00;
	s11 =	smax.u32 s12, $0x1;
	s12 =	simm.s32 $0x3;
	s23 =	sshrl.u32 s7, $0x3  }
.LBB2_1:
0x10: {  	[tilespmem:s4], [sflag:$0x3] =	stream.linear.gather [hbm4b:s5+s4], $0x4F00, $0x38;
	[tilespmem:$0x1E000] =	vst v63  }
0x11: {  	_ =	swait.ge [sflag:s12], $0x4F00  }
0x12: {  	[sflag:s12] =	ssyncset.done $0x0  }
0x13: {  	[sflag:s12] =	ssyncadd.s32 $0xFFFFB100  }
0x14: {  	[tilespmem:s13], [sflag:$0x3] =	stream.linear.gather [hbm4b:s6+s4], $0x4F00, $0x38;
	[tilespmem:$0x1E000] =	vst v63  }
0x15: {  	_ =	swait.ge [sflag:s12], $0x4F00  }
0x16: {  	[sflag:s12] =	ssyncset.done $0x0  }
0x17: {  	[sflag:s12] =	ssyncadd.s32 $0xFFFFB100  }
0x18: {  	[tilespmem:$0xA000] =	vst v0  }
0x19: {  	[tilespmem:$0xA010] =	vst v0  }
0x1a: {  	[tilespmem:$0xA020] =	vst v0  }
0x1b: {  	[tilespmem:$0xA030] =	vst v0  }
0x1c: {  	[tilespmem:$0xA040] =	vst v0  }
0x1d: {  	[tilespmem:$0xA050] =	vst v0  }
0x1e: {  	[tilespmem:$0xA060] =	vst v0  }
0x1f: {  	[tilespmem:$0xA070] =	vst v0  }
0x20: {  	[tilespmem:$0xA080] =	vst v0  }
0x21: {  	[tilespmem:$0xA090] =	vst v0  }
0x22: {  	[tilespmem:$0xA0A0] =	vst v0  }
0x23: {  	[tilespmem:$0xA0B0] =	vst v0  }
0x24: {  	[tilespmem:$0xA0C0] =	vst v0  }
0x25: {  	[tilespmem:$0xA0D0] =	vst v0  }
0x26: {  	[tilespmem:$0xA0E0] =	vst v0  }
0x27: {  	[tilespmem:$0xA0F0] =	vst v0  }
0x28: {  	[tilespmem:$0xA100] =	vst v0  }
0x29: {  	[tilespmem:$0xA110] =	vst v0  }
0x2a: {  	[tilespmem:$0xA120] =	vst v0  }
0x2b: {  	[tilespmem:$0xA130] =	vst v0  }
0x2c: {  	[tilespmem:$0xA140] =	vst v0  }
0x2d: {  	[tilespmem:$0xA150] =	vst v0  }
0x2e: {  	[tilespmem:$0xA160] =	vst v0  }
0x2f: {  	[tilespmem:$0xA170] =	vst v0  }
0x30: {  	[tilespmem:$0xA180] =	vst v0  }
0x31: {  	[tilespmem:$0xA190] =	vst v0  }
0x32: {  	[tilespmem:$0xA1A0] =	vst v0  }
0x33: {  	[tilespmem:$0xA1B0] =	vst v0  }
0x34: {  	[tilespmem:$0xA1C0] =	vst v0  }
0x35: {  	[tilespmem:$0xA1D0] =	vst v0  }
0x36: {  	[tilespmem:$0xA1E0] =	vst v0  }
0x37: {  	[tilespmem:$0xA1F0] =	vst v0  }
0x38: {  	[tilespmem:$0xA200] =	vst v0  }
0x39: {  	[tilespmem:$0xA210] =	vst v0  }
0x3a: {  	[tilespmem:$0xA220] =	vst v0  }
0x3b: {  	[tilespmem:$0xA230] =	vst v0  }
0x3c: {  	[tilespmem:$0xA240] =	vst v0  }
0x3d: {  	[tilespmem:$0xA250] =	vst v0  }
0x3e: {  	[tilespmem:$0xA260] =	vst v0  }
0x3f: {  	[tilespmem:$0xA270] =	vst v0  }
0x40: {  	[tilespmem:$0xA280] =	vst v0  }
0x41: {  	[tilespmem:$0xA290] =	vst v0  }
0x42: {  	[tilespmem:$0xA2A0] =	vst v0  }
0x43: {  	[tilespmem:$0xA2B0] =	vst v0  }
0x44: {  	[tilespmem:$0xA2C0] =	vst v0  }
0x45: {  	[tilespmem:$0xA2D0] =	vst v0  }
0x46: {  	[tilespmem:$0xA2E0] =	vst v0  }
0x47: {  	[tilespmem:$0xA2F0] =	vst v0  }
0x48: {  	[tilespmem:$0xA300] =	vst v0  }
0x49: {  	[tilespmem:$0xA310] =	vst v0  }
0x4a: {  	[tilespmem:$0xA320] =	vst v0  }
0x4b: {  	[tilespmem:$0xA330] =	vst v0  }
0x4c: {  	[tilespmem:$0xA340] =	vst v0  }
0x4d: {  	[tilespmem:$0xA350] =	vst v0  }
0x4e: {  	[tilespmem:$0xA360] =	vst v0  }
0x4f: {  	[tilespmem:$0xA370] =	vst v0  }
0x50: {  	[tilespmem:$0xA380] =	vst v0  }
0x51: {  	[tilespmem:$0xA390] =	vst v0  }
0x52: {  	[tilespmem:$0xA3A0] =	vst v0  }
0x53: {  	[tilespmem:$0xA3B0] =	vst v0  }
0x54: {  	[tilespmem:$0xA3C0] =	vst v0  }
0x55: {  	[tilespmem:$0xA3D0] =	vst v0  }
0x56: {  	[tilespmem:$0xA3E0] =	vst v0  }
0x57: {  	[tilespmem:$0xA3F0] =	vst v0  }
0x58: {  	[tilespmem:$0xA400] =	vst v0  }
0x59: {  	[tilespmem:$0xA410] =	vst v0  }
0x5a: {  	[tilespmem:$0xA420] =	vst v0  }
0x5b: {  	[tilespmem:$0xA430] =	vst v0  }
0x5c: {  	[tilespmem:$0xA440] =	vst v0  }
0x5d: {  	[tilespmem:$0xA450] =	vst v0  }
0x5e: {  	[tilespmem:$0xA460] =	vst v0  }
0x5f: {  	[tilespmem:$0xA470] =	vst v0  }
0x60: {  	[tilespmem:$0xA480] =	vst v0  }
0x61: {  	[tilespmem:$0xA490] =	vst v0  }
0x62: {  	[tilespmem:$0xA4A0] =	vst v0  }
0x63: {  	[tilespmem:$0xA4B0] =	vst v0  }
0x64: {  	[tilespmem:$0xA4C0] =	vst v0  }
0x65: {  	[tilespmem:$0xA4D0] =	vst v0  }
0x66: {  	[tilespmem:$0xA4E0] =	vst v0  }
0x67: {  	[tilespmem:$0xA4F0] =	vst v0  }
0x68: {  	[tilespmem:$0xA500] =	vst v0  }
0x69: {  	[tilespmem:$0xA510] =	vst v0  }
0x6a: {  	[tilespmem:$0xA520] =	vst v0  }
0x6b: {  	[tilespmem:$0xA530] =	vst v0  }
0x6c: {  	[tilespmem:$0xA540] =	vst v0  }
0x6d: {  	[tilespmem:$0xA550] =	vst v0  }
0x6e: {  	[tilespmem:$0xA560] =	vst v0  }
0x6f: {  	[tilespmem:$0xA570] =	vst v0  }
0x70: {  	[tilespmem:$0xA580] =	vst v0  }
0x71: {  	[tilespmem:$0xA590] =	vst v0  }
0x72: {  	[tilespmem:$0xA5A0] =	vst v0  }
0x73: {  	[tilespmem:$0xA5B0] =	vst v0  }
0x74: {  	[tilespmem:$0xA5C0] =	vst v0  }
0x75: {  	[tilespmem:$0xA5D0] =	vst v0  }
0x76: {  	[tilespmem:$0xA5E0] =	vst v0  }
0x77: {  	[tilespmem:$0xA5F0] =	vst v0  }
0x78: {  	[tilespmem:$0xA600] =	vst v0  }
0x79: {  	[tilespmem:$0xA610] =	vst v0  }
0x7a: {  	[tilespmem:$0xA620] =	vst v0  }
0x7b: {  	[tilespmem:$0xA630] =	vst v0  }
0x7c: {  	[tilespmem:$0xA640] =	vst v0  }
0x7d: {  	[tilespmem:$0xA650] =	vst v0  }
0x7e: {  	[tilespmem:$0xA660] =	vst v0  }
0x7f: {  	[tilespmem:$0xA670] =	vst v0  }
0x80: {  	[tilespmem:$0xA680] =	vst v0  }
0x81: {  	[tilespmem:$0xA690] =	vst v0  }
0x82: {  	[tilespmem:$0xA6A0] =	vst v0  }
0x83: {  	[tilespmem:$0xA6B0] =	vst v0  }
0x84: {  	[tilespmem:$0xA6C0] =	vst v0  }
0x85: {  	[tilespmem:$0xA6D0] =	vst v0  }
0x86: {  	[tilespmem:$0xA6E0] =	vst v0  }
0x87: {  	[tilespmem:$0xA6F0] =	vst v0  }
0x88: {  	[tilespmem:$0xA700] =	vst v0  }
0x89: {  	[tilespmem:$0xA710] =	vst v0  }
0x8a: {  	[tilespmem:$0xA720] =	vst v0  }
0x8b: {  	[tilespmem:$0xA730] =	vst v0  }
0x8c: {  	[tilespmem:$0xA740] =	vst v0  }
0x8d: {  	[tilespmem:$0xA750] =	vst v0  }
0x8e: {  	[tilespmem:$0xA760] =	vst v0  }
0x8f: {  	[tilespmem:$0xA770] =	vst v0  }
0x90: {  	[tilespmem:$0xA780] =	vst v0  }
0x91: {  	[tilespmem:$0xA790] =	vst v0  }
0x92: {  	[tilespmem:$0xA7A0] =	vst v0  }
0x93: {  	[tilespmem:$0xA7B0] =	vst v0  }
0x94: {  	[tilespmem:$0xA7C0] =	vst v0  }
0x95: {  	[tilespmem:$0xA7D0] =	vst v0  }
0x96: {  	[tilespmem:$0xA7E0] =	vst v0  }
0x97: {  	[tilespmem:$0xA7F0] =	vst v0  }
0x98: {  	[tilespmem:$0xA800] =	vst v0  }
0x99: {  	[tilespmem:$0xA810] =	vst v0  }
0x9a: {  	[tilespmem:$0xA820] =	vst v0  }
0x9b: {  	[tilespmem:$0xA830] =	vst v0  }
0x9c: {  	[tilespmem:$0xA840] =	vst v0  }
0x9d: {  	[tilespmem:$0xA850] =	vst v0  }
0x9e: {  	[tilespmem:$0xA860] =	vst v0  }
0x9f: {  	[tilespmem:$0xA870] =	vst v0  }
0xa0: {  	[tilespmem:$0xA880] =	vst v0  }
0xa1: {  	[tilespmem:$0xA890] =	vst v0  }
0xa2: {  	[tilespmem:$0xA8A0] =	vst v0  }
0xa3: {  	[tilespmem:$0xA8B0] =	vst v0  }
0xa4: {  	[tilespmem:$0xA8C0] =	vst v0  }
0xa5: {  	[tilespmem:$0xA8D0] =	vst v0  }
0xa6: {  	[tilespmem:$0xA8E0] =	vst v0  }
0xa7: {  	[tilespmem:$0xA8F0] =	vst v0  }
0xa8: {  	[tilespmem:$0xA900] =	vst v0  }
0xa9: {  	[tilespmem:$0xA910] =	vst v0  }
0xaa: {  	[tilespmem:$0xA920] =	vst v0  }
0xab: {  	[tilespmem:$0xA930] =	vst v0  }
0xac: {  	[tilespmem:$0xA940] =	vst v0  }
0xad: {  	[tilespmem:$0xA950] =	vst v0  }
0xae: {  	[tilespmem:$0xA960] =	vst v0  }
0xaf: {  	[tilespmem:$0xA970] =	vst v0  }
0xb0: {  	[tilespmem:$0xA980] =	vst v0  }
0xb1: {  	[tilespmem:$0xA990] =	vst v0  }
0xb2: {  	[tilespmem:$0xA9A0] =	vst v0  }
0xb3: {  	[tilespmem:$0xA9B0] =	vst v0  }
0xb4: {  	[tilespmem:$0xA9C0] =	vst v0  }
0xb5: {  	[tilespmem:$0xA9D0] =	vst v0  }
0xb6: {  	[tilespmem:$0xA9E0] =	vst v0  }
0xb7: {  	[tilespmem:$0xA9F0] =	vst v0  }
0xb8: {  	[tilespmem:$0xAA00] =	vst v0  }
0xb9: {  	[tilespmem:$0xAA10] =	vst v0  }
0xba: {  	[tilespmem:$0xAA20] =	vst v0  }
0xbb: {  	[tilespmem:$0xAA30] =	vst v0  }
0xbc: {  	[tilespmem:$0xAA40] =	vst v0  }
0xbd: {  	[tilespmem:$0xAA50] =	vst v0  }
0xbe: {  	[tilespmem:$0xAA60] =	vst v0  }
0xbf: {  	[tilespmem:$0xAA70] =	vst v0  }
0xc0: {  	[tilespmem:$0xAA80] =	vst v0  }
0xc1: {  	[tilespmem:$0xAA90] =	vst v0  }
0xc2: {  	[tilespmem:$0xAAA0] =	vst v0  }
0xc3: {  	[tilespmem:$0xAAB0] =	vst v0  }
0xc4: {  	[tilespmem:$0xAAC0] =	vst v0  }
0xc5: {  	[tilespmem:$0xAAD0] =	vst v0  }
0xc6: {  	[tilespmem:$0xAAE0] =	vst v0  }
0xc7: {  	[tilespmem:$0xAAF0] =	vst v0  }
0xc8: {  	[tilespmem:$0xAB00] =	vst v0  }
0xc9: {  	[tilespmem:$0xAB10] =	vst v0  }
0xca: {  	[tilespmem:$0xAB20] =	vst v0  }
0xcb: {  	[tilespmem:$0xAB30] =	vst v0  }
0xcc: {  	[tilespmem:$0xAB40] =	vst v0  }
0xcd: {  	[tilespmem:$0xAB50] =	vst v0  }
0xce: {  	[tilespmem:$0xAB60] =	vst v0  }
0xcf: {  	[tilespmem:$0xAB70] =	vst v0  }
0xd0: {  	[tilespmem:$0xAB80] =	vst v0  }
0xd1: {  	[tilespmem:$0xAB90] =	vst v0  }
0xd2: {  	[tilespmem:$0xABA0] =	vst v0  }
0xd3: {  	[tilespmem:$0xABB0] =	vst v0  }
0xd4: {  	[tilespmem:$0xABC0] =	vst v0  }
0xd5: {  	[tilespmem:$0xABD0] =	vst v0  }
0xd6: {  	[tilespmem:$0xABE0] =	vst v0  }
0xd7: {  	[tilespmem:$0xABF0] =	vst v0  }
0xd8: {  	[tilespmem:$0xAC00] =	vst v0  }
0xd9: {  	[tilespmem:$0xAC10] =	vst v0  }
0xda: {  	[tilespmem:$0xAC20] =	vst v0  }
0xdb: {  	[tilespmem:$0xAC30] =	vst v0  }
0xdc: {  	[tilespmem:$0xAC40] =	vst v0  }
0xdd: {  	[tilespmem:$0xAC50] =	vst v0  }
0xde: {  	[tilespmem:$0xAC60] =	vst v0  }
0xdf: {  	[tilespmem:$0xAC70] =	vst v0  }
0xe0: {  	[tilespmem:$0xAC80] =	vst v0  }
0xe1: {  	[tilespmem:$0xAC90] =	vst v0  }
0xe2: {  	[tilespmem:$0xACA0] =	vst v0  }
0xe3: {  	[tilespmem:$0xACB0] =	vst v0  }
0xe4: {  	[tilespmem:$0xACC0] =	vst v0  }
0xe5: {  	[tilespmem:$0xACD0] =	vst v0  }
0xe6: {  	[tilespmem:$0xACE0] =	vst v0  }
0xe7: {  	[tilespmem:$0xACF0] =	vst v0  }
0xe8: {  	[tilespmem:$0xAD00] =	vst v0  }
0xe9: {  	[tilespmem:$0xAD10] =	vst v0  }
0xea: {  	[tilespmem:$0xAD20] =	vst v0  }
0xeb: {  	[tilespmem:$0xAD30] =	vst v0  }
0xec: {  	[tilespmem:$0xAD40] =	vst v0  }
0xed: {  	[tilespmem:$0xAD50] =	vst v0  }
0xee: {  	[tilespmem:$0xAD60] =	vst v0  }
0xef: {  	[tilespmem:$0xAD70] =	vst v0  }
0xf0: {  	[tilespmem:$0xAD80] =	vst v0  }
0xf1: {  	[tilespmem:$0xAD90] =	vst v0  }
0xf2: {  	[tilespmem:$0xADA0] =	vst v0  }
0xf3: {  	[tilespmem:$0xADB0] =	vst v0  }
0xf4: {  	[tilespmem:$0xADC0] =	vst v0  }
0xf5: {  	[tilespmem:$0xADD0] =	vst v0  }
0xf6: {  	[tilespmem:$0xADE0] =	vst v0  }
0xf7: {  	[tilespmem:$0xADF0] =	vst v0  }
0xf8: {  	[tilespmem:$0xAE00] =	vst v0  }
0xf9: {  	[tilespmem:$0xAE10] =	vst v0  }
0xfa: {  	[tilespmem:$0xAE20] =	vst v0  }
0xfb: {  	[tilespmem:$0xAE30] =	vst v0  }
0xfc: {  	[tilespmem:$0xAE40] =	vst v0  }
0xfd: {  	[tilespmem:$0xAE50] =	vst v0  }
0xfe: {  	[tilespmem:$0xAE60] =	vst v0  }
0xff: {  	[tilespmem:$0xAE70] =	vst v0  }
0x100: {  	[tilespmem:$0xAE80] =	vst v0  }
0x101: {  	[tilespmem:$0xAE90] =	vst v0  }
0x102: {  	[tilespmem:$0xAEA0] =	vst v0  }
0x103: {  	[tilespmem:$0xAEB0] =	vst v0  }
0x104: {  	[tilespmem:$0xAEC0] =	vst v0  }
0x105: {  	[tilespmem:$0xAED0] =	vst v0  }
0x106: {  	[tilespmem:$0xAEE0] =	vst v0  }
0x107: {  	[tilespmem:$0xAEF0] =	vst v0  }
0x108: {  	[tilespmem:$0xAF00] =	vst v0  }
0x109: {  	[tilespmem:$0xAF10] =	vst v0  }
0x10a: {  	[tilespmem:$0xAF20] =	vst v0  }
0x10b: {  	[tilespmem:$0xAF30] =	vst v0  }
0x10c: {  	[tilespmem:$0xAF40] =	vst v0  }
0x10d: {  	[tilespmem:$0xAF50] =	vst v0  }
0x10e: {  	[tilespmem:$0xAF60] =	vst v0  }
0x10f: {  	[tilespmem:$0xAF70] =	vst v0  }
0x110: {  	[tilespmem:$0xAF80] =	vst v0  }
0x111: {  	[tilespmem:$0xAF90] =	vst v0  }
0x112: {  	[tilespmem:$0xAFA0] =	vst v0  }
0x113: {  	[tilespmem:$0xAFB0] =	vst v0  }
0x114: {  	[tilespmem:$0xAFC0] =	vst v0  }
0x115: {  	[tilespmem:$0xAFD0] =	vst v0  }
0x116: {  	[tilespmem:$0xAFE0] =	vst v0  }
0x117: {  	[tilespmem:$0xAFF0] =	vst v0  }
0x118: {  	[tilespmem:$0xB000] =	vst v0  }
0x119: {  	[tilespmem:$0xB010] =	vst v0  }
0x11a: {  	[tilespmem:$0xB020] =	vst v0  }
0x11b: {  	[tilespmem:$0xB030] =	vst v0  }
0x11c: {  	[tilespmem:$0xB040] =	vst v0  }
0x11d: {  	[tilespmem:$0xB050] =	vst v0  }
0x11e: {  	[tilespmem:$0xB060] =	vst v0  }
0x11f: {  	[tilespmem:$0xB070] =	vst v0  }
0x120: {  	[tilespmem:$0xB080] =	vst v0  }
0x121: {  	[tilespmem:$0xB090] =	vst v0  }
0x122: {  	[tilespmem:$0xB0A0] =	vst v0  }
0x123: {  	[tilespmem:$0xB0B0] =	vst v0  }
0x124: {  	[tilespmem:$0xB0C0] =	vst v0  }
0x125: {  	[tilespmem:$0xB0D0] =	vst v0  }
0x126: {  	[tilespmem:$0xB0E0] =	vst v0  }
0x127: {  	[tilespmem:$0xB0F0] =	vst v0  }
0x128: {  	[tilespmem:$0xB100] =	vst v0  }
0x129: {  	[tilespmem:$0xB110] =	vst v0  }
0x12a: {  	[tilespmem:$0xB120] =	vst v0  }
0x12b: {  	[tilespmem:$0xB130] =	vst v0  }
0x12c: {  	[tilespmem:$0xB140] =	vst v0  }
0x12d: {  	[tilespmem:$0xB150] =	vst v0  }
0x12e: {  	[tilespmem:$0xB160] =	vst v0  }
0x12f: {  	[tilespmem:$0xB170] =	vst v0  }
0x130: {  	[tilespmem:$0xB180] =	vst v0  }
0x131: {  	[tilespmem:$0xB190] =	vst v0  }
0x132: {  	[tilespmem:$0xB1A0] =	vst v0  }
0x133: {  	[tilespmem:$0xB1B0] =	vst v0  }
0x134: {  	[tilespmem:$0xB1C0] =	vst v0  }
0x135: {  	[tilespmem:$0xB1D0] =	vst v0  }
0x136: {  	[tilespmem:$0xB1E0] =	vst v0  }
0x137: {  	[tilespmem:$0xB1F0] =	vst v0  }
0x138: {  	[tilespmem:$0xB200] =	vst v0  }
0x139: {  	[tilespmem:$0xB210] =	vst v0  }
0x13a: {  	[tilespmem:$0xB220] =	vst v0  }
0x13b: {  	[tilespmem:$0xB230] =	vst v0  }
0x13c: {  	[tilespmem:$0xB240] =	vst v0  }
0x13d: {  	[tilespmem:$0xB250] =	vst v0  }
0x13e: {  	[tilespmem:$0xB260] =	vst v0  }
0x13f: {  	[tilespmem:$0xB270] =	vst v0  }
0x140: {  	[tilespmem:$0xB280] =	vst v0  }
0x141: {  	[tilespmem:$0xB290] =	vst v0  }
0x142: {  	[tilespmem:$0xB2A0] =	vst v0  }
0x143: {  	[tilespmem:$0xB2B0] =	vst v0  }
0x144: {  	[tilespmem:$0xB2C0] =	vst v0  }
0x145: {  	[tilespmem:$0xB2D0] =	vst v0  }
0x146: {  	[tilespmem:$0xB2E0] =	vst v0  }
0x147: {  	[tilespmem:$0xB2F0] =	vst v0  }
0x148: {  	[tilespmem:$0xB300] =	vst v0  }
0x149: {  	[tilespmem:$0xB310] =	vst v0  }
0x14a: {  	[tilespmem:$0xB320] =	vst v0  }
0x14b: {  	[tilespmem:$0xB330] =	vst v0  }
0x14c: {  	[tilespmem:$0xB340] =	vst v0  }
0x14d: {  	[tilespmem:$0xB350] =	vst v0  }
0x14e: {  	[tilespmem:$0xB360] =	vst v0  }
0x14f: {  	[tilespmem:$0xB370] =	vst v0  }
0x150: {  	[tilespmem:$0xB380] =	vst v0  }
0x151: {  	[tilespmem:$0xB390] =	vst v0  }
0x152: {  	[tilespmem:$0xB3A0] =	vst v0  }
0x153: {  	[tilespmem:$0xB3B0] =	vst v0  }
0x154: {  	[tilespmem:$0xB3C0] =	vst v0  }
0x155: {  	[tilespmem:$0xB3D0] =	vst v0  }
0x156: {  	[tilespmem:$0xB3E0] =	vst v0  }
0x157: {  	[tilespmem:$0xB3F0] =	vst v0  }
0x158: {  	[tilespmem:$0xB400] =	vst v0  }
0x159: {  	[tilespmem:$0xB410] =	vst v0  }
0x15a: {  	[tilespmem:$0xB420] =	vst v0  }
0x15b: {  	[tilespmem:$0xB430] =	vst v0  }
0x15c: {  	[tilespmem:$0xB440] =	vst v0  }
0x15d: {  	[tilespmem:$0xB450] =	vst v0  }
0x15e: {  	[tilespmem:$0xB460] =	vst v0  }
0x15f: {  	[tilespmem:$0xB470] =	vst v0  }
0x160: {  	[tilespmem:$0xB480] =	vst v0  }
0x161: {  	[tilespmem:$0xB490] =	vst v0  }
0x162: {  	[tilespmem:$0xB4A0] =	vst v0  }
0x163: {  	[tilespmem:$0xB4B0] =	vst v0  }
0x164: {  	[tilespmem:$0xB4C0] =	vst v0  }
0x165: {  	[tilespmem:$0xB4D0] =	vst v0  }
0x166: {  	[tilespmem:$0xB4E0] =	vst v0  }
0x167: {  	[tilespmem:$0xB4F0] =	vst v0  }
0x168: {  	[tilespmem:$0xB500] =	vst v0  }
0x169: {  	[tilespmem:$0xB510] =	vst v0  }
0x16a: {  	[tilespmem:$0xB520] =	vst v0  }
0x16b: {  	[tilespmem:$0xB530] =	vst v0  }
0x16c: {  	[tilespmem:$0xB540] =	vst v0  }
0x16d: {  	[tilespmem:$0xB550] =	vst v0  }
0x16e: {  	[tilespmem:$0xB560] =	vst v0  }
0x16f: {  	[tilespmem:$0xB570] =	vst v0  }
0x170: {  	[tilespmem:$0xB580] =	vst v0  }
0x171: {  	[tilespmem:$0xB590] =	vst v0  }
0x172: {  	[tilespmem:$0xB5A0] =	vst v0  }
0x173: {  	[tilespmem:$0xB5B0] =	vst v0  }
0x174: {  	[tilespmem:$0xB5C0] =	vst v0  }
0x175: {  	[tilespmem:$0xB5D0] =	vst v0  }
0x176: {  	[tilespmem:$0xB5E0] =	vst v0  }
0x177: {  	[tilespmem:$0xB5F0] =	vst v0  }
0x178: {  	[tilespmem:$0xB600] =	vst v0  }
0x179: {  	[tilespmem:$0xB610] =	vst v0  }
0x17a: {  	[tilespmem:$0xB620] =	vst v0  }
0x17b: {  	[tilespmem:$0xB630] =	vst v0  }
0x17c: {  	[tilespmem:$0xB640] =	vst v0  }
0x17d: {  	[tilespmem:$0xB650] =	vst v0  }
0x17e: {  	[tilespmem:$0xB660] =	vst v0  }
0x17f: {  	[tilespmem:$0xB670] =	vst v0  }
0x180: {  	[tilespmem:$0xB680] =	vst v0  }
0x181: {  	[tilespmem:$0xB690] =	vst v0  }
0x182: {  	[tilespmem:$0xB6A0] =	vst v0  }
0x183: {  	[tilespmem:$0xB6B0] =	vst v0  }
0x184: {  	[tilespmem:$0xB6C0] =	vst v0  }
0x185: {  	[tilespmem:$0xB6D0] =	vst v0  }
0x186: {  	[tilespmem:$0xB6E0] =	vst v0  }
0x187: {  	[tilespmem:$0xB6F0] =	vst v0  }
0x188: {  	[tilespmem:$0xB700] =	vst v0  }
0x189: {  	[tilespmem:$0xB710] =	vst v0  }
0x18a: {  	[tilespmem:$0xB720] =	vst v0  }
0x18b: {  	[tilespmem:$0xB730] =	vst v0  }
0x18c: {  	[tilespmem:$0xB740] =	vst v0  }
0x18d: {  	[tilespmem:$0xB750] =	vst v0  }
0x18e: {  	[tilespmem:$0xB760] =	vst v0  }
0x18f: {  	[tilespmem:$0xB770] =	vst v0  }
0x190: {  	[tilespmem:$0xB780] =	vst v0  }
0x191: {  	[tilespmem:$0xB790] =	vst v0  }
0x192: {  	[tilespmem:$0xB7A0] =	vst v0  }
0x193: {  	[tilespmem:$0xB7B0] =	vst v0  }
0x194: {  	[tilespmem:$0xB7C0] =	vst v0  }
0x195: {  	[tilespmem:$0xB7D0] =	vst v0  }
0x196: {  	[tilespmem:$0xB7E0] =	vst v0  }
0x197: {  	[tilespmem:$0xB7F0] =	vst v0  }
0x198: {  	[tilespmem:$0xB800] =	vst v0  }
0x199: {  	[tilespmem:$0xB810] =	vst v0  }
0x19a: {  	[tilespmem:$0xB820] =	vst v0  }
0x19b: {  	[tilespmem:$0xB830] =	vst v0  }
0x19c: {  	[tilespmem:$0xB840] =	vst v0  }
0x19d: {  	[tilespmem:$0xB850] =	vst v0  }
0x19e: {  	[tilespmem:$0xB860] =	vst v0  }
0x19f: {  	[tilespmem:$0xB870] =	vst v0  }
0x1a0: {  	[tilespmem:$0xB880] =	vst v0  }
0x1a1: {  	[tilespmem:$0xB890] =	vst v0  }
0x1a2: {  	[tilespmem:$0xB8A0] =	vst v0  }
0x1a3: {  	[tilespmem:$0xB8B0] =	vst v0  }
0x1a4: {  	[tilespmem:$0xB8C0] =	vst v0  }
0x1a5: {  	[tilespmem:$0xB8D0] =	vst v0  }
0x1a6: {  	[tilespmem:$0xB8E0] =	vst v0  }
0x1a7: {  	[tilespmem:$0xB8F0] =	vst v0  }
0x1a8: {  	[tilespmem:$0xB900] =	vst v0  }
0x1a9: {  	[tilespmem:$0xB910] =	vst v0  }
0x1aa: {  	[tilespmem:$0xB920] =	vst v0  }
0x1ab: {  	[tilespmem:$0xB930] =	vst v0  }
0x1ac: {  	[tilespmem:$0xB940] =	vst v0  }
0x1ad: {  	[tilespmem:$0xB950] =	vst v0  }
0x1ae: {  	[tilespmem:$0xB960] =	vst v0  }
0x1af: {  	[tilespmem:$0xB970] =	vst v0  }
0x1b0: {  	[tilespmem:$0xB980] =	vst v0  }
0x1b1: {  	[tilespmem:$0xB990] =	vst v0  }
0x1b2: {  	[tilespmem:$0xB9A0] =	vst v0  }
0x1b3: {  	[tilespmem:$0xB9B0] =	vst v0  }
0x1b4: {  	[tilespmem:$0xB9C0] =	vst v0  }
0x1b5: {  	[tilespmem:$0xB9D0] =	vst v0  }
0x1b6: {  	[tilespmem:$0xB9E0] =	vst v0  }
0x1b7: {  	[tilespmem:$0xB9F0] =	vst v0  }
0x1b8: {  	[tilespmem:$0xBA00] =	vst v0  }
0x1b9: {  	[tilespmem:$0xBA10] =	vst v0  }
0x1ba: {  	[tilespmem:$0xBA20] =	vst v0  }
0x1bb: {  	[tilespmem:$0xBA30] =	vst v0  }
0x1bc: {  	[tilespmem:$0xBA40] =	vst v0  }
0x1bd: {  	[tilespmem:$0xBA50] =	vst v0  }
0x1be: {  	[tilespmem:$0xBA60] =	vst v0  }
0x1bf: {  	[tilespmem:$0xBA70] =	vst v0  }
0x1c0: {  	[tilespmem:$0xBA80] =	vst v0  }
0x1c1: {  	[tilespmem:$0xBA90] =	vst v0  }
0x1c2: {  	[tilespmem:$0xBAA0] =	vst v0  }
0x1c3: {  	[tilespmem:$0xBAB0] =	vst v0  }
0x1c4: {  	[tilespmem:$0xBAC0] =	vst v0  }
0x1c5: {  	[tilespmem:$0xBAD0] =	vst v0  }
0x1c6: {  	[tilespmem:$0xBAE0] =	vst v0  }
0x1c7: {  	[tilespmem:$0xBAF0] =	vst v0  }
0x1c8: {  	[tilespmem:$0xBB00] =	vst v0  }
0x1c9: {  	[tilespmem:$0xBB10] =	vst v0  }
0x1ca: {  	[tilespmem:$0xBB20] =	vst v0  }
0x1cb: {  	[tilespmem:$0xBB30] =	vst v0  }
0x1cc: {  	[tilespmem:$0xBB40] =	vst v0  }
0x1cd: {  	[tilespmem:$0xBB50] =	vst v0  }
0x1ce: {  	[tilespmem:$0xBB60] =	vst v0  }
0x1cf: {  	[tilespmem:$0xBB70] =	vst v0  }
0x1d0: {  	[tilespmem:$0xBB80] =	vst v0  }
0x1d1: {  	[tilespmem:$0xBB90] =	vst v0  }
0x1d2: {  	[tilespmem:$0xBBA0] =	vst v0  }
0x1d3: {  	[tilespmem:$0xBBB0] =	vst v0  }
0x1d4: {  	[tilespmem:$0xBBC0] =	vst v0  }
0x1d5: {  	[tilespmem:$0xBBD0] =	vst v0  }
0x1d6: {  	[tilespmem:$0xBBE0] =	vst v0  }
0x1d7: {  	[tilespmem:$0xBBF0] =	vst v0  }
0x1d8: {  	[tilespmem:$0xBC00] =	vst v0  }
0x1d9: {  	[tilespmem:$0xBC10] =	vst v0  }
0x1da: {  	[tilespmem:$0xBC20] =	vst v0  }
0x1db: {  	[tilespmem:$0xBC30] =	vst v0  }
0x1dc: {  	[tilespmem:$0xBC40] =	vst v0  }
0x1dd: {  	[tilespmem:$0xBC50] =	vst v0  }
0x1de: {  	[tilespmem:$0xBC60] =	vst v0  }
0x1df: {  	[tilespmem:$0xBC70] =	vst v0  }
0x1e0: {  	[tilespmem:$0xBC80] =	vst v0  }
0x1e1: {  	[tilespmem:$0xBC90] =	vst v0  }
0x1e2: {  	[tilespmem:$0xBCA0] =	vst v0  }
0x1e3: {  	[tilespmem:$0xBCB0] =	vst v0  }
0x1e4: {  	[tilespmem:$0xBCC0] =	vst v0  }
0x1e5: {  	[tilespmem:$0xBCD0] =	vst v0  }
0x1e6: {  	[tilespmem:$0xBCE0] =	vst v0  }
0x1e7: {  	[tilespmem:$0xBCF0] =	vst v0  }
0x1e8: {  	[tilespmem:$0xBD00] =	vst v0  }
0x1e9: {  	[tilespmem:$0xBD10] =	vst v0  }
0x1ea: {  	[tilespmem:$0xBD20] =	vst v0  }
0x1eb: {  	[tilespmem:$0xBD30] =	vst v0  }
0x1ec: {  	[tilespmem:$0xBD40] =	vst v0  }
0x1ed: {  	[tilespmem:$0xBD50] =	vst v0  }
0x1ee: {  	[tilespmem:$0xBD60] =	vst v0  }
0x1ef: {  	[tilespmem:$0xBD70] =	vst v0  }
0x1f0: {  	[tilespmem:$0xBD80] =	vst v0  }
0x1f1: {  	[tilespmem:$0xBD90] =	vst v0  }
0x1f2: {  	[tilespmem:$0xBDA0] =	vst v0  }
0x1f3: {  	[tilespmem:$0xBDB0] =	vst v0  }
0x1f4: {  	[tilespmem:$0xBDC0] =	vst v0  }
0x1f5: {  	[tilespmem:$0xBDD0] =	vst v0  }
0x1f6: {  	[tilespmem:$0xBDE0] =	vst v0  }
0x1f7: {  	[tilespmem:$0xBDF0] =	vst v0  }
0x1f8: {  	[tilespmem:$0xBE00] =	vst v0  }
0x1f9: {  	[tilespmem:$0xBE10] =	vst v0  }
0x1fa: {  	[tilespmem:$0xBE20] =	vst v0  }
0x1fb: {  	[tilespmem:$0xBE30] =	vst v0  }
0x1fc: {  	[tilespmem:$0xBE40] =	vst v0  }
0x1fd: {  	[tilespmem:$0xBE50] =	vst v0  }
0x1fe: {  	[tilespmem:$0xBE60] =	vst v0  }
0x1ff: {  	[tilespmem:$0xBE70] =	vst v0  }
0x200: {  	[tilespmem:$0xBE80] =	vst v0  }
0x201: {  	[tilespmem:$0xBE90] =	vst v0  }
0x202: {  	[tilespmem:$0xBEA0] =	vst v0  }
0x203: {  	[tilespmem:$0xBEB0] =	vst v0  }
0x204: {  	[tilespmem:$0xBEC0] =	vst v0  }
0x205: {  	[tilespmem:$0xBED0] =	vst v0  }
0x206: {  	[tilespmem:$0xBEE0] =	vst v0  }
0x207: {  	[tilespmem:$0xBEF0] =	vst v0  }
0x208: {  	[tilespmem:$0xBF00] =	vst v0  }
0x209: {  	[tilespmem:$0xBF10] =	vst v0  }
0x20a: {  	[tilespmem:$0xBF20] =	vst v0  }
0x20b: {  	[tilespmem:$0xBF30] =	vst v0  }
0x20c: {  	[tilespmem:$0xBF40] =	vst v0  }
0x20d: {  	[tilespmem:$0xBF50] =	vst v0  }
0x20e: {  	[tilespmem:$0xBF60] =	vst v0  }
0x20f: {  	[tilespmem:$0xBF70] =	vst v0  }
0x210: {  	[tilespmem:$0xBF80] =	vst v0  }
0x211: {  	[tilespmem:$0xBF90] =	vst v0  }
0x212: {  	[tilespmem:$0xBFA0] =	vst v0  }
0x213: {  	[tilespmem:$0xBFB0] =	vst v0  }
0x214: {  	[tilespmem:$0xBFC0] =	vst v0  }
0x215: {  	[tilespmem:$0xBFD0] =	vst v0  }
0x216: {  	[tilespmem:$0xBFE0] =	vst v0  }
0x217: {  	[tilespmem:$0xBFF0] =	vst v0  }
0x218: {  	[tilespmem:$0xC000] =	vst v0  }
0x219: {  	[tilespmem:$0xC010] =	vst v0  }
0x21a: {  	[tilespmem:$0xC020] =	vst v0  }
0x21b: {  	[tilespmem:$0xC030] =	vst v0  }
0x21c: {  	[tilespmem:$0xC040] =	vst v0  }
0x21d: {  	[tilespmem:$0xC050] =	vst v0  }
0x21e: {  	[tilespmem:$0xC060] =	vst v0  }
0x21f: {  	[tilespmem:$0xC070] =	vst v0  }
0x220: {  	[tilespmem:$0xC080] =	vst v0  }
0x221: {  	[tilespmem:$0xC090] =	vst v0  }
0x222: {  	[tilespmem:$0xC0A0] =	vst v0  }
0x223: {  	[tilespmem:$0xC0B0] =	vst v0  }
0x224: {  	[tilespmem:$0xC0C0] =	vst v0  }
0x225: {  	[tilespmem:$0xC0D0] =	vst v0  }
0x226: {  	[tilespmem:$0xC0E0] =	vst v0  }
0x227: {  	[tilespmem:$0xC0F0] =	vst v0  }
0x228: {  	[tilespmem:$0xC100] =	vst v0  }
0x229: {  	[tilespmem:$0xC110] =	vst v0  }
0x22a: {  	[tilespmem:$0xC120] =	vst v0  }
0x22b: {  	[tilespmem:$0xC130] =	vst v0  }
0x22c: {  	[tilespmem:$0xC140] =	vst v0  }
0x22d: {  	[tilespmem:$0xC150] =	vst v0  }
0x22e: {  	[tilespmem:$0xC160] =	vst v0  }
0x22f: {  	[tilespmem:$0xC170] =	vst v0  }
0x230: {  	[tilespmem:$0xC180] =	vst v0  }
0x231: {  	[tilespmem:$0xC190] =	vst v0  }
0x232: {  	[tilespmem:$0xC1A0] =	vst v0  }
0x233: {  	[tilespmem:$0xC1B0] =	vst v0  }
0x234: {  	[tilespmem:$0xC1C0] =	vst v0  }
0x235: {  	[tilespmem:$0xC1D0] =	vst v0  }
0x236: {  	[tilespmem:$0xC1E0] =	vst v0  }
0x237: {  	[tilespmem:$0xC1F0] =	vst v0  }
0x238: {  	[tilespmem:$0xC200] =	vst v0  }
0x239: {  	[tilespmem:$0xC210] =	vst v0  }
0x23a: {  	[tilespmem:$0xC220] =	vst v0  }
0x23b: {  	[tilespmem:$0xC230] =	vst v0  }
0x23c: {  	[tilespmem:$0xC240] =	vst v0  }
0x23d: {  	[tilespmem:$0xC250] =	vst v0  }
0x23e: {  	[tilespmem:$0xC260] =	vst v0  }
0x23f: {  	[tilespmem:$0xC270] =	vst v0  }
0x240: {  	[tilespmem:$0xC280] =	vst v0  }
0x241: {  	[tilespmem:$0xC290] =	vst v0  }
0x242: {  	[tilespmem:$0xC2A0] =	vst v0  }
0x243: {  	[tilespmem:$0xC2B0] =	vst v0  }
0x244: {  	[tilespmem:$0xC2C0] =	vst v0  }
0x245: {  	[tilespmem:$0xC2D0] =	vst v0  }
0x246: {  	[tilespmem:$0xC2E0] =	vst v0  }
0x247: {  	[tilespmem:$0xC2F0] =	vst v0  }
0x248: {  	[tilespmem:$0xC300] =	vst v0  }
0x249: {  	[tilespmem:$0xC310] =	vst v0  }
0x24a: {  	[tilespmem:$0xC320] =	vst v0  }
0x24b: {  	[tilespmem:$0xC330] =	vst v0  }
0x24c: {  	[tilespmem:$0xC340] =	vst v0  }
0x24d: {  	[tilespmem:$0xC350] =	vst v0  }
0x24e: {  	[tilespmem:$0xC360] =	vst v0  }
0x24f: {  	[tilespmem:$0xC370] =	vst v0  }
0x250: {  	[tilespmem:$0xC380] =	vst v0  }
0x251: {  	[tilespmem:$0xC390] =	vst v0  }
0x252: {  	[tilespmem:$0xC3A0] =	vst v0  }
0x253: {  	[tilespmem:$0xC3B0] =	vst v0  }
0x254: {  	[tilespmem:$0xC3C0] =	vst v0  }
0x255: {  	[tilespmem:$0xC3D0] =	vst v0  }
0x256: {  	[tilespmem:$0xC3E0] =	vst v0  }
0x257: {  	[tilespmem:$0xC3F0] =	vst v0  }
0x258: {  	[tilespmem:$0xC400] =	vst v0  }
0x259: {  	[tilespmem:$0xC410] =	vst v0  }
0x25a: {  	[tilespmem:$0xC420] =	vst v0  }
0x25b: {  	[tilespmem:$0xC430] =	vst v0  }
0x25c: {  	[tilespmem:$0xC440] =	vst v0  }
0x25d: {  	[tilespmem:$0xC450] =	vst v0  }
0x25e: {  	[tilespmem:$0xC460] =	vst v0  }
0x25f: {  	[tilespmem:$0xC470] =	vst v0  }
0x260: {  	[tilespmem:$0xC480] =	vst v0  }
0x261: {  	[tilespmem:$0xC490] =	vst v0  }
0x262: {  	[tilespmem:$0xC4A0] =	vst v0  }
0x263: {  	[tilespmem:$0xC4B0] =	vst v0  }
0x264: {  	[tilespmem:$0xC4C0] =	vst v0  }
0x265: {  	[tilespmem:$0xC4D0] =	vst v0  }
0x266: {  	[tilespmem:$0xC4E0] =	vst v0  }
0x267: {  	[tilespmem:$0xC4F0] =	vst v0  }
0x268: {  	[tilespmem:$0xC500] =	vst v0  }
0x269: {  	[tilespmem:$0xC510] =	vst v0  }
0x26a: {  	[tilespmem:$0xC520] =	vst v0  }
0x26b: {  	[tilespmem:$0xC530] =	vst v0  }
0x26c: {  	[tilespmem:$0xC540] =	vst v0  }
0x26d: {  	[tilespmem:$0xC550] =	vst v0  }
0x26e: {  	[tilespmem:$0xC560] =	vst v0  }
0x26f: {  	[tilespmem:$0xC570] =	vst v0  }
0x270: {  	[tilespmem:$0xC580] =	vst v0  }
0x271: {  	[tilespmem:$0xC590] =	vst v0  }
0x272: {  	[tilespmem:$0xC5A0] =	vst v0  }
0x273: {  	[tilespmem:$0xC5B0] =	vst v0  }
0x274: {  	[tilespmem:$0xC5C0] =	vst v0  }
0x275: {  	[tilespmem:$0xC5D0] =	vst v0  }
0x276: {  	[tilespmem:$0xC5E0] =	vst v0  }
0x277: {  	[tilespmem:$0xC5F0] =	vst v0  }
0x278: {  	[tilespmem:$0xC600] =	vst v0  }
0x279: {  	[tilespmem:$0xC610] =	vst v0  }
0x27a: {  	[tilespmem:$0xC620] =	vst v0  }
0x27b: {  	[tilespmem:$0xC630] =	vst v0  }
0x27c: {  	[tilespmem:$0xC640] =	vst v0  }
0x27d: {  	[tilespmem:$0xC650] =	vst v0  }
0x27e: {  	[tilespmem:$0xC660] =	vst v0  }
0x27f: {  	[tilespmem:$0xC670] =	vst v0  }
0x280: {  	[tilespmem:$0xC680] =	vst v0  }
0x281: {  	[tilespmem:$0xC690] =	vst v0  }
0x282: {  	[tilespmem:$0xC6A0] =	vst v0  }
0x283: {  	[tilespmem:$0xC6B0] =	vst v0  }
0x284: {  	[tilespmem:$0xC6C0] =	vst v0  }
0x285: {  	[tilespmem:$0xC6D0] =	vst v0  }
0x286: {  	[tilespmem:$0xC6E0] =	vst v0  }
0x287: {  	[tilespmem:$0xC6F0] =	vst v0  }
0x288: {  	[tilespmem:$0xC700] =	vst v0  }
0x289: {  	[tilespmem:$0xC710] =	vst v0  }
0x28a: {  	[tilespmem:$0xC720] =	vst v0  }
0x28b: {  	[tilespmem:$0xC730] =	vst v0  }
0x28c: {  	[tilespmem:$0xC740] =	vst v0  }
0x28d: {  	[tilespmem:$0xC750] =	vst v0  }
0x28e: {  	[tilespmem:$0xC760] =	vst v0  }
0x28f: {  	[tilespmem:$0xC770] =	vst v0  }
0x290: {  	[tilespmem:$0xC780] =	vst v0  }
0x291: {  	[tilespmem:$0xC790] =	vst v0  }
0x292: {  	[tilespmem:$0xC7A0] =	vst v0  }
0x293: {  	[tilespmem:$0xC7B0] =	vst v0  }
0x294: {  	[tilespmem:$0xC7C0] =	vst v0  }
0x295: {  	[tilespmem:$0xC7D0] =	vst v0  }
0x296: {  	[tilespmem:$0xC7E0] =	vst v0  }
0x297: {  	[tilespmem:$0xC7F0] =	vst v0  }
0x298: {  	[tilespmem:$0xC800] =	vst v0  }
0x299: {  	[tilespmem:$0xC810] =	vst v0  }
0x29a: {  	[tilespmem:$0xC820] =	vst v0  }
0x29b: {  	[tilespmem:$0xC830] =	vst v0  }
0x29c: {  	[tilespmem:$0xC840] =	vst v0  }
0x29d: {  	[tilespmem:$0xC850] =	vst v0  }
0x29e: {  	[tilespmem:$0xC860] =	vst v0  }
0x29f: {  	[tilespmem:$0xC870] =	vst v0  }
0x2a0: {  	[tilespmem:$0xC880] =	vst v0  }
0x2a1: {  	[tilespmem:$0xC890] =	vst v0  }
0x2a2: {  	[tilespmem:$0xC8A0] =	vst v0  }
0x2a3: {  	[tilespmem:$0xC8B0] =	vst v0  }
0x2a4: {  	[tilespmem:$0xC8C0] =	vst v0  }
0x2a5: {  	[tilespmem:$0xC8D0] =	vst v0  }
0x2a6: {  	[tilespmem:$0xC8E0] =	vst v0  }
0x2a7: {  	[tilespmem:$0xC8F0] =	vst v0  }
0x2a8: {  	[tilespmem:$0xC900] =	vst v0  }
0x2a9: {  	[tilespmem:$0xC910] =	vst v0  }
0x2aa: {  	[tilespmem:$0xC920] =	vst v0  }
0x2ab: {  	[tilespmem:$0xC930] =	vst v0  }
0x2ac: {  	[tilespmem:$0xC940] =	vst v0  }
0x2ad: {  	[tilespmem:$0xC950] =	vst v0  }
0x2ae: {  	[tilespmem:$0xC960] =	vst v0  }
0x2af: {  	[tilespmem:$0xC970] =	vst v0  }
0x2b0: {  	[tilespmem:$0xC980] =	vst v0  }
0x2b1: {  	[tilespmem:$0xC990] =	vst v0  }
0x2b2: {  	[tilespmem:$0xC9A0] =	vst v0  }
0x2b3: {  	[tilespmem:$0xC9B0] =	vst v0  }
0x2b4: {  	[tilespmem:$0xC9C0] =	vst v0  }
0x2b5: {  	[tilespmem:$0xC9D0] =	vst v0  }
0x2b6: {  	[tilespmem:$0xC9E0] =	vst v0  }
0x2b7: {  	[tilespmem:$0xC9F0] =	vst v0  }
0x2b8: {  	[tilespmem:$0xCA00] =	vst v0  }
0x2b9: {  	[tilespmem:$0xCA10] =	vst v0  }
0x2ba: {  	[tilespmem:$0xCA20] =	vst v0  }
0x2bb: {  	[tilespmem:$0xCA30] =	vst v0  }
0x2bc: {  	[tilespmem:$0xCA40] =	vst v0  }
0x2bd: {  	[tilespmem:$0xCA50] =	vst v0  }
0x2be: {  	[tilespmem:$0xCA60] =	vst v0  }
0x2bf: {  	[tilespmem:$0xCA70] =	vst v0  }
0x2c0: {  	[tilespmem:$0xCA80] =	vst v0  }
0x2c1: {  	[tilespmem:$0xCA90] =	vst v0  }
0x2c2: {  	[tilespmem:$0xCAA0] =	vst v0  }
0x2c3: {  	[tilespmem:$0xCAB0] =	vst v0  }
0x2c4: {  	[tilespmem:$0xCAC0] =	vst v0  }
0x2c5: {  	[tilespmem:$0xCAD0] =	vst v0  }
0x2c6: {  	[tilespmem:$0xCAE0] =	vst v0  }
0x2c7: {  	[tilespmem:$0xCAF0] =	vst v0  }
0x2c8: {  	[tilespmem:$0xCB00] =	vst v0  }
0x2c9: {  	[tilespmem:$0xCB10] =	vst v0  }
0x2ca: {  	[tilespmem:$0xCB20] =	vst v0  }
0x2cb: {  	[tilespmem:$0xCB30] =	vst v0  }
0x2cc: {  	[tilespmem:$0xCB40] =	vst v0  }
0x2cd: {  	[tilespmem:$0xCB50] =	vst v0  }
0x2ce: {  	[tilespmem:$0xCB60] =	vst v0  }
0x2cf: {  	[tilespmem:$0xCB70] =	vst v0  }
0x2d0: {  	[tilespmem:$0xCB80] =	vst v0  }
0x2d1: {  	[tilespmem:$0xCB90] =	vst v0  }
0x2d2: {  	[tilespmem:$0xCBA0] =	vst v0  }
0x2d3: {  	[tilespmem:$0xCBB0] =	vst v0  }
0x2d4: {  	[tilespmem:$0xCBC0] =	vst v0  }
0x2d5: {  	[tilespmem:$0xCBD0] =	vst v0  }
0x2d6: {  	[tilespmem:$0xCBE0] =	vst v0  }
0x2d7: {  	[tilespmem:$0xCBF0] =	vst v0  }
0x2d8: {  	[tilespmem:$0xCC00] =	vst v0  }
0x2d9: {  	[tilespmem:$0xCC10] =	vst v0  }
0x2da: {  	[tilespmem:$0xCC20] =	vst v0  }
0x2db: {  	[tilespmem:$0xCC30] =	vst v0  }
0x2dc: {  	[tilespmem:$0xCC40] =	vst v0  }
0x2dd: {  	[tilespmem:$0xCC50] =	vst v0  }
0x2de: {  	[tilespmem:$0xCC60] =	vst v0  }
0x2df: {  	[tilespmem:$0xCC70] =	vst v0  }
0x2e0: {  	[tilespmem:$0xCC80] =	vst v0  }
0x2e1: {  	[tilespmem:$0xCC90] =	vst v0  }
0x2e2: {  	[tilespmem:$0xCCA0] =	vst v0  }
0x2e3: {  	[tilespmem:$0xCCB0] =	vst v0  }
0x2e4: {  	[tilespmem:$0xCCC0] =	vst v0  }
0x2e5: {  	[tilespmem:$0xCCD0] =	vst v0  }
0x2e6: {  	[tilespmem:$0xCCE0] =	vst v0  }
0x2e7: {  	[tilespmem:$0xCCF0] =	vst v0  }
0x2e8: {  	[tilespmem:$0xCD00] =	vst v0  }
0x2e9: {  	[tilespmem:$0xCD10] =	vst v0  }
0x2ea: {  	[tilespmem:$0xCD20] =	vst v0  }
0x2eb: {  	[tilespmem:$0xCD30] =	vst v0  }
0x2ec: {  	[tilespmem:$0xCD40] =	vst v0  }
0x2ed: {  	[tilespmem:$0xCD50] =	vst v0  }
0x2ee: {  	[tilespmem:$0xCD60] =	vst v0  }
0x2ef: {  	[tilespmem:$0xCD70] =	vst v0  }
0x2f0: {  	[tilespmem:$0xCD80] =	vst v0  }
0x2f1: {  	[tilespmem:$0xCD90] =	vst v0  }
0x2f2: {  	[tilespmem:$0xCDA0] =	vst v0  }
0x2f3: {  	[tilespmem:$0xCDB0] =	vst v0  }
0x2f4: {  	[tilespmem:$0xCDC0] =	vst v0  }
0x2f5: {  	[tilespmem:$0xCDD0] =	vst v0  }
0x2f6: {  	[tilespmem:$0xCDE0] =	vst v0  }
0x2f7: {  	[tilespmem:$0xCDF0] =	vst v0  }
0x2f8: {  	[tilespmem:$0xCE00] =	vst v0  }
0x2f9: {  	[tilespmem:$0xCE10] =	vst v0  }
0x2fa: {  	[tilespmem:$0xCE20] =	vst v0  }
0x2fb: {  	[tilespmem:$0xCE30] =	vst v0  }
0x2fc: {  	[tilespmem:$0xCE40] =	vst v0  }
0x2fd: {  	[tilespmem:$0xCE50] =	vst v0  }
0x2fe: {  	[tilespmem:$0xCE60] =	vst v0  }
0x2ff: {  	[tilespmem:$0xCE70] =	vst v0  }
0x300: {  	[tilespmem:$0xCE80] =	vst v0  }
0x301: {  	[tilespmem:$0xCE90] =	vst v0  }
0x302: {  	[tilespmem:$0xCEA0] =	vst v0  }
0x303: {  	[tilespmem:$0xCEB0] =	vst v0  }
0x304: {  	[tilespmem:$0xCEC0] =	vst v0  }
0x305: {  	[tilespmem:$0xCED0] =	vst v0  }
0x306: {  	[tilespmem:$0xCEE0] =	vst v0  }
0x307: {  	[tilespmem:$0xCEF0] =	vst v0  }
0x308: {  	[tilespmem:$0xCF00] =	vst v0  }
0x309: {  	[tilespmem:$0xCF10] =	vst v0  }
0x30a: {  	[tilespmem:$0xCF20] =	vst v0  }
0x30b: {  	[tilespmem:$0xCF30] =	vst v0  }
0x30c: {  	[tilespmem:$0xCF40] =	vst v0  }
0x30d: {  	[tilespmem:$0xCF50] =	vst v0  }
0x30e: {  	[tilespmem:$0xCF60] =	vst v0  }
0x30f: {  	[tilespmem:$0xCF70] =	vst v0  }
0x310: {  	[tilespmem:$0xCF80] =	vst v0  }
0x311: {  	[tilespmem:$0xCF90] =	vst v0  }
0x312: {  	[tilespmem:$0xCFA0] =	vst v0  }
0x313: {  	[tilespmem:$0xCFB0] =	vst v0  }
0x314: {  	[tilespmem:$0xCFC0] =	vst v0  }
0x315: {  	[tilespmem:$0xCFD0] =	vst v0  }
0x316: {  	[tilespmem:$0xCFE0] =	vst v0  }
0x317: {  	[tilespmem:$0xCFF0] =	vst v0  }
0x318: {  	[tilespmem:$0xD000] =	vst v0  }
0x319: {  	[tilespmem:$0xD010] =	vst v0  }
0x31a: {  	[tilespmem:$0xD020] =	vst v0  }
0x31b: {  	[tilespmem:$0xD030] =	vst v0  }
0x31c: {  	[tilespmem:$0xD040] =	vst v0  }
0x31d: {  	[tilespmem:$0xD050] =	vst v0  }
0x31e: {  	[tilespmem:$0xD060] =	vst v0  }
0x31f: {  	[tilespmem:$0xD070] =	vst v0  }
0x320: {  	[tilespmem:$0xD080] =	vst v0  }
0x321: {  	[tilespmem:$0xD090] =	vst v0  }
0x322: {  	[tilespmem:$0xD0A0] =	vst v0  }
0x323: {  	[tilespmem:$0xD0B0] =	vst v0  }
0x324: {  	[tilespmem:$0xD0C0] =	vst v0  }
0x325: {  	[tilespmem:$0xD0D0] =	vst v0  }
0x326: {  	[tilespmem:$0xD0E0] =	vst v0  }
0x327: {  	[tilespmem:$0xD0F0] =	vst v0  }
0x328: {  	[tilespmem:$0xD100] =	vst v0  }
0x329: {  	[tilespmem:$0xD110] =	vst v0  }
0x32a: {  	[tilespmem:$0xD120] =	vst v0  }
0x32b: {  	[tilespmem:$0xD130] =	vst v0  }
0x32c: {  	[tilespmem:$0xD140] =	vst v0  }
0x32d: {  	[tilespmem:$0xD150] =	vst v0  }
0x32e: {  	[tilespmem:$0xD160] =	vst v0  }
0x32f: {  	[tilespmem:$0xD170] =	vst v0  }
0x330: {  	[tilespmem:$0xD180] =	vst v0  }
0x331: {  	[tilespmem:$0xD190] =	vst v0  }
0x332: {  	[tilespmem:$0xD1A0] =	vst v0  }
0x333: {  	[tilespmem:$0xD1B0] =	vst v0  }
0x334: {  	[tilespmem:$0xD1C0] =	vst v0  }
0x335: {  	[tilespmem:$0xD1D0] =	vst v0  }
0x336: {  	[tilespmem:$0xD1E0] =	vst v0  }
0x337: {  	[tilespmem:$0xD1F0] =	vst v0  }
0x338: {  	[tilespmem:$0xD200] =	vst v0  }
0x339: {  	[tilespmem:$0xD210] =	vst v0  }
0x33a: {  	[tilespmem:$0xD220] =	vst v0  }
0x33b: {  	[tilespmem:$0xD230] =	vst v0  }
0x33c: {  	[tilespmem:$0xD240] =	vst v0  }
0x33d: {  	[tilespmem:$0xD250] =	vst v0  }
0x33e: {  	[tilespmem:$0xD260] =	vst v0  }
0x33f: {  	[tilespmem:$0xD270] =	vst v0  }
0x340: {  	[tilespmem:$0xD280] =	vst v0  }
0x341: {  	[tilespmem:$0xD290] =	vst v0  }
0x342: {  	[tilespmem:$0xD2A0] =	vst v0  }
0x343: {  	[tilespmem:$0xD2B0] =	vst v0  }
0x344: {  	[tilespmem:$0xD2C0] =	vst v0  }
0x345: {  	[tilespmem:$0xD2D0] =	vst v0  }
0x346: {  	[tilespmem:$0xD2E0] =	vst v0  }
0x347: {  	[tilespmem:$0xD2F0] =	vst v0  }
0x348: {  	[tilespmem:$0xD300] =	vst v0  }
0x349: {  	[tilespmem:$0xD310] =	vst v0  }
0x34a: {  	[tilespmem:$0xD320] =	vst v0  }
0x34b: {  	[tilespmem:$0xD330] =	vst v0  }
0x34c: {  	[tilespmem:$0xD340] =	vst v0  }
0x34d: {  	[tilespmem:$0xD350] =	vst v0  }
0x34e: {  	[tilespmem:$0xD360] =	vst v0  }
0x34f: {  	[tilespmem:$0xD370] =	vst v0  }
0x350: {  	[tilespmem:$0xD380] =	vst v0  }
0x351: {  	[tilespmem:$0xD390] =	vst v0  }
0x352: {  	[tilespmem:$0xD3A0] =	vst v0  }
0x353: {  	[tilespmem:$0xD3B0] =	vst v0  }
0x354: {  	[tilespmem:$0xD3C0] =	vst v0  }
0x355: {  	[tilespmem:$0xD3D0] =	vst v0  }
0x356: {  	[tilespmem:$0xD3E0] =	vst v0  }
0x357: {  	[tilespmem:$0xD3F0] =	vst v0  }
0x358: {  	[tilespmem:$0xD400] =	vst v0  }
0x359: {  	[tilespmem:$0xD410] =	vst v0  }
0x35a: {  	[tilespmem:$0xD420] =	vst v0  }
0x35b: {  	[tilespmem:$0xD430] =	vst v0  }
0x35c: {  	[tilespmem:$0xD440] =	vst v0  }
0x35d: {  	[tilespmem:$0xD450] =	vst v0  }
0x35e: {  	[tilespmem:$0xD460] =	vst v0  }
0x35f: {  	[tilespmem:$0xD470] =	vst v0  }
0x360: {  	[tilespmem:$0xD480] =	vst v0  }
0x361: {  	[tilespmem:$0xD490] =	vst v0  }
0x362: {  	[tilespmem:$0xD4A0] =	vst v0  }
0x363: {  	[tilespmem:$0xD4B0] =	vst v0  }
0x364: {  	[tilespmem:$0xD4C0] =	vst v0  }
0x365: {  	[tilespmem:$0xD4D0] =	vst v0  }
0x366: {  	[tilespmem:$0xD4E0] =	vst v0  }
0x367: {  	[tilespmem:$0xD4F0] =	vst v0  }
0x368: {  	[tilespmem:$0xD500] =	vst v0  }
0x369: {  	[tilespmem:$0xD510] =	vst v0  }
0x36a: {  	[tilespmem:$0xD520] =	vst v0  }
0x36b: {  	[tilespmem:$0xD530] =	vst v0  }
0x36c: {  	[tilespmem:$0xD540] =	vst v0  }
0x36d: {  	[tilespmem:$0xD550] =	vst v0  }
0x36e: {  	[tilespmem:$0xD560] =	vst v0  }
0x36f: {  	[tilespmem:$0xD570] =	vst v0  }
0x370: {  	[tilespmem:$0xD580] =	vst v0  }
0x371: {  	[tilespmem:$0xD590] =	vst v0  }
0x372: {  	[tilespmem:$0xD5A0] =	vst v0  }
0x373: {  	[tilespmem:$0xD5B0] =	vst v0  }
0x374: {  	[tilespmem:$0xD5C0] =	vst v0  }
0x375: {  	[tilespmem:$0xD5D0] =	vst v0  }
0x376: {  	[tilespmem:$0xD5E0] =	vst v0  }
0x377: {  	[tilespmem:$0xD5F0] =	vst v0  }
0x378: {  	[tilespmem:$0xD600] =	vst v0  }
0x379: {  	[tilespmem:$0xD610] =	vst v0  }
0x37a: {  	[tilespmem:$0xD620] =	vst v0  }
0x37b: {  	[tilespmem:$0xD630] =	vst v0  }
0x37c: {  	[tilespmem:$0xD640] =	vst v0  }
0x37d: {  	[tilespmem:$0xD650] =	vst v0  }
0x37e: {  	[tilespmem:$0xD660] =	vst v0  }
0x37f: {  	[tilespmem:$0xD670] =	vst v0  }
0x380: {  	[tilespmem:$0xD680] =	vst v0  }
0x381: {  	[tilespmem:$0xD690] =	vst v0  }
0x382: {  	[tilespmem:$0xD6A0] =	vst v0  }
0x383: {  	[tilespmem:$0xD6B0] =	vst v0  }
0x384: {  	[tilespmem:$0xD6C0] =	vst v0  }
0x385: {  	[tilespmem:$0xD6D0] =	vst v0  }
0x386: {  	[tilespmem:$0xD6E0] =	vst v0  }
0x387: {  	[tilespmem:$0xD6F0] =	vst v0  }
0x388: {  	[tilespmem:$0xD700] =	vst v0  }
0x389: {  	[tilespmem:$0xD710] =	vst v0  }
0x38a: {  	[tilespmem:$0xD720] =	vst v0  }
0x38b: {  	[tilespmem:$0xD730] =	vst v0  }
0x38c: {  	[tilespmem:$0xD740] =	vst v0  }
0x38d: {  	[tilespmem:$0xD750] =	vst v0  }
0x38e: {  	[tilespmem:$0xD760] =	vst v0  }
0x38f: {  	[tilespmem:$0xD770] =	vst v0  }
0x390: {  	[tilespmem:$0xD780] =	vst v0  }
0x391: {  	[tilespmem:$0xD790] =	vst v0  }
0x392: {  	[tilespmem:$0xD7A0] =	vst v0  }
0x393: {  	[tilespmem:$0xD7B0] =	vst v0  }
0x394: {  	[tilespmem:$0xD7C0] =	vst v0  }
0x395: {  	[tilespmem:$0xD7D0] =	vst v0  }
0x396: {  	[tilespmem:$0xD7E0] =	vst v0  }
0x397: {  	[tilespmem:$0xD7F0] =	vst v0  }
0x398: {  	[tilespmem:$0xD800] =	vst v0  }
0x399: {  	[tilespmem:$0xD810] =	vst v0  }
0x39a: {  	[tilespmem:$0xD820] =	vst v0  }
0x39b: {  	[tilespmem:$0xD830] =	vst v0  }
0x39c: {  	[tilespmem:$0xD840] =	vst v0  }
0x39d: {  	[tilespmem:$0xD850] =	vst v0  }
0x39e: {  	[tilespmem:$0xD860] =	vst v0  }
0x39f: {  	[tilespmem:$0xD870] =	vst v0  }
0x3a0: {  	[tilespmem:$0xD880] =	vst v0  }
0x3a1: {  	[tilespmem:$0xD890] =	vst v0  }
0x3a2: {  	[tilespmem:$0xD8A0] =	vst v0  }
0x3a3: {  	[tilespmem:$0xD8B0] =	vst v0  }
0x3a4: {  	[tilespmem:$0xD8C0] =	vst v0  }
0x3a5: {  	[tilespmem:$0xD8D0] =	vst v0  }
0x3a6: {  	[tilespmem:$0xD8E0] =	vst v0  }
0x3a7: {  	[tilespmem:$0xD8F0] =	vst v0  }
0x3a8: {  	[tilespmem:$0xD900] =	vst v0  }
0x3a9: {  	[tilespmem:$0xD910] =	vst v0  }
0x3aa: {  	[tilespmem:$0xD920] =	vst v0  }
0x3ab: {  	[tilespmem:$0xD930] =	vst v0  }
0x3ac: {  	[tilespmem:$0xD940] =	vst v0  }
0x3ad: {  	[tilespmem:$0xD950] =	vst v0  }
0x3ae: {  	[tilespmem:$0xD960] =	vst v0  }
0x3af: {  	[tilespmem:$0xD970] =	vst v0  }
0x3b0: {  	[tilespmem:$0xD980] =	vst v0  }
0x3b1: {  	[tilespmem:$0xD990] =	vst v0  }
0x3b2: {  	[tilespmem:$0xD9A0] =	vst v0  }
0x3b3: {  	[tilespmem:$0xD9B0] =	vst v0  }
0x3b4: {  	[tilespmem:$0xD9C0] =	vst v0  }
0x3b5: {  	[tilespmem:$0xD9D0] =	vst v0  }
0x3b6: {  	[tilespmem:$0xD9E0] =	vst v0  }
0x3b7: {  	[tilespmem:$0xD9F0] =	vst v0  }
0x3b8: {  	[tilespmem:$0xDA00] =	vst v0  }
0x3b9: {  	[tilespmem:$0xDA10] =	vst v0  }
0x3ba: {  	[tilespmem:$0xDA20] =	vst v0  }
0x3bb: {  	[tilespmem:$0xDA30] =	vst v0  }
0x3bc: {  	[tilespmem:$0xDA40] =	vst v0  }
0x3bd: {  	[tilespmem:$0xDA50] =	vst v0  }
0x3be: {  	[tilespmem:$0xDA60] =	vst v0  }
0x3bf: {  	[tilespmem:$0xDA70] =	vst v0  }
0x3c0: {  	[tilespmem:$0xDA80] =	vst v0  }
0x3c1: {  	[tilespmem:$0xDA90] =	vst v0  }
0x3c2: {  	[tilespmem:$0xDAA0] =	vst v0  }
0x3c3: {  	[tilespmem:$0xDAB0] =	vst v0  }
0x3c4: {  	[tilespmem:$0xDAC0] =	vst v0  }
0x3c5: {  	[tilespmem:$0xDAD0] =	vst v0  }
0x3c6: {  	[tilespmem:$0xDAE0] =	vst v0  }
0x3c7: {  	[tilespmem:$0xDAF0] =	vst v0  }
0x3c8: {  	[tilespmem:$0xDB00] =	vst v0  }
0x3c9: {  	[tilespmem:$0xDB10] =	vst v0  }
0x3ca: {  	[tilespmem:$0xDB20] =	vst v0  }
0x3cb: {  	[tilespmem:$0xDB30] =	vst v0  }
0x3cc: {  	[tilespmem:$0xDB40] =	vst v0  }
0x3cd: {  	[tilespmem:$0xDB50] =	vst v0  }
0x3ce: {  	[tilespmem:$0xDB60] =	vst v0  }
0x3cf: {  	[tilespmem:$0xDB70] =	vst v0  }
0x3d0: {  	[tilespmem:$0xDB80] =	vst v0  }
0x3d1: {  	[tilespmem:$0xDB90] =	vst v0  }
0x3d2: {  	[tilespmem:$0xDBA0] =	vst v0  }
0x3d3: {  	[tilespmem:$0xDBB0] =	vst v0  }
0x3d4: {  	[tilespmem:$0xDBC0] =	vst v0  }
0x3d5: {  	[tilespmem:$0xDBD0] =	vst v0  }
0x3d6: {  	[tilespmem:$0xDBE0] =	vst v0  }
0x3d7: {  	[tilespmem:$0xDBF0] =	vst v0  }
0x3d8: {  	[tilespmem:$0xDC00] =	vst v0  }
0x3d9: {  	[tilespmem:$0xDC10] =	vst v0  }
0x3da: {  	[tilespmem:$0xDC20] =	vst v0  }
0x3db: {  	[tilespmem:$0xDC30] =	vst v0  }
0x3dc: {  	[tilespmem:$0xDC40] =	vst v0  }
0x3dd: {  	[tilespmem:$0xDC50] =	vst v0  }
0x3de: {  	[tilespmem:$0xDC60] =	vst v0  }
0x3df: {  	[tilespmem:$0xDC70] =	vst v0  }
0x3e0: {  	[tilespmem:$0xDC80] =	vst v0  }
0x3e1: {  	[tilespmem:$0xDC90] =	vst v0  }
0x3e2: {  	[tilespmem:$0xDCA0] =	vst v0  }
0x3e3: {  	[tilespmem:$0xDCB0] =	vst v0  }
0x3e4: {  	[tilespmem:$0xDCC0] =	vst v0  }
0x3e5: {  	[tilespmem:$0xDCD0] =	vst v0  }
0x3e6: {  	[tilespmem:$0xDCE0] =	vst v0  }
0x3e7: {  	[tilespmem:$0xDCF0] =	vst v0  }
0x3e8: {  	[tilespmem:$0xDD00] =	vst v0  }
0x3e9: {  	[tilespmem:$0xDD10] =	vst v0  }
0x3ea: {  	[tilespmem:$0xDD20] =	vst v0  }
0x3eb: {  	[tilespmem:$0xDD30] =	vst v0  }
0x3ec: {  	[tilespmem:$0xDD40] =	vst v0  }
0x3ed: {  	[tilespmem:$0xDD50] =	vst v0  }
0x3ee: {  	[tilespmem:$0xDD60] =	vst v0  }
0x3ef: {  	[tilespmem:$0xDD70] =	vst v0  }
0x3f0: {  	[tilespmem:$0xDD80] =	vst v0  }
0x3f1: {  	[tilespmem:$0xDD90] =	vst v0  }
0x3f2: {  	[tilespmem:$0xDDA0] =	vst v0  }
0x3f3: {  	[tilespmem:$0xDDB0] =	vst v0  }
0x3f4: {  	[tilespmem:$0xDDC0] =	vst v0  }
0x3f5: {  	[tilespmem:$0xDDD0] =	vst v0  }
0x3f6: {  	[tilespmem:$0xDDE0] =	vst v0  }
0x3f7: {  	[tilespmem:$0xDDF0] =	vst v0  }
0x3f8: {  	[tilespmem:$0xDE00] =	vst v0  }
0x3f9: {  	[tilespmem:$0xDE10] =	vst v0  }
0x3fa: {  	[tilespmem:$0xDE20] =	vst v0  }
0x3fb: {  	[tilespmem:$0xDE30] =	vst v0  }
0x3fc: {  	[tilespmem:$0xDE40] =	vst v0  }
0x3fd: {  	[tilespmem:$0xDE50] =	vst v0  }
0x3fe: {  	[tilespmem:$0xDE60] =	vst v0  }
0x3ff: {  	[tilespmem:$0xDE70] =	vst v0  }
0x400: {  	[tilespmem:$0xDE80] =	vst v0  }
0x401: {  	[tilespmem:$0xDE90] =	vst v0  }
0x402: {  	[tilespmem:$0xDEA0] =	vst v0  }
0x403: {  	[tilespmem:$0xDEB0] =	vst v0  }
0x404: {  	[tilespmem:$0xDEC0] =	vst v0  }
0x405: {  	[tilespmem:$0xDED0] =	vst v0  }
0x406: {  	[tilespmem:$0xDEE0] =	vst v0  }
0x407: {  	[tilespmem:$0xDEF0] =	vst v0  }
0x408: {  	[tilespmem:$0xDF00] =	vst v0  }
0x409: {  	[tilespmem:$0xDF10] =	vst v0  }
0x40a: {  	[tilespmem:$0xDF20] =	vst v0  }
0x40b: {  	[tilespmem:$0xDF30] =	vst v0  }
0x40c: {  	[tilespmem:$0xDF40] =	vst v0  }
0x40d: {  	[tilespmem:$0xDF50] =	vst v0  }
0x40e: {  	[tilespmem:$0xDF60] =	vst v0  }
0x40f: {  	[tilespmem:$0xDF70] =	vst v0  }
0x410: {  	[tilespmem:$0xDF80] =	vst v0  }
0x411: {  	[tilespmem:$0xDF90] =	vst v0  }
0x412: {  	[tilespmem:$0xDFA0] =	vst v0  }
0x413: {  	[tilespmem:$0xDFB0] =	vst v0  }
0x414: {  	[tilespmem:$0xDFC0] =	vst v0  }
0x415: {  	[tilespmem:$0xDFD0] =	vst v0  }
0x416: {  	[tilespmem:$0xDFE0] =	vst v0  }
0x417: {  	[tilespmem:$0xDFF0] =	vst v0  }
0x418: {  	[spmem:s7] =	stream.linear.scatter [tilespmem:s14], [sflag:$0x3], $0x4000, $0x38;
	[tilespmem:$0x1E000] =	vst v63  }
0x419: {  	_ =	swait.ge [sflag:s12], $0x4000  }
0x41a: {  	[sflag:s12] =	ssyncset.done $0x0  }
0x41b: {  	[sflag:s12] =	ssyncadd.s32 $0xFFFFC000  }
0x41c: {  	[spmem:s8] =	stream.linear.scatter [tilespmem:s14], [sflag:$0x3], $0x4000, $0x38;
	[tilespmem:$0x1E000] =	vst v63  }
0x41d: {  	_ =	swait.ge [sflag:s12], $0x4000  }
0x41e: {  	[sflag:s12] =	ssyncset.done $0x0  }
0x41f: {  	[sflag:s12] =	ssyncadd.s32 $0xFFFFC000  }
0x420: {  	[spmem:s9] =	stream.linear.scatter [tilespmem:s14], [sflag:$0x3], $0x4000, $0x38;
	[tilespmem:$0x1E000] =	vst v63  }
0x421: {  	_ =	swait.ge [sflag:s12], $0x4000  }
0x422: {  	[sflag:s12] =	ssyncset.done $0x0  }
0x423: {  	[sflag:s12] =	ssyncadd.s32 $0xFFFFC000  }
0x424: {  	[bflag:$0x0] =	sbarrier.arrive $0xFFFF  }
0x425: {  	[tilespmem:s14], [sflag:$0x1] =	stream.indirect.gather [hbm4b:s1+s15], $0x80, s4, s15, $0xb8;
	[tilespmem:$0x1E000] =	vst v63  }
0x426: {  	s25 =	simm.s32 $0x80  }
0x427: {  	[tilespmem:s16], [sflag:$0x2] =	stream.indirect.gather [hbm4b:s1+s15], $0x80, s25, s15, $0xb8;
	[tilespmem:$0x1E000] =	vst v63  }
0x428: {  	_ =	swait.ge [sflag:s17], $0x4000  }
0x429: {  	[sflag:s17] =	ssyncset.done $0x0  }
0x42a: {  	s29 =	simm.s32 $0x5000;
	[sflag:s17] =	ssyncadd.s32 $0xFFFFC000  }
0x42b: {  	[spmem:s3] =	stream.indirect.scatter.add.f32 [tilespmem:s14], [sflag:$0x3], $0x80, s29, s15, $0xb8;
	[tilespmem:$0x1E000] =	vst v63  }
0x42c: {  	_ =	swait.ge [sflag:s12], $0x4000  }
0x42d: {  	[sflag:s12] =	ssyncset.done $0x0  }
0x42e: {  	s30 =	simm.s32 $0x100;
	[sflag:s12] =	ssyncadd.s32 $0xFFFFC000  }
0x42f: {  	[tilespmem:s14], [sflag:$0x1] =	stream.indirect.gather [hbm4b:s1+s15], $0x80, s30, s15, $0xb8;
	[tilespmem:$0x1E000] =	vst v63  }
0x430: {  	_ =	swait.ge [sflag:s18], $0x4000  }
0x431: {  	[sflag:s18] =	ssyncset.done $0x0  }
0x432: {  	s31 =	simm.s32 $0x5080;
	[sflag:s18] =	ssyncadd.s32 $0xFFFFC000  }
0x433: {  	[spmem:s3] =	stream.indirect.scatter.add.f32 [tilespmem:s16], [sflag:$0x3], $0x80, s31, s15, $0xb8;
	[tilespmem:$0x1E000] =	vst v63  }
0x434: {  	_ =	swait.ge [sflag:s12], $0x4000  }
0x435: {  	s26 =	simm.s32 $0x800;
	s25 =	simm.s32 $0x100;
	[sflag:s12] =	ssyncset.done $0x0  }
.LBB2_2:
0x436: {  	s28 =	sadd.s32 $0x80, s25  }
0x437: {  	[sflag:s12] =	ssyncadd.s32 $0xFFFFC000;
	s29 =	smov.u32 s26;
	s30 =	sadd.s32 $0x400, s26  }
0x438: {  	[tilespmem:s16], [sflag:$0x2] =	stream.indirect.gather [hbm4b:s1+s15], $0x80, s28, s15, $0xb8;
	[tilespmem:$0x1E000] =	vst v63  }
0x439: {  	p0 =	sne.s32 s26, $0x13400;
	_ =	swait.ge [sflag:s17], $0x4000  }
0x43a: {  	[sflag:s17] =	ssyncset.done $0x0  }
0x43b: {  	s26 =	sadd.s32 $0x5000, s25;
	[sflag:s17] =	ssyncadd.s32 $0xFFFFC000  }
0x43c: {  	[spmem:s3] =	stream.indirect.scatter.add.f32 [tilespmem:s14], [sflag:$0x3], $0x80, s26, s15, $0xb8;
	[tilespmem:$0x1E000] =	vst v63  }
0x43d: {  	_ =	swait.ge [sflag:s12], $0x4000  }
0x43e: {  	[sflag:s12] =	ssyncset.done $0x0  }
0x43f: {  	s26 =	sadd.s32 $0x100, s25;
	[sflag:s12] =	ssyncadd.s32 $0xFFFFC000  }
0x440: {  	[tilespmem:s14], [sflag:$0x1] =	stream.indirect.gather [hbm4b:s1+s15], $0x80, s26, s15, $0xb8;
	[tilespmem:$0x1E000] =	vst v63  }
0x441: {  	_ =	swait.ge [sflag:s18], $0x4000  }
.Ltmp0:
0x442: {  	[sflag:s18] =	ssyncset.done $0x0;
	(pc) =	sbr.rel @p0 .LBB2_2-.Ltmp0, $4  }
0x443: {  	s25 =	sadd.s32 $0x5080, s25;
	[sflag:s18] =	ssyncadd.s32 $0xFFFFC000  }
0x444: {  	[spmem:s3] =	stream.indirect.scatter.add.f32 [tilespmem:s16], [sflag:$0x3], $0x80, s25, s15, $0xb8;
	[tilespmem:$0x1E000] =	vst v63  }
0x445: {  	_ =	swait.ge [sflag:s12], $0x4000  }
0x446: {  	s26 =	smov.u32 s30;
	s25 =	sshra.s32 s29, $0x2;
	[sflag:s12] =	ssyncset.done $0x0  }
0x447: {  	s26 =	sadd.s32 $0x80, s25;
	[sflag:s12] =	ssyncadd.s32 $0xFFFFC000  }
0x448: {  	[tilespmem:s16], [sflag:$0x2] =	stream.indirect.gather [hbm4b:s1+s15], $0x80, s26, s15, $0xb8;
	[tilespmem:$0x1E000] =	vst v63  }
0x449: {  	_ =	swait.ge [sflag:s17], $0x4000  }
0x44a: {  	[sflag:s17] =	ssyncset.done $0x0  }
0x44b: {  	s29 =	sadd.s32 $0x5000, s25;
	[sflag:s17] =	ssyncadd.s32 $0xFFFFC000  }
0x44c: {  	[spmem:s3] =	stream.indirect.scatter.add.f32 [tilespmem:s14], [sflag:$0x3], $0x80, s29, s15, $0xb8;
	[tilespmem:$0x1E000] =	vst v63  }
0x44d: {  	_ =	swait.ge [sflag:s12], $0x4000  }
0x44e: {  	[sflag:s12] =	ssyncset.done $0x0  }
0x44f: {  	s30 =	sadd.s32 $0x100, s25;
	[sflag:s12] =	ssyncadd.s32 $0xFFFFC000  }
0x450: {  	[tilespmem:s14], [sflag:$0x1] =	stream.indirect.gather [hbm4b:s1+s15], $0x80, s30, s15, $0xb8;
	[tilespmem:$0x1E000] =	vst v63  }
0x451: {  	_ =	swait.ge [sflag:s18], $0x4000  }
0x452: {  	[sflag:s18] =	ssyncset.done $0x0  }
0x453: {  	s31 =	sadd.s32 $0x5080, s25;
	[sflag:s18] =	ssyncadd.s32 $0xFFFFC000  }
0x454: {  	[spmem:s3] =	stream.indirect.scatter.add.f32 [tilespmem:s16], [sflag:$0x3], $0x80, s31, s15, $0xb8;
	[tilespmem:$0x1E000] =	vst v63  }
0x455: {  	_ =	swait.ge [sflag:s12], $0x4000  }
0x456: {  	[sflag:s12] =	ssyncset.done $0x0  }
0x457: {  	[sflag:s12] =	ssyncadd.s32 $0xFFFFC000  }
0x458: {  	[tilespmem:s16], [sflag:$0x2] =	stream.indirect.gather [hbm4b:s1+s15], $0x80, s19, s15, $0xb8;
	[tilespmem:$0x1E000] =	vst v63  }
0x459: {  	_ =	swait.ge [sflag:s17], $0x4000  }
0x45a: {  	[sflag:s17] =	ssyncset.done $0x0  }
0x45b: {  	[sflag:s17] =	ssyncadd.s32 $0xFFFFC000  }
0x45c: {  	[spmem:s3] =	stream.indirect.scatter.add.f32 [tilespmem:s14], [sflag:$0x3], $0x80, s20, s15, $0xb8;
	[tilespmem:$0x1E000] =	vst v63  }
0x45d: {  	_ =	swait.ge [sflag:s12], $0x4000  }
0x45e: {  	[sflag:s12] =	ssyncset.done $0x0  }
0x45f: {  	[sflag:s12] =	ssyncadd.s32 $0xFFFFC000  }
0x460: {  	_ =	swait.ge [sflag:s18], $0x4000  }
0x461: {  	[sflag:s18] =	ssyncset.done $0x0  }
0x462: {  	[sflag:s18] =	ssyncadd.s32 $0xFFFFC000  }
0x463: {  	[spmem:s3] =	stream.indirect.scatter.add.f32 [tilespmem:s16], [sflag:$0x3], $0x80, s21, s15, $0xb8;
	[tilespmem:$0x1E000] =	vst v63  }
0x464: {  	_ =	swait.ge [sflag:s12], $0x4000  }
0x465: {  	s24 =	sadd.s32 $0x1, s24;
	[sflag:s12] =	ssyncset.done $0x0  }
0x466: {  	p0 =	sne.s32 s24, s11;
	[sflag:s12] =	ssyncadd.s32 $0xFFFFC000  }
.Ltmp1:
0x467: {  	[bflag:$0x0] =	sbarrier.arrive $0xFFFF;
	(pc) =	sbr.rel @p0 .LBB2_1-.Ltmp1, $4  }
0x468: {  	[hbm:s10], [sflag:s22] =	dma.local [spmem:s23], $0x1800  }
0x469: {  	_ =	swait.ge [sflag:s12], $0x1800  }
0x46a: {  	[sflag:s12] =	ssyncset.done $0x0  }
0x46b: {  	[sflag:s12] =	ssyncadd.s32 $0xFFFFE800  }
0x46c: {  	_ =	sfence.sel $0x180000  }
0x46d: {  	[bflag:$0x0] =	sbarrier.arrive $0xFFFF  }
0x46e: {  	p0 =	sne.s32 s0, $0x0;
	_ =	strace $0x90000047  }
0x46f: {  	s0 =	sadd.s32 @!p0 $0x100000, s2;
	[bflag:$0x2] =	sbarrier.arrive $0xFFFF  }
0x470: {  	[sflag:s0] =	ssyncadd.tile.s32 @!p0 $0x1;
	_ =	shalt  }
.Lfunc_end2:
_tile_overlayer_lowered:
.L_overlay_start_2:
0x471: {  	(tag) =	ssettag $0x2  }
0x472: {  	s0 =	rddreg [dreg:$0x0];
	s2 =	stileid.u32  }
0x473: {  	s1 =	rddreg [dreg:$0x1];
	p0 =	sne.s32 s2, $0x0  }
0x474: {  	s3 =	rddreg [dreg:$0x2];
	[bflag:$0x3] =	sbarrier.arrive $0xFFFF;
	s2 =	simm.s32 @!p0 $0x1C03  }
0x475: {  	[timem:s3], [sflag:s2] =	dma.local @!p0 [hbm:s0], s1  }
0x476: {  	s0 =	simm.s32 @!p0 $0x3  }
0x477: {  	_ =	swait.ge @!p0 [sflag:s0], s1  }
0x478: {  	s1 =	ssub.s32 @!p0 $0x0, s1;
	[sflag:s0] =	ssyncset.done @!p0 $0x0  }
0x479: {  	[sflag:s0] =	ssyncadd.s32 @!p0 s1  }
0x47a: {  	[bflag:$0x3] =	sbarrier.arrive $0xFFFF  }
0x47b: {  	_ =	shalt  }

</sc_bundles>
